<compile_context>
chip_gen: v7x
topology: tpu7x:2x2x1
jax: 0.10.2.dev20260603
libtpu: 0.0.44.dev20260713+nightly
codegen_flags: <defaults>
</compile_context>

<pallas_src>
import functools
import math

import jax
import jax.numpy as jnp
from jax import lax
from jax.experimental import pallas as pl
from jax.experimental.pallas import tpu as pltpu
from jax.experimental.pallas import tpu_sc as plsc

B, S, D, H, M, K, F = 2, 512, 768, 12, 16384, 16, 3072
DH = D // H
SK = S * K
BS = B * S

NC, NS, L = 2, 16, 16
NW = NC * NS
RPW = BS // NW


def _ln(x, g, b):
    m = jnp.mean(x, axis=-1, keepdims=True)
    c = x - m
    v = jnp.mean(c * c, axis=-1, keepdims=True)
    return c * lax.rsqrt(v + 1e-5) * g + b


def _softmax(x):
    m = jnp.max(x, axis=-1, keepdims=True)
    e = jnp.exp(x - m)
    return e / jnp.sum(e, axis=-1, keepdims=True)


def _sa_body(x_ref, wqT, bq, wkT, bk, wvT, bv, woT, bo, g1, b1, h_ref, hn_ref):
    x = x_ref[0]
    q = jnp.dot(x, wqT[...], preferred_element_type=jnp.float32) + bq[...]
    k = jnp.dot(x, wkT[...], preferred_element_type=jnp.float32) + bk[...]
    v = jnp.dot(x, wvT[...], preferred_element_type=jnp.float32) + bv[...]
    scale = 1.0 / math.sqrt(DH)
    qs = q * scale
    ones = jnp.ones((S, 128), jnp.float32)
    outs = []
    for hh in range(H):
        sl = slice(hh * DH, (hh + 1) * DH)
        qh, kh, vh = qs[:, sl], k[:, sl], v[:, sl]
        logits = lax.dot_general(qh, kh, (((1,), (1,)), ((), ())),
                                 preferred_element_type=jnp.float32)
        e = jnp.exp(logits)
        sd = lax.dot_general(e, ones, (((1,), (0,)), ((), ())),
                             preferred_element_type=jnp.float32)[:, :1]
        o = jnp.dot(e, vh, preferred_element_type=jnp.float32)
        outs.append(o / sd)
    attn = jnp.concatenate(outs, axis=1)
    o = jnp.dot(attn, woT[...], preferred_element_type=jnp.float32) + bo[...]
    h = _ln(x + o, g1[...], b1[...])
    h_ref[0] = h
    nrm = jnp.maximum(jnp.sqrt(jnp.sum(h * h, axis=-1, keepdims=True)), 1e-12)
    hn_ref[0] = h / nrm


def _self_attn(x, wqT, bq, wkT, bk, wvT, bv, woT, bo, g1, b1):
    full = lambda shape: pl.BlockSpec(shape, lambda b: (0,) * len(shape))
    return pl.pallas_call(
        _sa_body,
        grid=(x.shape[0],),
        in_specs=[
            pl.BlockSpec((1, S, D), lambda b: (b, 0, 0)),
            full((D, D)), full((1, D)), full((D, D)), full((1, D)),
            full((D, D)), full((1, D)), full((D, D)), full((1, D)),
            full((1, D)), full((1, D)),
        ],
        out_specs=[pl.BlockSpec((1, S, D), lambda b: (b, 0, 0)),
                   pl.BlockSpec((1, S, D), lambda b: (b, 0, 0))],
        out_shape=[jax.ShapeDtypeStruct((x.shape[0], S, D), jnp.float32),
                   jax.ShapeDtypeStruct((x.shape[0], S, D), jnp.float32)],
    )(x, wqT, bq, wkT, bk, wvT, bv, woT, bo, g1, b1)


MBLK = 2048


def _sims_body(hn_ref, keys_ref, out_ref):
    hn = hn_ref[0]
    kb = keys_ref[...]
    nrm = jnp.maximum(jnp.sqrt(jnp.sum(kb * kb, axis=-1, keepdims=True)), 1e-12)
    kn = (kb / nrm).astype(jnp.bfloat16)
    out_ref[0] = lax.dot_general(hn.astype(jnp.bfloat16), kn,
                                 (((1,), (1,)), ((), ())),
                                 preferred_element_type=jnp.float32)


def _sims(hn, mem_keys):
    return pl.pallas_call(
        _sims_body,
        grid=(hn.shape[0], M // MBLK),
        in_specs=[
            pl.BlockSpec((1, S, D), lambda b, m: (b, 0, 0)),
            pl.BlockSpec((MBLK, D), lambda b, m: (m, 0)),
        ],
        out_specs=pl.BlockSpec((1, S, MBLK), lambda b, m: (b, 0, m)),
        out_shape=jax.ShapeDtypeStruct((hn.shape[0], S, M), jnp.float32),
    )(hn, mem_keys)


U = 16
GC = 32
NCH = RPW * K // GC


def _make_sc_body(rpw):
  nch = rpw * K // GC

  def _sc_body(sims_hbm, vals_hbm, out_hbm, row_v0, row_v1, idxall_v,
               rows_v0, rows_v1, sem_row, sem_g, sem_wb):
    row_bufs = (row_v0, row_v1)
    rows_bufs = (rows_v0, rows_v1)
    cid = lax.axis_index("c")
    sid = lax.axis_index("s")
    wid = sid * NC + cid
    r0 = wid * rpw
    rlast = r0 + rpw - 1

    def row_dma(r, b):
        return pltpu.make_async_copy(sims_hbm.at[pl.ds(r * M, M)],
                                     row_bufs[b], sem_row)

    row_dma(r0, 0).start()

    def jbody(j, _):
        for b in range(2):
            r = r0 + 2 * j + b
            li = 2 * j + b
            row_dma(r, b).wait()
            row_dma(jnp.minimum(r + 1, rlast), 1 - b).start()
            rv_ref = row_bufs[b]
            idx16 = L * lax.iota(jnp.int32, L)
            lane = lax.iota(jnp.int32, L)

            def cbody(c, carry, rv_ref=rv_ref):
                tv, ti, th = carry
                base = c * (U * L)
                cm = plsc.load_gather(rv_ref, [base + idx16])
                for i in range(1, L):
                    cm = jnp.maximum(
                        cm, plsc.load_gather(rv_ref, [(base + i) + idx16]))

                def drain(state):
                    tv, ti, th, mask = state
                    ffs = plsc.all_reduce_ffs(mask)[0]
                    off = base + ffs * L
                    vc = rv_ref[pl.ds(off, L)]
                    iv = off + lane
                    s, si = plsc.sort_key_val(vc, iv)
                    rvv = lax.rev(s, (0,))
                    rii = lax.rev(si, (0,))
                    take = tv >= rvv
                    hv = jnp.where(take, tv, rvv)
                    hi = jnp.where(take, ti, rii)
                    hv, hi = plsc.sort_key_val(hv, hi)
                    nth = jnp.broadcast_to(hv[0], (L,))
                    nmask = mask & (lane != ffs) & (cm > nth)
                    return (hv, hi, nth, nmask)

                def more(state):
                    return plsc.all_reduce_population_count(state[3])[0] > 0

                tv, ti, th, _ = lax.while_loop(more, drain,
                                               (tv, ti, th, cm > th))
                return (tv, ti, th)

            neg = jnp.full((L,), -jnp.inf, jnp.float32)
            init = (neg, jnp.zeros((L,), jnp.int32), neg)
            _, topi, _ = lax.fori_loop(0, M // (U * L), cbody, init,
                                       unroll=4)
            idxall_v[pl.ds(li * K, K)] = topi
        return 0

    lax.fori_loop(0, rpw // 2, jbody, 0)
    row_dma(rlast, 1).wait()

    ob = r0 * K

    def g_dma(c, b):
        return pltpu.make_async_copy(
            vals_hbm.at[idxall_v.at[pl.ds(c * GC, GC)]], rows_bufs[b], sem_g)

    def wb_dma(c, b):
        return pltpu.make_async_copy(
            rows_bufs[b], out_hbm.at[pl.ds(ob + c * GC, GC)], sem_wb)

    g_dma(0, 0).start()
    for c in range(nch):
        b = c % 2
        g_dma(c, b).wait()
        if c + 1 < nch:
            if c >= 1:
                wb_dma(c - 1, 1 - b).wait()
            g_dma(c + 1, 1 - b).start()
        wb_dma(c, b).start()
    wb_dma(nch - 2, (nch - 2) % 2).wait()
    wb_dma(nch - 1, (nch - 1) % 2).wait()

  return _sc_body


def _sc_topk_gather(sims_flat, mem_vals):
    nrows = sims_flat.shape[0] // M
    rpw = nrows // NW
    mesh = plsc.VectorSubcoreMesh(core_axis_name="c", subcore_axis_name="s")
    kern = functools.partial(
        pl.kernel,
        out_type=jax.ShapeDtypeStruct((nrows * K, D), jnp.float32),
        mesh=mesh,
        compiler_params=pltpu.CompilerParams(needs_layout_passes=False),
        scratch_types=[
            pltpu.VMEM((M,), jnp.float32),
            pltpu.VMEM((M,), jnp.float32),
            pltpu.VMEM((rpw * K,), jnp.int32),
            pltpu.VMEM((GC, D), jnp.float32),
            pltpu.VMEM((GC, D), jnp.float32),
            pltpu.SemaphoreType.DMA,
            pltpu.SemaphoreType.DMA,
            pltpu.SemaphoreType.DMA,
        ],
    )(_make_sc_body(rpw))
    return kern(sims_flat, mem_vals)


RBLK = 2048


def _kv_body(r_ref, wkT, bk, wvT, bv, k_ref, v_ref):
    r = r_ref[0].astype(jnp.bfloat16)
    k = jnp.dot(r, wkT[...].astype(jnp.bfloat16),
                preferred_element_type=jnp.float32) + bk[...]
    v = jnp.dot(r, wvT[...].astype(jnp.bfloat16),
                preferred_element_type=jnp.float32) + bv[...]
    k_ref[0] = k.astype(jnp.bfloat16)
    v_ref[0] = v.astype(jnp.bfloat16)


def _kv_proj(retrieved, wkT, bk, wvT, bv):
    full = lambda shape: pl.BlockSpec(shape, lambda b, m: (0,) * len(shape))
    nb = retrieved.shape[0]
    return pl.pallas_call(
        _kv_body,
        grid=(nb, SK // RBLK),
        in_specs=[
            pl.BlockSpec((1, RBLK, D), lambda b, m: (b, m, 0)),
            full((D, D)), full((1, D)), full((D, D)), full((1, D)),
        ],
        out_specs=[pl.BlockSpec((1, RBLK, D), lambda b, m: (b, m, 0)),
                   pl.BlockSpec((1, RBLK, D), lambda b, m: (b, m, 0))],
        out_shape=[jax.ShapeDtypeStruct((nb, SK, D), jnp.bfloat16),
                   jax.ShapeDtypeStruct((nb, SK, D), jnp.bfloat16)],
    )(retrieved, wkT, bk, wvT, bv)


HP = 2
HG = H // HP


def _xattn_body(h_ref, wqT, bq, k_ref, v_ref, woT, bo, g2, b2, out_ref):
    hh = pl.program_id(1)
    hmat = h_ref[0]
    q = jnp.dot(hmat, wqT[...], preferred_element_type=jnp.float32) + bq[...]
    kk = k_ref[0]
    vv = v_ref[0]
    scale = 1.0 / math.sqrt(DH)
    qb = (q * scale).astype(jnp.bfloat16)
    ones = jnp.ones((SK, 128), jnp.bfloat16)
    parts = []
    for j in range(HP):
        sl = slice(j * DH, (j + 1) * DH)
        logits = lax.dot_general(qb[:, sl], kk[:, sl], (((1,), (1,)), ((), ())),
                                 preferred_element_type=jnp.float32)
        e = jnp.exp(logits).astype(jnp.bfloat16)
        s = lax.dot_general(e, ones, (((1,), (0,)), ((), ())),
                            preferred_element_type=jnp.float32)[:, :1]
        o = jnp.dot(e, vv[:, sl], preferred_element_type=jnp.float32)
        parts.append(o / s)
    o = jnp.concatenate(parts, axis=1)
    part = jnp.dot(o, woT[...], preferred_element_type=jnp.float32)

    @pl.when(hh == 0)
    def _():
        out_ref[0] = part

    @pl.when(hh > 0)
    def _():
        out_ref[0] += part

    @pl.when(hh == HG - 1)
    def _():
        t = out_ref[0] + bo[...] + hmat
        out_ref[0] = _ln(t, g2[...], b2[...])


def _xattn(h, wqT, bq, k_all, v_all, woT, bo, g2, b2):
    full = lambda shape: pl.BlockSpec(shape, lambda b, hh: (0,) * len(shape))
    W = HP * DH
    return pl.pallas_call(
        _xattn_body,
        grid=(h.shape[0], HG),
        in_specs=[
            pl.BlockSpec((1, S, D), lambda b, hh: (b, 0, 0)),
            pl.BlockSpec((D, W), lambda b, hh: (0, hh)),
            pl.BlockSpec((1, W), lambda b, hh: (0, hh)),
            pl.BlockSpec((1, SK, W), lambda b, hh: (b, 0, hh)),
            pl.BlockSpec((1, SK, W), lambda b, hh: (b, 0, hh)),
            pl.BlockSpec((W, D), lambda b, hh: (hh, 0)),
            full((1, D)), full((1, D)), full((1, D)),
        ],
        out_specs=pl.BlockSpec((1, S, D), lambda b, hh: (b, 0, 0)),
        out_shape=jax.ShapeDtypeStruct((h.shape[0], S, D), jnp.float32),
    )(h, wqT, bq, k_all, v_all, woT, bo, g2, b2)


def _ffn_body(x_ref, fc1T, b1f, fc2T, b2f, g3, b3, out_ref):
    x = x_ref[0]
    mid = jnp.dot(x.astype(jnp.bfloat16), fc1T[...].astype(jnp.bfloat16),
                  preferred_element_type=jnp.float32) + b1f[...]
    mid = 0.5 * mid * (1.0 + lax.erf(mid * (1.0 / math.sqrt(2.0))))
    f = jnp.dot(mid.astype(jnp.bfloat16), fc2T[...].astype(jnp.bfloat16),
                preferred_element_type=jnp.float32) + b2f[...]
    out_ref[0] = _ln(x + f, g3[...], b3[...])


def _ffn(h2, fc1T, b1f, fc2T, b2f, g3, b3):
    full = lambda shape: pl.BlockSpec(shape, lambda b: (0,) * len(shape))
    return pl.pallas_call(
        _ffn_body,
        grid=(h2.shape[0],),
        in_specs=[
            pl.BlockSpec((1, S, D), lambda b: (b, 0, 0)),
            full((D, F)), full((1, F)), full((F, D)), full((1, D)),
            full((1, D)), full((1, D)),
        ],
        out_specs=pl.BlockSpec((1, S, D), lambda b: (b, 0, 0)),
        out_shape=jax.ShapeDtypeStruct((h2.shape[0], S, D), jnp.float32),
    )(h2, fc1T, b1f, fc2T, b2f, g3, b3)


def kernel(x, sa_wq, sa_bq, sa_wk, sa_bk, sa_wv, sa_bv, sa_wo, sa_bo, ln1_g, ln1_b,
           mem_keys, mem_vals,
           ma_wq, ma_bq, ma_wk, ma_bk, ma_wv, ma_bv, ma_wo, ma_bo, ln2_g, ln2_b,
           fc1_w, fc1_b, fc2_w, fc2_b, ln3_g, ln3_b):
    r2 = lambda v: v.reshape(1, -1)
    h, hn = _self_attn(x, sa_wq.T, r2(sa_bq), sa_wk.T, r2(sa_bk), sa_wv.T,
                       r2(sa_bv), sa_wo.T, r2(sa_bo), r2(ln1_g), r2(ln1_b))
    sims = _sims(hn, mem_keys)
    retrieved = _sc_topk_gather(sims.reshape(BS * M), mem_vals)
    retrieved = retrieved.reshape(B, SK, D)
    k_all, v_all = _kv_proj(retrieved, ma_wk.T, r2(ma_bk), ma_wv.T, r2(ma_bv))
    h2 = _xattn(h, ma_wq.T, r2(ma_bq), k_all, v_all, ma_wo.T, r2(ma_bo),
                r2(ln2_g), r2(ln2_b))
    return _ffn(h2, fc1_w.T, r2(fc1_b), fc2_w.T, r2(fc2_b), r2(ln3_g), r2(ln3_b))

# --- scband reference (transcript-rebuilt; emitter-appended) ---
"""Pipeline reference for scband-infinite-transformer-ecg-89945205113181 (READ-ONLY COPY).

The authoritative reference and input builder live on the scoring server;
editing this copy changes nothing except your own understanding.
"""

import jax, jax.numpy as jnp
import numpy as np

B, S, D, H, M, K, F = 2, 512, 768, 12, 16384, 16, 3072
DH = D // H


def _ln(x, g, b):
    m = x.mean(-1, keepdims=True)
    v = ((x - m) ** 2).mean(-1, keepdims=True)
    return (x - m) / jnp.sqrt(v + 1e-5) * g + b


def _mha(xq, kv, wq, bq, wk, bk, wv, bv, wo, bo):
    b, lq, d = xq.shape
    lk = kv.shape[1]
    q = (xq @ wq.T + bq).reshape(b, lq, H, DH).transpose(0, 2, 1, 3)
    k = (kv @ wk.T + bk).reshape(b, lk, H, DH).transpose(0, 2, 1, 3)
    v = (kv @ wv.T + bv).reshape(b, lk, H, DH).transpose(0, 2, 1, 3)
    a = jax.nn.softmax(jnp.einsum('bhqd,bhkd->bhqk', q, k) / np.sqrt(DH), axis=-1)
    o = jnp.einsum('bhqk,bhkd->bhqd', a, v).transpose(0, 2, 1, 3).reshape(b, lq, d)
    return o @ wo.T + bo


def _l2n(x):
    return x / jnp.maximum(jnp.sqrt((x ** 2).sum(-1, keepdims=True)), 1e-12)


def _forward(x, sa_wq, sa_bq, sa_wk, sa_bk, sa_wv, sa_bv, sa_wo, sa_bo, ln1_g, ln1_b,
             mem_keys, mem_vals,
             ma_wq, ma_bq, ma_wk, ma_bk, ma_wv, ma_bv, ma_wo, ma_bo, ln2_g, ln2_b,
             fc1_w, fc1_b, fc2_w, fc2_b, ln3_g, ln3_b):
    # self-attention block (eval mode: dropout off)
    h = _ln(x + _mha(x, x, sa_wq, sa_bq, sa_wk, sa_bk, sa_wv, sa_bv, sa_wo, sa_bo), ln1_g, ln1_b)
    # kNN retrieval from memory: cosine similarity + top-k + gather
    sims = _l2n(h) @ _l2n(mem_keys).T  # [B, S, M]
    _, idx = jax.lax.top_k(sims, K)  # [B, S, K]
    retrieved = jnp.take(mem_vals, idx, axis=0).reshape(h.shape[0], S * K, D)
    # cross-attention over retrieved neighbors
    h2 = _ln(h + _mha(h, retrieved, ma_wq, ma_bq, ma_wk, ma_bk, ma_wv, ma_bv, ma_wo, ma_bo), ln2_g, ln2_b)
    # FFN
    f = jax.nn.gelu(h2 @ fc1_w.T + fc1_b, approximate=False) @ fc2_w.T + fc2_b
    return _ln(h2 + f, ln3_g, ln3_b)


def setup_inputs(seed: int = 0) -> dict:
    key = jax.random.key(seed)
    ks = jax.random.split(key, 16)
    def lin(k, o, i):
        return jax.random.normal(k, (o, i), jnp.float32) * (1.0 / np.sqrt(i))
    z = lambda n: jnp.zeros((n,), jnp.float32)
    ones = lambda n: jnp.ones((n,), jnp.float32)
    return {
        'x': jax.random.normal(ks[0], (B, S, D), jnp.float32),
        'sa_wq': lin(ks[1], D, D), 'sa_bq': z(D),
        'sa_wk': lin(ks[2], D, D), 'sa_bk': z(D),
        'sa_wv': lin(ks[3], D, D), 'sa_bv': z(D),
        'sa_wo': lin(ks[4], D, D), 'sa_bo': z(D),
        'ln1_g': ones(D), 'ln1_b': z(D),
        'mem_keys': jax.random.normal(ks[5], (M, D), jnp.float32),
        'mem_vals': jax.random.normal(ks[6], (M, D), jnp.float32),
        'ma_wq': lin(ks[7], D, D), 'ma_bq': z(D),
        'ma_wk': lin(ks[8], D, D), 'ma_bk': z(D),
        'ma_wv': lin(ks[9], D, D), 'ma_bv': z(D),
        'ma_wo': lin(ks[10], D, D), 'ma_bo': z(D),
        'ln2_g': ones(D), 'ln2_b': z(D),
        'fc1_w': lin(ks[11], F, D), 'fc1_b': z(F),
        'fc2_w': lin(ks[12], D, F), 'fc2_b': z(D),
        'ln3_g': ones(D), 'ln3_b': z(D),
    }


def reference(x, sa_wq, sa_bq, sa_wk, sa_bk, sa_wv, sa_bv, sa_wo, sa_bo, ln1_g, ln1_b,
              mem_keys, mem_vals,
              ma_wq, ma_bq, ma_wk, ma_bk, ma_wv, ma_bv, ma_wo, ma_bo, ln2_g, ln2_b,
              fc1_w, fc1_b, fc2_w, fc2_b, ln3_g, ln3_b):
    return _forward(x, sa_wq, sa_bq, sa_wk, sa_bk, sa_wv, sa_bv, sa_wo, sa_bo, ln1_g, ln1_b,
                    mem_keys, mem_vals,
                    ma_wq, ma_bq, ma_wk, ma_bk, ma_wv, ma_bv, ma_wo, ma_bo, ln2_g, ln2_b,
                    fc1_w, fc1_b, fc2_w, fc2_b, ln3_g, ln3_b)

if __name__ == "__main__":
    import jax
    _d = setup_inputs()
    print(jax.jit(kernel)(*tuple(_d.values())))

</pallas_src>

<mosaic_0001>
#map = affine_map<(d0, d1) -> (0)>
#map1 = affine_map<(d0, d1) -> (0, 0)>
module attributes {stable_mosaic.version = 14 : i64} {
  func.func @_sc_body(%arg0: i32, %arg1: i32, %arg2: memref<16777216xf32, #tpu.memory_space<hbm>>, %arg3: memref<16384x768xf32, #tpu.memory_space<hbm>>, %arg4: memref<16384x768xf32, #tpu.memory_space<hbm>>, %arg5: memref<16384xf32, #tpu.memory_space<vmem>>, %arg6: memref<16384xf32, #tpu.memory_space<vmem>>, %arg7: memref<512xi32, #tpu.memory_space<vmem>>, %arg8: memref<32x768xf32, #tpu.memory_space<vmem>>, %arg9: memref<32x768xf32, #tpu.memory_space<vmem>>, %arg10: memref<!tpu.dma_semaphore, #tpu.memory_space<semaphore_mem>>, %arg11: memref<!tpu.dma_semaphore, #tpu.memory_space<semaphore_mem>>, %arg12: memref<!tpu.dma_semaphore, #tpu.memory_space<semaphore_mem>>) attributes {dimension_semantics = [#tpu.dimension_semantics<core_parallel>, #tpu.dimension_semantics<subcore_parallel>], iteration_bounds = array<i64: 2, 16>, scalar_prefetch = 0 : i64, scratch_operands = 8 : i64, tpu.core_type = #tpu.core_type<sc_vector_subcore>, window_params = [{transform_indices = #map}, {transform_indices = #map1}, {transform_indices = #map1}]} {
    %mul3A = arith.constant 2 : i32
    %mul3A_0 = arith.muli %arg1, %mul3A : i32
    %add3A = arith.addi %mul3A_0, %arg0 : i32
    %mul3A_1 = arith.constant 32 : i32
    %mul3A_2 = arith.muli %add3A, %mul3A_1 : i32
    %add3A_3 = arith.constant 32 : i32
    %add3A_4 = arith.addi %mul3A_2, %add3A_3 : i32
    %sub3A = arith.constant 1 : i32
    %sub3A_5 = arith.subi %add3A_4, %sub3A : i32
    %mul3A_6 = arith.constant 16384 : i32
    %mul3A_7 = arith.muli %mul3A_2, %mul3A_6 : i32
    %dma_start3A = tpu.memref_slice %arg2[%mul3A_7] : memref<16777216xf32, #tpu.memory_space<hbm>> -> memref<16384xf32, #tpu.memory_space<hbm>>
    %dma_start3A_8 = tpu.memref_slice %arg2[%mul3A_7] : memref<16777216xf32, #tpu.memory_space<hbm>> -> memref<16384xf32, #tpu.memory_space<hbm>>
    tpu.enqueue_dma source(%dma_start3A_8 : memref<16384xf32, #tpu.memory_space<hbm>>) target(%arg5 : memref<16384xf32, #tpu.memory_space<vmem>>) target_semaphore(%arg10 : memref<!tpu.dma_semaphore, #tpu.memory_space<semaphore_mem>>)
    %scan3A = arith.constant 0 : i32
    %scan3A_9 = arith.constant 0 : i32
    %scan3A_10 = arith.constant 16 : i32
    %scan3A_11 = arith.addi %scan3A_9, %scan3A_10 : i32
    %scan3A_12 = arith.constant 1 : i32
    %scan3A_13 = scf.for %scan3A_372 = %scan3A_9 to %scan3A_11 step %scan3A_12 iter_args(%scan3A_373 = %scan3A) -> (i32)  : i32 {
      %mul3A_374 = arith.constant 2 : i32
      %mul3A_375 = arith.muli %mul3A_374, %scan3A_372 : i32
      %add3A_376 = arith.addi %mul3A_2, %mul3A_375 : i32
      %add3A_377 = arith.constant 0 : i32
      %add3A_378 = arith.addi %add3A_376, %add3A_377 : i32
      %mul3A_379 = arith.constant 2 : i32
      %mul3A_380 = arith.muli %mul3A_379, %scan3A_372 : i32
      %add3A_381 = arith.constant 0 : i32
      %add3A_382 = arith.addi %mul3A_380, %add3A_381 : i32
      %mul3A_383 = arith.constant 16384 : i32
      %mul3A_384 = arith.muli %add3A_378, %mul3A_383 : i32
      %dma_wait3A_385 = tpu.memref_slice %arg2[%mul3A_384] : memref<16777216xf32, #tpu.memory_space<hbm>> -> memref<16384xf32, #tpu.memory_space<hbm>>
      %dma_wait3A_386 = tpu.memref_slice %arg2[%mul3A_384] : memref<16777216xf32, #tpu.memory_space<hbm>> -> memref<16384xf32, #tpu.memory_space<hbm>>
      tpu.wait_dma2 semaphore(%arg10 : memref<!tpu.dma_semaphore, #tpu.memory_space<semaphore_mem>>) src(%dma_wait3A_386 : memref<16384xf32, #tpu.memory_space<hbm>>) dst(%arg5 : memref<16384xf32, #tpu.memory_space<vmem>>)
      %add3A_387 = arith.constant 1 : i32
      %add3A_388 = arith.addi %add3A_378, %add3A_387 : i32
      %min3A = arith.minsi %add3A_388, %sub3A_5 : i32
      %mul3A_389 = arith.constant 16384 : i32
      %mul3A_390 = arith.muli %min3A, %mul3A_389 : i32
      %dma_start3A_391 = tpu.memref_slice %arg2[%mul3A_390] : memref<16777216xf32, #tpu.memory_space<hbm>> -> memref<16384xf32, #tpu.memory_space<hbm>>
      %dma_start3A_392 = tpu.memref_slice %arg2[%mul3A_390] : memref<16777216xf32, #tpu.memory_space<hbm>> -> memref<16384xf32, #tpu.memory_space<hbm>>
      tpu.enqueue_dma source(%dma_start3A_392 : memref<16384xf32, #tpu.memory_space<hbm>>) target(%arg6 : memref<16384xf32, #tpu.memory_space<vmem>>) target_semaphore(%arg10 : memref<!tpu.dma_semaphore, #tpu.memory_space<semaphore_mem>>)
      %iota3A = tpu.iota {dimensions = array<i32: 0>} : vector<16xi32>
      %mul3A_393 = arith.constant 16 : i32
      %mul3A_394 = vector.broadcast %mul3A_393 : i32 to vector<16xi32>
      %mul3A_395 = arith.muli %mul3A_394, %iota3A : vector<16xi32>
      %iota3A_396 = tpu.iota {dimensions = array<i32: 0>} : vector<16xi32>
      %broadcast_in_dim3A = arith.constant 0xFF800000 : f32
      %broadcast_in_dim3A_397 = vector.broadcast %broadcast_in_dim3A : f32 to vector<16xf32>
      %broadcast_in_dim3A_398 = arith.constant 0 : i32
      %broadcast_in_dim3A_399 = vector.broadcast %broadcast_in_dim3A_398 : i32 to vector<16xi32>
      %scan3A_400 = arith.constant 0 : i32
      %scan3A_401 = arith.constant 64 : i32
      %scan3A_402 = arith.addi %scan3A_400, %scan3A_401 : i32
      %scan3A_403 = arith.constant 4 : i32
      %scan3A_404:3 = scf.for %scan3A_449 = %scan3A_400 to %scan3A_402 step %scan3A_403 iter_args(%scan3A_450 = %broadcast_in_dim3A_397, %scan3A_451 = %broadcast_in_dim3A_399, %scan3A_452 = %broadcast_in_dim3A_397) -> (vector<16xf32>, vector<16xi32>, vector<16xf32>)  : i32 {
        %mul3A_453 = arith.constant 256 : i32
        %mul3A_454 = arith.muli %scan3A_449, %mul3A_453 : i32
        %add3A_455 = vector.broadcast %mul3A_454 : i32 to vector<16xi32>
        %add3A_456 = arith.addi %add3A_455, %mul3A_395 : vector<16xi32>
        %gather3A = tpu.vector_load_idx %arg5[%add3A_456] : memref<16384xf32, #tpu.memory_space<vmem>>[vector<16xi32>], vector<16xf32>,
        %add3A_457 = arith.constant 1 : i32
        %add3A_458 = arith.addi %mul3A_454, %add3A_457 : i32
        %add3A_459 = vector.broadcast %add3A_458 : i32 to vector<16xi32>
        %add3A_460 = arith.addi %add3A_459, %mul3A_395 : vector<16xi32>
        %gather3A_461 = tpu.vector_load_idx %arg5[%add3A_460] : memref<16384xf32, #tpu.memory_space<vmem>>[vector<16xi32>], vector<16xf32>,
        %max3A = arith.maximumf %gather3A, %gather3A_461 : vector<16xf32>
        %add3A_462 = arith.constant 2 : i32
        %add3A_463 = arith.addi %mul3A_454, %add3A_462 : i32
        %add3A_464 = vector.broadcast %add3A_463 : i32 to vector<16xi32>
        %add3A_465 = arith.addi %add3A_464, %mul3A_395 : vector<16xi32>
        %gather3A_466 = tpu.vector_load_idx %arg5[%add3A_465] : memref<16384xf32, #tpu.memory_space<vmem>>[vector<16xi32>], vector<16xf32>,
        %max3A_467 = arith.maximumf %max3A, %gather3A_466 : vector<16xf32>
        %add3A_468 = arith.constant 3 : i32
        %add3A_469 = arith.addi %mul3A_454, %add3A_468 : i32
        %add3A_470 = vector.broadcast %add3A_469 : i32 to vector<16xi32>
        %add3A_471 = arith.addi %add3A_470, %mul3A_395 : vector<16xi32>
        %gather3A_472 = tpu.vector_load_idx %arg5[%add3A_471] : memref<16384xf32, #tpu.memory_space<vmem>>[vector<16xi32>], vector<16xf32>,
        %max3A_473 = arith.maximumf %max3A_467, %gather3A_472 : vector<16xf32>
        %add3A_474 = arith.constant 4 : i32
        %add3A_475 = arith.addi %mul3A_454, %add3A_474 : i32
        %add3A_476 = vector.broadcast %add3A_475 : i32 to vector<16xi32>
        %add3A_477 = arith.addi %add3A_476, %mul3A_395 : vector<16xi32>
        %gather3A_478 = tpu.vector_load_idx %arg5[%add3A_477] : memref<16384xf32, #tpu.memory_space<vmem>>[vector<16xi32>], vector<16xf32>,
        %max3A_479 = arith.maximumf %max3A_473, %gather3A_478 : vector<16xf32>
        %add3A_480 = arith.constant 5 : i32
        %add3A_481 = arith.addi %mul3A_454, %add3A_480 : i32
        %add3A_482 = vector.broadcast %add3A_481 : i32 to vector<16xi32>
        %add3A_483 = arith.addi %add3A_482, %mul3A_395 : vector<16xi32>
        %gather3A_484 = tpu.vector_load_idx %arg5[%add3A_483] : memref<16384xf32, #tpu.memory_space<vmem>>[vector<16xi32>], vector<16xf32>,
        %max3A_485 = arith.maximumf %max3A_479, %gather3A_484 : vector<16xf32>
        %add3A_486 = arith.constant 6 : i32
        %add3A_487 = arith.addi %mul3A_454, %add3A_486 : i32
        %add3A_488 = vector.broadcast %add3A_487 : i32 to vector<16xi32>
        %add3A_489 = arith.addi %add3A_488, %mul3A_395 : vector<16xi32>
        %gather3A_490 = tpu.vector_load_idx %arg5[%add3A_489] : memref<16384xf32, #tpu.memory_space<vmem>>[vector<16xi32>], vector<16xf32>,
        %max3A_491 = arith.maximumf %max3A_485, %gather3A_490 : vector<16xf32>
        %add3A_492 = arith.constant 7 : i32
        %add3A_493 = arith.addi %mul3A_454, %add3A_492 : i32
        %add3A_494 = vector.broadcast %add3A_493 : i32 to vector<16xi32>
        %add3A_495 = arith.addi %add3A_494, %mul3A_395 : vector<16xi32>
        %gather3A_496 = tpu.vector_load_idx %arg5[%add3A_495] : memref<16384xf32, #tpu.memory_space<vmem>>[vector<16xi32>], vector<16xf32>,
        %max3A_497 = arith.maximumf %max3A_491, %gather3A_496 : vector<16xf32>
        %add3A_498 = arith.constant 8 : i32
        %add3A_499 = arith.addi %mul3A_454, %add3A_498 : i32
        %add3A_500 = vector.broadcast %add3A_499 : i32 to vector<16xi32>
        %add3A_501 = arith.addi %add3A_500, %mul3A_395 : vector<16xi32>
        %gather3A_502 = tpu.vector_load_idx %arg5[%add3A_501] : memref<16384xf32, #tpu.memory_space<vmem>>[vector<16xi32>], vector<16xf32>,
        %max3A_503 = arith.maximumf %max3A_497, %gather3A_502 : vector<16xf32>
        %add3A_504 = arith.constant 9 : i32
        %add3A_505 = arith.addi %mul3A_454, %add3A_504 : i32
        %add3A_506 = vector.broadcast %add3A_505 : i32 to vector<16xi32>
        %add3A_507 = arith.addi %add3A_506, %mul3A_395 : vector<16xi32>
        %gather3A_508 = tpu.vector_load_idx %arg5[%add3A_507] : memref<16384xf32, #tpu.memory_space<vmem>>[vector<16xi32>], vector<16xf32>,
        %max3A_509 = arith.maximumf %max3A_503, %gather3A_508 : vector<16xf32>
        %add3A_510 = arith.constant 10 : i32
        %add3A_511 = arith.addi %mul3A_454, %add3A_510 : i32
        %add3A_512 = vector.broadcast %add3A_511 : i32 to vector<16xi32>
        %add3A_513 = arith.addi %add3A_512, %mul3A_395 : vector<16xi32>
        %gather3A_514 = tpu.vector_load_idx %arg5[%add3A_513] : memref<16384xf32, #tpu.memory_space<vmem>>[vector<16xi32>], vector<16xf32>,
        %max3A_515 = arith.maximumf %max3A_509, %gather3A_514 : vector<16xf32>
        %add3A_516 = arith.constant 11 : i32
        %add3A_517 = arith.addi %mul3A_454, %add3A_516 : i32
        %add3A_518 = vector.broadcast %add3A_517 : i32 to vector<16xi32>
        %add3A_519 = arith.addi %add3A_518, %mul3A_395 : vector<16xi32>
        %gather3A_520 = tpu.vector_load_idx %arg5[%add3A_519] : memref<16384xf32, #tpu.memory_space<vmem>>[vector<16xi32>], vector<16xf32>,
        %max3A_521 = arith.maximumf %max3A_515, %gather3A_520 : vector<16xf32>
        %add3A_522 = arith.constant 12 : i32
        %add3A_523 = arith.addi %mul3A_454, %add3A_522 : i32
        %add3A_524 = vector.broadcast %add3A_523 : i32 to vector<16xi32>
        %add3A_525 = arith.addi %add3A_524, %mul3A_395 : vector<16xi32>
        %gather3A_526 = tpu.vector_load_idx %arg5[%add3A_525] : memref<16384xf32, #tpu.memory_space<vmem>>[vector<16xi32>], vector<16xf32>,
        %max3A_527 = arith.maximumf %max3A_521, %gather3A_526 : vector<16xf32>
        %add3A_528 = arith.constant 13 : i32
        %add3A_529 = arith.addi %mul3A_454, %add3A_528 : i32
        %add3A_530 = vector.broadcast %add3A_529 : i32 to vector<16xi32>
        %add3A_531 = arith.addi %add3A_530, %mul3A_395 : vector<16xi32>
        %gather3A_532 = tpu.vector_load_idx %arg5[%add3A_531] : memref<16384xf32, #tpu.memory_space<vmem>>[vector<16xi32>], vector<16xf32>,
        %max3A_533 = arith.maximumf %max3A_527, %gather3A_532 : vector<16xf32>
        %add3A_534 = arith.constant 14 : i32
        %add3A_535 = arith.addi %mul3A_454, %add3A_534 : i32
        %add3A_536 = vector.broadcast %add3A_535 : i32 to vector<16xi32>
        %add3A_537 = arith.addi %add3A_536, %mul3A_395 : vector<16xi32>
        %gather3A_538 = tpu.vector_load_idx %arg5[%add3A_537] : memref<16384xf32, #tpu.memory_space<vmem>>[vector<16xi32>], vector<16xf32>,
        %max3A_539 = arith.maximumf %max3A_533, %gather3A_538 : vector<16xf32>
        %add3A_540 = arith.constant 15 : i32
        %add3A_541 = arith.addi %mul3A_454, %add3A_540 : i32
        %add3A_542 = vector.broadcast %add3A_541 : i32 to vector<16xi32>
        %add3A_543 = arith.addi %add3A_542, %mul3A_395 : vector<16xi32>
        %gather3A_544 = tpu.vector_load_idx %arg5[%add3A_543] : memref<16384xf32, #tpu.memory_space<vmem>>[vector<16xi32>], vector<16xf32>,
        %max3A_545 = arith.maximumf %max3A_539, %gather3A_544 : vector<16xf32>
        %gt3A = arith.cmpf ogt, %max3A_545, %scan3A_452 : vector<16xf32>
        %while3A:4 = scf.while (%while3A_843 = %scan3A_450, %while3A_844 = %scan3A_451, %while3A_845 = %scan3A_452, %while3A_846 = %gt3A) : (vector<16xf32>, vector<16xi32>, vector<16xf32>, vector<16xi1>) -> (vector<16xf32>, vector<16xi32>, vector<16xf32>, vector<16xi1>) {
          %all_reduce_population_count3A = tpu.all_reduce %while3A_846 {dim = 0 : i64, kind = #tpu.reduction_kind<sum>} : vector<16xi1> -> vector<16xi32>
          %slice3A = vector.extract_strided_slice %all_reduce_population_count3A {offsets = [0], sizes = [1], strides = [1]} : vector<16xi32> to vector<1xi32>
          %squeeze3A = vector.extract %slice3A[0] : i32 from vector<1xi32>
          %gt3A_847 = arith.constant 0 : i32
          %gt3A_848 = arith.cmpi sgt, %squeeze3A, %gt3A_847 : i32
          scf.condition(%gt3A_848) %while3A_843, %while3A_844, %while3A_845, %while3A_846 : vector<16xf32>, vector<16xi32>, vector<16xf32>, vector<16xi1>
        } do {
        ^bb0(%while3A_843: vector<16xf32>, %while3A_844: vector<16xi32>, %while3A_845: vector<16xf32>, %while3A_846: vector<16xi1>):
          %all_reduce_ffs3A = tpu.all_reduce %while3A_846 {dim = 0 : i64, kind = #tpu.reduction_kind<find_first_set>} : vector<16xi1> -> vector<16xi32>
          %slice3A = vector.extract_strided_slice %all_reduce_ffs3A {offsets = [0], sizes = [1], strides = [1]} : vector<16xi32> to vector<1xi32>
          %squeeze3A = vector.extract %slice3A[0] : i32 from vector<1xi32>
          %mul3A_847 = arith.constant 16 : i32
          %mul3A_848 = arith.muli %squeeze3A, %mul3A_847 : i32
          %add3A_849 = arith.addi %mul3A_454, %mul3A_848 : i32
          %get3A = arith.index_cast %add3A_849 : i32 to index
          %get3A_850 = tpu.vector_load %arg5[%get3A] {strides = array<i32>} : memref<16384xf32, #tpu.memory_space<vmem>>, vector<16xf32>,
          %add3A_851 = vector.broadcast %add3A_849 : i32 to vector<16xi32>
          %add3A_852 = arith.addi %add3A_851, %iota3A_396 : vector<16xi32>
          %masked_sort3A = arith.constant dense<true> : vector<16xi1>
          %masked_sort3A_853, %masked_sort3A_854, %masked_sort3A_855 = tpu.sort %get3A_850, %add3A_852 masked %masked_sort3A : (vector<16xf32>, vector<16xi32>, vector<16xi1>) -> (vector<16xi1>, vector<16xf32>, vector<16xi32>)
          %rev3A = arith.constant 15 : i32
          %rev3A_856 = vector.broadcast %rev3A : i32 to vector<16xi32>
          %rev3A_857 = tpu.iota {dimensions = array<i32: 0>} : vector<16xi32>
          %rev3A_858 = arith.subi %rev3A_856, %rev3A_857 : vector<16xi32>
          %rev3A_859 = tpu.dynamic_gather %masked_sort3A_854[%rev3A_858] in [0] : vector<16xf32>, vector<16xi32> -> vector<16xf32>
          %rev3A_860 = arith.constant 15 : i32
          %rev3A_861 = vector.broadcast %rev3A_860 : i32 to vector<16xi32>
          %rev3A_862 = tpu.iota {dimensions = array<i32: 0>} : vector<16xi32>
          %rev3A_863 = arith.subi %rev3A_861, %rev3A_862 : vector<16xi32>
          %rev3A_864 = tpu.dynamic_gather %masked_sort3A_855[%rev3A_863] in [0] : vector<16xi32>, vector<16xi32> -> vector<16xi32>
          %ge3A = arith.cmpf oge, %while3A_843, %rev3A_859 : vector<16xf32>
          %select_n3A = arith.select %ge3A, %while3A_843, %rev3A_859 : vector<16xi1>, vector<16xf32>
          %select_n3A_865 = arith.select %ge3A, %while3A_844, %rev3A_864 : vector<16xi1>, vector<16xi32>
          %masked_sort3A_866 = arith.constant dense<true> : vector<16xi1>
          %masked_sort3A_867, %masked_sort3A_868, %masked_sort3A_869 = tpu.sort %select_n3A, %select_n3A_865 masked %masked_sort3A_866 : (vector<16xf32>, vector<16xi32>, vector<16xi1>) -> (vector<16xi1>, vector<16xf32>, vector<16xi32>)
          %slice3A_870 = vector.extract_strided_slice %masked_sort3A_868 {offsets = [0], sizes = [1], strides = [1]} : vector<16xf32> to vector<1xf32>
          %squeeze3A_871 = vector.extract %slice3A_870[0] : f32 from vector<1xf32>
          %broadcast_in_dim3A_872 = vector.broadcast %squeeze3A_871 : f32 to vector<16xf32>
          %ne3A = vector.broadcast %squeeze3A : i32 to vector<16xi32>
          %ne3A_873 = arith.cmpi ne, %iota3A_396, %ne3A : vector<16xi32>
          %and3A = arith.andi %while3A_846, %ne3A_873 : vector<16xi1>
          %gt3A_874 = arith.cmpf ogt, %max3A_545, %broadcast_in_dim3A_872 : vector<16xf32>
          %and3A_875 = arith.andi %and3A, %gt3A_874 : vector<16xi1>
          scf.yield %masked_sort3A_868, %masked_sort3A_869, %broadcast_in_dim3A_872, %and3A_875 : vector<16xf32>, vector<16xi32>, vector<16xf32>, vector<16xi1>
        }
        %scan3A_546 = arith.constant 1 : i32
        %scan3A_547 = arith.addi %scan3A_449, %scan3A_546 : i32
        %mul3A_548 = arith.constant 256 : i32
        %mul3A_549 = arith.muli %scan3A_547, %mul3A_548 : i32
        %add3A_550 = vector.broadcast %mul3A_549 : i32 to vector<16xi32>
        %add3A_551 = arith.addi %add3A_550, %mul3A_395 : vector<16xi32>
        %gather3A_552 = tpu.vector_load_idx %arg5[%add3A_551] : memref<16384xf32, #tpu.memory_space<vmem>>[vector<16xi32>], vector<16xf32>,
        %add3A_553 = arith.constant 1 : i32
        %add3A_554 = arith.addi %mul3A_549, %add3A_553 : i32
        %add3A_555 = vector.broadcast %add3A_554 : i32 to vector<16xi32>
        %add3A_556 = arith.addi %add3A_555, %mul3A_395 : vector<16xi32>
        %gather3A_557 = tpu.vector_load_idx %arg5[%add3A_556] : memref<16384xf32, #tpu.memory_space<vmem>>[vector<16xi32>], vector<16xf32>,
        %max3A_558 = arith.maximumf %gather3A_552, %gather3A_557 : vector<16xf32>
        %add3A_559 = arith.constant 2 : i32
        %add3A_560 = arith.addi %mul3A_549, %add3A_559 : i32
        %add3A_561 = vector.broadcast %add3A_560 : i32 to vector<16xi32>
        %add3A_562 = arith.addi %add3A_561, %mul3A_395 : vector<16xi32>
        %gather3A_563 = tpu.vector_load_idx %arg5[%add3A_562] : memref<16384xf32, #tpu.memory_space<vmem>>[vector<16xi32>], vector<16xf32>,
        %max3A_564 = arith.maximumf %max3A_558, %gather3A_563 : vector<16xf32>
        %add3A_565 = arith.constant 3 : i32
        %add3A_566 = arith.addi %mul3A_549, %add3A_565 : i32
        %add3A_567 = vector.broadcast %add3A_566 : i32 to vector<16xi32>
        %add3A_568 = arith.addi %add3A_567, %mul3A_395 : vector<16xi32>
        %gather3A_569 = tpu.vector_load_idx %arg5[%add3A_568] : memref<16384xf32, #tpu.memory_space<vmem>>[vector<16xi32>], vector<16xf32>,
        %max3A_570 = arith.maximumf %max3A_564, %gather3A_569 : vector<16xf32>
        %add3A_571 = arith.constant 4 : i32
        %add3A_572 = arith.addi %mul3A_549, %add3A_571 : i32
        %add3A_573 = vector.broadcast %add3A_572 : i32 to vector<16xi32>
        %add3A_574 = arith.addi %add3A_573, %mul3A_395 : vector<16xi32>
        %gather3A_575 = tpu.vector_load_idx %arg5[%add3A_574] : memref<16384xf32, #tpu.memory_space<vmem>>[vector<16xi32>], vector<16xf32>,
        %max3A_576 = arith.maximumf %max3A_570, %gather3A_575 : vector<16xf32>
        %add3A_577 = arith.constant 5 : i32
        %add3A_578 = arith.addi %mul3A_549, %add3A_577 : i32
        %add3A_579 = vector.broadcast %add3A_578 : i32 to vector<16xi32>
        %add3A_580 = arith.addi %add3A_579, %mul3A_395 : vector<16xi32>
        %gather3A_581 = tpu.vector_load_idx %arg5[%add3A_580] : memref<16384xf32, #tpu.memory_space<vmem>>[vector<16xi32>], vector<16xf32>,
        %max3A_582 = arith.maximumf %max3A_576, %gather3A_581 : vector<16xf32>
        %add3A_583 = arith.constant 6 : i32
        %add3A_584 = arith.addi %mul3A_549, %add3A_583 : i32
        %add3A_585 = vector.broadcast %add3A_584 : i32 to vector<16xi32>
        %add3A_586 = arith.addi %add3A_585, %mul3A_395 : vector<16xi32>
        %gather3A_587 = tpu.vector_load_idx %arg5[%add3A_586] : memref<16384xf32, #tpu.memory_space<vmem>>[vector<16xi32>], vector<16xf32>,
        %max3A_588 = arith.maximumf %max3A_582, %gather3A_587 : vector<16xf32>
        %add3A_589 = arith.constant 7 : i32
        %add3A_590 = arith.addi %mul3A_549, %add3A_589 : i32
        %add3A_591 = vector.broadcast %add3A_590 : i32 to vector<16xi32>
        %add3A_592 = arith.addi %add3A_591, %mul3A_395 : vector<16xi32>
        %gather3A_593 = tpu.vector_load_idx %arg5[%add3A_592] : memref<16384xf32, #tpu.memory_space<vmem>>[vector<16xi32>], vector<16xf32>,
        %max3A_594 = arith.maximumf %max3A_588, %gather3A_593 : vector<16xf32>
        %add3A_595 = arith.constant 8 : i32
        %add3A_596 = arith.addi %mul3A_549, %add3A_595 : i32
        %add3A_597 = vector.broadcast %add3A_596 : i32 to vector<16xi32>
        %add3A_598 = arith.addi %add3A_597, %mul3A_395 : vector<16xi32>
        %gather3A_599 = tpu.vector_load_idx %arg5[%add3A_598] : memref<16384xf32, #tpu.memory_space<vmem>>[vector<16xi32>], vector<16xf32>,
        %max3A_600 = arith.maximumf %max3A_594, %gather3A_599 : vector<16xf32>
        %add3A_601 = arith.constant 9 : i32
        %add3A_602 = arith.addi %mul3A_549, %add3A_601 : i32
        %add3A_603 = vector.broadcast %add3A_602 : i32 to vector<16xi32>
        %add3A_604 = arith.addi %add3A_603, %mul3A_395 : vector<16xi32>
        %gather3A_605 = tpu.vector_load_idx %arg5[%add3A_604] : memref<16384xf32, #tpu.memory_space<vmem>>[vector<16xi32>], vector<16xf32>,
        %max3A_606 = arith.maximumf %max3A_600, %gather3A_605 : vector<16xf32>
        %add3A_607 = arith.constant 10 : i32
        %add3A_608 = arith.addi %mul3A_549, %add3A_607 : i32
        %add3A_609 = vector.broadcast %add3A_608 : i32 to vector<16xi32>
        %add3A_610 = arith.addi %add3A_609, %mul3A_395 : vector<16xi32>
        %gather3A_611 = tpu.vector_load_idx %arg5[%add3A_610] : memref<16384xf32, #tpu.memory_space<vmem>>[vector<16xi32>], vector<16xf32>,
        %max3A_612 = arith.maximumf %max3A_606, %gather3A_611 : vector<16xf32>
        %add3A_613 = arith.constant 11 : i32
        %add3A_614 = arith.addi %mul3A_549, %add3A_613 : i32
        %add3A_615 = vector.broadcast %add3A_614 : i32 to vector<16xi32>
        %add3A_616 = arith.addi %add3A_615, %mul3A_395 : vector<16xi32>
        %gather3A_617 = tpu.vector_load_idx %arg5[%add3A_616] : memref<16384xf32, #tpu.memory_space<vmem>>[vector<16xi32>], vector<16xf32>,
        %max3A_618 = arith.maximumf %max3A_612, %gather3A_617 : vector<16xf32>
        %add3A_619 = arith.constant 12 : i32
        %add3A_620 = arith.addi %mul3A_549, %add3A_619 : i32
        %add3A_621 = vector.broadcast %add3A_620 : i32 to vector<16xi32>
        %add3A_622 = arith.addi %add3A_621, %mul3A_395 : vector<16xi32>
        %gather3A_623 = tpu.vector_load_idx %arg5[%add3A_622] : memref<16384xf32, #tpu.memory_space<vmem>>[vector<16xi32>], vector<16xf32>,
        %max3A_624 = arith.maximumf %max3A_618, %gather3A_623 : vector<16xf32>
        %add3A_625 = arith.constant 13 : i32
        %add3A_626 = arith.addi %mul3A_549, %add3A_625 : i32
        %add3A_627 = vector.broadcast %add3A_626 : i32 to vector<16xi32>
        %add3A_628 = arith.addi %add3A_627, %mul3A_395 : vector<16xi32>
        %gather3A_629 = tpu.vector_load_idx %arg5[%add3A_628] : memref<16384xf32, #tpu.memory_space<vmem>>[vector<16xi32>], vector<16xf32>,
        %max3A_630 = arith.maximumf %max3A_624, %gather3A_629 : vector<16xf32>
        %add3A_631 = arith.constant 14 : i32
        %add3A_632 = arith.addi %mul3A_549, %add3A_631 : i32
        %add3A_633 = vector.broadcast %add3A_632 : i32 to vector<16xi32>
        %add3A_634 = arith.addi %add3A_633, %mul3A_395 : vector<16xi32>
        %gather3A_635 = tpu.vector_load_idx %arg5[%add3A_634] : memref<16384xf32, #tpu.memory_space<vmem>>[vector<16xi32>], vector<16xf32>,
        %max3A_636 = arith.maximumf %max3A_630, %gather3A_635 : vector<16xf32>
        %add3A_637 = arith.constant 15 : i32
        %add3A_638 = arith.addi %mul3A_549, %add3A_637 : i32
        %add3A_639 = vector.broadcast %add3A_638 : i32 to vector<16xi32>
        %add3A_640 = arith.addi %add3A_639, %mul3A_395 : vector<16xi32>
        %gather3A_641 = tpu.vector_load_idx %arg5[%add3A_640] : memref<16384xf32, #tpu.memory_space<vmem>>[vector<16xi32>], vector<16xf32>,
        %max3A_642 = arith.maximumf %max3A_636, %gather3A_641 : vector<16xf32>
        %gt3A_643 = arith.cmpf ogt, %max3A_642, %while3A#2 : vector<16xf32>
        %while3A_644:4 = scf.while (%while3A_843 = %while3A#0, %while3A_844 = %while3A#1, %while3A_845 = %while3A#2, %while3A_846 = %gt3A_643) : (vector<16xf32>, vector<16xi32>, vector<16xf32>, vector<16xi1>) -> (vector<16xf32>, vector<16xi32>, vector<16xf32>, vector<16xi1>) {
          %all_reduce_population_count3A = tpu.all_reduce %while3A_846 {dim = 0 : i64, kind = #tpu.reduction_kind<sum>} : vector<16xi1> -> vector<16xi32>
          %slice3A = vector.extract_strided_slice %all_reduce_population_count3A {offsets = [0], sizes = [1], strides = [1]} : vector<16xi32> to vector<1xi32>
          %squeeze3A = vector.extract %slice3A[0] : i32 from vector<1xi32>
          %gt3A_847 = arith.constant 0 : i32
          %gt3A_848 = arith.cmpi sgt, %squeeze3A, %gt3A_847 : i32
          scf.condition(%gt3A_848) %while3A_843, %while3A_844, %while3A_845, %while3A_846 : vector<16xf32>, vector<16xi32>, vector<16xf32>, vector<16xi1>
        } do {
        ^bb0(%while3A_843: vector<16xf32>, %while3A_844: vector<16xi32>, %while3A_845: vector<16xf32>, %while3A_846: vector<16xi1>):
          %all_reduce_ffs3A = tpu.all_reduce %while3A_846 {dim = 0 : i64, kind = #tpu.reduction_kind<find_first_set>} : vector<16xi1> -> vector<16xi32>
          %slice3A = vector.extract_strided_slice %all_reduce_ffs3A {offsets = [0], sizes = [1], strides = [1]} : vector<16xi32> to vector<1xi32>
          %squeeze3A = vector.extract %slice3A[0] : i32 from vector<1xi32>
          %mul3A_847 = arith.constant 16 : i32
          %mul3A_848 = arith.muli %squeeze3A, %mul3A_847 : i32
          %add3A_849 = arith.addi %mul3A_549, %mul3A_848 : i32
          %get3A = arith.index_cast %add3A_849 : i32 to index
          %get3A_850 = tpu.vector_load %arg5[%get3A] {strides = array<i32>} : memref<16384xf32, #tpu.memory_space<vmem>>, vector<16xf32>,
          %add3A_851 = vector.broadcast %add3A_849 : i32 to vector<16xi32>
          %add3A_852 = arith.addi %add3A_851, %iota3A_396 : vector<16xi32>
          %masked_sort3A = arith.constant dense<true> : vector<16xi1>
          %masked_sort3A_853, %masked_sort3A_854, %masked_sort3A_855 = tpu.sort %get3A_850, %add3A_852 masked %masked_sort3A : (vector<16xf32>, vector<16xi32>, vector<16xi1>) -> (vector<16xi1>, vector<16xf32>, vector<16xi32>)
          %rev3A = arith.constant 15 : i32
          %rev3A_856 = vector.broadcast %rev3A : i32 to vector<16xi32>
          %rev3A_857 = tpu.iota {dimensions = array<i32: 0>} : vector<16xi32>
          %rev3A_858 = arith.subi %rev3A_856, %rev3A_857 : vector<16xi32>
          %rev3A_859 = tpu.dynamic_gather %masked_sort3A_854[%rev3A_858] in [0] : vector<16xf32>, vector<16xi32> -> vector<16xf32>
          %rev3A_860 = arith.constant 15 : i32
          %rev3A_861 = vector.broadcast %rev3A_860 : i32 to vector<16xi32>
          %rev3A_862 = tpu.iota {dimensions = array<i32: 0>} : vector<16xi32>
          %rev3A_863 = arith.subi %rev3A_861, %rev3A_862 : vector<16xi32>
          %rev3A_864 = tpu.dynamic_gather %masked_sort3A_855[%rev3A_863] in [0] : vector<16xi32>, vector<16xi32> -> vector<16xi32>
          %ge3A = arith.cmpf oge, %while3A_843, %rev3A_859 : vector<16xf32>
          %select_n3A = arith.select %ge3A, %while3A_843, %rev3A_859 : vector<16xi1>, vector<16xf32>
          %select_n3A_865 = arith.select %ge3A, %while3A_844, %rev3A_864 : vector<16xi1>, vector<16xi32>
          %masked_sort3A_866 = arith.constant dense<true> : vector<16xi1>
          %masked_sort3A_867, %masked_sort3A_868, %masked_sort3A_869 = tpu.sort %select_n3A, %select_n3A_865 masked %masked_sort3A_866 : (vector<16xf32>, vector<16xi32>, vector<16xi1>) -> (vector<16xi1>, vector<16xf32>, vector<16xi32>)
          %slice3A_870 = vector.extract_strided_slice %masked_sort3A_868 {offsets = [0], sizes = [1], strides = [1]} : vector<16xf32> to vector<1xf32>
          %squeeze3A_871 = vector.extract %slice3A_870[0] : f32 from vector<1xf32>
          %broadcast_in_dim3A_872 = vector.broadcast %squeeze3A_871 : f32 to vector<16xf32>
          %ne3A = vector.broadcast %squeeze3A : i32 to vector<16xi32>
          %ne3A_873 = arith.cmpi ne, %iota3A_396, %ne3A : vector<16xi32>
          %and3A = arith.andi %while3A_846, %ne3A_873 : vector<16xi1>
          %gt3A_874 = arith.cmpf ogt, %max3A_642, %broadcast_in_dim3A_872 : vector<16xf32>
          %and3A_875 = arith.andi %and3A, %gt3A_874 : vector<16xi1>
          scf.yield %masked_sort3A_868, %masked_sort3A_869, %broadcast_in_dim3A_872, %and3A_875 : vector<16xf32>, vector<16xi32>, vector<16xf32>, vector<16xi1>
        }
        %scan3A_645 = arith.constant 2 : i32
        %scan3A_646 = arith.addi %scan3A_449, %scan3A_645 : i32
        %mul3A_647 = arith.constant 256 : i32
        %mul3A_648 = arith.muli %scan3A_646, %mul3A_647 : i32
        %add3A_649 = vector.broadcast %mul3A_648 : i32 to vector<16xi32>
        %add3A_650 = arith.addi %add3A_649, %mul3A_395 : vector<16xi32>
        %gather3A_651 = tpu.vector_load_idx %arg5[%add3A_650] : memref<16384xf32, #tpu.memory_space<vmem>>[vector<16xi32>], vector<16xf32>,
        %add3A_652 = arith.constant 1 : i32
        %add3A_653 = arith.addi %mul3A_648, %add3A_652 : i32
        %add3A_654 = vector.broadcast %add3A_653 : i32 to vector<16xi32>
        %add3A_655 = arith.addi %add3A_654, %mul3A_395 : vector<16xi32>
        %gather3A_656 = tpu.vector_load_idx %arg5[%add3A_655] : memref<16384xf32, #tpu.memory_space<vmem>>[vector<16xi32>], vector<16xf32>,
        %max3A_657 = arith.maximumf %gather3A_651, %gather3A_656 : vector<16xf32>
        %add3A_658 = arith.constant 2 : i32
        %add3A_659 = arith.addi %mul3A_648, %add3A_658 : i32
        %add3A_660 = vector.broadcast %add3A_659 : i32 to vector<16xi32>
        %add3A_661 = arith.addi %add3A_660, %mul3A_395 : vector<16xi32>
        %gather3A_662 = tpu.vector_load_idx %arg5[%add3A_661] : memref<16384xf32, #tpu.memory_space<vmem>>[vector<16xi32>], vector<16xf32>,
        %max3A_663 = arith.maximumf %max3A_657, %gather3A_662 : vector<16xf32>
        %add3A_664 = arith.constant 3 : i32
        %add3A_665 = arith.addi %mul3A_648, %add3A_664 : i32
        %add3A_666 = vector.broadcast %add3A_665 : i32 to vector<16xi32>
        %add3A_667 = arith.addi %add3A_666, %mul3A_395 : vector<16xi32>
        %gather3A_668 = tpu.vector_load_idx %arg5[%add3A_667] : memref<16384xf32, #tpu.memory_space<vmem>>[vector<16xi32>], vector<16xf32>,
        %max3A_669 = arith.maximumf %max3A_663, %gather3A_668 : vector<16xf32>
        %add3A_670 = arith.constant 4 : i32
        %add3A_671 = arith.addi %mul3A_648, %add3A_670 : i32
        %add3A_672 = vector.broadcast %add3A_671 : i32 to vector<16xi32>
        %add3A_673 = arith.addi %add3A_672, %mul3A_395 : vector<16xi32>
        %gather3A_674 = tpu.vector_load_idx %arg5[%add3A_673] : memref<16384xf32, #tpu.memory_space<vmem>>[vector<16xi32>], vector<16xf32>,
        %max3A_675 = arith.maximumf %max3A_669, %gather3A_674 : vector<16xf32>
        %add3A_676 = arith.constant 5 : i32
        %add3A_677 = arith.addi %mul3A_648, %add3A_676 : i32
        %add3A_678 = vector.broadcast %add3A_677 : i32 to vector<16xi32>
        %add3A_679 = arith.addi %add3A_678, %mul3A_395 : vector<16xi32>
        %gather3A_680 = tpu.vector_load_idx %arg5[%add3A_679] : memref<16384xf32, #tpu.memory_space<vmem>>[vector<16xi32>], vector<16xf32>,
        %max3A_681 = arith.maximumf %max3A_675, %gather3A_680 : vector<16xf32>
        %add3A_682 = arith.constant 6 : i32
        %add3A_683 = arith.addi %mul3A_648, %add3A_682 : i32
        %add3A_684 = vector.broadcast %add3A_683 : i32 to vector<16xi32>
        %add3A_685 = arith.addi %add3A_684, %mul3A_395 : vector<16xi32>
        %gather3A_686 = tpu.vector_load_idx %arg5[%add3A_685] : memref<16384xf32, #tpu.memory_space<vmem>>[vector<16xi32>], vector<16xf32>,
        %max3A_687 = arith.maximumf %max3A_681, %gather3A_686 : vector<16xf32>
        %add3A_688 = arith.constant 7 : i32
        %add3A_689 = arith.addi %mul3A_648, %add3A_688 : i32
        %add3A_690 = vector.broadcast %add3A_689 : i32 to vector<16xi32>
        %add3A_691 = arith.addi %add3A_690, %mul3A_395 : vector<16xi32>
        %gather3A_692 = tpu.vector_load_idx %arg5[%add3A_691] : memref<16384xf32, #tpu.memory_space<vmem>>[vector<16xi32>], vector<16xf32>,
        %max3A_693 = arith.maximumf %max3A_687, %gather3A_692 : vector<16xf32>
        %add3A_694 = arith.constant 8 : i32
        %add3A_695 = arith.addi %mul3A_648, %add3A_694 : i32
        %add3A_696 = vector.broadcast %add3A_695 : i32 to vector<16xi32>
        %add3A_697 = arith.addi %add3A_696, %mul3A_395 : vector<16xi32>
        %gather3A_698 = tpu.vector_load_idx %arg5[%add3A_697] : memref<16384xf32, #tpu.memory_space<vmem>>[vector<16xi32>], vector<16xf32>,
        %max3A_699 = arith.maximumf %max3A_693, %gather3A_698 : vector<16xf32>
        %add3A_700 = arith.constant 9 : i32
        %add3A_701 = arith.addi %mul3A_648, %add3A_700 : i32
        %add3A_702 = vector.broadcast %add3A_701 : i32 to vector<16xi32>
        %add3A_703 = arith.addi %add3A_702, %mul3A_395 : vector<16xi32>
        %gather3A_704 = tpu.vector_load_idx %arg5[%add3A_703] : memref<16384xf32, #tpu.memory_space<vmem>>[vector<16xi32>], vector<16xf32>,
        %max3A_705 = arith.maximumf %max3A_699, %gather3A_704 : vector<16xf32>
        %add3A_706 = arith.constant 10 : i32
        %add3A_707 = arith.addi %mul3A_648, %add3A_706 : i32
        %add3A_708 = vector.broadcast %add3A_707 : i32 to vector<16xi32>
        %add3A_709 = arith.addi %add3A_708, %mul3A_395 : vector<16xi32>
        %gather3A_710 = tpu.vector_load_idx %arg5[%add3A_709] : memref<16384xf32, #tpu.memory_space<vmem>>[vector<16xi32>], vector<16xf32>,
        %max3A_711 = arith.maximumf %max3A_705, %gather3A_710 : vector<16xf32>
        %add3A_712 = arith.constant 11 : i32
        %add3A_713 = arith.addi %mul3A_648, %add3A_712 : i32
        %add3A_714 = vector.broadcast %add3A_713 : i32 to vector<16xi32>
        %add3A_715 = arith.addi %add3A_714, %mul3A_395 : vector<16xi32>
        %gather3A_716 = tpu.vector_load_idx %arg5[%add3A_715] : memref<16384xf32, #tpu.memory_space<vmem>>[vector<16xi32>], vector<16xf32>,
        %max3A_717 = arith.maximumf %max3A_711, %gather3A_716 : vector<16xf32>
        %add3A_718 = arith.constant 12 : i32
        %add3A_719 = arith.addi %mul3A_648, %add3A_718 : i32
        %add3A_720 = vector.broadcast %add3A_719 : i32 to vector<16xi32>
        %add3A_721 = arith.addi %add3A_720, %mul3A_395 : vector<16xi32>
        %gather3A_722 = tpu.vector_load_idx %arg5[%add3A_721] : memref<16384xf32, #tpu.memory_space<vmem>>[vector<16xi32>], vector<16xf32>,
        %max3A_723 = arith.maximumf %max3A_717, %gather3A_722 : vector<16xf32>
        %add3A_724 = arith.constant 13 : i32
        %add3A_725 = arith.addi %mul3A_648, %add3A_724 : i32
        %add3A_726 = vector.broadcast %add3A_725 : i32 to vector<16xi32>
        %add3A_727 = arith.addi %add3A_726, %mul3A_395 : vector<16xi32>
        %gather3A_728 = tpu.vector_load_idx %arg5[%add3A_727] : memref<16384xf32, #tpu.memory_space<vmem>>[vector<16xi32>], vector<16xf32>,
        %max3A_729 = arith.maximumf %max3A_723, %gather3A_728 : vector<16xf32>
        %add3A_730 = arith.constant 14 : i32
        %add3A_731 = arith.addi %mul3A_648, %add3A_730 : i32
        %add3A_732 = vector.broadcast %add3A_731 : i32 to vector<16xi32>
        %add3A_733 = arith.addi %add3A_732, %mul3A_395 : vector<16xi32>
        %gather3A_734 = tpu.vector_load_idx %arg5[%add3A_733] : memref<16384xf32, #tpu.memory_space<vmem>>[vector<16xi32>], vector<16xf32>,
        %max3A_735 = arith.maximumf %max3A_729, %gather3A_734 : vector<16xf32>
        %add3A_736 = arith.constant 15 : i32
        %add3A_737 = arith.addi %mul3A_648, %add3A_736 : i32
        %add3A_738 = vector.broadcast %add3A_737 : i32 to vector<16xi32>
        %add3A_739 = arith.addi %add3A_738, %mul3A_395 : vector<16xi32>
        %gather3A_740 = tpu.vector_load_idx %arg5[%add3A_739] : memref<16384xf32, #tpu.memory_space<vmem>>[vector<16xi32>], vector<16xf32>,
        %max3A_741 = arith.maximumf %max3A_735, %gather3A_740 : vector<16xf32>
        %gt3A_742 = arith.cmpf ogt, %max3A_741, %while3A_644#2 : vector<16xf32>
        %while3A_743:4 = scf.while (%while3A_843 = %while3A_644#0, %while3A_844 = %while3A_644#1, %while3A_845 = %while3A_644#2, %while3A_846 = %gt3A_742) : (vector<16xf32>, vector<16xi32>, vector<16xf32>, vector<16xi1>) -> (vector<16xf32>, vector<16xi32>, vector<16xf32>, vector<16xi1>) {
          %all_reduce_population_count3A = tpu.all_reduce %while3A_846 {dim = 0 : i64, kind = #tpu.reduction_kind<sum>} : vector<16xi1> -> vector<16xi32>
          %slice3A = vector.extract_strided_slice %all_reduce_population_count3A {offsets = [0], sizes = [1], strides = [1]} : vector<16xi32> to vector<1xi32>
          %squeeze3A = vector.extract %slice3A[0] : i32 from vector<1xi32>
          %gt3A_847 = arith.constant 0 : i32
          %gt3A_848 = arith.cmpi sgt, %squeeze3A, %gt3A_847 : i32
          scf.condition(%gt3A_848) %while3A_843, %while3A_844, %while3A_845, %while3A_846 : vector<16xf32>, vector<16xi32>, vector<16xf32>, vector<16xi1>
        } do {
        ^bb0(%while3A_843: vector<16xf32>, %while3A_844: vector<16xi32>, %while3A_845: vector<16xf32>, %while3A_846: vector<16xi1>):
          %all_reduce_ffs3A = tpu.all_reduce %while3A_846 {dim = 0 : i64, kind = #tpu.reduction_kind<find_first_set>} : vector<16xi1> -> vector<16xi32>
          %slice3A = vector.extract_strided_slice %all_reduce_ffs3A {offsets = [0], sizes = [1], strides = [1]} : vector<16xi32> to vector<1xi32>
          %squeeze3A = vector.extract %slice3A[0] : i32 from vector<1xi32>
          %mul3A_847 = arith.constant 16 : i32
          %mul3A_848 = arith.muli %squeeze3A, %mul3A_847 : i32
          %add3A_849 = arith.addi %mul3A_648, %mul3A_848 : i32
          %get3A = arith.index_cast %add3A_849 : i32 to index
          %get3A_850 = tpu.vector_load %arg5[%get3A] {strides = array<i32>} : memref<16384xf32, #tpu.memory_space<vmem>>, vector<16xf32>,
          %add3A_851 = vector.broadcast %add3A_849 : i32 to vector<16xi32>
          %add3A_852 = arith.addi %add3A_851, %iota3A_396 : vector<16xi32>
          %masked_sort3A = arith.constant dense<true> : vector<16xi1>
          %masked_sort3A_853, %masked_sort3A_854, %masked_sort3A_855 = tpu.sort %get3A_850, %add3A_852 masked %masked_sort3A : (vector<16xf32>, vector<16xi32>, vector<16xi1>) -> (vector<16xi1>, vector<16xf32>, vector<16xi32>)
          %rev3A = arith.constant 15 : i32
          %rev3A_856 = vector.broadcast %rev3A : i32 to vector<16xi32>
          %rev3A_857 = tpu.iota {dimensions = array<i32: 0>} : vector<16xi32>
          %rev3A_858 = arith.subi %rev3A_856, %rev3A_857 : vector<16xi32>
          %rev3A_859 = tpu.dynamic_gather %masked_sort3A_854[%rev3A_858] in [0] : vector<16xf32>, vector<16xi32> -> vector<16xf32>
          %rev3A_860 = arith.constant 15 : i32
          %rev3A_861 = vector.broadcast %rev3A_860 : i32 to vector<16xi32>
          %rev3A_862 = tpu.iota {dimensions = array<i32: 0>} : vector<16xi32>
          %rev3A_863 = arith.subi %rev3A_861, %rev3A_862 : vector<16xi32>
          %rev3A_864 = tpu.dynamic_gather %masked_sort3A_855[%rev3A_863] in [0] : vector<16xi32>, vector<16xi32> -> vector<16xi32>
          %ge3A = arith.cmpf oge, %while3A_843, %rev3A_859 : vector<16xf32>
          %select_n3A = arith.select %ge3A, %while3A_843, %rev3A_859 : vector<16xi1>, vector<16xf32>
          %select_n3A_865 = arith.select %ge3A, %while3A_844, %rev3A_864 : vector<16xi1>, vector<16xi32>
          %masked_sort3A_866 = arith.constant dense<true> : vector<16xi1>
          %masked_sort3A_867, %masked_sort3A_868, %masked_sort3A_869 = tpu.sort %select_n3A, %select_n3A_865 masked %masked_sort3A_866 : (vector<16xf32>, vector<16xi32>, vector<16xi1>) -> (vector<16xi1>, vector<16xf32>, vector<16xi32>)
          %slice3A_870 = vector.extract_strided_slice %masked_sort3A_868 {offsets = [0], sizes = [1], strides = [1]} : vector<16xf32> to vector<1xf32>
          %squeeze3A_871 = vector.extract %slice3A_870[0] : f32 from vector<1xf32>
          %broadcast_in_dim3A_872 = vector.broadcast %squeeze3A_871 : f32 to vector<16xf32>
          %ne3A = vector.broadcast %squeeze3A : i32 to vector<16xi32>
          %ne3A_873 = arith.cmpi ne, %iota3A_396, %ne3A : vector<16xi32>
          %and3A = arith.andi %while3A_846, %ne3A_873 : vector<16xi1>
          %gt3A_874 = arith.cmpf ogt, %max3A_741, %broadcast_in_dim3A_872 : vector<16xf32>
          %and3A_875 = arith.andi %and3A, %gt3A_874 : vector<16xi1>
          scf.yield %masked_sort3A_868, %masked_sort3A_869, %broadcast_in_dim3A_872, %and3A_875 : vector<16xf32>, vector<16xi32>, vector<16xf32>, vector<16xi1>
        }
        %scan3A_744 = arith.constant 3 : i32
        %scan3A_745 = arith.addi %scan3A_449, %scan3A_744 : i32
        %mul3A_746 = arith.constant 256 : i32
        %mul3A_747 = arith.muli %scan3A_745, %mul3A_746 : i32
        %add3A_748 = vector.broadcast %mul3A_747 : i32 to vector<16xi32>
        %add3A_749 = arith.addi %add3A_748, %mul3A_395 : vector<16xi32>
        %gather3A_750 = tpu.vector_load_idx %arg5[%add3A_749] : memref<16384xf32, #tpu.memory_space<vmem>>[vector<16xi32>], vector<16xf32>,
        %add3A_751 = arith.constant 1 : i32
        %add3A_752 = arith.addi %mul3A_747, %add3A_751 : i32
        %add3A_753 = vector.broadcast %add3A_752 : i32 to vector<16xi32>
        %add3A_754 = arith.addi %add3A_753, %mul3A_395 : vector<16xi32>
        %gather3A_755 = tpu.vector_load_idx %arg5[%add3A_754] : memref<16384xf32, #tpu.memory_space<vmem>>[vector<16xi32>], vector<16xf32>,
        %max3A_756 = arith.maximumf %gather3A_750, %gather3A_755 : vector<16xf32>
        %add3A_757 = arith.constant 2 : i32
        %add3A_758 = arith.addi %mul3A_747, %add3A_757 : i32
        %add3A_759 = vector.broadcast %add3A_758 : i32 to vector<16xi32>
        %add3A_760 = arith.addi %add3A_759, %mul3A_395 : vector<16xi32>
        %gather3A_761 = tpu.vector_load_idx %arg5[%add3A_760] : memref<16384xf32, #tpu.memory_space<vmem>>[vector<16xi32>], vector<16xf32>,
        %max3A_762 = arith.maximumf %max3A_756, %gather3A_761 : vector<16xf32>
        %add3A_763 = arith.constant 3 : i32
        %add3A_764 = arith.addi %mul3A_747, %add3A_763 : i32
        %add3A_765 = vector.broadcast %add3A_764 : i32 to vector<16xi32>
        %add3A_766 = arith.addi %add3A_765, %mul3A_395 : vector<16xi32>
        %gather3A_767 = tpu.vector_load_idx %arg5[%add3A_766] : memref<16384xf32, #tpu.memory_space<vmem>>[vector<16xi32>], vector<16xf32>,
        %max3A_768 = arith.maximumf %max3A_762, %gather3A_767 : vector<16xf32>
        %add3A_769 = arith.constant 4 : i32
        %add3A_770 = arith.addi %mul3A_747, %add3A_769 : i32
        %add3A_771 = vector.broadcast %add3A_770 : i32 to vector<16xi32>
        %add3A_772 = arith.addi %add3A_771, %mul3A_395 : vector<16xi32>
        %gather3A_773 = tpu.vector_load_idx %arg5[%add3A_772] : memref<16384xf32, #tpu.memory_space<vmem>>[vector<16xi32>], vector<16xf32>,
        %max3A_774 = arith.maximumf %max3A_768, %gather3A_773 : vector<16xf32>
        %add3A_775 = arith.constant 5 : i32
        %add3A_776 = arith.addi %mul3A_747, %add3A_775 : i32
        %add3A_777 = vector.broadcast %add3A_776 : i32 to vector<16xi32>
        %add3A_778 = arith.addi %add3A_777, %mul3A_395 : vector<16xi32>
        %gather3A_779 = tpu.vector_load_idx %arg5[%add3A_778] : memref<16384xf32, #tpu.memory_space<vmem>>[vector<16xi32>], vector<16xf32>,
        %max3A_780 = arith.maximumf %max3A_774, %gather3A_779 : vector<16xf32>
        %add3A_781 = arith.constant 6 : i32
        %add3A_782 = arith.addi %mul3A_747, %add3A_781 : i32
        %add3A_783 = vector.broadcast %add3A_782 : i32 to vector<16xi32>
        %add3A_784 = arith.addi %add3A_783, %mul3A_395 : vector<16xi32>
        %gather3A_785 = tpu.vector_load_idx %arg5[%add3A_784] : memref<16384xf32, #tpu.memory_space<vmem>>[vector<16xi32>], vector<16xf32>,
        %max3A_786 = arith.maximumf %max3A_780, %gather3A_785 : vector<16xf32>
        %add3A_787 = arith.constant 7 : i32
        %add3A_788 = arith.addi %mul3A_747, %add3A_787 : i32
        %add3A_789 = vector.broadcast %add3A_788 : i32 to vector<16xi32>
        %add3A_790 = arith.addi %add3A_789, %mul3A_395 : vector<16xi32>
        %gather3A_791 = tpu.vector_load_idx %arg5[%add3A_790] : memref<16384xf32, #tpu.memory_space<vmem>>[vector<16xi32>], vector<16xf32>,
        %max3A_792 = arith.maximumf %max3A_786, %gather3A_791 : vector<16xf32>
        %add3A_793 = arith.constant 8 : i32
        %add3A_794 = arith.addi %mul3A_747, %add3A_793 : i32
        %add3A_795 = vector.broadcast %add3A_794 : i32 to vector<16xi32>
        %add3A_796 = arith.addi %add3A_795, %mul3A_395 : vector<16xi32>
        %gather3A_797 = tpu.vector_load_idx %arg5[%add3A_796] : memref<16384xf32, #tpu.memory_space<vmem>>[vector<16xi32>], vector<16xf32>,
        %max3A_798 = arith.maximumf %max3A_792, %gather3A_797 : vector<16xf32>
        %add3A_799 = arith.constant 9 : i32
        %add3A_800 = arith.addi %mul3A_747, %add3A_799 : i32
        %add3A_801 = vector.broadcast %add3A_800 : i32 to vector<16xi32>
        %add3A_802 = arith.addi %add3A_801, %mul3A_395 : vector<16xi32>
        %gather3A_803 = tpu.vector_load_idx %arg5[%add3A_802] : memref<16384xf32, #tpu.memory_space<vmem>>[vector<16xi32>], vector<16xf32>,
        %max3A_804 = arith.maximumf %max3A_798, %gather3A_803 : vector<16xf32>
        %add3A_805 = arith.constant 10 : i32
        %add3A_806 = arith.addi %mul3A_747, %add3A_805 : i32
        %add3A_807 = vector.broadcast %add3A_806 : i32 to vector<16xi32>
        %add3A_808 = arith.addi %add3A_807, %mul3A_395 : vector<16xi32>
        %gather3A_809 = tpu.vector_load_idx %arg5[%add3A_808] : memref<16384xf32, #tpu.memory_space<vmem>>[vector<16xi32>], vector<16xf32>,
        %max3A_810 = arith.maximumf %max3A_804, %gather3A_809 : vector<16xf32>
        %add3A_811 = arith.constant 11 : i32
        %add3A_812 = arith.addi %mul3A_747, %add3A_811 : i32
        %add3A_813 = vector.broadcast %add3A_812 : i32 to vector<16xi32>
        %add3A_814 = arith.addi %add3A_813, %mul3A_395 : vector<16xi32>
        %gather3A_815 = tpu.vector_load_idx %arg5[%add3A_814] : memref<16384xf32, #tpu.memory_space<vmem>>[vector<16xi32>], vector<16xf32>,
        %max3A_816 = arith.maximumf %max3A_810, %gather3A_815 : vector<16xf32>
        %add3A_817 = arith.constant 12 : i32
        %add3A_818 = arith.addi %mul3A_747, %add3A_817 : i32
        %add3A_819 = vector.broadcast %add3A_818 : i32 to vector<16xi32>
        %add3A_820 = arith.addi %add3A_819, %mul3A_395 : vector<16xi32>
        %gather3A_821 = tpu.vector_load_idx %arg5[%add3A_820] : memref<16384xf32, #tpu.memory_space<vmem>>[vector<16xi32>], vector<16xf32>,
        %max3A_822 = arith.maximumf %max3A_816, %gather3A_821 : vector<16xf32>
        %add3A_823 = arith.constant 13 : i32
        %add3A_824 = arith.addi %mul3A_747, %add3A_823 : i32
        %add3A_825 = vector.broadcast %add3A_824 : i32 to vector<16xi32>
        %add3A_826 = arith.addi %add3A_825, %mul3A_395 : vector<16xi32>
        %gather3A_827 = tpu.vector_load_idx %arg5[%add3A_826] : memref<16384xf32, #tpu.memory_space<vmem>>[vector<16xi32>], vector<16xf32>,
        %max3A_828 = arith.maximumf %max3A_822, %gather3A_827 : vector<16xf32>
        %add3A_829 = arith.constant 14 : i32
        %add3A_830 = arith.addi %mul3A_747, %add3A_829 : i32
        %add3A_831 = vector.broadcast %add3A_830 : i32 to vector<16xi32>
        %add3A_832 = arith.addi %add3A_831, %mul3A_395 : vector<16xi32>
        %gather3A_833 = tpu.vector_load_idx %arg5[%add3A_832] : memref<16384xf32, #tpu.memory_space<vmem>>[vector<16xi32>], vector<16xf32>,
        %max3A_834 = arith.maximumf %max3A_828, %gather3A_833 : vector<16xf32>
        %add3A_835 = arith.constant 15 : i32
        %add3A_836 = arith.addi %mul3A_747, %add3A_835 : i32
        %add3A_837 = vector.broadcast %add3A_836 : i32 to vector<16xi32>
        %add3A_838 = arith.addi %add3A_837, %mul3A_395 : vector<16xi32>
        %gather3A_839 = tpu.vector_load_idx %arg5[%add3A_838] : memref<16384xf32, #tpu.memory_space<vmem>>[vector<16xi32>], vector<16xf32>,
        %max3A_840 = arith.maximumf %max3A_834, %gather3A_839 : vector<16xf32>
        %gt3A_841 = arith.cmpf ogt, %max3A_840, %while3A_743#2 : vector<16xf32>
        %while3A_842:4 = scf.while (%while3A_843 = %while3A_743#0, %while3A_844 = %while3A_743#1, %while3A_845 = %while3A_743#2, %while3A_846 = %gt3A_841) : (vector<16xf32>, vector<16xi32>, vector<16xf32>, vector<16xi1>) -> (vector<16xf32>, vector<16xi32>, vector<16xf32>, vector<16xi1>) {
          %all_reduce_population_count3A = tpu.all_reduce %while3A_846 {dim = 0 : i64, kind = #tpu.reduction_kind<sum>} : vector<16xi1> -> vector<16xi32>
          %slice3A = vector.extract_strided_slice %all_reduce_population_count3A {offsets = [0], sizes = [1], strides = [1]} : vector<16xi32> to vector<1xi32>
          %squeeze3A = vector.extract %slice3A[0] : i32 from vector<1xi32>
          %gt3A_847 = arith.constant 0 : i32
          %gt3A_848 = arith.cmpi sgt, %squeeze3A, %gt3A_847 : i32
          scf.condition(%gt3A_848) %while3A_843, %while3A_844, %while3A_845, %while3A_846 : vector<16xf32>, vector<16xi32>, vector<16xf32>, vector<16xi1>
        } do {
        ^bb0(%while3A_843: vector<16xf32>, %while3A_844: vector<16xi32>, %while3A_845: vector<16xf32>, %while3A_846: vector<16xi1>):
          %all_reduce_ffs3A = tpu.all_reduce %while3A_846 {dim = 0 : i64, kind = #tpu.reduction_kind<find_first_set>} : vector<16xi1> -> vector<16xi32>
          %slice3A = vector.extract_strided_slice %all_reduce_ffs3A {offsets = [0], sizes = [1], strides = [1]} : vector<16xi32> to vector<1xi32>
          %squeeze3A = vector.extract %slice3A[0] : i32 from vector<1xi32>
          %mul3A_847 = arith.constant 16 : i32
          %mul3A_848 = arith.muli %squeeze3A, %mul3A_847 : i32
          %add3A_849 = arith.addi %mul3A_747, %mul3A_848 : i32
          %get3A = arith.index_cast %add3A_849 : i32 to index
          %get3A_850 = tpu.vector_load %arg5[%get3A] {strides = array<i32>} : memref<16384xf32, #tpu.memory_space<vmem>>, vector<16xf32>,
          %add3A_851 = vector.broadcast %add3A_849 : i32 to vector<16xi32>
          %add3A_852 = arith.addi %add3A_851, %iota3A_396 : vector<16xi32>
          %masked_sort3A = arith.constant dense<true> : vector<16xi1>
          %masked_sort3A_853, %masked_sort3A_854, %masked_sort3A_855 = tpu.sort %get3A_850, %add3A_852 masked %masked_sort3A : (vector<16xf32>, vector<16xi32>, vector<16xi1>) -> (vector<16xi1>, vector<16xf32>, vector<16xi32>)
          %rev3A = arith.constant 15 : i32
          %rev3A_856 = vector.broadcast %rev3A : i32 to vector<16xi32>
          %rev3A_857 = tpu.iota {dimensions = array<i32: 0>} : vector<16xi32>
          %rev3A_858 = arith.subi %rev3A_856, %rev3A_857 : vector<16xi32>
          %rev3A_859 = tpu.dynamic_gather %masked_sort3A_854[%rev3A_858] in [0] : vector<16xf32>, vector<16xi32> -> vector<16xf32>
          %rev3A_860 = arith.constant 15 : i32
          %rev3A_861 = vector.broadcast %rev3A_860 : i32 to vector<16xi32>
          %rev3A_862 = tpu.iota {dimensions = array<i32: 0>} : vector<16xi32>
          %rev3A_863 = arith.subi %rev3A_861, %rev3A_862 : vector<16xi32>
          %rev3A_864 = tpu.dynamic_gather %masked_sort3A_855[%rev3A_863] in [0] : vector<16xi32>, vector<16xi32> -> vector<16xi32>
          %ge3A = arith.cmpf oge, %while3A_843, %rev3A_859 : vector<16xf32>
          %select_n3A = arith.select %ge3A, %while3A_843, %rev3A_859 : vector<16xi1>, vector<16xf32>
          %select_n3A_865 = arith.select %ge3A, %while3A_844, %rev3A_864 : vector<16xi1>, vector<16xi32>
          %masked_sort3A_866 = arith.constant dense<true> : vector<16xi1>
          %masked_sort3A_867, %masked_sort3A_868, %masked_sort3A_869 = tpu.sort %select_n3A, %select_n3A_865 masked %masked_sort3A_866 : (vector<16xf32>, vector<16xi32>, vector<16xi1>) -> (vector<16xi1>, vector<16xf32>, vector<16xi32>)
          %slice3A_870 = vector.extract_strided_slice %masked_sort3A_868 {offsets = [0], sizes = [1], strides = [1]} : vector<16xf32> to vector<1xf32>
          %squeeze3A_871 = vector.extract %slice3A_870[0] : f32 from vector<1xf32>
          %broadcast_in_dim3A_872 = vector.broadcast %squeeze3A_871 : f32 to vector<16xf32>
          %ne3A = vector.broadcast %squeeze3A : i32 to vector<16xi32>
          %ne3A_873 = arith.cmpi ne, %iota3A_396, %ne3A : vector<16xi32>
          %and3A = arith.andi %while3A_846, %ne3A_873 : vector<16xi1>
          %gt3A_874 = arith.cmpf ogt, %max3A_840, %broadcast_in_dim3A_872 : vector<16xf32>
          %and3A_875 = arith.andi %and3A, %gt3A_874 : vector<16xi1>
          scf.yield %masked_sort3A_868, %masked_sort3A_869, %broadcast_in_dim3A_872, %and3A_875 : vector<16xf32>, vector<16xi32>, vector<16xf32>, vector<16xi1>
        }
        scf.yield %while3A_842#0, %while3A_842#1, %while3A_842#2 : vector<16xf32>, vector<16xi32>, vector<16xf32>
      }
      %scan3A_405 = arith.constant 64 : i32
      %mul3A_406 = arith.constant 16 : i32
      %mul3A_407 = arith.muli %add3A_382, %mul3A_406 : i32
      %swap3A = arith.index_cast %mul3A_407 : i32 to index
      %swap3A_408 = tpu.vector_load %arg7[%swap3A] {strides = array<i32>} : memref<512xi32, #tpu.memory_space<vmem>>, vector<16xi32>,
      tpu.vector_store %arg7[%swap3A], %scan3A_404#1 {strides = array<i32>} : memref<512xi32, #tpu.memory_space<vmem>>, vector<16xi32>,
      %mul3A_409 = arith.constant 2 : i32
      %mul3A_410 = arith.muli %mul3A_409, %scan3A_372 : i32
      %add3A_411 = arith.addi %mul3A_2, %mul3A_410 : i32
      %add3A_412 = arith.constant 1 : i32
      %add3A_413 = arith.addi %add3A_411, %add3A_412 : i32
      %mul3A_414 = arith.constant 2 : i32
      %mul3A_415 = arith.muli %mul3A_414, %scan3A_372 : i32
      %add3A_416 = arith.constant 1 : i32
      %add3A_417 = arith.addi %mul3A_415, %add3A_416 : i32
      %mul3A_418 = arith.constant 16384 : i32
      %mul3A_419 = arith.muli %add3A_413, %mul3A_418 : i32
      %dma_wait3A_420 = tpu.memref_slice %arg2[%mul3A_419] : memref<16777216xf32, #tpu.memory_space<hbm>> -> memref<16384xf32, #tpu.memory_space<hbm>>
      %dma_wait3A_421 = tpu.memref_slice %arg2[%mul3A_419] : memref<16777216xf32, #tpu.memory_space<hbm>> -> memref<16384xf32, #tpu.memory_space<hbm>>
      tpu.wait_dma2 semaphore(%arg10 : memref<!tpu.dma_semaphore, #tpu.memory_space<semaphore_mem>>) src(%dma_wait3A_421 : memref<16384xf32, #tpu.memory_space<hbm>>) dst(%arg6 : memref<16384xf32, #tpu.memory_space<vmem>>)
      %add3A_422 = arith.constant 1 : i32
      %add3A_423 = arith.addi %add3A_413, %add3A_422 : i32
      %min3A_424 = arith.minsi %add3A_423, %sub3A_5 : i32
      %mul3A_425 = arith.constant 16384 : i32
      %mul3A_426 = arith.muli %min3A_424, %mul3A_425 : i32
      %dma_start3A_427 = tpu.memref_slice %arg2[%mul3A_426] : memref<16777216xf32, #tpu.memory_space<hbm>> -> memref<16384xf32, #tpu.memory_space<hbm>>
      %dma_start3A_428 = tpu.memref_slice %arg2[%mul3A_426] : memref<16777216xf32, #tpu.memory_space<hbm>> -> memref<16384xf32, #tpu.memory_space<hbm>>
      tpu.enqueue_dma source(%dma_start3A_428 : memref<16384xf32, #tpu.memory_space<hbm>>) target(%arg5 : memref<16384xf32, #tpu.memory_space<vmem>>) target_semaphore(%arg10 : memref<!tpu.dma_semaphore, #tpu.memory_space<semaphore_mem>>)
      %iota3A_429 = tpu.iota {dimensions = array<i32: 0>} : vector<16xi32>
      %mul3A_430 = arith.constant 16 : i32
      %mul3A_431 = vector.broadcast %mul3A_430 : i32 to vector<16xi32>
      %mul3A_432 = arith.muli %mul3A_431, %iota3A_429 : vector<16xi32>
      %iota3A_433 = tpu.iota {dimensions = array<i32: 0>} : vector<16xi32>
      %broadcast_in_dim3A_434 = arith.constant 0xFF800000 : f32
      %broadcast_in_dim3A_435 = vector.broadcast %broadcast_in_dim3A_434 : f32 to vector<16xf32>
      %broadcast_in_dim3A_436 = arith.constant 0 : i32
      %broadcast_in_dim3A_437 = vector.broadcast %broadcast_in_dim3A_436 : i32 to vector<16xi32>
      %scan3A_438 = arith.constant 0 : i32
      %scan3A_439 = arith.constant 64 : i32
      %scan3A_440 = arith.addi %scan3A_438, %scan3A_439 : i32
      %scan3A_441 = arith.constant 4 : i32
      %scan3A_442:3 = scf.for %scan3A_449 = %scan3A_438 to %scan3A_440 step %scan3A_441 iter_args(%scan3A_450 = %broadcast_in_dim3A_435, %scan3A_451 = %broadcast_in_dim3A_437, %scan3A_452 = %broadcast_in_dim3A_435) -> (vector<16xf32>, vector<16xi32>, vector<16xf32>)  : i32 {
        %mul3A_453 = arith.constant 256 : i32
        %mul3A_454 = arith.muli %scan3A_449, %mul3A_453 : i32
        %add3A_455 = vector.broadcast %mul3A_454 : i32 to vector<16xi32>
        %add3A_456 = arith.addi %add3A_455, %mul3A_432 : vector<16xi32>
        %gather3A = tpu.vector_load_idx %arg6[%add3A_456] : memref<16384xf32, #tpu.memory_space<vmem>>[vector<16xi32>], vector<16xf32>,
        %add3A_457 = arith.constant 1 : i32
        %add3A_458 = arith.addi %mul3A_454, %add3A_457 : i32
        %add3A_459 = vector.broadcast %add3A_458 : i32 to vector<16xi32>
        %add3A_460 = arith.addi %add3A_459, %mul3A_432 : vector<16xi32>
        %gather3A_461 = tpu.vector_load_idx %arg6[%add3A_460] : memref<16384xf32, #tpu.memory_space<vmem>>[vector<16xi32>], vector<16xf32>,
        %max3A = arith.maximumf %gather3A, %gather3A_461 : vector<16xf32>
        %add3A_462 = arith.constant 2 : i32
        %add3A_463 = arith.addi %mul3A_454, %add3A_462 : i32
        %add3A_464 = vector.broadcast %add3A_463 : i32 to vector<16xi32>
        %add3A_465 = arith.addi %add3A_464, %mul3A_432 : vector<16xi32>
        %gather3A_466 = tpu.vector_load_idx %arg6[%add3A_465] : memref<16384xf32, #tpu.memory_space<vmem>>[vector<16xi32>], vector<16xf32>,
        %max3A_467 = arith.maximumf %max3A, %gather3A_466 : vector<16xf32>
        %add3A_468 = arith.constant 3 : i32
        %add3A_469 = arith.addi %mul3A_454, %add3A_468 : i32
        %add3A_470 = vector.broadcast %add3A_469 : i32 to vector<16xi32>
        %add3A_471 = arith.addi %add3A_470, %mul3A_432 : vector<16xi32>
        %gather3A_472 = tpu.vector_load_idx %arg6[%add3A_471] : memref<16384xf32, #tpu.memory_space<vmem>>[vector<16xi32>], vector<16xf32>,
        %max3A_473 = arith.maximumf %max3A_467, %gather3A_472 : vector<16xf32>
        %add3A_474 = arith.constant 4 : i32
        %add3A_475 = arith.addi %mul3A_454, %add3A_474 : i32
        %add3A_476 = vector.broadcast %add3A_475 : i32 to vector<16xi32>
        %add3A_477 = arith.addi %add3A_476, %mul3A_432 : vector<16xi32>
        %gather3A_478 = tpu.vector_load_idx %arg6[%add3A_477] : memref<16384xf32, #tpu.memory_space<vmem>>[vector<16xi32>], vector<16xf32>,
        %max3A_479 = arith.maximumf %max3A_473, %gather3A_478 : vector<16xf32>
        %add3A_480 = arith.constant 5 : i32
        %add3A_481 = arith.addi %mul3A_454, %add3A_480 : i32
        %add3A_482 = vector.broadcast %add3A_481 : i32 to vector<16xi32>
        %add3A_483 = arith.addi %add3A_482, %mul3A_432 : vector<16xi32>
        %gather3A_484 = tpu.vector_load_idx %arg6[%add3A_483] : memref<16384xf32, #tpu.memory_space<vmem>>[vector<16xi32>], vector<16xf32>,
        %max3A_485 = arith.maximumf %max3A_479, %gather3A_484 : vector<16xf32>
        %add3A_486 = arith.constant 6 : i32
        %add3A_487 = arith.addi %mul3A_454, %add3A_486 : i32
        %add3A_488 = vector.broadcast %add3A_487 : i32 to vector<16xi32>
        %add3A_489 = arith.addi %add3A_488, %mul3A_432 : vector<16xi32>
        %gather3A_490 = tpu.vector_load_idx %arg6[%add3A_489] : memref<16384xf32, #tpu.memory_space<vmem>>[vector<16xi32>], vector<16xf32>,
        %max3A_491 = arith.maximumf %max3A_485, %gather3A_490 : vector<16xf32>
        %add3A_492 = arith.constant 7 : i32
        %add3A_493 = arith.addi %mul3A_454, %add3A_492 : i32
        %add3A_494 = vector.broadcast %add3A_493 : i32 to vector<16xi32>
        %add3A_495 = arith.addi %add3A_494, %mul3A_432 : vector<16xi32>
        %gather3A_496 = tpu.vector_load_idx %arg6[%add3A_495] : memref<16384xf32, #tpu.memory_space<vmem>>[vector<16xi32>], vector<16xf32>,
        %max3A_497 = arith.maximumf %max3A_491, %gather3A_496 : vector<16xf32>
        %add3A_498 = arith.constant 8 : i32
        %add3A_499 = arith.addi %mul3A_454, %add3A_498 : i32
        %add3A_500 = vector.broadcast %add3A_499 : i32 to vector<16xi32>
        %add3A_501 = arith.addi %add3A_500, %mul3A_432 : vector<16xi32>
        %gather3A_502 = tpu.vector_load_idx %arg6[%add3A_501] : memref<16384xf32, #tpu.memory_space<vmem>>[vector<16xi32>], vector<16xf32>,
        %max3A_503 = arith.maximumf %max3A_497, %gather3A_502 : vector<16xf32>
        %add3A_504 = arith.constant 9 : i32
        %add3A_505 = arith.addi %mul3A_454, %add3A_504 : i32
        %add3A_506 = vector.broadcast %add3A_505 : i32 to vector<16xi32>
        %add3A_507 = arith.addi %add3A_506, %mul3A_432 : vector<16xi32>
        %gather3A_508 = tpu.vector_load_idx %arg6[%add3A_507] : memref<16384xf32, #tpu.memory_space<vmem>>[vector<16xi32>], vector<16xf32>,
        %max3A_509 = arith.maximumf %max3A_503, %gather3A_508 : vector<16xf32>
        %add3A_510 = arith.constant 10 : i32
        %add3A_511 = arith.addi %mul3A_454, %add3A_510 : i32
        %add3A_512 = vector.broadcast %add3A_511 : i32 to vector<16xi32>
        %add3A_513 = arith.addi %add3A_512, %mul3A_432 : vector<16xi32>
        %gather3A_514 = tpu.vector_load_idx %arg6[%add3A_513] : memref<16384xf32, #tpu.memory_space<vmem>>[vector<16xi32>], vector<16xf32>,
        %max3A_515 = arith.maximumf %max3A_509, %gather3A_514 : vector<16xf32>
        %add3A_516 = arith.constant 11 : i32
        %add3A_517 = arith.addi %mul3A_454, %add3A_516 : i32
        %add3A_518 = vector.broadcast %add3A_517 : i32 to vector<16xi32>
        %add3A_519 = arith.addi %add3A_518, %mul3A_432 : vector<16xi32>
        %gather3A_520 = tpu.vector_load_idx %arg6[%add3A_519] : memref<16384xf32, #tpu.memory_space<vmem>>[vector<16xi32>], vector<16xf32>,
        %max3A_521 = arith.maximumf %max3A_515, %gather3A_520 : vector<16xf32>
        %add3A_522 = arith.constant 12 : i32
        %add3A_523 = arith.addi %mul3A_454, %add3A_522 : i32
        %add3A_524 = vector.broadcast %add3A_523 : i32 to vector<16xi32>
        %add3A_525 = arith.addi %add3A_524, %mul3A_432 : vector<16xi32>
        %gather3A_526 = tpu.vector_load_idx %arg6[%add3A_525] : memref<16384xf32, #tpu.memory_space<vmem>>[vector<16xi32>], vector<16xf32>,
        %max3A_527 = arith.maximumf %max3A_521, %gather3A_526 : vector<16xf32>
        %add3A_528 = arith.constant 13 : i32
        %add3A_529 = arith.addi %mul3A_454, %add3A_528 : i32
        %add3A_530 = vector.broadcast %add3A_529 : i32 to vector<16xi32>
        %add3A_531 = arith.addi %add3A_530, %mul3A_432 : vector<16xi32>
        %gather3A_532 = tpu.vector_load_idx %arg6[%add3A_531] : memref<16384xf32, #tpu.memory_space<vmem>>[vector<16xi32>], vector<16xf32>,
        %max3A_533 = arith.maximumf %max3A_527, %gather3A_532 : vector<16xf32>
        %add3A_534 = arith.constant 14 : i32
        %add3A_535 = arith.addi %mul3A_454, %add3A_534 : i32
        %add3A_536 = vector.broadcast %add3A_535 : i32 to vector<16xi32>
        %add3A_537 = arith.addi %add3A_536, %mul3A_432 : vector<16xi32>
        %gather3A_538 = tpu.vector_load_idx %arg6[%add3A_537] : memref<16384xf32, #tpu.memory_space<vmem>>[vector<16xi32>], vector<16xf32>,
        %max3A_539 = arith.maximumf %max3A_533, %gather3A_538 : vector<16xf32>
        %add3A_540 = arith.constant 15 : i32
        %add3A_541 = arith.addi %mul3A_454, %add3A_540 : i32
        %add3A_542 = vector.broadcast %add3A_541 : i32 to vector<16xi32>
        %add3A_543 = arith.addi %add3A_542, %mul3A_432 : vector<16xi32>
        %gather3A_544 = tpu.vector_load_idx %arg6[%add3A_543] : memref<16384xf32, #tpu.memory_space<vmem>>[vector<16xi32>], vector<16xf32>,
        %max3A_545 = arith.maximumf %max3A_539, %gather3A_544 : vector<16xf32>
        %gt3A = arith.cmpf ogt, %max3A_545, %scan3A_452 : vector<16xf32>
        %while3A:4 = scf.while (%while3A_843 = %scan3A_450, %while3A_844 = %scan3A_451, %while3A_845 = %scan3A_452, %while3A_846 = %gt3A) : (vector<16xf32>, vector<16xi32>, vector<16xf32>, vector<16xi1>) -> (vector<16xf32>, vector<16xi32>, vector<16xf32>, vector<16xi1>) {
          %all_reduce_population_count3A = tpu.all_reduce %while3A_846 {dim = 0 : i64, kind = #tpu.reduction_kind<sum>} : vector<16xi1> -> vector<16xi32>
          %slice3A = vector.extract_strided_slice %all_reduce_population_count3A {offsets = [0], sizes = [1], strides = [1]} : vector<16xi32> to vector<1xi32>
          %squeeze3A = vector.extract %slice3A[0] : i32 from vector<1xi32>
          %gt3A_847 = arith.constant 0 : i32
          %gt3A_848 = arith.cmpi sgt, %squeeze3A, %gt3A_847 : i32
          scf.condition(%gt3A_848) %while3A_843, %while3A_844, %while3A_845, %while3A_846 : vector<16xf32>, vector<16xi32>, vector<16xf32>, vector<16xi1>
        } do {
        ^bb0(%while3A_843: vector<16xf32>, %while3A_844: vector<16xi32>, %while3A_845: vector<16xf32>, %while3A_846: vector<16xi1>):
          %all_reduce_ffs3A = tpu.all_reduce %while3A_846 {dim = 0 : i64, kind = #tpu.reduction_kind<find_first_set>} : vector<16xi1> -> vector<16xi32>
          %slice3A = vector.extract_strided_slice %all_reduce_ffs3A {offsets = [0], sizes = [1], strides = [1]} : vector<16xi32> to vector<1xi32>
          %squeeze3A = vector.extract %slice3A[0] : i32 from vector<1xi32>
          %mul3A_847 = arith.constant 16 : i32
          %mul3A_848 = arith.muli %squeeze3A, %mul3A_847 : i32
          %add3A_849 = arith.addi %mul3A_454, %mul3A_848 : i32
          %get3A = arith.index_cast %add3A_849 : i32 to index
          %get3A_850 = tpu.vector_load %arg6[%get3A] {strides = array<i32>} : memref<16384xf32, #tpu.memory_space<vmem>>, vector<16xf32>,
          %add3A_851 = vector.broadcast %add3A_849 : i32 to vector<16xi32>
          %add3A_852 = arith.addi %add3A_851, %iota3A_433 : vector<16xi32>
          %masked_sort3A = arith.constant dense<true> : vector<16xi1>
          %masked_sort3A_853, %masked_sort3A_854, %masked_sort3A_855 = tpu.sort %get3A_850, %add3A_852 masked %masked_sort3A : (vector<16xf32>, vector<16xi32>, vector<16xi1>) -> (vector<16xi1>, vector<16xf32>, vector<16xi32>)
          %rev3A = arith.constant 15 : i32
          %rev3A_856 = vector.broadcast %rev3A : i32 to vector<16xi32>
          %rev3A_857 = tpu.iota {dimensions = array<i32: 0>} : vector<16xi32>
          %rev3A_858 = arith.subi %rev3A_856, %rev3A_857 : vector<16xi32>
          %rev3A_859 = tpu.dynamic_gather %masked_sort3A_854[%rev3A_858] in [0] : vector<16xf32>, vector<16xi32> -> vector<16xf32>
          %rev3A_860 = arith.constant 15 : i32
          %rev3A_861 = vector.broadcast %rev3A_860 : i32 to vector<16xi32>
          %rev3A_862 = tpu.iota {dimensions = array<i32: 0>} : vector<16xi32>
          %rev3A_863 = arith.subi %rev3A_861, %rev3A_862 : vector<16xi32>
          %rev3A_864 = tpu.dynamic_gather %masked_sort3A_855[%rev3A_863] in [0] : vector<16xi32>, vector<16xi32> -> vector<16xi32>
          %ge3A = arith.cmpf oge, %while3A_843, %rev3A_859 : vector<16xf32>
          %select_n3A = arith.select %ge3A, %while3A_843, %rev3A_859 : vector<16xi1>, vector<16xf32>
          %select_n3A_865 = arith.select %ge3A, %while3A_844, %rev3A_864 : vector<16xi1>, vector<16xi32>
          %masked_sort3A_866 = arith.constant dense<true> : vector<16xi1>
          %masked_sort3A_867, %masked_sort3A_868, %masked_sort3A_869 = tpu.sort %select_n3A, %select_n3A_865 masked %masked_sort3A_866 : (vector<16xf32>, vector<16xi32>, vector<16xi1>) -> (vector<16xi1>, vector<16xf32>, vector<16xi32>)
          %slice3A_870 = vector.extract_strided_slice %masked_sort3A_868 {offsets = [0], sizes = [1], strides = [1]} : vector<16xf32> to vector<1xf32>
          %squeeze3A_871 = vector.extract %slice3A_870[0] : f32 from vector<1xf32>
          %broadcast_in_dim3A_872 = vector.broadcast %squeeze3A_871 : f32 to vector<16xf32>
          %ne3A = vector.broadcast %squeeze3A : i32 to vector<16xi32>
          %ne3A_873 = arith.cmpi ne, %iota3A_433, %ne3A : vector<16xi32>
          %and3A = arith.andi %while3A_846, %ne3A_873 : vector<16xi1>
          %gt3A_874 = arith.cmpf ogt, %max3A_545, %broadcast_in_dim3A_872 : vector<16xf32>
          %and3A_875 = arith.andi %and3A, %gt3A_874 : vector<16xi1>
          scf.yield %masked_sort3A_868, %masked_sort3A_869, %broadcast_in_dim3A_872, %and3A_875 : vector<16xf32>, vector<16xi32>, vector<16xf32>, vector<16xi1>
        }
        %scan3A_546 = arith.constant 1 : i32
        %scan3A_547 = arith.addi %scan3A_449, %scan3A_546 : i32
        %mul3A_548 = arith.constant 256 : i32
        %mul3A_549 = arith.muli %scan3A_547, %mul3A_548 : i32
        %add3A_550 = vector.broadcast %mul3A_549 : i32 to vector<16xi32>
        %add3A_551 = arith.addi %add3A_550, %mul3A_432 : vector<16xi32>
        %gather3A_552 = tpu.vector_load_idx %arg6[%add3A_551] : memref<16384xf32, #tpu.memory_space<vmem>>[vector<16xi32>], vector<16xf32>,
        %add3A_553 = arith.constant 1 : i32
        %add3A_554 = arith.addi %mul3A_549, %add3A_553 : i32
        %add3A_555 = vector.broadcast %add3A_554 : i32 to vector<16xi32>
        %add3A_556 = arith.addi %add3A_555, %mul3A_432 : vector<16xi32>
        %gather3A_557 = tpu.vector_load_idx %arg6[%add3A_556] : memref<16384xf32, #tpu.memory_space<vmem>>[vector<16xi32>], vector<16xf32>,
        %max3A_558 = arith.maximumf %gather3A_552, %gather3A_557 : vector<16xf32>
        %add3A_559 = arith.constant 2 : i32
        %add3A_560 = arith.addi %mul3A_549, %add3A_559 : i32
        %add3A_561 = vector.broadcast %add3A_560 : i32 to vector<16xi32>
        %add3A_562 = arith.addi %add3A_561, %mul3A_432 : vector<16xi32>
        %gather3A_563 = tpu.vector_load_idx %arg6[%add3A_562] : memref<16384xf32, #tpu.memory_space<vmem>>[vector<16xi32>], vector<16xf32>,
        %max3A_564 = arith.maximumf %max3A_558, %gather3A_563 : vector<16xf32>
        %add3A_565 = arith.constant 3 : i32
        %add3A_566 = arith.addi %mul3A_549, %add3A_565 : i32
        %add3A_567 = vector.broadcast %add3A_566 : i32 to vector<16xi32>
        %add3A_568 = arith.addi %add3A_567, %mul3A_432 : vector<16xi32>
        %gather3A_569 = tpu.vector_load_idx %arg6[%add3A_568] : memref<16384xf32, #tpu.memory_space<vmem>>[vector<16xi32>], vector<16xf32>,
        %max3A_570 = arith.maximumf %max3A_564, %gather3A_569 : vector<16xf32>
        %add3A_571 = arith.constant 4 : i32
        %add3A_572 = arith.addi %mul3A_549, %add3A_571 : i32
        %add3A_573 = vector.broadcast %add3A_572 : i32 to vector<16xi32>
        %add3A_574 = arith.addi %add3A_573, %mul3A_432 : vector<16xi32>
        %gather3A_575 = tpu.vector_load_idx %arg6[%add3A_574] : memref<16384xf32, #tpu.memory_space<vmem>>[vector<16xi32>], vector<16xf32>,
        %max3A_576 = arith.maximumf %max3A_570, %gather3A_575 : vector<16xf32>
        %add3A_577 = arith.constant 5 : i32
        %add3A_578 = arith.addi %mul3A_549, %add3A_577 : i32
        %add3A_579 = vector.broadcast %add3A_578 : i32 to vector<16xi32>
        %add3A_580 = arith.addi %add3A_579, %mul3A_432 : vector<16xi32>
        %gather3A_581 = tpu.vector_load_idx %arg6[%add3A_580] : memref<16384xf32, #tpu.memory_space<vmem>>[vector<16xi32>], vector<16xf32>,
        %max3A_582 = arith.maximumf %max3A_576, %gather3A_581 : vector<16xf32>
        %add3A_583 = arith.constant 6 : i32
        %add3A_584 = arith.addi %mul3A_549, %add3A_583 : i32
        %add3A_585 = vector.broadcast %add3A_584 : i32 to vector<16xi32>
        %add3A_586 = arith.addi %add3A_585, %mul3A_432 : vector<16xi32>
        %gather3A_587 = tpu.vector_load_idx %arg6[%add3A_586] : memref<16384xf32, #tpu.memory_space<vmem>>[vector<16xi32>], vector<16xf32>,
        %max3A_588 = arith.maximumf %max3A_582, %gather3A_587 : vector<16xf32>
        %add3A_589 = arith.constant 7 : i32
        %add3A_590 = arith.addi %mul3A_549, %add3A_589 : i32
        %add3A_591 = vector.broadcast %add3A_590 : i32 to vector<16xi32>
        %add3A_592 = arith.addi %add3A_591, %mul3A_432 : vector<16xi32>
        %gather3A_593 = tpu.vector_load_idx %arg6[%add3A_592] : memref<16384xf32, #tpu.memory_space<vmem>>[vector<16xi32>], vector<16xf32>,
        %max3A_594 = arith.maximumf %max3A_588, %gather3A_593 : vector<16xf32>
        %add3A_595 = arith.constant 8 : i32
        %add3A_596 = arith.addi %mul3A_549, %add3A_595 : i32
        %add3A_597 = vector.broadcast %add3A_596 : i32 to vector<16xi32>
        %add3A_598 = arith.addi %add3A_597, %mul3A_432 : vector<16xi32>
        %gather3A_599 = tpu.vector_load_idx %arg6[%add3A_598] : memref<16384xf32, #tpu.memory_space<vmem>>[vector<16xi32>], vector<16xf32>,
        %max3A_600 = arith.maximumf %max3A_594, %gather3A_599 : vector<16xf32>
        %add3A_601 = arith.constant 9 : i32
        %add3A_602 = arith.addi %mul3A_549, %add3A_601 : i32
        %add3A_603 = vector.broadcast %add3A_602 : i32 to vector<16xi32>
        %add3A_604 = arith.addi %add3A_603, %mul3A_432 : vector<16xi32>
        %gather3A_605 = tpu.vector_load_idx %arg6[%add3A_604] : memref<16384xf32, #tpu.memory_space<vmem>>[vector<16xi32>], vector<16xf32>,
        %max3A_606 = arith.maximumf %max3A_600, %gather3A_605 : vector<16xf32>
        %add3A_607 = arith.constant 10 : i32
        %add3A_608 = arith.addi %mul3A_549, %add3A_607 : i32
        %add3A_609 = vector.broadcast %add3A_608 : i32 to vector<16xi32>
        %add3A_610 = arith.addi %add3A_609, %mul3A_432 : vector<16xi32>
        %gather3A_611 = tpu.vector_load_idx %arg6[%add3A_610] : memref<16384xf32, #tpu.memory_space<vmem>>[vector<16xi32>], vector<16xf32>,
        %max3A_612 = arith.maximumf %max3A_606, %gather3A_611 : vector<16xf32>
        %add3A_613 = arith.constant 11 : i32
        %add3A_614 = arith.addi %mul3A_549, %add3A_613 : i32
        %add3A_615 = vector.broadcast %add3A_614 : i32 to vector<16xi32>
        %add3A_616 = arith.addi %add3A_615, %mul3A_432 : vector<16xi32>
        %gather3A_617 = tpu.vector_load_idx %arg6[%add3A_616] : memref<16384xf32, #tpu.memory_space<vmem>>[vector<16xi32>], vector<16xf32>,
        %max3A_618 = arith.maximumf %max3A_612, %gather3A_617 : vector<16xf32>
        %add3A_619 = arith.constant 12 : i32
        %add3A_620 = arith.addi %mul3A_549, %add3A_619 : i32
        %add3A_621 = vector.broadcast %add3A_620 : i32 to vector<16xi32>
        %add3A_622 = arith.addi %add3A_621, %mul3A_432 : vector<16xi32>
        %gather3A_623 = tpu.vector_load_idx %arg6[%add3A_622] : memref<16384xf32, #tpu.memory_space<vmem>>[vector<16xi32>], vector<16xf32>,
        %max3A_624 = arith.maximumf %max3A_618, %gather3A_623 : vector<16xf32>
        %add3A_625 = arith.constant 13 : i32
        %add3A_626 = arith.addi %mul3A_549, %add3A_625 : i32
        %add3A_627 = vector.broadcast %add3A_626 : i32 to vector<16xi32>
        %add3A_628 = arith.addi %add3A_627, %mul3A_432 : vector<16xi32>
        %gather3A_629 = tpu.vector_load_idx %arg6[%add3A_628] : memref<16384xf32, #tpu.memory_space<vmem>>[vector<16xi32>], vector<16xf32>,
        %max3A_630 = arith.maximumf %max3A_624, %gather3A_629 : vector<16xf32>
        %add3A_631 = arith.constant 14 : i32
        %add3A_632 = arith.addi %mul3A_549, %add3A_631 : i32
        %add3A_633 = vector.broadcast %add3A_632 : i32 to vector<16xi32>
        %add3A_634 = arith.addi %add3A_633, %mul3A_432 : vector<16xi32>
        %gather3A_635 = tpu.vector_load_idx %arg6[%add3A_634] : memref<16384xf32, #tpu.memory_space<vmem>>[vector<16xi32>], vector<16xf32>,
        %max3A_636 = arith.maximumf %max3A_630, %gather3A_635 : vector<16xf32>
        %add3A_637 = arith.constant 15 : i32
        %add3A_638 = arith.addi %mul3A_549, %add3A_637 : i32
        %add3A_639 = vector.broadcast %add3A_638 : i32 to vector<16xi32>
        %add3A_640 = arith.addi %add3A_639, %mul3A_432 : vector<16xi32>
        %gather3A_641 = tpu.vector_load_idx %arg6[%add3A_640] : memref<16384xf32, #tpu.memory_space<vmem>>[vector<16xi32>], vector<16xf32>,
        %max3A_642 = arith.maximumf %max3A_636, %gather3A_641 : vector<16xf32>
        %gt3A_643 = arith.cmpf ogt, %max3A_642, %while3A#2 : vector<16xf32>
        %while3A_644:4 = scf.while (%while3A_843 = %while3A#0, %while3A_844 = %while3A#1, %while3A_845 = %while3A#2, %while3A_846 = %gt3A_643) : (vector<16xf32>, vector<16xi32>, vector<16xf32>, vector<16xi1>) -> (vector<16xf32>, vector<16xi32>, vector<16xf32>, vector<16xi1>) {
          %all_reduce_population_count3A = tpu.all_reduce %while3A_846 {dim = 0 : i64, kind = #tpu.reduction_kind<sum>} : vector<16xi1> -> vector<16xi32>
          %slice3A = vector.extract_strided_slice %all_reduce_population_count3A {offsets = [0], sizes = [1], strides = [1]} : vector<16xi32> to vector<1xi32>
          %squeeze3A = vector.extract %slice3A[0] : i32 from vector<1xi32>
          %gt3A_847 = arith.constant 0 : i32
          %gt3A_848 = arith.cmpi sgt, %squeeze3A, %gt3A_847 : i32
          scf.condition(%gt3A_848) %while3A_843, %while3A_844, %while3A_845, %while3A_846 : vector<16xf32>, vector<16xi32>, vector<16xf32>, vector<16xi1>
        } do {
        ^bb0(%while3A_843: vector<16xf32>, %while3A_844: vector<16xi32>, %while3A_845: vector<16xf32>, %while3A_846: vector<16xi1>):
          %all_reduce_ffs3A = tpu.all_reduce %while3A_846 {dim = 0 : i64, kind = #tpu.reduction_kind<find_first_set>} : vector<16xi1> -> vector<16xi32>
          %slice3A = vector.extract_strided_slice %all_reduce_ffs3A {offsets = [0], sizes = [1], strides = [1]} : vector<16xi32> to vector<1xi32>
          %squeeze3A = vector.extract %slice3A[0] : i32 from vector<1xi32>
          %mul3A_847 = arith.constant 16 : i32
          %mul3A_848 = arith.muli %squeeze3A, %mul3A_847 : i32
          %add3A_849 = arith.addi %mul3A_549, %mul3A_848 : i32
          %get3A = arith.index_cast %add3A_849 : i32 to index
          %get3A_850 = tpu.vector_load %arg6[%get3A] {strides = array<i32>} : memref<16384xf32, #tpu.memory_space<vmem>>, vector<16xf32>,
          %add3A_851 = vector.broadcast %add3A_849 : i32 to vector<16xi32>
          %add3A_852 = arith.addi %add3A_851, %iota3A_433 : vector<16xi32>
          %masked_sort3A = arith.constant dense<true> : vector<16xi1>
          %masked_sort3A_853, %masked_sort3A_854, %masked_sort3A_855 = tpu.sort %get3A_850, %add3A_852 masked %masked_sort3A : (vector<16xf32>, vector<16xi32>, vector<16xi1>) -> (vector<16xi1>, vector<16xf32>, vector<16xi32>)
          %rev3A = arith.constant 15 : i32
          %rev3A_856 = vector.broadcast %rev3A : i32 to vector<16xi32>
          %rev3A_857 = tpu.iota {dimensions = array<i32: 0>} : vector<16xi32>
          %rev3A_858 = arith.subi %rev3A_856, %rev3A_857 : vector<16xi32>
          %rev3A_859 = tpu.dynamic_gather %masked_sort3A_854[%rev3A_858] in [0] : vector<16xf32>, vector<16xi32> -> vector<16xf32>
          %rev3A_860 = arith.constant 15 : i32
          %rev3A_861 = vector.broadcast %rev3A_860 : i32 to vector<16xi32>
          %rev3A_862 = tpu.iota {dimensions = array<i32: 0>} : vector<16xi32>
          %rev3A_863 = arith.subi %rev3A_861, %rev3A_862 : vector<16xi32>
          %rev3A_864 = tpu.dynamic_gather %masked_sort3A_855[%rev3A_863] in [0] : vector<16xi32>, vector<16xi32> -> vector<16xi32>
          %ge3A = arith.cmpf oge, %while3A_843, %rev3A_859 : vector<16xf32>
          %select_n3A = arith.select %ge3A, %while3A_843, %rev3A_859 : vector<16xi1>, vector<16xf32>
          %select_n3A_865 = arith.select %ge3A, %while3A_844, %rev3A_864 : vector<16xi1>, vector<16xi32>
          %masked_sort3A_866 = arith.constant dense<true> : vector<16xi1>
          %masked_sort3A_867, %masked_sort3A_868, %masked_sort3A_869 = tpu.sort %select_n3A, %select_n3A_865 masked %masked_sort3A_866 : (vector<16xf32>, vector<16xi32>, vector<16xi1>) -> (vector<16xi1>, vector<16xf32>, vector<16xi32>)
          %slice3A_870 = vector.extract_strided_slice %masked_sort3A_868 {offsets = [0], sizes = [1], strides = [1]} : vector<16xf32> to vector<1xf32>
          %squeeze3A_871 = vector.extract %slice3A_870[0] : f32 from vector<1xf32>
          %broadcast_in_dim3A_872 = vector.broadcast %squeeze3A_871 : f32 to vector<16xf32>
          %ne3A = vector.broadcast %squeeze3A : i32 to vector<16xi32>
          %ne3A_873 = arith.cmpi ne, %iota3A_433, %ne3A : vector<16xi32>
          %and3A = arith.andi %while3A_846, %ne3A_873 : vector<16xi1>
          %gt3A_874 = arith.cmpf ogt, %max3A_642, %broadcast_in_dim3A_872 : vector<16xf32>
          %and3A_875 = arith.andi %and3A, %gt3A_874 : vector<16xi1>
          scf.yield %masked_sort3A_868, %masked_sort3A_869, %broadcast_in_dim3A_872, %and3A_875 : vector<16xf32>, vector<16xi32>, vector<16xf32>, vector<16xi1>
        }
        %scan3A_645 = arith.constant 2 : i32
        %scan3A_646 = arith.addi %scan3A_449, %scan3A_645 : i32
        %mul3A_647 = arith.constant 256 : i32
        %mul3A_648 = arith.muli %scan3A_646, %mul3A_647 : i32
        %add3A_649 = vector.broadcast %mul3A_648 : i32 to vector<16xi32>
        %add3A_650 = arith.addi %add3A_649, %mul3A_432 : vector<16xi32>
        %gather3A_651 = tpu.vector_load_idx %arg6[%add3A_650] : memref<16384xf32, #tpu.memory_space<vmem>>[vector<16xi32>], vector<16xf32>,
        %add3A_652 = arith.constant 1 : i32
        %add3A_653 = arith.addi %mul3A_648, %add3A_652 : i32
        %add3A_654 = vector.broadcast %add3A_653 : i32 to vector<16xi32>
        %add3A_655 = arith.addi %add3A_654, %mul3A_432 : vector<16xi32>
        %gather3A_656 = tpu.vector_load_idx %arg6[%add3A_655] : memref<16384xf32, #tpu.memory_space<vmem>>[vector<16xi32>], vector<16xf32>,
        %max3A_657 = arith.maximumf %gather3A_651, %gather3A_656 : vector<16xf32>
        %add3A_658 = arith.constant 2 : i32
        %add3A_659 = arith.addi %mul3A_648, %add3A_658 : i32
        %add3A_660 = vector.broadcast %add3A_659 : i32 to vector<16xi32>
        %add3A_661 = arith.addi %add3A_660, %mul3A_432 : vector<16xi32>
        %gather3A_662 = tpu.vector_load_idx %arg6[%add3A_661] : memref<16384xf32, #tpu.memory_space<vmem>>[vector<16xi32>], vector<16xf32>,
        %max3A_663 = arith.maximumf %max3A_657, %gather3A_662 : vector<16xf32>
        %add3A_664 = arith.constant 3 : i32
        %add3A_665 = arith.addi %mul3A_648, %add3A_664 : i32
        %add3A_666 = vector.broadcast %add3A_665 : i32 to vector<16xi32>
        %add3A_667 = arith.addi %add3A_666, %mul3A_432 : vector<16xi32>
        %gather3A_668 = tpu.vector_load_idx %arg6[%add3A_667] : memref<16384xf32, #tpu.memory_space<vmem>>[vector<16xi32>], vector<16xf32>,
        %max3A_669 = arith.maximumf %max3A_663, %gather3A_668 : vector<16xf32>
        %add3A_670 = arith.constant 4 : i32
        %add3A_671 = arith.addi %mul3A_648, %add3A_670 : i32
        %add3A_672 = vector.broadcast %add3A_671 : i32 to vector<16xi32>
        %add3A_673 = arith.addi %add3A_672, %mul3A_432 : vector<16xi32>
        %gather3A_674 = tpu.vector_load_idx %arg6[%add3A_673] : memref<16384xf32, #tpu.memory_space<vmem>>[vector<16xi32>], vector<16xf32>,
        %max3A_675 = arith.maximumf %max3A_669, %gather3A_674 : vector<16xf32>
        %add3A_676 = arith.constant 5 : i32
        %add3A_677 = arith.addi %mul3A_648, %add3A_676 : i32
        %add3A_678 = vector.broadcast %add3A_677 : i32 to vector<16xi32>
        %add3A_679 = arith.addi %add3A_678, %mul3A_432 : vector<16xi32>
        %gather3A_680 = tpu.vector_load_idx %arg6[%add3A_679] : memref<16384xf32, #tpu.memory_space<vmem>>[vector<16xi32>], vector<16xf32>,
        %max3A_681 = arith.maximumf %max3A_675, %gather3A_680 : vector<16xf32>
        %add3A_682 = arith.constant 6 : i32
        %add3A_683 = arith.addi %mul3A_648, %add3A_682 : i32
        %add3A_684 = vector.broadcast %add3A_683 : i32 to vector<16xi32>
        %add3A_685 = arith.addi %add3A_684, %mul3A_432 : vector<16xi32>
        %gather3A_686 = tpu.vector_load_idx %arg6[%add3A_685] : memref<16384xf32, #tpu.memory_space<vmem>>[vector<16xi32>], vector<16xf32>,
        %max3A_687 = arith.maximumf %max3A_681, %gather3A_686 : vector<16xf32>
        %add3A_688 = arith.constant 7 : i32
        %add3A_689 = arith.addi %mul3A_648, %add3A_688 : i32
        %add3A_690 = vector.broadcast %add3A_689 : i32 to vector<16xi32>
        %add3A_691 = arith.addi %add3A_690, %mul3A_432 : vector<16xi32>
        %gather3A_692 = tpu.vector_load_idx %arg6[%add3A_691] : memref<16384xf32, #tpu.memory_space<vmem>>[vector<16xi32>], vector<16xf32>,
        %max3A_693 = arith.maximumf %max3A_687, %gather3A_692 : vector<16xf32>
        %add3A_694 = arith.constant 8 : i32
        %add3A_695 = arith.addi %mul3A_648, %add3A_694 : i32
        %add3A_696 = vector.broadcast %add3A_695 : i32 to vector<16xi32>
        %add3A_697 = arith.addi %add3A_696, %mul3A_432 : vector<16xi32>
        %gather3A_698 = tpu.vector_load_idx %arg6[%add3A_697] : memref<16384xf32, #tpu.memory_space<vmem>>[vector<16xi32>], vector<16xf32>,
        %max3A_699 = arith.maximumf %max3A_693, %gather3A_698 : vector<16xf32>
        %add3A_700 = arith.constant 9 : i32
        %add3A_701 = arith.addi %mul3A_648, %add3A_700 : i32
        %add3A_702 = vector.broadcast %add3A_701 : i32 to vector<16xi32>
        %add3A_703 = arith.addi %add3A_702, %mul3A_432 : vector<16xi32>
        %gather3A_704 = tpu.vector_load_idx %arg6[%add3A_703] : memref<16384xf32, #tpu.memory_space<vmem>>[vector<16xi32>], vector<16xf32>,
        %max3A_705 = arith.maximumf %max3A_699, %gather3A_704 : vector<16xf32>
        %add3A_706 = arith.constant 10 : i32
        %add3A_707 = arith.addi %mul3A_648, %add3A_706 : i32
        %add3A_708 = vector.broadcast %add3A_707 : i32 to vector<16xi32>
        %add3A_709 = arith.addi %add3A_708, %mul3A_432 : vector<16xi32>
        %gather3A_710 = tpu.vector_load_idx %arg6[%add3A_709] : memref<16384xf32, #tpu.memory_space<vmem>>[vector<16xi32>], vector<16xf32>,
        %max3A_711 = arith.maximumf %max3A_705, %gather3A_710 : vector<16xf32>
        %add3A_712 = arith.constant 11 : i32
        %add3A_713 = arith.addi %mul3A_648, %add3A_712 : i32
        %add3A_714 = vector.broadcast %add3A_713 : i32 to vector<16xi32>
        %add3A_715 = arith.addi %add3A_714, %mul3A_432 : vector<16xi32>
        %gather3A_716 = tpu.vector_load_idx %arg6[%add3A_715] : memref<16384xf32, #tpu.memory_space<vmem>>[vector<16xi32>], vector<16xf32>,
        %max3A_717 = arith.maximumf %max3A_711, %gather3A_716 : vector<16xf32>
        %add3A_718 = arith.constant 12 : i32
        %add3A_719 = arith.addi %mul3A_648, %add3A_718 : i32
        %add3A_720 = vector.broadcast %add3A_719 : i32 to vector<16xi32>
        %add3A_721 = arith.addi %add3A_720, %mul3A_432 : vector<16xi32>
        %gather3A_722 = tpu.vector_load_idx %arg6[%add3A_721] : memref<16384xf32, #tpu.memory_space<vmem>>[vector<16xi32>], vector<16xf32>,
        %max3A_723 = arith.maximumf %max3A_717, %gather3A_722 : vector<16xf32>
        %add3A_724 = arith.constant 13 : i32
        %add3A_725 = arith.addi %mul3A_648, %add3A_724 : i32
        %add3A_726 = vector.broadcast %add3A_725 : i32 to vector<16xi32>
        %add3A_727 = arith.addi %add3A_726, %mul3A_432 : vector<16xi32>
        %gather3A_728 = tpu.vector_load_idx %arg6[%add3A_727] : memref<16384xf32, #tpu.memory_space<vmem>>[vector<16xi32>], vector<16xf32>,
        %max3A_729 = arith.maximumf %max3A_723, %gather3A_728 : vector<16xf32>
        %add3A_730 = arith.constant 14 : i32
        %add3A_731 = arith.addi %mul3A_648, %add3A_730 : i32
        %add3A_732 = vector.broadcast %add3A_731 : i32 to vector<16xi32>
        %add3A_733 = arith.addi %add3A_732, %mul3A_432 : vector<16xi32>
        %gather3A_734 = tpu.vector_load_idx %arg6[%add3A_733] : memref<16384xf32, #tpu.memory_space<vmem>>[vector<16xi32>], vector<16xf32>,
        %max3A_735 = arith.maximumf %max3A_729, %gather3A_734 : vector<16xf32>
        %add3A_736 = arith.constant 15 : i32
        %add3A_737 = arith.addi %mul3A_648, %add3A_736 : i32
        %add3A_738 = vector.broadcast %add3A_737 : i32 to vector<16xi32>
        %add3A_739 = arith.addi %add3A_738, %mul3A_432 : vector<16xi32>
        %gather3A_740 = tpu.vector_load_idx %arg6[%add3A_739] : memref<16384xf32, #tpu.memory_space<vmem>>[vector<16xi32>], vector<16xf32>,
        %max3A_741 = arith.maximumf %max3A_735, %gather3A_740 : vector<16xf32>
        %gt3A_742 = arith.cmpf ogt, %max3A_741, %while3A_644#2 : vector<16xf32>
        %while3A_743:4 = scf.while (%while3A_843 = %while3A_644#0, %while3A_844 = %while3A_644#1, %while3A_845 = %while3A_644#2, %while3A_846 = %gt3A_742) : (vector<16xf32>, vector<16xi32>, vector<16xf32>, vector<16xi1>) -> (vector<16xf32>, vector<16xi32>, vector<16xf32>, vector<16xi1>) {
          %all_reduce_population_count3A = tpu.all_reduce %while3A_846 {dim = 0 : i64, kind = #tpu.reduction_kind<sum>} : vector<16xi1> -> vector<16xi32>
          %slice3A = vector.extract_strided_slice %all_reduce_population_count3A {offsets = [0], sizes = [1], strides = [1]} : vector<16xi32> to vector<1xi32>
          %squeeze3A = vector.extract %slice3A[0] : i32 from vector<1xi32>
          %gt3A_847 = arith.constant 0 : i32
          %gt3A_848 = arith.cmpi sgt, %squeeze3A, %gt3A_847 : i32
          scf.condition(%gt3A_848) %while3A_843, %while3A_844, %while3A_845, %while3A_846 : vector<16xf32>, vector<16xi32>, vector<16xf32>, vector<16xi1>
        } do {
        ^bb0(%while3A_843: vector<16xf32>, %while3A_844: vector<16xi32>, %while3A_845: vector<16xf32>, %while3A_846: vector<16xi1>):
          %all_reduce_ffs3A = tpu.all_reduce %while3A_846 {dim = 0 : i64, kind = #tpu.reduction_kind<find_first_set>} : vector<16xi1> -> vector<16xi32>
          %slice3A = vector.extract_strided_slice %all_reduce_ffs3A {offsets = [0], sizes = [1], strides = [1]} : vector<16xi32> to vector<1xi32>
          %squeeze3A = vector.extract %slice3A[0] : i32 from vector<1xi32>
          %mul3A_847 = arith.constant 16 : i32
          %mul3A_848 = arith.muli %squeeze3A, %mul3A_847 : i32
          %add3A_849 = arith.addi %mul3A_648, %mul3A_848 : i32
          %get3A = arith.index_cast %add3A_849 : i32 to index
          %get3A_850 = tpu.vector_load %arg6[%get3A] {strides = array<i32>} : memref<16384xf32, #tpu.memory_space<vmem>>, vector<16xf32>,
          %add3A_851 = vector.broadcast %add3A_849 : i32 to vector<16xi32>
          %add3A_852 = arith.addi %add3A_851, %iota3A_433 : vector<16xi32>
          %masked_sort3A = arith.constant dense<true> : vector<16xi1>
          %masked_sort3A_853, %masked_sort3A_854, %masked_sort3A_855 = tpu.sort %get3A_850, %add3A_852 masked %masked_sort3A : (vector<16xf32>, vector<16xi32>, vector<16xi1>) -> (vector<16xi1>, vector<16xf32>, vector<16xi32>)
          %rev3A = arith.constant 15 : i32
          %rev3A_856 = vector.broadcast %rev3A : i32 to vector<16xi32>
          %rev3A_857 = tpu.iota {dimensions = array<i32: 0>} : vector<16xi32>
          %rev3A_858 = arith.subi %rev3A_856, %rev3A_857 : vector<16xi32>
          %rev3A_859 = tpu.dynamic_gather %masked_sort3A_854[%rev3A_858] in [0] : vector<16xf32>, vector<16xi32> -> vector<16xf32>
          %rev3A_860 = arith.constant 15 : i32
          %rev3A_861 = vector.broadcast %rev3A_860 : i32 to vector<16xi32>
          %rev3A_862 = tpu.iota {dimensions = array<i32: 0>} : vector<16xi32>
          %rev3A_863 = arith.subi %rev3A_861, %rev3A_862 : vector<16xi32>
          %rev3A_864 = tpu.dynamic_gather %masked_sort3A_855[%rev3A_863] in [0] : vector<16xi32>, vector<16xi32> -> vector<16xi32>
          %ge3A = arith.cmpf oge, %while3A_843, %rev3A_859 : vector<16xf32>
          %select_n3A = arith.select %ge3A, %while3A_843, %rev3A_859 : vector<16xi1>, vector<16xf32>
          %select_n3A_865 = arith.select %ge3A, %while3A_844, %rev3A_864 : vector<16xi1>, vector<16xi32>
          %masked_sort3A_866 = arith.constant dense<true> : vector<16xi1>
          %masked_sort3A_867, %masked_sort3A_868, %masked_sort3A_869 = tpu.sort %select_n3A, %select_n3A_865 masked %masked_sort3A_866 : (vector<16xf32>, vector<16xi32>, vector<16xi1>) -> (vector<16xi1>, vector<16xf32>, vector<16xi32>)
          %slice3A_870 = vector.extract_strided_slice %masked_sort3A_868 {offsets = [0], sizes = [1], strides = [1]} : vector<16xf32> to vector<1xf32>
          %squeeze3A_871 = vector.extract %slice3A_870[0] : f32 from vector<1xf32>
          %broadcast_in_dim3A_872 = vector.broadcast %squeeze3A_871 : f32 to vector<16xf32>
          %ne3A = vector.broadcast %squeeze3A : i32 to vector<16xi32>
          %ne3A_873 = arith.cmpi ne, %iota3A_433, %ne3A : vector<16xi32>
          %and3A = arith.andi %while3A_846, %ne3A_873 : vector<16xi1>
          %gt3A_874 = arith.cmpf ogt, %max3A_741, %broadcast_in_dim3A_872 : vector<16xf32>
          %and3A_875 = arith.andi %and3A, %gt3A_874 : vector<16xi1>
          scf.yield %masked_sort3A_868, %masked_sort3A_869, %broadcast_in_dim3A_872, %and3A_875 : vector<16xf32>, vector<16xi32>, vector<16xf32>, vector<16xi1>
        }
        %scan3A_744 = arith.constant 3 : i32
        %scan3A_745 = arith.addi %scan3A_449, %scan3A_744 : i32
        %mul3A_746 = arith.constant 256 : i32
        %mul3A_747 = arith.muli %scan3A_745, %mul3A_746 : i32
        %add3A_748 = vector.broadcast %mul3A_747 : i32 to vector<16xi32>
        %add3A_749 = arith.addi %add3A_748, %mul3A_432 : vector<16xi32>
        %gather3A_750 = tpu.vector_load_idx %arg6[%add3A_749] : memref<16384xf32, #tpu.memory_space<vmem>>[vector<16xi32>], vector<16xf32>,
        %add3A_751 = arith.constant 1 : i32
        %add3A_752 = arith.addi %mul3A_747, %add3A_751 : i32
        %add3A_753 = vector.broadcast %add3A_752 : i32 to vector<16xi32>
        %add3A_754 = arith.addi %add3A_753, %mul3A_432 : vector<16xi32>
        %gather3A_755 = tpu.vector_load_idx %arg6[%add3A_754] : memref<16384xf32, #tpu.memory_space<vmem>>[vector<16xi32>], vector<16xf32>,
        %max3A_756 = arith.maximumf %gather3A_750, %gather3A_755 : vector<16xf32>
        %add3A_757 = arith.constant 2 : i32
        %add3A_758 = arith.addi %mul3A_747, %add3A_757 : i32
        %add3A_759 = vector.broadcast %add3A_758 : i32 to vector<16xi32>
        %add3A_760 = arith.addi %add3A_759, %mul3A_432 : vector<16xi32>
        %gather3A_761 = tpu.vector_load_idx %arg6[%add3A_760] : memref<16384xf32, #tpu.memory_space<vmem>>[vector<16xi32>], vector<16xf32>,
        %max3A_762 = arith.maximumf %max3A_756, %gather3A_761 : vector<16xf32>
        %add3A_763 = arith.constant 3 : i32
        %add3A_764 = arith.addi %mul3A_747, %add3A_763 : i32
        %add3A_765 = vector.broadcast %add3A_764 : i32 to vector<16xi32>
        %add3A_766 = arith.addi %add3A_765, %mul3A_432 : vector<16xi32>
        %gather3A_767 = tpu.vector_load_idx %arg6[%add3A_766] : memref<16384xf32, #tpu.memory_space<vmem>>[vector<16xi32>], vector<16xf32>,
        %max3A_768 = arith.maximumf %max3A_762, %gather3A_767 : vector<16xf32>
        %add3A_769 = arith.constant 4 : i32
        %add3A_770 = arith.addi %mul3A_747, %add3A_769 : i32
        %add3A_771 = vector.broadcast %add3A_770 : i32 to vector<16xi32>
        %add3A_772 = arith.addi %add3A_771, %mul3A_432 : vector<16xi32>
        %gather3A_773 = tpu.vector_load_idx %arg6[%add3A_772] : memref<16384xf32, #tpu.memory_space<vmem>>[vector<16xi32>], vector<16xf32>,
        %max3A_774 = arith.maximumf %max3A_768, %gather3A_773 : vector<16xf32>
        %add3A_775 = arith.constant 5 : i32
        %add3A_776 = arith.addi %mul3A_747, %add3A_775 : i32
        %add3A_777 = vector.broadcast %add3A_776 : i32 to vector<16xi32>
        %add3A_778 = arith.addi %add3A_777, %mul3A_432 : vector<16xi32>
        %gather3A_779 = tpu.vector_load_idx %arg6[%add3A_778] : memref<16384xf32, #tpu.memory_space<vmem>>[vector<16xi32>], vector<16xf32>,
        %max3A_780 = arith.maximumf %max3A_774, %gather3A_779 : vector<16xf32>
        %add3A_781 = arith.constant 6 : i32
        %add3A_782 = arith.addi %mul3A_747, %add3A_781 : i32
        %add3A_783 = vector.broadcast %add3A_782 : i32 to vector<16xi32>
        %add3A_784 = arith.addi %add3A_783, %mul3A_432 : vector<16xi32>
        %gather3A_785 = tpu.vector_load_idx %arg6[%add3A_784] : memref<16384xf32, #tpu.memory_space<vmem>>[vector<16xi32>], vector<16xf32>,
        %max3A_786 = arith.maximumf %max3A_780, %gather3A_785 : vector<16xf32>
        %add3A_787 = arith.constant 7 : i32
        %add3A_788 = arith.addi %mul3A_747, %add3A_787 : i32
        %add3A_789 = vector.broadcast %add3A_788 : i32 to vector<16xi32>
        %add3A_790 = arith.addi %add3A_789, %mul3A_432 : vector<16xi32>
        %gather3A_791 = tpu.vector_load_idx %arg6[%add3A_790] : memref<16384xf32, #tpu.memory_space<vmem>>[vector<16xi32>], vector<16xf32>,
        %max3A_792 = arith.maximumf %max3A_786, %gather3A_791 : vector<16xf32>
        %add3A_793 = arith.constant 8 : i32
        %add3A_794 = arith.addi %mul3A_747, %add3A_793 : i32
        %add3A_795 = vector.broadcast %add3A_794 : i32 to vector<16xi32>
        %add3A_796 = arith.addi %add3A_795, %mul3A_432 : vector<16xi32>
        %gather3A_797 = tpu.vector_load_idx %arg6[%add3A_796] : memref<16384xf32, #tpu.memory_space<vmem>>[vector<16xi32>], vector<16xf32>,
        %max3A_798 = arith.maximumf %max3A_792, %gather3A_797 : vector<16xf32>
        %add3A_799 = arith.constant 9 : i32
        %add3A_800 = arith.addi %mul3A_747, %add3A_799 : i32
        %add3A_801 = vector.broadcast %add3A_800 : i32 to vector<16xi32>
        %add3A_802 = arith.addi %add3A_801, %mul3A_432 : vector<16xi32>
        %gather3A_803 = tpu.vector_load_idx %arg6[%add3A_802] : memref<16384xf32, #tpu.memory_space<vmem>>[vector<16xi32>], vector<16xf32>,
        %max3A_804 = arith.maximumf %max3A_798, %gather3A_803 : vector<16xf32>
        %add3A_805 = arith.constant 10 : i32
        %add3A_806 = arith.addi %mul3A_747, %add3A_805 : i32
        %add3A_807 = vector.broadcast %add3A_806 : i32 to vector<16xi32>
        %add3A_808 = arith.addi %add3A_807, %mul3A_432 : vector<16xi32>
        %gather3A_809 = tpu.vector_load_idx %arg6[%add3A_808] : memref<16384xf32, #tpu.memory_space<vmem>>[vector<16xi32>], vector<16xf32>,
        %max3A_810 = arith.maximumf %max3A_804, %gather3A_809 : vector<16xf32>
        %add3A_811 = arith.constant 11 : i32
        %add3A_812 = arith.addi %mul3A_747, %add3A_811 : i32
        %add3A_813 = vector.broadcast %add3A_812 : i32 to vector<16xi32>
        %add3A_814 = arith.addi %add3A_813, %mul3A_432 : vector<16xi32>
        %gather3A_815 = tpu.vector_load_idx %arg6[%add3A_814] : memref<16384xf32, #tpu.memory_space<vmem>>[vector<16xi32>], vector<16xf32>,
        %max3A_816 = arith.maximumf %max3A_810, %gather3A_815 : vector<16xf32>
        %add3A_817 = arith.constant 12 : i32
        %add3A_818 = arith.addi %mul3A_747, %add3A_817 : i32
        %add3A_819 = vector.broadcast %add3A_818 : i32 to vector<16xi32>
        %add3A_820 = arith.addi %add3A_819, %mul3A_432 : vector<16xi32>
        %gather3A_821 = tpu.vector_load_idx %arg6[%add3A_820] : memref<16384xf32, #tpu.memory_space<vmem>>[vector<16xi32>], vector<16xf32>,
        %max3A_822 = arith.maximumf %max3A_816, %gather3A_821 : vector<16xf32>
        %add3A_823 = arith.constant 13 : i32
        %add3A_824 = arith.addi %mul3A_747, %add3A_823 : i32
        %add3A_825 = vector.broadcast %add3A_824 : i32 to vector<16xi32>
        %add3A_826 = arith.addi %add3A_825, %mul3A_432 : vector<16xi32>
        %gather3A_827 = tpu.vector_load_idx %arg6[%add3A_826] : memref<16384xf32, #tpu.memory_space<vmem>>[vector<16xi32>], vector<16xf32>,
        %max3A_828 = arith.maximumf %max3A_822, %gather3A_827 : vector<16xf32>
        %add3A_829 = arith.constant 14 : i32
        %add3A_830 = arith.addi %mul3A_747, %add3A_829 : i32
        %add3A_831 = vector.broadcast %add3A_830 : i32 to vector<16xi32>
        %add3A_832 = arith.addi %add3A_831, %mul3A_432 : vector<16xi32>
        %gather3A_833 = tpu.vector_load_idx %arg6[%add3A_832] : memref<16384xf32, #tpu.memory_space<vmem>>[vector<16xi32>], vector<16xf32>,
        %max3A_834 = arith.maximumf %max3A_828, %gather3A_833 : vector<16xf32>
        %add3A_835 = arith.constant 15 : i32
        %add3A_836 = arith.addi %mul3A_747, %add3A_835 : i32
        %add3A_837 = vector.broadcast %add3A_836 : i32 to vector<16xi32>
        %add3A_838 = arith.addi %add3A_837, %mul3A_432 : vector<16xi32>
        %gather3A_839 = tpu.vector_load_idx %arg6[%add3A_838] : memref<16384xf32, #tpu.memory_space<vmem>>[vector<16xi32>], vector<16xf32>,
        %max3A_840 = arith.maximumf %max3A_834, %gather3A_839 : vector<16xf32>
        %gt3A_841 = arith.cmpf ogt, %max3A_840, %while3A_743#2 : vector<16xf32>
        %while3A_842:4 = scf.while (%while3A_843 = %while3A_743#0, %while3A_844 = %while3A_743#1, %while3A_845 = %while3A_743#2, %while3A_846 = %gt3A_841) : (vector<16xf32>, vector<16xi32>, vector<16xf32>, vector<16xi1>) -> (vector<16xf32>, vector<16xi32>, vector<16xf32>, vector<16xi1>) {
          %all_reduce_population_count3A = tpu.all_reduce %while3A_846 {dim = 0 : i64, kind = #tpu.reduction_kind<sum>} : vector<16xi1> -> vector<16xi32>
          %slice3A = vector.extract_strided_slice %all_reduce_population_count3A {offsets = [0], sizes = [1], strides = [1]} : vector<16xi32> to vector<1xi32>
          %squeeze3A = vector.extract %slice3A[0] : i32 from vector<1xi32>
          %gt3A_847 = arith.constant 0 : i32
          %gt3A_848 = arith.cmpi sgt, %squeeze3A, %gt3A_847 : i32
          scf.condition(%gt3A_848) %while3A_843, %while3A_844, %while3A_845, %while3A_846 : vector<16xf32>, vector<16xi32>, vector<16xf32>, vector<16xi1>
        } do {
        ^bb0(%while3A_843: vector<16xf32>, %while3A_844: vector<16xi32>, %while3A_845: vector<16xf32>, %while3A_846: vector<16xi1>):
          %all_reduce_ffs3A = tpu.all_reduce %while3A_846 {dim = 0 : i64, kind = #tpu.reduction_kind<find_first_set>} : vector<16xi1> -> vector<16xi32>
          %slice3A = vector.extract_strided_slice %all_reduce_ffs3A {offsets = [0], sizes = [1], strides = [1]} : vector<16xi32> to vector<1xi32>
          %squeeze3A = vector.extract %slice3A[0] : i32 from vector<1xi32>
          %mul3A_847 = arith.constant 16 : i32
          %mul3A_848 = arith.muli %squeeze3A, %mul3A_847 : i32
          %add3A_849 = arith.addi %mul3A_747, %mul3A_848 : i32
          %get3A = arith.index_cast %add3A_849 : i32 to index
          %get3A_850 = tpu.vector_load %arg6[%get3A] {strides = array<i32>} : memref<16384xf32, #tpu.memory_space<vmem>>, vector<16xf32>,
          %add3A_851 = vector.broadcast %add3A_849 : i32 to vector<16xi32>
          %add3A_852 = arith.addi %add3A_851, %iota3A_433 : vector<16xi32>
          %masked_sort3A = arith.constant dense<true> : vector<16xi1>
          %masked_sort3A_853, %masked_sort3A_854, %masked_sort3A_855 = tpu.sort %get3A_850, %add3A_852 masked %masked_sort3A : (vector<16xf32>, vector<16xi32>, vector<16xi1>) -> (vector<16xi1>, vector<16xf32>, vector<16xi32>)
          %rev3A = arith.constant 15 : i32
          %rev3A_856 = vector.broadcast %rev3A : i32 to vector<16xi32>
          %rev3A_857 = tpu.iota {dimensions = array<i32: 0>} : vector<16xi32>
          %rev3A_858 = arith.subi %rev3A_856, %rev3A_857 : vector<16xi32>
          %rev3A_859 = tpu.dynamic_gather %masked_sort3A_854[%rev3A_858] in [0] : vector<16xf32>, vector<16xi32> -> vector<16xf32>
          %rev3A_860 = arith.constant 15 : i32
          %rev3A_861 = vector.broadcast %rev3A_860 : i32 to vector<16xi32>
          %rev3A_862 = tpu.iota {dimensions = array<i32: 0>} : vector<16xi32>
          %rev3A_863 = arith.subi %rev3A_861, %rev3A_862 : vector<16xi32>
          %rev3A_864 = tpu.dynamic_gather %masked_sort3A_855[%rev3A_863] in [0] : vector<16xi32>, vector<16xi32> -> vector<16xi32>
          %ge3A = arith.cmpf oge, %while3A_843, %rev3A_859 : vector<16xf32>
          %select_n3A = arith.select %ge3A, %while3A_843, %rev3A_859 : vector<16xi1>, vector<16xf32>
          %select_n3A_865 = arith.select %ge3A, %while3A_844, %rev3A_864 : vector<16xi1>, vector<16xi32>
          %masked_sort3A_866 = arith.constant dense<true> : vector<16xi1>
          %masked_sort3A_867, %masked_sort3A_868, %masked_sort3A_869 = tpu.sort %select_n3A, %select_n3A_865 masked %masked_sort3A_866 : (vector<16xf32>, vector<16xi32>, vector<16xi1>) -> (vector<16xi1>, vector<16xf32>, vector<16xi32>)
          %slice3A_870 = vector.extract_strided_slice %masked_sort3A_868 {offsets = [0], sizes = [1], strides = [1]} : vector<16xf32> to vector<1xf32>
          %squeeze3A_871 = vector.extract %slice3A_870[0] : f32 from vector<1xf32>
          %broadcast_in_dim3A_872 = vector.broadcast %squeeze3A_871 : f32 to vector<16xf32>
          %ne3A = vector.broadcast %squeeze3A : i32 to vector<16xi32>
          %ne3A_873 = arith.cmpi ne, %iota3A_433, %ne3A : vector<16xi32>
          %and3A = arith.andi %while3A_846, %ne3A_873 : vector<16xi1>
          %gt3A_874 = arith.cmpf ogt, %max3A_840, %broadcast_in_dim3A_872 : vector<16xf32>
          %and3A_875 = arith.andi %and3A, %gt3A_874 : vector<16xi1>
          scf.yield %masked_sort3A_868, %masked_sort3A_869, %broadcast_in_dim3A_872, %and3A_875 : vector<16xf32>, vector<16xi32>, vector<16xf32>, vector<16xi1>
        }
        scf.yield %while3A_842#0, %while3A_842#1, %while3A_842#2 : vector<16xf32>, vector<16xi32>, vector<16xf32>
      }
      %scan3A_443 = arith.constant 64 : i32
      %mul3A_444 = arith.constant 16 : i32
      %mul3A_445 = arith.muli %add3A_417, %mul3A_444 : i32
      %swap3A_446 = arith.index_cast %mul3A_445 : i32 to index
      %swap3A_447 = tpu.vector_load %arg7[%swap3A_446] {strides = array<i32>} : memref<512xi32, #tpu.memory_space<vmem>>, vector<16xi32>,
      tpu.vector_store %arg7[%swap3A_446], %scan3A_442#1 {strides = array<i32>} : memref<512xi32, #tpu.memory_space<vmem>>, vector<16xi32>,
      %scan3A_448 = arith.constant 0 : i32
      scf.yield %scan3A_448 : i32
    }
    %scan3A_14 = arith.constant 16 : i32
    %mul3A_15 = arith.constant 16384 : i32
    %mul3A_16 = arith.muli %sub3A_5, %mul3A_15 : i32
    %dma_wait3A = tpu.memref_slice %arg2[%mul3A_16] : memref<16777216xf32, #tpu.memory_space<hbm>> -> memref<16384xf32, #tpu.memory_space<hbm>>
    %dma_wait3A_17 = tpu.memref_slice %arg2[%mul3A_16] : memref<16777216xf32, #tpu.memory_space<hbm>> -> memref<16384xf32, #tpu.memory_space<hbm>>
    tpu.wait_dma2 semaphore(%arg10 : memref<!tpu.dma_semaphore, #tpu.memory_space<semaphore_mem>>) src(%dma_wait3A_17 : memref<16384xf32, #tpu.memory_space<hbm>>) dst(%arg6 : memref<16384xf32, #tpu.memory_space<vmem>>)
    %mul3A_18 = arith.constant 16 : i32
    %mul3A_19 = arith.muli %mul3A_2, %mul3A_18 : i32
    %dma_start3A_20 = arith.constant 0 : i32
    %dma_start3A_21 = tpu.memref_slice %arg7[%dma_start3A_20] : memref<512xi32, #tpu.memory_space<vmem>> -> memref<32xi32, #tpu.memory_space<vmem>>
    %dma_start3A_22 = arith.constant 0 : i32
    %dma_start3A_23 = arith.constant 0 : i32
    %dma_start3A_24 = tpu.memref_slice %arg3[%dma_start3A_22, %dma_start3A_23] : memref<16384x768xf32, #tpu.memory_space<hbm>> -> memref<16384x768xf32, #tpu.memory_space<hbm>>
    tpu.enqueue_indirect_dma source(%dma_start3A_24 : memref<16384x768xf32, #tpu.memory_space<hbm>>) target(%arg8 : memref<32x768xf32, #tpu.memory_space<vmem>>) offsets(%dma_start3A_21 : memref<32xi32, #tpu.memory_space<vmem>>) semaphore(%arg11 : memref<!tpu.dma_semaphore, #tpu.memory_space<semaphore_mem>>)
    %dma_wait3A_25 = arith.constant 0 : i32
    %dma_wait3A_26 = tpu.memref_slice %arg7[%dma_wait3A_25] : memref<512xi32, #tpu.memory_space<vmem>> -> memref<32xi32, #tpu.memory_space<vmem>>
    %dma_wait3A_27 = arith.constant 0 : i32
    %dma_wait3A_28 = arith.constant 0 : i32
    %dma_wait3A_29 = tpu.memref_slice %arg3[%dma_wait3A_27, %dma_wait3A_28] : memref<16384x768xf32, #tpu.memory_space<hbm>> -> memref<16384x768xf32, #tpu.memory_space<hbm>>
    tpu.wait_indirect_dma semaphore(%arg11 : memref<!tpu.dma_semaphore, #tpu.memory_space<semaphore_mem>>) src(%dma_wait3A_29 : memref<16384x768xf32, #tpu.memory_space<hbm>>) dst(%arg8 : memref<32x768xf32, #tpu.memory_space<vmem>>)
    %dma_start3A_30 = arith.constant 32 : i32
    %dma_start3A_31 = tpu.memref_slice %arg7[%dma_start3A_30] : memref<512xi32, #tpu.memory_space<vmem>> -> memref<32xi32, #tpu.memory_space<vmem>>
    %dma_start3A_32 = arith.constant 0 : i32
    %dma_start3A_33 = arith.constant 0 : i32
    %dma_start3A_34 = tpu.memref_slice %arg3[%dma_start3A_32, %dma_start3A_33] : memref<16384x768xf32, #tpu.memory_space<hbm>> -> memref<16384x768xf32, #tpu.memory_space<hbm>>
    tpu.enqueue_indirect_dma source(%dma_start3A_34 : memref<16384x768xf32, #tpu.memory_space<hbm>>) target(%arg9 : memref<32x768xf32, #tpu.memory_space<vmem>>) offsets(%dma_start3A_31 : memref<32xi32, #tpu.memory_space<vmem>>) semaphore(%arg11 : memref<!tpu.dma_semaphore, #tpu.memory_space<semaphore_mem>>)
    %add3A_35 = arith.constant 0 : i32
    %add3A_36 = arith.addi %mul3A_19, %add3A_35 : i32
    %dma_start3A_37 = arith.constant 0 : i32
    %dma_start3A_38 = tpu.memref_slice %arg4[%add3A_36, %dma_start3A_37] : memref<16384x768xf32, #tpu.memory_space<hbm>> -> memref<32x768xf32, #tpu.memory_space<hbm>>
    %dma_start3A_39 = arith.constant 0 : i32
    %dma_start3A_40 = tpu.memref_slice %arg4[%add3A_36, %dma_start3A_39] : memref<16384x768xf32, #tpu.memory_space<hbm>> -> memref<32x768xf32, #tpu.memory_space<hbm>>
    tpu.enqueue_dma source(%arg8 : memref<32x768xf32, #tpu.memory_space<vmem>>) target(%dma_start3A_40 : memref<32x768xf32, #tpu.memory_space<hbm>>) target_semaphore(%arg12 : memref<!tpu.dma_semaphore, #tpu.memory_space<semaphore_mem>>)
    %dma_wait3A_41 = arith.constant 32 : i32
    %dma_wait3A_42 = tpu.memref_slice %arg7[%dma_wait3A_41] : memref<512xi32, #tpu.memory_space<vmem>> -> memref<32xi32, #tpu.memory_space<vmem>>
    %dma_wait3A_43 = arith.constant 0 : i32
    %dma_wait3A_44 = arith.constant 0 : i32
    %dma_wait3A_45 = tpu.memref_slice %arg3[%dma_wait3A_43, %dma_wait3A_44] : memref<16384x768xf32, #tpu.memory_space<hbm>> -> memref<16384x768xf32, #tpu.memory_space<hbm>>
    tpu.wait_indirect_dma semaphore(%arg11 : memref<!tpu.dma_semaphore, #tpu.memory_space<semaphore_mem>>) src(%dma_wait3A_45 : memref<16384x768xf32, #tpu.memory_space<hbm>>) dst(%arg9 : memref<32x768xf32, #tpu.memory_space<vmem>>)
    %add3A_46 = arith.constant 0 : i32
    %add3A_47 = arith.addi %mul3A_19, %add3A_46 : i32
    %dma_wait3A_48 = arith.constant 0 : i32
    %dma_wait3A_49 = tpu.memref_slice %arg4[%add3A_47, %dma_wait3A_48] : memref<16384x768xf32, #tpu.memory_space<hbm>> -> memref<32x768xf32, #tpu.memory_space<hbm>>
    %dma_wait3A_50 = arith.constant 0 : i32
    %dma_wait3A_51 = tpu.memref_slice %arg4[%add3A_47, %dma_wait3A_50] : memref<16384x768xf32, #tpu.memory_space<hbm>> -> memref<32x768xf32, #tpu.memory_space<hbm>>
    tpu.wait_dma2 semaphore(%arg12 : memref<!tpu.dma_semaphore, #tpu.memory_space<semaphore_mem>>) src(%arg8 : memref<32x768xf32, #tpu.memory_space<vmem>>) dst(%dma_wait3A_51 : memref<32x768xf32, #tpu.memory_space<hbm>>)
    %dma_start3A_52 = arith.constant 64 : i32
    %dma_start3A_53 = tpu.memref_slice %arg7[%dma_start3A_52] : memref<512xi32, #tpu.memory_space<vmem>> -> memref<32xi32, #tpu.memory_space<vmem>>
    %dma_start3A_54 = arith.constant 0 : i32
    %dma_start3A_55 = arith.constant 0 : i32
    %dma_start3A_56 = tpu.memref_slice %arg3[%dma_start3A_54, %dma_start3A_55] : memref<16384x768xf32, #tpu.memory_space<hbm>> -> memref<16384x768xf32, #tpu.memory_space<hbm>>
    tpu.enqueue_indirect_dma source(%dma_start3A_56 : memref<16384x768xf32, #tpu.memory_space<hbm>>) target(%arg8 : memref<32x768xf32, #tpu.memory_space<vmem>>) offsets(%dma_start3A_53 : memref<32xi32, #tpu.memory_space<vmem>>) semaphore(%arg11 : memref<!tpu.dma_semaphore, #tpu.memory_space<semaphore_mem>>)
    %add3A_57 = arith.constant 32 : i32
    %add3A_58 = arith.addi %mul3A_19, %add3A_57 : i32
    %dma_start3A_59 = arith.constant 0 : i32
    %dma_start3A_60 = tpu.memref_slice %arg4[%add3A_58, %dma_start3A_59] : memref<16384x768xf32, #tpu.memory_space<hbm>> -> memref<32x768xf32, #tpu.memory_space<hbm>>
    %dma_start3A_61 = arith.constant 0 : i32
    %dma_start3A_62 = tpu.memref_slice %arg4[%add3A_58, %dma_start3A_61] : memref<16384x768xf32, #tpu.memory_space<hbm>> -> memref<32x768xf32, #tpu.memory_space<hbm>>
    tpu.enqueue_dma source(%arg9 : memref<32x768xf32, #tpu.memory_space<vmem>>) target(%dma_start3A_62 : memref<32x768xf32, #tpu.memory_space<hbm>>) target_semaphore(%arg12 : memref<!tpu.dma_semaphore, #tpu.memory_space<semaphore_mem>>)
    %dma_wait3A_63 = arith.constant 64 : i32
    %dma_wait3A_64 = tpu.memref_slice %arg7[%dma_wait3A_63] : memref<512xi32, #tpu.memory_space<vmem>> -> memref<32xi32, #tpu.memory_space<vmem>>
    %dma_wait3A_65 = arith.constant 0 : i32
    %dma_wait3A_66 = arith.constant 0 : i32
    %dma_wait3A_67 = tpu.memref_slice %arg3[%dma_wait3A_65, %dma_wait3A_66] : memref<16384x768xf32, #tpu.memory_space<hbm>> -> memref<16384x768xf32, #tpu.memory_space<hbm>>
    tpu.wait_indirect_dma semaphore(%arg11 : memref<!tpu.dma_semaphore, #tpu.memory_space<semaphore_mem>>) src(%dma_wait3A_67 : memref<16384x768xf32, #tpu.memory_space<hbm>>) dst(%arg8 : memref<32x768xf32, #tpu.memory_space<vmem>>)
    %add3A_68 = arith.constant 32 : i32
    %add3A_69 = arith.addi %mul3A_19, %add3A_68 : i32
    %dma_wait3A_70 = arith.constant 0 : i32
    %dma_wait3A_71 = tpu.memref_slice %arg4[%add3A_69, %dma_wait3A_70] : memref<16384x768xf32, #tpu.memory_space<hbm>> -> memref<32x768xf32, #tpu.memory_space<hbm>>
    %dma_wait3A_72 = arith.constant 0 : i32
    %dma_wait3A_73 = tpu.memref_slice %arg4[%add3A_69, %dma_wait3A_72] : memref<16384x768xf32, #tpu.memory_space<hbm>> -> memref<32x768xf32, #tpu.memory_space<hbm>>
    tpu.wait_dma2 semaphore(%arg12 : memref<!tpu.dma_semaphore, #tpu.memory_space<semaphore_mem>>) src(%arg9 : memref<32x768xf32, #tpu.memory_space<vmem>>) dst(%dma_wait3A_73 : memref<32x768xf32, #tpu.memory_space<hbm>>)
    %dma_start3A_74 = arith.constant 96 : i32
    %dma_start3A_75 = tpu.memref_slice %arg7[%dma_start3A_74] : memref<512xi32, #tpu.memory_space<vmem>> -> memref<32xi32, #tpu.memory_space<vmem>>
    %dma_start3A_76 = arith.constant 0 : i32
    %dma_start3A_77 = arith.constant 0 : i32
    %dma_start3A_78 = tpu.memref_slice %arg3[%dma_start3A_76, %dma_start3A_77] : memref<16384x768xf32, #tpu.memory_space<hbm>> -> memref<16384x768xf32, #tpu.memory_space<hbm>>
    tpu.enqueue_indirect_dma source(%dma_start3A_78 : memref<16384x768xf32, #tpu.memory_space<hbm>>) target(%arg9 : memref<32x768xf32, #tpu.memory_space<vmem>>) offsets(%dma_start3A_75 : memref<32xi32, #tpu.memory_space<vmem>>) semaphore(%arg11 : memref<!tpu.dma_semaphore, #tpu.memory_space<semaphore_mem>>)
    %add3A_79 = arith.constant 64 : i32
    %add3A_80 = arith.addi %mul3A_19, %add3A_79 : i32
    %dma_start3A_81 = arith.constant 0 : i32
    %dma_start3A_82 = tpu.memref_slice %arg4[%add3A_80, %dma_start3A_81] : memref<16384x768xf32, #tpu.memory_space<hbm>> -> memref<32x768xf32, #tpu.memory_space<hbm>>
    %dma_start3A_83 = arith.constant 0 : i32
    %dma_start3A_84 = tpu.memref_slice %arg4[%add3A_80, %dma_start3A_83] : memref<16384x768xf32, #tpu.memory_space<hbm>> -> memref<32x768xf32, #tpu.memory_space<hbm>>
    tpu.enqueue_dma source(%arg8 : memref<32x768xf32, #tpu.memory_space<vmem>>) target(%dma_start3A_84 : memref<32x768xf32, #tpu.memory_space<hbm>>) target_semaphore(%arg12 : memref<!tpu.dma_semaphore, #tpu.memory_space<semaphore_mem>>)
    %dma_wait3A_85 = arith.constant 96 : i32
    %dma_wait3A_86 = tpu.memref_slice %arg7[%dma_wait3A_85] : memref<512xi32, #tpu.memory_space<vmem>> -> memref<32xi32, #tpu.memory_space<vmem>>
    %dma_wait3A_87 = arith.constant 0 : i32
    %dma_wait3A_88 = arith.constant 0 : i32
    %dma_wait3A_89 = tpu.memref_slice %arg3[%dma_wait3A_87, %dma_wait3A_88] : memref<16384x768xf32, #tpu.memory_space<hbm>> -> memref<16384x768xf32, #tpu.memory_space<hbm>>
    tpu.wait_indirect_dma semaphore(%arg11 : memref<!tpu.dma_semaphore, #tpu.memory_space<semaphore_mem>>) src(%dma_wait3A_89 : memref<16384x768xf32, #tpu.memory_space<hbm>>) dst(%arg9 : memref<32x768xf32, #tpu.memory_space<vmem>>)
    %add3A_90 = arith.constant 64 : i32
    %add3A_91 = arith.addi %mul3A_19, %add3A_90 : i32
    %dma_wait3A_92 = arith.constant 0 : i32
    %dma_wait3A_93 = tpu.memref_slice %arg4[%add3A_91, %dma_wait3A_92] : memref<16384x768xf32, #tpu.memory_space<hbm>> -> memref<32x768xf32, #tpu.memory_space<hbm>>
    %dma_wait3A_94 = arith.constant 0 : i32
    %dma_wait3A_95 = tpu.memref_slice %arg4[%add3A_91, %dma_wait3A_94] : memref<16384x768xf32, #tpu.memory_space<hbm>> -> memref<32x768xf32, #tpu.memory_space<hbm>>
    tpu.wait_dma2 semaphore(%arg12 : memref<!tpu.dma_semaphore, #tpu.memory_space<semaphore_mem>>) src(%arg8 : memref<32x768xf32, #tpu.memory_space<vmem>>) dst(%dma_wait3A_95 : memref<32x768xf32, #tpu.memory_space<hbm>>)
    %dma_start3A_96 = arith.constant 128 : i32
    %dma_start3A_97 = tpu.memref_slice %arg7[%dma_start3A_96] : memref<512xi32, #tpu.memory_space<vmem>> -> memref<32xi32, #tpu.memory_space<vmem>>
    %dma_start3A_98 = arith.constant 0 : i32
    %dma_start3A_99 = arith.constant 0 : i32
    %dma_start3A_100 = tpu.memref_slice %arg3[%dma_start3A_98, %dma_start3A_99] : memref<16384x768xf32, #tpu.memory_space<hbm>> -> memref<16384x768xf32, #tpu.memory_space<hbm>>
    tpu.enqueue_indirect_dma source(%dma_start3A_100 : memref<16384x768xf32, #tpu.memory_space<hbm>>) target(%arg8 : memref<32x768xf32, #tpu.memory_space<vmem>>) offsets(%dma_start3A_97 : memref<32xi32, #tpu.memory_space<vmem>>) semaphore(%arg11 : memref<!tpu.dma_semaphore, #tpu.memory_space<semaphore_mem>>)
    %add3A_101 = arith.constant 96 : i32
    %add3A_102 = arith.addi %mul3A_19, %add3A_101 : i32
    %dma_start3A_103 = arith.constant 0 : i32
    %dma_start3A_104 = tpu.memref_slice %arg4[%add3A_102, %dma_start3A_103] : memref<16384x768xf32, #tpu.memory_space<hbm>> -> memref<32x768xf32, #tpu.memory_space<hbm>>
    %dma_start3A_105 = arith.constant 0 : i32
    %dma_start3A_106 = tpu.memref_slice %arg4[%add3A_102, %dma_start3A_105] : memref<16384x768xf32, #tpu.memory_space<hbm>> -> memref<32x768xf32, #tpu.memory_space<hbm>>
    tpu.enqueue_dma source(%arg9 : memref<32x768xf32, #tpu.memory_space<vmem>>) target(%dma_start3A_106 : memref<32x768xf32, #tpu.memory_space<hbm>>) target_semaphore(%arg12 : memref<!tpu.dma_semaphore, #tpu.memory_space<semaphore_mem>>)
    %dma_wait3A_107 = arith.constant 128 : i32
    %dma_wait3A_108 = tpu.memref_slice %arg7[%dma_wait3A_107] : memref<512xi32, #tpu.memory_space<vmem>> -> memref<32xi32, #tpu.memory_space<vmem>>
    %dma_wait3A_109 = arith.constant 0 : i32
    %dma_wait3A_110 = arith.constant 0 : i32
    %dma_wait3A_111 = tpu.memref_slice %arg3[%dma_wait3A_109, %dma_wait3A_110] : memref<16384x768xf32, #tpu.memory_space<hbm>> -> memref<16384x768xf32, #tpu.memory_space<hbm>>
    tpu.wait_indirect_dma semaphore(%arg11 : memref<!tpu.dma_semaphore, #tpu.memory_space<semaphore_mem>>) src(%dma_wait3A_111 : memref<16384x768xf32, #tpu.memory_space<hbm>>) dst(%arg8 : memref<32x768xf32, #tpu.memory_space<vmem>>)
    %add3A_112 = arith.constant 96 : i32
    %add3A_113 = arith.addi %mul3A_19, %add3A_112 : i32
    %dma_wait3A_114 = arith.constant 0 : i32
    %dma_wait3A_115 = tpu.memref_slice %arg4[%add3A_113, %dma_wait3A_114] : memref<16384x768xf32, #tpu.memory_space<hbm>> -> memref<32x768xf32, #tpu.memory_space<hbm>>
    %dma_wait3A_116 = arith.constant 0 : i32
    %dma_wait3A_117 = tpu.memref_slice %arg4[%add3A_113, %dma_wait3A_116] : memref<16384x768xf32, #tpu.memory_space<hbm>> -> memref<32x768xf32, #tpu.memory_space<hbm>>
    tpu.wait_dma2 semaphore(%arg12 : memref<!tpu.dma_semaphore, #tpu.memory_space<semaphore_mem>>) src(%arg9 : memref<32x768xf32, #tpu.memory_space<vmem>>) dst(%dma_wait3A_117 : memref<32x768xf32, #tpu.memory_space<hbm>>)
    %dma_start3A_118 = arith.constant 160 : i32
    %dma_start3A_119 = tpu.memref_slice %arg7[%dma_start3A_118] : memref<512xi32, #tpu.memory_space<vmem>> -> memref<32xi32, #tpu.memory_space<vmem>>
    %dma_start3A_120 = arith.constant 0 : i32
    %dma_start3A_121 = arith.constant 0 : i32
    %dma_start3A_122 = tpu.memref_slice %arg3[%dma_start3A_120, %dma_start3A_121] : memref<16384x768xf32, #tpu.memory_space<hbm>> -> memref<16384x768xf32, #tpu.memory_space<hbm>>
    tpu.enqueue_indirect_dma source(%dma_start3A_122 : memref<16384x768xf32, #tpu.memory_space<hbm>>) target(%arg9 : memref<32x768xf32, #tpu.memory_space<vmem>>) offsets(%dma_start3A_119 : memref<32xi32, #tpu.memory_space<vmem>>) semaphore(%arg11 : memref<!tpu.dma_semaphore, #tpu.memory_space<semaphore_mem>>)
    %add3A_123 = arith.constant 128 : i32
    %add3A_124 = arith.addi %mul3A_19, %add3A_123 : i32
    %dma_start3A_125 = arith.constant 0 : i32
    %dma_start3A_126 = tpu.memref_slice %arg4[%add3A_124, %dma_start3A_125] : memref<16384x768xf32, #tpu.memory_space<hbm>> -> memref<32x768xf32, #tpu.memory_space<hbm>>
    %dma_start3A_127 = arith.constant 0 : i32
    %dma_start3A_128 = tpu.memref_slice %arg4[%add3A_124, %dma_start3A_127] : memref<16384x768xf32, #tpu.memory_space<hbm>> -> memref<32x768xf32, #tpu.memory_space<hbm>>
    tpu.enqueue_dma source(%arg8 : memref<32x768xf32, #tpu.memory_space<vmem>>) target(%dma_start3A_128 : memref<32x768xf32, #tpu.memory_space<hbm>>) target_semaphore(%arg12 : memref<!tpu.dma_semaphore, #tpu.memory_space<semaphore_mem>>)
    %dma_wait3A_129 = arith.constant 160 : i32
    %dma_wait3A_130 = tpu.memref_slice %arg7[%dma_wait3A_129] : memref<512xi32, #tpu.memory_space<vmem>> -> memref<32xi32, #tpu.memory_space<vmem>>
    %dma_wait3A_131 = arith.constant 0 : i32
    %dma_wait3A_132 = arith.constant 0 : i32
    %dma_wait3A_133 = tpu.memref_slice %arg3[%dma_wait3A_131, %dma_wait3A_132] : memref<16384x768xf32, #tpu.memory_space<hbm>> -> memref<16384x768xf32, #tpu.memory_space<hbm>>
    tpu.wait_indirect_dma semaphore(%arg11 : memref<!tpu.dma_semaphore, #tpu.memory_space<semaphore_mem>>) src(%dma_wait3A_133 : memref<16384x768xf32, #tpu.memory_space<hbm>>) dst(%arg9 : memref<32x768xf32, #tpu.memory_space<vmem>>)
    %add3A_134 = arith.constant 128 : i32
    %add3A_135 = arith.addi %mul3A_19, %add3A_134 : i32
    %dma_wait3A_136 = arith.constant 0 : i32
    %dma_wait3A_137 = tpu.memref_slice %arg4[%add3A_135, %dma_wait3A_136] : memref<16384x768xf32, #tpu.memory_space<hbm>> -> memref<32x768xf32, #tpu.memory_space<hbm>>
    %dma_wait3A_138 = arith.constant 0 : i32
    %dma_wait3A_139 = tpu.memref_slice %arg4[%add3A_135, %dma_wait3A_138] : memref<16384x768xf32, #tpu.memory_space<hbm>> -> memref<32x768xf32, #tpu.memory_space<hbm>>
    tpu.wait_dma2 semaphore(%arg12 : memref<!tpu.dma_semaphore, #tpu.memory_space<semaphore_mem>>) src(%arg8 : memref<32x768xf32, #tpu.memory_space<vmem>>) dst(%dma_wait3A_139 : memref<32x768xf32, #tpu.memory_space<hbm>>)
    %dma_start3A_140 = arith.constant 192 : i32
    %dma_start3A_141 = tpu.memref_slice %arg7[%dma_start3A_140] : memref<512xi32, #tpu.memory_space<vmem>> -> memref<32xi32, #tpu.memory_space<vmem>>
    %dma_start3A_142 = arith.constant 0 : i32
    %dma_start3A_143 = arith.constant 0 : i32
    %dma_start3A_144 = tpu.memref_slice %arg3[%dma_start3A_142, %dma_start3A_143] : memref<16384x768xf32, #tpu.memory_space<hbm>> -> memref<16384x768xf32, #tpu.memory_space<hbm>>
    tpu.enqueue_indirect_dma source(%dma_start3A_144 : memref<16384x768xf32, #tpu.memory_space<hbm>>) target(%arg8 : memref<32x768xf32, #tpu.memory_space<vmem>>) offsets(%dma_start3A_141 : memref<32xi32, #tpu.memory_space<vmem>>) semaphore(%arg11 : memref<!tpu.dma_semaphore, #tpu.memory_space<semaphore_mem>>)
    %add3A_145 = arith.constant 160 : i32
    %add3A_146 = arith.addi %mul3A_19, %add3A_145 : i32
    %dma_start3A_147 = arith.constant 0 : i32
    %dma_start3A_148 = tpu.memref_slice %arg4[%add3A_146, %dma_start3A_147] : memref<16384x768xf32, #tpu.memory_space<hbm>> -> memref<32x768xf32, #tpu.memory_space<hbm>>
    %dma_start3A_149 = arith.constant 0 : i32
    %dma_start3A_150 = tpu.memref_slice %arg4[%add3A_146, %dma_start3A_149] : memref<16384x768xf32, #tpu.memory_space<hbm>> -> memref<32x768xf32, #tpu.memory_space<hbm>>
    tpu.enqueue_dma source(%arg9 : memref<32x768xf32, #tpu.memory_space<vmem>>) target(%dma_start3A_150 : memref<32x768xf32, #tpu.memory_space<hbm>>) target_semaphore(%arg12 : memref<!tpu.dma_semaphore, #tpu.memory_space<semaphore_mem>>)
    %dma_wait3A_151 = arith.constant 192 : i32
    %dma_wait3A_152 = tpu.memref_slice %arg7[%dma_wait3A_151] : memref<512xi32, #tpu.memory_space<vmem>> -> memref<32xi32, #tpu.memory_space<vmem>>
    %dma_wait3A_153 = arith.constant 0 : i32
    %dma_wait3A_154 = arith.constant 0 : i32
    %dma_wait3A_155 = tpu.memref_slice %arg3[%dma_wait3A_153, %dma_wait3A_154] : memref<16384x768xf32, #tpu.memory_space<hbm>> -> memref<16384x768xf32, #tpu.memory_space<hbm>>
    tpu.wait_indirect_dma semaphore(%arg11 : memref<!tpu.dma_semaphore, #tpu.memory_space<semaphore_mem>>) src(%dma_wait3A_155 : memref<16384x768xf32, #tpu.memory_space<hbm>>) dst(%arg8 : memref<32x768xf32, #tpu.memory_space<vmem>>)
    %add3A_156 = arith.constant 160 : i32
    %add3A_157 = arith.addi %mul3A_19, %add3A_156 : i32
    %dma_wait3A_158 = arith.constant 0 : i32
    %dma_wait3A_159 = tpu.memref_slice %arg4[%add3A_157, %dma_wait3A_158] : memref<16384x768xf32, #tpu.memory_space<hbm>> -> memref<32x768xf32, #tpu.memory_space<hbm>>
    %dma_wait3A_160 = arith.constant 0 : i32
    %dma_wait3A_161 = tpu.memref_slice %arg4[%add3A_157, %dma_wait3A_160] : memref<16384x768xf32, #tpu.memory_space<hbm>> -> memref<32x768xf32, #tpu.memory_space<hbm>>
    tpu.wait_dma2 semaphore(%arg12 : memref<!tpu.dma_semaphore, #tpu.memory_space<semaphore_mem>>) src(%arg9 : memref<32x768xf32, #tpu.memory_space<vmem>>) dst(%dma_wait3A_161 : memref<32x768xf32, #tpu.memory_space<hbm>>)
    %dma_start3A_162 = arith.constant 224 : i32
    %dma_start3A_163 = tpu.memref_slice %arg7[%dma_start3A_162] : memref<512xi32, #tpu.memory_space<vmem>> -> memref<32xi32, #tpu.memory_space<vmem>>
    %dma_start3A_164 = arith.constant 0 : i32
    %dma_start3A_165 = arith.constant 0 : i32
    %dma_start3A_166 = tpu.memref_slice %arg3[%dma_start3A_164, %dma_start3A_165] : memref<16384x768xf32, #tpu.memory_space<hbm>> -> memref<16384x768xf32, #tpu.memory_space<hbm>>
    tpu.enqueue_indirect_dma source(%dma_start3A_166 : memref<16384x768xf32, #tpu.memory_space<hbm>>) target(%arg9 : memref<32x768xf32, #tpu.memory_space<vmem>>) offsets(%dma_start3A_163 : memref<32xi32, #tpu.memory_space<vmem>>) semaphore(%arg11 : memref<!tpu.dma_semaphore, #tpu.memory_space<semaphore_mem>>)
    %add3A_167 = arith.constant 192 : i32
    %add3A_168 = arith.addi %mul3A_19, %add3A_167 : i32
    %dma_start3A_169 = arith.constant 0 : i32
    %dma_start3A_170 = tpu.memref_slice %arg4[%add3A_168, %dma_start3A_169] : memref<16384x768xf32, #tpu.memory_space<hbm>> -> memref<32x768xf32, #tpu.memory_space<hbm>>
    %dma_start3A_171 = arith.constant 0 : i32
    %dma_start3A_172 = tpu.memref_slice %arg4[%add3A_168, %dma_start3A_171] : memref<16384x768xf32, #tpu.memory_space<hbm>> -> memref<32x768xf32, #tpu.memory_space<hbm>>
    tpu.enqueue_dma source(%arg8 : memref<32x768xf32, #tpu.memory_space<vmem>>) target(%dma_start3A_172 : memref<32x768xf32, #tpu.memory_space<hbm>>) target_semaphore(%arg12 : memref<!tpu.dma_semaphore, #tpu.memory_space<semaphore_mem>>)
    %dma_wait3A_173 = arith.constant 224 : i32
    %dma_wait3A_174 = tpu.memref_slice %arg7[%dma_wait3A_173] : memref<512xi32, #tpu.memory_space<vmem>> -> memref<32xi32, #tpu.memory_space<vmem>>
    %dma_wait3A_175 = arith.constant 0 : i32
    %dma_wait3A_176 = arith.constant 0 : i32
    %dma_wait3A_177 = tpu.memref_slice %arg3[%dma_wait3A_175, %dma_wait3A_176] : memref<16384x768xf32, #tpu.memory_space<hbm>> -> memref<16384x768xf32, #tpu.memory_space<hbm>>
    tpu.wait_indirect_dma semaphore(%arg11 : memref<!tpu.dma_semaphore, #tpu.memory_space<semaphore_mem>>) src(%dma_wait3A_177 : memref<16384x768xf32, #tpu.memory_space<hbm>>) dst(%arg9 : memref<32x768xf32, #tpu.memory_space<vmem>>)
    %add3A_178 = arith.constant 192 : i32
    %add3A_179 = arith.addi %mul3A_19, %add3A_178 : i32
    %dma_wait3A_180 = arith.constant 0 : i32
    %dma_wait3A_181 = tpu.memref_slice %arg4[%add3A_179, %dma_wait3A_180] : memref<16384x768xf32, #tpu.memory_space<hbm>> -> memref<32x768xf32, #tpu.memory_space<hbm>>
    %dma_wait3A_182 = arith.constant 0 : i32
    %dma_wait3A_183 = tpu.memref_slice %arg4[%add3A_179, %dma_wait3A_182] : memref<16384x768xf32, #tpu.memory_space<hbm>> -> memref<32x768xf32, #tpu.memory_space<hbm>>
    tpu.wait_dma2 semaphore(%arg12 : memref<!tpu.dma_semaphore, #tpu.memory_space<semaphore_mem>>) src(%arg8 : memref<32x768xf32, #tpu.memory_space<vmem>>) dst(%dma_wait3A_183 : memref<32x768xf32, #tpu.memory_space<hbm>>)
    %dma_start3A_184 = arith.constant 256 : i32
    %dma_start3A_185 = tpu.memref_slice %arg7[%dma_start3A_184] : memref<512xi32, #tpu.memory_space<vmem>> -> memref<32xi32, #tpu.memory_space<vmem>>
    %dma_start3A_186 = arith.constant 0 : i32
    %dma_start3A_187 = arith.constant 0 : i32
    %dma_start3A_188 = tpu.memref_slice %arg3[%dma_start3A_186, %dma_start3A_187] : memref<16384x768xf32, #tpu.memory_space<hbm>> -> memref<16384x768xf32, #tpu.memory_space<hbm>>
    tpu.enqueue_indirect_dma source(%dma_start3A_188 : memref<16384x768xf32, #tpu.memory_space<hbm>>) target(%arg8 : memref<32x768xf32, #tpu.memory_space<vmem>>) offsets(%dma_start3A_185 : memref<32xi32, #tpu.memory_space<vmem>>) semaphore(%arg11 : memref<!tpu.dma_semaphore, #tpu.memory_space<semaphore_mem>>)
    %add3A_189 = arith.constant 224 : i32
    %add3A_190 = arith.addi %mul3A_19, %add3A_189 : i32
    %dma_start3A_191 = arith.constant 0 : i32
    %dma_start3A_192 = tpu.memref_slice %arg4[%add3A_190, %dma_start3A_191] : memref<16384x768xf32, #tpu.memory_space<hbm>> -> memref<32x768xf32, #tpu.memory_space<hbm>>
    %dma_start3A_193 = arith.constant 0 : i32
    %dma_start3A_194 = tpu.memref_slice %arg4[%add3A_190, %dma_start3A_193] : memref<16384x768xf32, #tpu.memory_space<hbm>> -> memref<32x768xf32, #tpu.memory_space<hbm>>
    tpu.enqueue_dma source(%arg9 : memref<32x768xf32, #tpu.memory_space<vmem>>) target(%dma_start3A_194 : memref<32x768xf32, #tpu.memory_space<hbm>>) target_semaphore(%arg12 : memref<!tpu.dma_semaphore, #tpu.memory_space<semaphore_mem>>)
    %dma_wait3A_195 = arith.constant 256 : i32
    %dma_wait3A_196 = tpu.memref_slice %arg7[%dma_wait3A_195] : memref<512xi32, #tpu.memory_space<vmem>> -> memref<32xi32, #tpu.memory_space<vmem>>
    %dma_wait3A_197 = arith.constant 0 : i32
    %dma_wait3A_198 = arith.constant 0 : i32
    %dma_wait3A_199 = tpu.memref_slice %arg3[%dma_wait3A_197, %dma_wait3A_198] : memref<16384x768xf32, #tpu.memory_space<hbm>> -> memref<16384x768xf32, #tpu.memory_space<hbm>>
    tpu.wait_indirect_dma semaphore(%arg11 : memref<!tpu.dma_semaphore, #tpu.memory_space<semaphore_mem>>) src(%dma_wait3A_199 : memref<16384x768xf32, #tpu.memory_space<hbm>>) dst(%arg8 : memref<32x768xf32, #tpu.memory_space<vmem>>)
    %add3A_200 = arith.constant 224 : i32
    %add3A_201 = arith.addi %mul3A_19, %add3A_200 : i32
    %dma_wait3A_202 = arith.constant 0 : i32
    %dma_wait3A_203 = tpu.memref_slice %arg4[%add3A_201, %dma_wait3A_202] : memref<16384x768xf32, #tpu.memory_space<hbm>> -> memref<32x768xf32, #tpu.memory_space<hbm>>
    %dma_wait3A_204 = arith.constant 0 : i32
    %dma_wait3A_205 = tpu.memref_slice %arg4[%add3A_201, %dma_wait3A_204] : memref<16384x768xf32, #tpu.memory_space<hbm>> -> memref<32x768xf32, #tpu.memory_space<hbm>>
    tpu.wait_dma2 semaphore(%arg12 : memref<!tpu.dma_semaphore, #tpu.memory_space<semaphore_mem>>) src(%arg9 : memref<32x768xf32, #tpu.memory_space<vmem>>) dst(%dma_wait3A_205 : memref<32x768xf32, #tpu.memory_space<hbm>>)
    %dma_start3A_206 = arith.constant 288 : i32
    %dma_start3A_207 = tpu.memref_slice %arg7[%dma_start3A_206] : memref<512xi32, #tpu.memory_space<vmem>> -> memref<32xi32, #tpu.memory_space<vmem>>
    %dma_start3A_208 = arith.constant 0 : i32
    %dma_start3A_209 = arith.constant 0 : i32
    %dma_start3A_210 = tpu.memref_slice %arg3[%dma_start3A_208, %dma_start3A_209] : memref<16384x768xf32, #tpu.memory_space<hbm>> -> memref<16384x768xf32, #tpu.memory_space<hbm>>
    tpu.enqueue_indirect_dma source(%dma_start3A_210 : memref<16384x768xf32, #tpu.memory_space<hbm>>) target(%arg9 : memref<32x768xf32, #tpu.memory_space<vmem>>) offsets(%dma_start3A_207 : memref<32xi32, #tpu.memory_space<vmem>>) semaphore(%arg11 : memref<!tpu.dma_semaphore, #tpu.memory_space<semaphore_mem>>)
    %add3A_211 = arith.constant 256 : i32
    %add3A_212 = arith.addi %mul3A_19, %add3A_211 : i32
    %dma_start3A_213 = arith.constant 0 : i32
    %dma_start3A_214 = tpu.memref_slice %arg4[%add3A_212, %dma_start3A_213] : memref<16384x768xf32, #tpu.memory_space<hbm>> -> memref<32x768xf32, #tpu.memory_space<hbm>>
    %dma_start3A_215 = arith.constant 0 : i32
    %dma_start3A_216 = tpu.memref_slice %arg4[%add3A_212, %dma_start3A_215] : memref<16384x768xf32, #tpu.memory_space<hbm>> -> memref<32x768xf32, #tpu.memory_space<hbm>>
    tpu.enqueue_dma source(%arg8 : memref<32x768xf32, #tpu.memory_space<vmem>>) target(%dma_start3A_216 : memref<32x768xf32, #tpu.memory_space<hbm>>) target_semaphore(%arg12 : memref<!tpu.dma_semaphore, #tpu.memory_space<semaphore_mem>>)
    %dma_wait3A_217 = arith.constant 288 : i32
    %dma_wait3A_218 = tpu.memref_slice %arg7[%dma_wait3A_217] : memref<512xi32, #tpu.memory_space<vmem>> -> memref<32xi32, #tpu.memory_space<vmem>>
    %dma_wait3A_219 = arith.constant 0 : i32
    %dma_wait3A_220 = arith.constant 0 : i32
    %dma_wait3A_221 = tpu.memref_slice %arg3[%dma_wait3A_219, %dma_wait3A_220] : memref<16384x768xf32, #tpu.memory_space<hbm>> -> memref<16384x768xf32, #tpu.memory_space<hbm>>
    tpu.wait_indirect_dma semaphore(%arg11 : memref<!tpu.dma_semaphore, #tpu.memory_space<semaphore_mem>>) src(%dma_wait3A_221 : memref<16384x768xf32, #tpu.memory_space<hbm>>) dst(%arg9 : memref<32x768xf32, #tpu.memory_space<vmem>>)
    %add3A_222 = arith.constant 256 : i32
    %add3A_223 = arith.addi %mul3A_19, %add3A_222 : i32
    %dma_wait3A_224 = arith.constant 0 : i32
    %dma_wait3A_225 = tpu.memref_slice %arg4[%add3A_223, %dma_wait3A_224] : memref<16384x768xf32, #tpu.memory_space<hbm>> -> memref<32x768xf32, #tpu.memory_space<hbm>>
    %dma_wait3A_226 = arith.constant 0 : i32
    %dma_wait3A_227 = tpu.memref_slice %arg4[%add3A_223, %dma_wait3A_226] : memref<16384x768xf32, #tpu.memory_space<hbm>> -> memref<32x768xf32, #tpu.memory_space<hbm>>
    tpu.wait_dma2 semaphore(%arg12 : memref<!tpu.dma_semaphore, #tpu.memory_space<semaphore_mem>>) src(%arg8 : memref<32x768xf32, #tpu.memory_space<vmem>>) dst(%dma_wait3A_227 : memref<32x768xf32, #tpu.memory_space<hbm>>)
    %dma_start3A_228 = arith.constant 320 : i32
    %dma_start3A_229 = tpu.memref_slice %arg7[%dma_start3A_228] : memref<512xi32, #tpu.memory_space<vmem>> -> memref<32xi32, #tpu.memory_space<vmem>>
    %dma_start3A_230 = arith.constant 0 : i32
    %dma_start3A_231 = arith.constant 0 : i32
    %dma_start3A_232 = tpu.memref_slice %arg3[%dma_start3A_230, %dma_start3A_231] : memref<16384x768xf32, #tpu.memory_space<hbm>> -> memref<16384x768xf32, #tpu.memory_space<hbm>>
    tpu.enqueue_indirect_dma source(%dma_start3A_232 : memref<16384x768xf32, #tpu.memory_space<hbm>>) target(%arg8 : memref<32x768xf32, #tpu.memory_space<vmem>>) offsets(%dma_start3A_229 : memref<32xi32, #tpu.memory_space<vmem>>) semaphore(%arg11 : memref<!tpu.dma_semaphore, #tpu.memory_space<semaphore_mem>>)
    %add3A_233 = arith.constant 288 : i32
    %add3A_234 = arith.addi %mul3A_19, %add3A_233 : i32
    %dma_start3A_235 = arith.constant 0 : i32
    %dma_start3A_236 = tpu.memref_slice %arg4[%add3A_234, %dma_start3A_235] : memref<16384x768xf32, #tpu.memory_space<hbm>> -> memref<32x768xf32, #tpu.memory_space<hbm>>
    %dma_start3A_237 = arith.constant 0 : i32
    %dma_start3A_238 = tpu.memref_slice %arg4[%add3A_234, %dma_start3A_237] : memref<16384x768xf32, #tpu.memory_space<hbm>> -> memref<32x768xf32, #tpu.memory_space<hbm>>
    tpu.enqueue_dma source(%arg9 : memref<32x768xf32, #tpu.memory_space<vmem>>) target(%dma_start3A_238 : memref<32x768xf32, #tpu.memory_space<hbm>>) target_semaphore(%arg12 : memref<!tpu.dma_semaphore, #tpu.memory_space<semaphore_mem>>)
    %dma_wait3A_239 = arith.constant 320 : i32
    %dma_wait3A_240 = tpu.memref_slice %arg7[%dma_wait3A_239] : memref<512xi32, #tpu.memory_space<vmem>> -> memref<32xi32, #tpu.memory_space<vmem>>
    %dma_wait3A_241 = arith.constant 0 : i32
    %dma_wait3A_242 = arith.constant 0 : i32
    %dma_wait3A_243 = tpu.memref_slice %arg3[%dma_wait3A_241, %dma_wait3A_242] : memref<16384x768xf32, #tpu.memory_space<hbm>> -> memref<16384x768xf32, #tpu.memory_space<hbm>>
    tpu.wait_indirect_dma semaphore(%arg11 : memref<!tpu.dma_semaphore, #tpu.memory_space<semaphore_mem>>) src(%dma_wait3A_243 : memref<16384x768xf32, #tpu.memory_space<hbm>>) dst(%arg8 : memref<32x768xf32, #tpu.memory_space<vmem>>)
    %add3A_244 = arith.constant 288 : i32
    %add3A_245 = arith.addi %mul3A_19, %add3A_244 : i32
    %dma_wait3A_246 = arith.constant 0 : i32
    %dma_wait3A_247 = tpu.memref_slice %arg4[%add3A_245, %dma_wait3A_246] : memref<16384x768xf32, #tpu.memory_space<hbm>> -> memref<32x768xf32, #tpu.memory_space<hbm>>
    %dma_wait3A_248 = arith.constant 0 : i32
    %dma_wait3A_249 = tpu.memref_slice %arg4[%add3A_245, %dma_wait3A_248] : memref<16384x768xf32, #tpu.memory_space<hbm>> -> memref<32x768xf32, #tpu.memory_space<hbm>>
    tpu.wait_dma2 semaphore(%arg12 : memref<!tpu.dma_semaphore, #tpu.memory_space<semaphore_mem>>) src(%arg9 : memref<32x768xf32, #tpu.memory_space<vmem>>) dst(%dma_wait3A_249 : memref<32x768xf32, #tpu.memory_space<hbm>>)
    %dma_start3A_250 = arith.constant 352 : i32
    %dma_start3A_251 = tpu.memref_slice %arg7[%dma_start3A_250] : memref<512xi32, #tpu.memory_space<vmem>> -> memref<32xi32, #tpu.memory_space<vmem>>
    %dma_start3A_252 = arith.constant 0 : i32
    %dma_start3A_253 = arith.constant 0 : i32
    %dma_start3A_254 = tpu.memref_slice %arg3[%dma_start3A_252, %dma_start3A_253] : memref<16384x768xf32, #tpu.memory_space<hbm>> -> memref<16384x768xf32, #tpu.memory_space<hbm>>
    tpu.enqueue_indirect_dma source(%dma_start3A_254 : memref<16384x768xf32, #tpu.memory_space<hbm>>) target(%arg9 : memref<32x768xf32, #tpu.memory_space<vmem>>) offsets(%dma_start3A_251 : memref<32xi32, #tpu.memory_space<vmem>>) semaphore(%arg11 : memref<!tpu.dma_semaphore, #tpu.memory_space<semaphore_mem>>)
    %add3A_255 = arith.constant 320 : i32
    %add3A_256 = arith.addi %mul3A_19, %add3A_255 : i32
    %dma_start3A_257 = arith.constant 0 : i32
    %dma_start3A_258 = tpu.memref_slice %arg4[%add3A_256, %dma_start3A_257] : memref<16384x768xf32, #tpu.memory_space<hbm>> -> memref<32x768xf32, #tpu.memory_space<hbm>>
    %dma_start3A_259 = arith.constant 0 : i32
    %dma_start3A_260 = tpu.memref_slice %arg4[%add3A_256, %dma_start3A_259] : memref<16384x768xf32, #tpu.memory_space<hbm>> -> memref<32x768xf32, #tpu.memory_space<hbm>>
    tpu.enqueue_dma source(%arg8 : memref<32x768xf32, #tpu.memory_space<vmem>>) target(%dma_start3A_260 : memref<32x768xf32, #tpu.memory_space<hbm>>) target_semaphore(%arg12 : memref<!tpu.dma_semaphore, #tpu.memory_space<semaphore_mem>>)
    %dma_wait3A_261 = arith.constant 352 : i32
    %dma_wait3A_262 = tpu.memref_slice %arg7[%dma_wait3A_261] : memref<512xi32, #tpu.memory_space<vmem>> -> memref<32xi32, #tpu.memory_space<vmem>>
    %dma_wait3A_263 = arith.constant 0 : i32
    %dma_wait3A_264 = arith.constant 0 : i32
    %dma_wait3A_265 = tpu.memref_slice %arg3[%dma_wait3A_263, %dma_wait3A_264] : memref<16384x768xf32, #tpu.memory_space<hbm>> -> memref<16384x768xf32, #tpu.memory_space<hbm>>
    tpu.wait_indirect_dma semaphore(%arg11 : memref<!tpu.dma_semaphore, #tpu.memory_space<semaphore_mem>>) src(%dma_wait3A_265 : memref<16384x768xf32, #tpu.memory_space<hbm>>) dst(%arg9 : memref<32x768xf32, #tpu.memory_space<vmem>>)
    %add3A_266 = arith.constant 320 : i32
    %add3A_267 = arith.addi %mul3A_19, %add3A_266 : i32
    %dma_wait3A_268 = arith.constant 0 : i32
    %dma_wait3A_269 = tpu.memref_slice %arg4[%add3A_267, %dma_wait3A_268] : memref<16384x768xf32, #tpu.memory_space<hbm>> -> memref<32x768xf32, #tpu.memory_space<hbm>>
    %dma_wait3A_270 = arith.constant 0 : i32
    %dma_wait3A_271 = tpu.memref_slice %arg4[%add3A_267, %dma_wait3A_270] : memref<16384x768xf32, #tpu.memory_space<hbm>> -> memref<32x768xf32, #tpu.memory_space<hbm>>
    tpu.wait_dma2 semaphore(%arg12 : memref<!tpu.dma_semaphore, #tpu.memory_space<semaphore_mem>>) src(%arg8 : memref<32x768xf32, #tpu.memory_space<vmem>>) dst(%dma_wait3A_271 : memref<32x768xf32, #tpu.memory_space<hbm>>)
    %dma_start3A_272 = arith.constant 384 : i32
    %dma_start3A_273 = tpu.memref_slice %arg7[%dma_start3A_272] : memref<512xi32, #tpu.memory_space<vmem>> -> memref<32xi32, #tpu.memory_space<vmem>>
    %dma_start3A_274 = arith.constant 0 : i32
    %dma_start3A_275 = arith.constant 0 : i32
    %dma_start3A_276 = tpu.memref_slice %arg3[%dma_start3A_274, %dma_start3A_275] : memref<16384x768xf32, #tpu.memory_space<hbm>> -> memref<16384x768xf32, #tpu.memory_space<hbm>>
    tpu.enqueue_indirect_dma source(%dma_start3A_276 : memref<16384x768xf32, #tpu.memory_space<hbm>>) target(%arg8 : memref<32x768xf32, #tpu.memory_space<vmem>>) offsets(%dma_start3A_273 : memref<32xi32, #tpu.memory_space<vmem>>) semaphore(%arg11 : memref<!tpu.dma_semaphore, #tpu.memory_space<semaphore_mem>>)
    %add3A_277 = arith.constant 352 : i32
    %add3A_278 = arith.addi %mul3A_19, %add3A_277 : i32
    %dma_start3A_279 = arith.constant 0 : i32
    %dma_start3A_280 = tpu.memref_slice %arg4[%add3A_278, %dma_start3A_279] : memref<16384x768xf32, #tpu.memory_space<hbm>> -> memref<32x768xf32, #tpu.memory_space<hbm>>
    %dma_start3A_281 = arith.constant 0 : i32
    %dma_start3A_282 = tpu.memref_slice %arg4[%add3A_278, %dma_start3A_281] : memref<16384x768xf32, #tpu.memory_space<hbm>> -> memref<32x768xf32, #tpu.memory_space<hbm>>
    tpu.enqueue_dma source(%arg9 : memref<32x768xf32, #tpu.memory_space<vmem>>) target(%dma_start3A_282 : memref<32x768xf32, #tpu.memory_space<hbm>>) target_semaphore(%arg12 : memref<!tpu.dma_semaphore, #tpu.memory_space<semaphore_mem>>)
    %dma_wait3A_283 = arith.constant 384 : i32
    %dma_wait3A_284 = tpu.memref_slice %arg7[%dma_wait3A_283] : memref<512xi32, #tpu.memory_space<vmem>> -> memref<32xi32, #tpu.memory_space<vmem>>
    %dma_wait3A_285 = arith.constant 0 : i32
    %dma_wait3A_286 = arith.constant 0 : i32
    %dma_wait3A_287 = tpu.memref_slice %arg3[%dma_wait3A_285, %dma_wait3A_286] : memref<16384x768xf32, #tpu.memory_space<hbm>> -> memref<16384x768xf32, #tpu.memory_space<hbm>>
    tpu.wait_indirect_dma semaphore(%arg11 : memref<!tpu.dma_semaphore, #tpu.memory_space<semaphore_mem>>) src(%dma_wait3A_287 : memref<16384x768xf32, #tpu.memory_space<hbm>>) dst(%arg8 : memref<32x768xf32, #tpu.memory_space<vmem>>)
    %add3A_288 = arith.constant 352 : i32
    %add3A_289 = arith.addi %mul3A_19, %add3A_288 : i32
    %dma_wait3A_290 = arith.constant 0 : i32
    %dma_wait3A_291 = tpu.memref_slice %arg4[%add3A_289, %dma_wait3A_290] : memref<16384x768xf32, #tpu.memory_space<hbm>> -> memref<32x768xf32, #tpu.memory_space<hbm>>
    %dma_wait3A_292 = arith.constant 0 : i32
    %dma_wait3A_293 = tpu.memref_slice %arg4[%add3A_289, %dma_wait3A_292] : memref<16384x768xf32, #tpu.memory_space<hbm>> -> memref<32x768xf32, #tpu.memory_space<hbm>>
    tpu.wait_dma2 semaphore(%arg12 : memref<!tpu.dma_semaphore, #tpu.memory_space<semaphore_mem>>) src(%arg9 : memref<32x768xf32, #tpu.memory_space<vmem>>) dst(%dma_wait3A_293 : memref<32x768xf32, #tpu.memory_space<hbm>>)
    %dma_start3A_294 = arith.constant 416 : i32
    %dma_start3A_295 = tpu.memref_slice %arg7[%dma_start3A_294] : memref<512xi32, #tpu.memory_space<vmem>> -> memref<32xi32, #tpu.memory_space<vmem>>
    %dma_start3A_296 = arith.constant 0 : i32
    %dma_start3A_297 = arith.constant 0 : i32
    %dma_start3A_298 = tpu.memref_slice %arg3[%dma_start3A_296, %dma_start3A_297] : memref<16384x768xf32, #tpu.memory_space<hbm>> -> memref<16384x768xf32, #tpu.memory_space<hbm>>
    tpu.enqueue_indirect_dma source(%dma_start3A_298 : memref<16384x768xf32, #tpu.memory_space<hbm>>) target(%arg9 : memref<32x768xf32, #tpu.memory_space<vmem>>) offsets(%dma_start3A_295 : memref<32xi32, #tpu.memory_space<vmem>>) semaphore(%arg11 : memref<!tpu.dma_semaphore, #tpu.memory_space<semaphore_mem>>)
    %add3A_299 = arith.constant 384 : i32
    %add3A_300 = arith.addi %mul3A_19, %add3A_299 : i32
    %dma_start3A_301 = arith.constant 0 : i32
    %dma_start3A_302 = tpu.memref_slice %arg4[%add3A_300, %dma_start3A_301] : memref<16384x768xf32, #tpu.memory_space<hbm>> -> memref<32x768xf32, #tpu.memory_space<hbm>>
    %dma_start3A_303 = arith.constant 0 : i32
    %dma_start3A_304 = tpu.memref_slice %arg4[%add3A_300, %dma_start3A_303] : memref<16384x768xf32, #tpu.memory_space<hbm>> -> memref<32x768xf32, #tpu.memory_space<hbm>>
    tpu.enqueue_dma source(%arg8 : memref<32x768xf32, #tpu.memory_space<vmem>>) target(%dma_start3A_304 : memref<32x768xf32, #tpu.memory_space<hbm>>) target_semaphore(%arg12 : memref<!tpu.dma_semaphore, #tpu.memory_space<semaphore_mem>>)
    %dma_wait3A_305 = arith.constant 416 : i32
    %dma_wait3A_306 = tpu.memref_slice %arg7[%dma_wait3A_305] : memref<512xi32, #tpu.memory_space<vmem>> -> memref<32xi32, #tpu.memory_space<vmem>>
    %dma_wait3A_307 = arith.constant 0 : i32
    %dma_wait3A_308 = arith.constant 0 : i32
    %dma_wait3A_309 = tpu.memref_slice %arg3[%dma_wait3A_307, %dma_wait3A_308] : memref<16384x768xf32, #tpu.memory_space<hbm>> -> memref<16384x768xf32, #tpu.memory_space<hbm>>
    tpu.wait_indirect_dma semaphore(%arg11 : memref<!tpu.dma_semaphore, #tpu.memory_space<semaphore_mem>>) src(%dma_wait3A_309 : memref<16384x768xf32, #tpu.memory_space<hbm>>) dst(%arg9 : memref<32x768xf32, #tpu.memory_space<vmem>>)
    %add3A_310 = arith.constant 384 : i32
    %add3A_311 = arith.addi %mul3A_19, %add3A_310 : i32
    %dma_wait3A_312 = arith.constant 0 : i32
    %dma_wait3A_313 = tpu.memref_slice %arg4[%add3A_311, %dma_wait3A_312] : memref<16384x768xf32, #tpu.memory_space<hbm>> -> memref<32x768xf32, #tpu.memory_space<hbm>>
    %dma_wait3A_314 = arith.constant 0 : i32
    %dma_wait3A_315 = tpu.memref_slice %arg4[%add3A_311, %dma_wait3A_314] : memref<16384x768xf32, #tpu.memory_space<hbm>> -> memref<32x768xf32, #tpu.memory_space<hbm>>
    tpu.wait_dma2 semaphore(%arg12 : memref<!tpu.dma_semaphore, #tpu.memory_space<semaphore_mem>>) src(%arg8 : memref<32x768xf32, #tpu.memory_space<vmem>>) dst(%dma_wait3A_315 : memref<32x768xf32, #tpu.memory_space<hbm>>)
    %dma_start3A_316 = arith.constant 448 : i32
    %dma_start3A_317 = tpu.memref_slice %arg7[%dma_start3A_316] : memref<512xi32, #tpu.memory_space<vmem>> -> memref<32xi32, #tpu.memory_space<vmem>>
    %dma_start3A_318 = arith.constant 0 : i32
    %dma_start3A_319 = arith.constant 0 : i32
    %dma_start3A_320 = tpu.memref_slice %arg3[%dma_start3A_318, %dma_start3A_319] : memref<16384x768xf32, #tpu.memory_space<hbm>> -> memref<16384x768xf32, #tpu.memory_space<hbm>>
    tpu.enqueue_indirect_dma source(%dma_start3A_320 : memref<16384x768xf32, #tpu.memory_space<hbm>>) target(%arg8 : memref<32x768xf32, #tpu.memory_space<vmem>>) offsets(%dma_start3A_317 : memref<32xi32, #tpu.memory_space<vmem>>) semaphore(%arg11 : memref<!tpu.dma_semaphore, #tpu.memory_space<semaphore_mem>>)
    %add3A_321 = arith.constant 416 : i32
    %add3A_322 = arith.addi %mul3A_19, %add3A_321 : i32
    %dma_start3A_323 = arith.constant 0 : i32
    %dma_start3A_324 = tpu.memref_slice %arg4[%add3A_322, %dma_start3A_323] : memref<16384x768xf32, #tpu.memory_space<hbm>> -> memref<32x768xf32, #tpu.memory_space<hbm>>
    %dma_start3A_325 = arith.constant 0 : i32
    %dma_start3A_326 = tpu.memref_slice %arg4[%add3A_322, %dma_start3A_325] : memref<16384x768xf32, #tpu.memory_space<hbm>> -> memref<32x768xf32, #tpu.memory_space<hbm>>
    tpu.enqueue_dma source(%arg9 : memref<32x768xf32, #tpu.memory_space<vmem>>) target(%dma_start3A_326 : memref<32x768xf32, #tpu.memory_space<hbm>>) target_semaphore(%arg12 : memref<!tpu.dma_semaphore, #tpu.memory_space<semaphore_mem>>)
    %dma_wait3A_327 = arith.constant 448 : i32
    %dma_wait3A_328 = tpu.memref_slice %arg7[%dma_wait3A_327] : memref<512xi32, #tpu.memory_space<vmem>> -> memref<32xi32, #tpu.memory_space<vmem>>
    %dma_wait3A_329 = arith.constant 0 : i32
    %dma_wait3A_330 = arith.constant 0 : i32
    %dma_wait3A_331 = tpu.memref_slice %arg3[%dma_wait3A_329, %dma_wait3A_330] : memref<16384x768xf32, #tpu.memory_space<hbm>> -> memref<16384x768xf32, #tpu.memory_space<hbm>>
    tpu.wait_indirect_dma semaphore(%arg11 : memref<!tpu.dma_semaphore, #tpu.memory_space<semaphore_mem>>) src(%dma_wait3A_331 : memref<16384x768xf32, #tpu.memory_space<hbm>>) dst(%arg8 : memref<32x768xf32, #tpu.memory_space<vmem>>)
    %add3A_332 = arith.constant 416 : i32
    %add3A_333 = arith.addi %mul3A_19, %add3A_332 : i32
    %dma_wait3A_334 = arith.constant 0 : i32
    %dma_wait3A_335 = tpu.memref_slice %arg4[%add3A_333, %dma_wait3A_334] : memref<16384x768xf32, #tpu.memory_space<hbm>> -> memref<32x768xf32, #tpu.memory_space<hbm>>
    %dma_wait3A_336 = arith.constant 0 : i32
    %dma_wait3A_337 = tpu.memref_slice %arg4[%add3A_333, %dma_wait3A_336] : memref<16384x768xf32, #tpu.memory_space<hbm>> -> memref<32x768xf32, #tpu.memory_space<hbm>>
    tpu.wait_dma2 semaphore(%arg12 : memref<!tpu.dma_semaphore, #tpu.memory_space<semaphore_mem>>) src(%arg9 : memref<32x768xf32, #tpu.memory_space<vmem>>) dst(%dma_wait3A_337 : memref<32x768xf32, #tpu.memory_space<hbm>>)
    %dma_start3A_338 = arith.constant 480 : i32
    %dma_start3A_339 = tpu.memref_slice %arg7[%dma_start3A_338] : memref<512xi32, #tpu.memory_space<vmem>> -> memref<32xi32, #tpu.memory_space<vmem>>
    %dma_start3A_340 = arith.constant 0 : i32
    %dma_start3A_341 = arith.constant 0 : i32
    %dma_start3A_342 = tpu.memref_slice %arg3[%dma_start3A_340, %dma_start3A_341] : memref<16384x768xf32, #tpu.memory_space<hbm>> -> memref<16384x768xf32, #tpu.memory_space<hbm>>
    tpu.enqueue_indirect_dma source(%dma_start3A_342 : memref<16384x768xf32, #tpu.memory_space<hbm>>) target(%arg9 : memref<32x768xf32, #tpu.memory_space<vmem>>) offsets(%dma_start3A_339 : memref<32xi32, #tpu.memory_space<vmem>>) semaphore(%arg11 : memref<!tpu.dma_semaphore, #tpu.memory_space<semaphore_mem>>)
    %add3A_343 = arith.constant 448 : i32
    %add3A_344 = arith.addi %mul3A_19, %add3A_343 : i32
    %dma_start3A_345 = arith.constant 0 : i32
    %dma_start3A_346 = tpu.memref_slice %arg4[%add3A_344, %dma_start3A_345] : memref<16384x768xf32, #tpu.memory_space<hbm>> -> memref<32x768xf32, #tpu.memory_space<hbm>>
    %dma_start3A_347 = arith.constant 0 : i32
    %dma_start3A_348 = tpu.memref_slice %arg4[%add3A_344, %dma_start3A_347] : memref<16384x768xf32, #tpu.memory_space<hbm>> -> memref<32x768xf32, #tpu.memory_space<hbm>>
    tpu.enqueue_dma source(%arg8 : memref<32x768xf32, #tpu.memory_space<vmem>>) target(%dma_start3A_348 : memref<32x768xf32, #tpu.memory_space<hbm>>) target_semaphore(%arg12 : memref<!tpu.dma_semaphore, #tpu.memory_space<semaphore_mem>>)
    %dma_wait3A_349 = arith.constant 480 : i32
    %dma_wait3A_350 = tpu.memref_slice %arg7[%dma_wait3A_349] : memref<512xi32, #tpu.memory_space<vmem>> -> memref<32xi32, #tpu.memory_space<vmem>>
    %dma_wait3A_351 = arith.constant 0 : i32
    %dma_wait3A_352 = arith.constant 0 : i32
    %dma_wait3A_353 = tpu.memref_slice %arg3[%dma_wait3A_351, %dma_wait3A_352] : memref<16384x768xf32, #tpu.memory_space<hbm>> -> memref<16384x768xf32, #tpu.memory_space<hbm>>
    tpu.wait_indirect_dma semaphore(%arg11 : memref<!tpu.dma_semaphore, #tpu.memory_space<semaphore_mem>>) src(%dma_wait3A_353 : memref<16384x768xf32, #tpu.memory_space<hbm>>) dst(%arg9 : memref<32x768xf32, #tpu.memory_space<vmem>>)
    %add3A_354 = arith.constant 480 : i32
    %add3A_355 = arith.addi %mul3A_19, %add3A_354 : i32
    %dma_start3A_356 = arith.constant 0 : i32
    %dma_start3A_357 = tpu.memref_slice %arg4[%add3A_355, %dma_start3A_356] : memref<16384x768xf32, #tpu.memory_space<hbm>> -> memref<32x768xf32, #tpu.memory_space<hbm>>
    %dma_start3A_358 = arith.constant 0 : i32
    %dma_start3A_359 = tpu.memref_slice %arg4[%add3A_355, %dma_start3A_358] : memref<16384x768xf32, #tpu.memory_space<hbm>> -> memref<32x768xf32, #tpu.memory_space<hbm>>
    tpu.enqueue_dma source(%arg9 : memref<32x768xf32, #tpu.memory_space<vmem>>) target(%dma_start3A_359 : memref<32x768xf32, #tpu.memory_space<hbm>>) target_semaphore(%arg12 : memref<!tpu.dma_semaphore, #tpu.memory_space<semaphore_mem>>)
    %add3A_360 = arith.constant 448 : i32
    %add3A_361 = arith.addi %mul3A_19, %add3A_360 : i32
    %dma_wait3A_362 = arith.constant 0 : i32
    %dma_wait3A_363 = tpu.memref_slice %arg4[%add3A_361, %dma_wait3A_362] : memref<16384x768xf32, #tpu.memory_space<hbm>> -> memref<32x768xf32, #tpu.memory_space<hbm>>
    %dma_wait3A_364 = arith.constant 0 : i32
    %dma_wait3A_365 = tpu.memref_slice %arg4[%add3A_361, %dma_wait3A_364] : memref<16384x768xf32, #tpu.memory_space<hbm>> -> memref<32x768xf32, #tpu.memory_space<hbm>>
    tpu.wait_dma2 semaphore(%arg12 : memref<!tpu.dma_semaphore, #tpu.memory_space<semaphore_mem>>) src(%arg8 : memref<32x768xf32, #tpu.memory_space<vmem>>) dst(%dma_wait3A_365 : memref<32x768xf32, #tpu.memory_space<hbm>>)
    %add3A_366 = arith.constant 480 : i32
    %add3A_367 = arith.addi %mul3A_19, %add3A_366 : i32
    %dma_wait3A_368 = arith.constant 0 : i32
    %dma_wait3A_369 = tpu.memref_slice %arg4[%add3A_367, %dma_wait3A_368] : memref<16384x768xf32, #tpu.memory_space<hbm>> -> memref<32x768xf32, #tpu.memory_space<hbm>>
    %dma_wait3A_370 = arith.constant 0 : i32
    %dma_wait3A_371 = tpu.memref_slice %arg4[%add3A_367, %dma_wait3A_370] : memref<16384x768xf32, #tpu.memory_space<hbm>> -> memref<32x768xf32, #tpu.memory_space<hbm>>
    tpu.wait_dma2 semaphore(%arg12 : memref<!tpu.dma_semaphore, #tpu.memory_space<semaphore_mem>>) src(%arg9 : memref<32x768xf32, #tpu.memory_space<vmem>>) dst(%dma_wait3A_371 : memref<32x768xf32, #tpu.memory_space<hbm>>)
    return
  }
}

module attributes {stable_mosaic.version = 14 : i64} {
  func.func @_sa_body(%arg0: i32, %arg1: memref<1x512x768xf32, #tpu.memory_space<vmem>>, %arg2: memref<768x768xf32, #tpu.memory_space<vmem>>, %arg3: memref<1x768xf32, #tpu.memory_space<vmem>>, %arg4: memref<768x768xf32, #tpu.memory_space<vmem>>, %arg5: memref<1x768xf32, #tpu.memory_space<vmem>>, %arg6: memref<768x768xf32, #tpu.memory_space<vmem>>, %arg7: memref<1x768xf32, #tpu.memory_space<vmem>>, %arg8: memref<768x768xf32, #tpu.memory_space<vmem>>, %arg9: memref<1x768xf32, #tpu.memory_space<vmem>>, %arg10: memref<1x768xf32, #tpu.memory_space<vmem>>, %arg11: memref<1x768xf32, #tpu.memory_space<vmem>>, %arg12: memref<1x512x768xf32, #tpu.memory_space<vmem>>, %arg13: memref<1x512x768xf32, #tpu.memory_space<vmem>>) attributes {dimension_semantics = [#tpu.dimension_semantics<arbitrary>], iteration_bounds = array<i64: 2>, scalar_prefetch = 0 : i64, scratch_operands = 0 : i64, tpu.core_type = #tpu.core_type<tc>, window_params = [{transform_indices = @transform_0, window_bounds = array<i64: 1, 512, 768>}, {pipeline_mode = #tpu.pipeline_mode<synchronous>, transform_indices = @transform_1, window_bounds = array<i64: 768, 768>}, {pipeline_mode = #tpu.pipeline_mode<synchronous>, transform_indices = @transform_2, window_bounds = array<i64: 1, 768>}, {pipeline_mode = #tpu.pipeline_mode<synchronous>, transform_indices = @transform_3, window_bounds = array<i64: 768, 768>}, {pipeline_mode = #tpu.pipeline_mode<synchronous>, transform_indices = @transform_4, window_bounds = array<i64: 1, 768>}, {pipeline_mode = #tpu.pipeline_mode<synchronous>, transform_indices = @transform_5, window_bounds = array<i64: 768, 768>}, {pipeline_mode = #tpu.pipeline_mode<synchronous>, transform_indices = @transform_6, window_bounds = array<i64: 1, 768>}, {pipeline_mode = #tpu.pipeline_mode<synchronous>, transform_indices = @transform_7, window_bounds = array<i64: 768, 768>}, {pipeline_mode = #tpu.pipeline_mode<synchronous>, transform_indices = @transform_8, window_bounds = array<i64: 1, 768>}, {pipeline_mode = #tpu.pipeline_mode<synchronous>, transform_indices = @transform_9, window_bounds = array<i64: 1, 768>}, {pipeline_mode = #tpu.pipeline_mode<synchronous>, transform_indices = @transform_10, window_bounds = array<i64: 1, 768>}, {transform_indices = @transform_11, window_bounds = array<i64: 1, 512, 768>}, {transform_indices = @transform_12, window_bounds = array<i64: 1, 512, 768>}]} {
    %get3A = arith.constant 0 : index
    %get3A_0 = arith.constant 0 : index
    %get3A_1 = arith.constant 0 : index
    %get3A_2 = vector.load %arg1[%get3A, %get3A_0, %get3A_1] : memref<1x512x768xf32, #tpu.memory_space<vmem>>, vector<1x512x768xf32>
    %get3A_3 = vector.shape_cast %get3A_2 : vector<1x512x768xf32> to vector<512x768xf32>
    %get3A_4 = arith.constant 0 : index
    %get3A_5 = arith.constant 0 : index
    %get3A_6 = vector.load %arg2[%get3A_4, %get3A_5] : memref<768x768xf32, #tpu.memory_space<vmem>>, vector<768x768xf32>
    %dot_general3A = arith.constant dense<0.000000e+00> : vector<512x768xf32>
    %dot_general3A_7 = tpu.matmul %get3A_3, %get3A_6, %dot_general3A {dimension_numbers = #tpu.dot_dimension_numbers<[1], [0], [0], [1], [0, 0, 1, 1], [], []>, transpose_lhs_hint = false} : vector<512x768xf32>, vector<768x768xf32>, vector<512x768xf32> -> vector<512x768xf32>
    %get3A_8 = arith.constant 0 : index
    %get3A_9 = arith.constant 0 : index
    %get3A_10 = vector.load %arg3[%get3A_8, %get3A_9] : memref<1x768xf32, #tpu.memory_space<vmem>>, vector<1x768xf32>
    %add3A = vector.broadcast %get3A_10 : vector<1x768xf32> to vector<512x768xf32>
    %add3A_11 = arith.addf %dot_general3A_7, %add3A : vector<512x768xf32>
    %get3A_12 = arith.constant 0 : index
    %get3A_13 = arith.constant 0 : index
    %get3A_14 = vector.load %arg4[%get3A_12, %get3A_13] : memref<768x768xf32, #tpu.memory_space<vmem>>, vector<768x768xf32>
    %dot_general3A_15 = arith.constant dense<0.000000e+00> : vector<512x768xf32>
    %dot_general3A_16 = tpu.matmul %get3A_3, %get3A_14, %dot_general3A_15 {dimension_numbers = #tpu.dot_dimension_numbers<[1], [0], [0], [1], [0, 0, 1, 1], [], []>, transpose_lhs_hint = false} : vector<512x768xf32>, vector<768x768xf32>, vector<512x768xf32> -> vector<512x768xf32>
    %get3A_17 = arith.constant 0 : index
    %get3A_18 = arith.constant 0 : index
    %get3A_19 = vector.load %arg5[%get3A_17, %get3A_18] : memref<1x768xf32, #tpu.memory_space<vmem>>, vector<1x768xf32>
    %add3A_20 = vector.broadcast %get3A_19 : vector<1x768xf32> to vector<512x768xf32>
    %add3A_21 = arith.addf %dot_general3A_16, %add3A_20 : vector<512x768xf32>
    %get3A_22 = arith.constant 0 : index
    %get3A_23 = arith.constant 0 : index
    %get3A_24 = vector.load %arg6[%get3A_22, %get3A_23] : memref<768x768xf32, #tpu.memory_space<vmem>>, vector<768x768xf32>
    %dot_general3A_25 = arith.constant dense<0.000000e+00> : vector<512x768xf32>
    %dot_general3A_26 = tpu.matmul %get3A_3, %get3A_24, %dot_general3A_25 {dimension_numbers = #tpu.dot_dimension_numbers<[1], [0], [0], [1], [0, 0, 1, 1], [], []>, transpose_lhs_hint = false} : vector<512x768xf32>, vector<768x768xf32>, vector<512x768xf32> -> vector<512x768xf32>
    %get3A_27 = arith.constant 0 : index
    %get3A_28 = arith.constant 0 : index
    %get3A_29 = vector.load %arg7[%get3A_27, %get3A_28] : memref<1x768xf32, #tpu.memory_space<vmem>>, vector<1x768xf32>
    %add3A_30 = vector.broadcast %get3A_29 : vector<1x768xf32> to vector<512x768xf32>
    %add3A_31 = arith.addf %dot_general3A_26, %add3A_30 : vector<512x768xf32>
    %mul3A = arith.constant 1.250000e-01 : f32
    %mul3A_32 = vector.broadcast %mul3A : f32 to vector<512x768xf32>
    %mul3A_33 = arith.mulf %add3A_11, %mul3A_32 : vector<512x768xf32>
    %broadcast_in_dim3A = arith.constant 1.000000e+00 : f32
    %broadcast_in_dim3A_34 = vector.broadcast %broadcast_in_dim3A : f32 to vector<512x128xf32>
    %slice3A = vector.extract_strided_slice %mul3A_33 {offsets = [0, 0], sizes = [512, 64], strides = [1, 1]} : vector<512x768xf32> to vector<512x64xf32>
    %slice3A_35 = vector.extract_strided_slice %add3A_21 {offsets = [0, 0], sizes = [512, 64], strides = [1, 1]} : vector<512x768xf32> to vector<512x64xf32>
    %slice3A_36 = vector.extract_strided_slice %add3A_31 {offsets = [0, 0], sizes = [512, 64], strides = [1, 1]} : vector<512x768xf32> to vector<512x64xf32>
    %dot_general3A_37 = arith.constant dense<0.000000e+00> : vector<512x512xf32>
    %dot_general3A_38 = tpu.matmul %slice3A, %slice3A_35, %dot_general3A_37 {dimension_numbers = #tpu.dot_dimension_numbers<[1], [1], [0], [0], [0, 0, 1, 0], [], []>, transpose_lhs_hint = false} : vector<512x64xf32>, vector<512x64xf32>, vector<512x512xf32> -> vector<512x512xf32>
    %exp3A = math.exp %dot_general3A_38 : vector<512x512xf32>
    %dot_general3A_39 = arith.constant dense<0.000000e+00> : vector<512x128xf32>
    %dot_general3A_40 = tpu.matmul %exp3A, %broadcast_in_dim3A_34, %dot_general3A_39 {dimension_numbers = #tpu.dot_dimension_numbers<[1], [0], [0], [1], [0, 0, 1, 1], [], []>, transpose_lhs_hint = false} : vector<512x512xf32>, vector<512x128xf32>, vector<512x128xf32> -> vector<512x128xf32>
    %slice3A_41 = vector.extract_strided_slice %dot_general3A_40 {offsets = [0, 0], sizes = [512, 1], strides = [1, 1]} : vector<512x128xf32> to vector<512x1xf32>
    %dot_general3A_42 = arith.constant dense<0.000000e+00> : vector<512x64xf32>
    %dot_general3A_43 = tpu.matmul %exp3A, %slice3A_36, %dot_general3A_42 {dimension_numbers = #tpu.dot_dimension_numbers<[1], [0], [0], [1], [0, 0, 1, 1], [], []>, transpose_lhs_hint = false} : vector<512x512xf32>, vector<512x64xf32>, vector<512x64xf32> -> vector<512x64xf32>
    %div3A = vector.broadcast %slice3A_41 : vector<512x1xf32> to vector<512x64xf32>
    %div3A_44 = arith.divf %dot_general3A_43, %div3A : vector<512x64xf32>
    %slice3A_45 = vector.extract_strided_slice %mul3A_33 {offsets = [0, 64], sizes = [512, 64], strides = [1, 1]} : vector<512x768xf32> to vector<512x64xf32>
    %slice3A_46 = vector.extract_strided_slice %add3A_21 {offsets = [0, 64], sizes = [512, 64], strides = [1, 1]} : vector<512x768xf32> to vector<512x64xf32>
    %slice3A_47 = vector.extract_strided_slice %add3A_31 {offsets = [0, 64], sizes = [512, 64], strides = [1, 1]} : vector<512x768xf32> to vector<512x64xf32>
    %dot_general3A_48 = arith.constant dense<0.000000e+00> : vector<512x512xf32>
    %dot_general3A_49 = tpu.matmul %slice3A_45, %slice3A_46, %dot_general3A_48 {dimension_numbers = #tpu.dot_dimension_numbers<[1], [1], [0], [0], [0, 0, 1, 0], [], []>, transpose_lhs_hint = false} : vector<512x64xf32>, vector<512x64xf32>, vector<512x512xf32> -> vector<512x512xf32>
    %exp3A_50 = math.exp %dot_general3A_49 : vector<512x512xf32>
    %dot_general3A_51 = arith.constant dense<0.000000e+00> : vector<512x128xf32>
    %dot_general3A_52 = tpu.matmul %exp3A_50, %broadcast_in_dim3A_34, %dot_general3A_51 {dimension_numbers = #tpu.dot_dimension_numbers<[1], [0], [0], [1], [0, 0, 1, 1], [], []>, transpose_lhs_hint = false} : vector<512x512xf32>, vector<512x128xf32>, vector<512x128xf32> -> vector<512x128xf32>
    %slice3A_53 = vector.extract_strided_slice %dot_general3A_52 {offsets = [0, 0], sizes = [512, 1], strides = [1, 1]} : vector<512x128xf32> to vector<512x1xf32>
    %dot_general3A_54 = arith.constant dense<0.000000e+00> : vector<512x64xf32>
    %dot_general3A_55 = tpu.matmul %exp3A_50, %slice3A_47, %dot_general3A_54 {dimension_numbers = #tpu.dot_dimension_numbers<[1], [0], [0], [1], [0, 0, 1, 1], [], []>, transpose_lhs_hint = false} : vector<512x512xf32>, vector<512x64xf32>, vector<512x64xf32> -> vector<512x64xf32>
    %div3A_56 = vector.broadcast %slice3A_53 : vector<512x1xf32> to vector<512x64xf32>
    %div3A_57 = arith.divf %dot_general3A_55, %div3A_56 : vector<512x64xf32>
    %slice3A_58 = vector.extract_strided_slice %mul3A_33 {offsets = [0, 128], sizes = [512, 64], strides = [1, 1]} : vector<512x768xf32> to vector<512x64xf32>
    %slice3A_59 = vector.extract_strided_slice %add3A_21 {offsets = [0, 128], sizes = [512, 64], strides = [1, 1]} : vector<512x768xf32> to vector<512x64xf32>
    %slice3A_60 = vector.extract_strided_slice %add3A_31 {offsets = [0, 128], sizes = [512, 64], strides = [1, 1]} : vector<512x768xf32> to vector<512x64xf32>
    %dot_general3A_61 = arith.constant dense<0.000000e+00> : vector<512x512xf32>
    %dot_general3A_62 = tpu.matmul %slice3A_58, %slice3A_59, %dot_general3A_61 {dimension_numbers = #tpu.dot_dimension_numbers<[1], [1], [0], [0], [0, 0, 1, 0], [], []>, transpose_lhs_hint = false} : vector<512x64xf32>, vector<512x64xf32>, vector<512x512xf32> -> vector<512x512xf32>
    %exp3A_63 = math.exp %dot_general3A_62 : vector<512x512xf32>
    %dot_general3A_64 = arith.constant dense<0.000000e+00> : vector<512x128xf32>
    %dot_general3A_65 = tpu.matmul %exp3A_63, %broadcast_in_dim3A_34, %dot_general3A_64 {dimension_numbers = #tpu.dot_dimension_numbers<[1], [0], [0], [1], [0, 0, 1, 1], [], []>, transpose_lhs_hint = false} : vector<512x512xf32>, vector<512x128xf32>, vector<512x128xf32> -> vector<512x128xf32>
    %slice3A_66 = vector.extract_strided_slice %dot_general3A_65 {offsets = [0, 0], sizes = [512, 1], strides = [1, 1]} : vector<512x128xf32> to vector<512x1xf32>
    %dot_general3A_67 = arith.constant dense<0.000000e+00> : vector<512x64xf32>
    %dot_general3A_68 = tpu.matmul %exp3A_63, %slice3A_60, %dot_general3A_67 {dimension_numbers = #tpu.dot_dimension_numbers<[1], [0], [0], [1], [0, 0, 1, 1], [], []>, transpose_lhs_hint = false} : vector<512x512xf32>, vector<512x64xf32>, vector<512x64xf32> -> vector<512x64xf32>
    %div3A_69 = vector.broadcast %slice3A_66 : vector<512x1xf32> to vector<512x64xf32>
    %div3A_70 = arith.divf %dot_general3A_68, %div3A_69 : vector<512x64xf32>
    %slice3A_71 = vector.extract_strided_slice %mul3A_33 {offsets = [0, 192], sizes = [512, 64], strides = [1, 1]} : vector<512x768xf32> to vector<512x64xf32>
    %slice3A_72 = vector.extract_strided_slice %add3A_21 {offsets = [0, 192], sizes = [512, 64], strides = [1, 1]} : vector<512x768xf32> to vector<512x64xf32>
    %slice3A_73 = vector.extract_strided_slice %add3A_31 {offsets = [0, 192], sizes = [512, 64], strides = [1, 1]} : vector<512x768xf32> to vector<512x64xf32>
    %dot_general3A_74 = arith.constant dense<0.000000e+00> : vector<512x512xf32>
    %dot_general3A_75 = tpu.matmul %slice3A_71, %slice3A_72, %dot_general3A_74 {dimension_numbers = #tpu.dot_dimension_numbers<[1], [1], [0], [0], [0, 0, 1, 0], [], []>, transpose_lhs_hint = false} : vector<512x64xf32>, vector<512x64xf32>, vector<512x512xf32> -> vector<512x512xf32>
    %exp3A_76 = math.exp %dot_general3A_75 : vector<512x512xf32>
    %dot_general3A_77 = arith.constant dense<0.000000e+00> : vector<512x128xf32>
    %dot_general3A_78 = tpu.matmul %exp3A_76, %broadcast_in_dim3A_34, %dot_general3A_77 {dimension_numbers = #tpu.dot_dimension_numbers<[1], [0], [0], [1], [0, 0, 1, 1], [], []>, transpose_lhs_hint = false} : vector<512x512xf32>, vector<512x128xf32>, vector<512x128xf32> -> vector<512x128xf32>
    %slice3A_79 = vector.extract_strided_slice %dot_general3A_78 {offsets = [0, 0], sizes = [512, 1], strides = [1, 1]} : vector<512x128xf32> to vector<512x1xf32>
    %dot_general3A_80 = arith.constant dense<0.000000e+00> : vector<512x64xf32>
    %dot_general3A_81 = tpu.matmul %exp3A_76, %slice3A_73, %dot_general3A_80 {dimension_numbers = #tpu.dot_dimension_numbers<[1], [0], [0], [1], [0, 0, 1, 1], [], []>, transpose_lhs_hint = false} : vector<512x512xf32>, vector<512x64xf32>, vector<512x64xf32> -> vector<512x64xf32>
    %div3A_82 = vector.broadcast %slice3A_79 : vector<512x1xf32> to vector<512x64xf32>
    %div3A_83 = arith.divf %dot_general3A_81, %div3A_82 : vector<512x64xf32>
    %slice3A_84 = vector.extract_strided_slice %mul3A_33 {offsets = [0, 256], sizes = [512, 64], strides = [1, 1]} : vector<512x768xf32> to vector<512x64xf32>
    %slice3A_85 = vector.extract_strided_slice %add3A_21 {offsets = [0, 256], sizes = [512, 64], strides = [1, 1]} : vector<512x768xf32> to vector<512x64xf32>
    %slice3A_86 = vector.extract_strided_slice %add3A_31 {offsets = [0, 256], sizes = [512, 64], strides = [1, 1]} : vector<512x768xf32> to vector<512x64xf32>
    %dot_general3A_87 = arith.constant dense<0.000000e+00> : vector<512x512xf32>
    %dot_general3A_88 = tpu.matmul %slice3A_84, %slice3A_85, %dot_general3A_87 {dimension_numbers = #tpu.dot_dimension_numbers<[1], [1], [0], [0], [0, 0, 1, 0], [], []>, transpose_lhs_hint = false} : vector<512x64xf32>, vector<512x64xf32>, vector<512x512xf32> -> vector<512x512xf32>
    %exp3A_89 = math.exp %dot_general3A_88 : vector<512x512xf32>
    %dot_general3A_90 = arith.constant dense<0.000000e+00> : vector<512x128xf32>
    %dot_general3A_91 = tpu.matmul %exp3A_89, %broadcast_in_dim3A_34, %dot_general3A_90 {dimension_numbers = #tpu.dot_dimension_numbers<[1], [0], [0], [1], [0, 0, 1, 1], [], []>, transpose_lhs_hint = false} : vector<512x512xf32>, vector<512x128xf32>, vector<512x128xf32> -> vector<512x128xf32>
    %slice3A_92 = vector.extract_strided_slice %dot_general3A_91 {offsets = [0, 0], sizes = [512, 1], strides = [1, 1]} : vector<512x128xf32> to vector<512x1xf32>
    %dot_general3A_93 = arith.constant dense<0.000000e+00> : vector<512x64xf32>
    %dot_general3A_94 = tpu.matmul %exp3A_89, %slice3A_86, %dot_general3A_93 {dimension_numbers = #tpu.dot_dimension_numbers<[1], [0], [0], [1], [0, 0, 1, 1], [], []>, transpose_lhs_hint = false} : vector<512x512xf32>, vector<512x64xf32>, vector<512x64xf32> -> vector<512x64xf32>
    %div3A_95 = vector.broadcast %slice3A_92 : vector<512x1xf32> to vector<512x64xf32>
    %div3A_96 = arith.divf %dot_general3A_94, %div3A_95 : vector<512x64xf32>
    %slice3A_97 = vector.extract_strided_slice %mul3A_33 {offsets = [0, 320], sizes = [512, 64], strides = [1, 1]} : vector<512x768xf32> to vector<512x64xf32>
    %slice3A_98 = vector.extract_strided_slice %add3A_21 {offsets = [0, 320], sizes = [512, 64], strides = [1, 1]} : vector<512x768xf32> to vector<512x64xf32>
    %slice3A_99 = vector.extract_strided_slice %add3A_31 {offsets = [0, 320], sizes = [512, 64], strides = [1, 1]} : vector<512x768xf32> to vector<512x64xf32>
    %dot_general3A_100 = arith.constant dense<0.000000e+00> : vector<512x512xf32>
    %dot_general3A_101 = tpu.matmul %slice3A_97, %slice3A_98, %dot_general3A_100 {dimension_numbers = #tpu.dot_dimension_numbers<[1], [1], [0], [0], [0, 0, 1, 0], [], []>, transpose_lhs_hint = false} : vector<512x64xf32>, vector<512x64xf32>, vector<512x512xf32> -> vector<512x512xf32>
    %exp3A_102 = math.exp %dot_general3A_101 : vector<512x512xf32>
    %dot_general3A_103 = arith.constant dense<0.000000e+00> : vector<512x128xf32>
    %dot_general3A_104 = tpu.matmul %exp3A_102, %broadcast_in_dim3A_34, %dot_general3A_103 {dimension_numbers = #tpu.dot_dimension_numbers<[1], [0], [0], [1], [0, 0, 1, 1], [], []>, transpose_lhs_hint = false} : vector<512x512xf32>, vector<512x128xf32>, vector<512x128xf32> -> vector<512x128xf32>
    %slice3A_105 = vector.extract_strided_slice %dot_general3A_104 {offsets = [0, 0], sizes = [512, 1], strides = [1, 1]} : vector<512x128xf32> to vector<512x1xf32>
    %dot_general3A_106 = arith.constant dense<0.000000e+00> : vector<512x64xf32>
    %dot_general3A_107 = tpu.matmul %exp3A_102, %slice3A_99, %dot_general3A_106 {dimension_numbers = #tpu.dot_dimension_numbers<[1], [0], [0], [1], [0, 0, 1, 1], [], []>, transpose_lhs_hint = false} : vector<512x512xf32>, vector<512x64xf32>, vector<512x64xf32> -> vector<512x64xf32>
    %div3A_108 = vector.broadcast %slice3A_105 : vector<512x1xf32> to vector<512x64xf32>
    %div3A_109 = arith.divf %dot_general3A_107, %div3A_108 : vector<512x64xf32>
    %slice3A_110 = vector.extract_strided_slice %mul3A_33 {offsets = [0, 384], sizes = [512, 64], strides = [1, 1]} : vector<512x768xf32> to vector<512x64xf32>
    %slice3A_111 = vector.extract_strided_slice %add3A_21 {offsets = [0, 384], sizes = [512, 64], strides = [1, 1]} : vector<512x768xf32> to vector<512x64xf32>
    %slice3A_112 = vector.extract_strided_slice %add3A_31 {offsets = [0, 384], sizes = [512, 64], strides = [1, 1]} : vector<512x768xf32> to vector<512x64xf32>
    %dot_general3A_113 = arith.constant dense<0.000000e+00> : vector<512x512xf32>
    %dot_general3A_114 = tpu.matmul %slice3A_110, %slice3A_111, %dot_general3A_113 {dimension_numbers = #tpu.dot_dimension_numbers<[1], [1], [0], [0], [0, 0, 1, 0], [], []>, transpose_lhs_hint = false} : vector<512x64xf32>, vector<512x64xf32>, vector<512x512xf32> -> vector<512x512xf32>
    %exp3A_115 = math.exp %dot_general3A_114 : vector<512x512xf32>
    %dot_general3A_116 = arith.constant dense<0.000000e+00> : vector<512x128xf32>
    %dot_general3A_117 = tpu.matmul %exp3A_115, %broadcast_in_dim3A_34, %dot_general3A_116 {dimension_numbers = #tpu.dot_dimension_numbers<[1], [0], [0], [1], [0, 0, 1, 1], [], []>, transpose_lhs_hint = false} : vector<512x512xf32>, vector<512x128xf32>, vector<512x128xf32> -> vector<512x128xf32>
    %slice3A_118 = vector.extract_strided_slice %dot_general3A_117 {offsets = [0, 0], sizes = [512, 1], strides = [1, 1]} : vector<512x128xf32> to vector<512x1xf32>
    %dot_general3A_119 = arith.constant dense<0.000000e+00> : vector<512x64xf32>
    %dot_general3A_120 = tpu.matmul %exp3A_115, %slice3A_112, %dot_general3A_119 {dimension_numbers = #tpu.dot_dimension_numbers<[1], [0], [0], [1], [0, 0, 1, 1], [], []>, transpose_lhs_hint = false} : vector<512x512xf32>, vector<512x64xf32>, vector<512x64xf32> -> vector<512x64xf32>
    %div3A_121 = vector.broadcast %slice3A_118 : vector<512x1xf32> to vector<512x64xf32>
    %div3A_122 = arith.divf %dot_general3A_120, %div3A_121 : vector<512x64xf32>
    %slice3A_123 = vector.extract_strided_slice %mul3A_33 {offsets = [0, 448], sizes = [512, 64], strides = [1, 1]} : vector<512x768xf32> to vector<512x64xf32>
    %slice3A_124 = vector.extract_strided_slice %add3A_21 {offsets = [0, 448], sizes = [512, 64], strides = [1, 1]} : vector<512x768xf32> to vector<512x64xf32>
    %slice3A_125 = vector.extract_strided_slice %add3A_31 {offsets = [0, 448], sizes = [512, 64], strides = [1, 1]} : vector<512x768xf32> to vector<512x64xf32>
    %dot_general3A_126 = arith.constant dense<0.000000e+00> : vector<512x512xf32>
    %dot_general3A_127 = tpu.matmul %slice3A_123, %slice3A_124, %dot_general3A_126 {dimension_numbers = #tpu.dot_dimension_numbers<[1], [1], [0], [0], [0, 0, 1, 0], [], []>, transpose_lhs_hint = false} : vector<512x64xf32>, vector<512x64xf32>, vector<512x512xf32> -> vector<512x512xf32>
    %exp3A_128 = math.exp %dot_general3A_127 : vector<512x512xf32>
    %dot_general3A_129 = arith.constant dense<0.000000e+00> : vector<512x128xf32>
    %dot_general3A_130 = tpu.matmul %exp3A_128, %broadcast_in_dim3A_34, %dot_general3A_129 {dimension_numbers = #tpu.dot_dimension_numbers<[1], [0], [0], [1], [0, 0, 1, 1], [], []>, transpose_lhs_hint = false} : vector<512x512xf32>, vector<512x128xf32>, vector<512x128xf32> -> vector<512x128xf32>
    %slice3A_131 = vector.extract_strided_slice %dot_general3A_130 {offsets = [0, 0], sizes = [512, 1], strides = [1, 1]} : vector<512x128xf32> to vector<512x1xf32>
    %dot_general3A_132 = arith.constant dense<0.000000e+00> : vector<512x64xf32>
    %dot_general3A_133 = tpu.matmul %exp3A_128, %slice3A_125, %dot_general3A_132 {dimension_numbers = #tpu.dot_dimension_numbers<[1], [0], [0], [1], [0, 0, 1, 1], [], []>, transpose_lhs_hint = false} : vector<512x512xf32>, vector<512x64xf32>, vector<512x64xf32> -> vector<512x64xf32>
    %div3A_134 = vector.broadcast %slice3A_131 : vector<512x1xf32> to vector<512x64xf32>
    %div3A_135 = arith.divf %dot_general3A_133, %div3A_134 : vector<512x64xf32>
    %slice3A_136 = vector.extract_strided_slice %mul3A_33 {offsets = [0, 512], sizes = [512, 64], strides = [1, 1]} : vector<512x768xf32> to vector<512x64xf32>
    %slice3A_137 = vector.extract_strided_slice %add3A_21 {offsets = [0, 512], sizes = [512, 64], strides = [1, 1]} : vector<512x768xf32> to vector<512x64xf32>
    %slice3A_138 = vector.extract_strided_slice %add3A_31 {offsets = [0, 512], sizes = [512, 64], strides = [1, 1]} : vector<512x768xf32> to vector<512x64xf32>
    %dot_general3A_139 = arith.constant dense<0.000000e+00> : vector<512x512xf32>
    %dot_general3A_140 = tpu.matmul %slice3A_136, %slice3A_137, %dot_general3A_139 {dimension_numbers = #tpu.dot_dimension_numbers<[1], [1], [0], [0], [0, 0, 1, 0], [], []>, transpose_lhs_hint = false} : vector<512x64xf32>, vector<512x64xf32>, vector<512x512xf32> -> vector<512x512xf32>
    %exp3A_141 = math.exp %dot_general3A_140 : vector<512x512xf32>
    %dot_general3A_142 = arith.constant dense<0.000000e+00> : vector<512x128xf32>
    %dot_general3A_143 = tpu.matmul %exp3A_141, %broadcast_in_dim3A_34, %dot_general3A_142 {dimension_numbers = #tpu.dot_dimension_numbers<[1], [0], [0], [1], [0, 0, 1, 1], [], []>, transpose_lhs_hint = false} : vector<512x512xf32>, vector<512x128xf32>, vector<512x128xf32> -> vector<512x128xf32>
    %slice3A_144 = vector.extract_strided_slice %dot_general3A_143 {offsets = [0, 0], sizes = [512, 1], strides = [1, 1]} : vector<512x128xf32> to vector<512x1xf32>
    %dot_general3A_145 = arith.constant dense<0.000000e+00> : vector<512x64xf32>
    %dot_general3A_146 = tpu.matmul %exp3A_141, %slice3A_138, %dot_general3A_145 {dimension_numbers = #tpu.dot_dimension_numbers<[1], [0], [0], [1], [0, 0, 1, 1], [], []>, transpose_lhs_hint = false} : vector<512x512xf32>, vector<512x64xf32>, vector<512x64xf32> -> vector<512x64xf32>
    %div3A_147 = vector.broadcast %slice3A_144 : vector<512x1xf32> to vector<512x64xf32>
    %div3A_148 = arith.divf %dot_general3A_146, %div3A_147 : vector<512x64xf32>
    %slice3A_149 = vector.extract_strided_slice %mul3A_33 {offsets = [0, 576], sizes = [512, 64], strides = [1, 1]} : vector<512x768xf32> to vector<512x64xf32>
    %slice3A_150 = vector.extract_strided_slice %add3A_21 {offsets = [0, 576], sizes = [512, 64], strides = [1, 1]} : vector<512x768xf32> to vector<512x64xf32>
    %slice3A_151 = vector.extract_strided_slice %add3A_31 {offsets = [0, 576], sizes = [512, 64], strides = [1, 1]} : vector<512x768xf32> to vector<512x64xf32>
    %dot_general3A_152 = arith.constant dense<0.000000e+00> : vector<512x512xf32>
    %dot_general3A_153 = tpu.matmul %slice3A_149, %slice3A_150, %dot_general3A_152 {dimension_numbers = #tpu.dot_dimension_numbers<[1], [1], [0], [0], [0, 0, 1, 0], [], []>, transpose_lhs_hint = false} : vector<512x64xf32>, vector<512x64xf32>, vector<512x512xf32> -> vector<512x512xf32>
    %exp3A_154 = math.exp %dot_general3A_153 : vector<512x512xf32>
    %dot_general3A_155 = arith.constant dense<0.000000e+00> : vector<512x128xf32>
    %dot_general3A_156 = tpu.matmul %exp3A_154, %broadcast_in_dim3A_34, %dot_general3A_155 {dimension_numbers = #tpu.dot_dimension_numbers<[1], [0], [0], [1], [0, 0, 1, 1], [], []>, transpose_lhs_hint = false} : vector<512x512xf32>, vector<512x128xf32>, vector<512x128xf32> -> vector<512x128xf32>
    %slice3A_157 = vector.extract_strided_slice %dot_general3A_156 {offsets = [0, 0], sizes = [512, 1], strides = [1, 1]} : vector<512x128xf32> to vector<512x1xf32>
    %dot_general3A_158 = arith.constant dense<0.000000e+00> : vector<512x64xf32>
    %dot_general3A_159 = tpu.matmul %exp3A_154, %slice3A_151, %dot_general3A_158 {dimension_numbers = #tpu.dot_dimension_numbers<[1], [0], [0], [1], [0, 0, 1, 1], [], []>, transpose_lhs_hint = false} : vector<512x512xf32>, vector<512x64xf32>, vector<512x64xf32> -> vector<512x64xf32>
    %div3A_160 = vector.broadcast %slice3A_157 : vector<512x1xf32> to vector<512x64xf32>
    %div3A_161 = arith.divf %dot_general3A_159, %div3A_160 : vector<512x64xf32>
    %slice3A_162 = vector.extract_strided_slice %mul3A_33 {offsets = [0, 640], sizes = [512, 64], strides = [1, 1]} : vector<512x768xf32> to vector<512x64xf32>
    %slice3A_163 = vector.extract_strided_slice %add3A_21 {offsets = [0, 640], sizes = [512, 64], strides = [1, 1]} : vector<512x768xf32> to vector<512x64xf32>
    %slice3A_164 = vector.extract_strided_slice %add3A_31 {offsets = [0, 640], sizes = [512, 64], strides = [1, 1]} : vector<512x768xf32> to vector<512x64xf32>
    %dot_general3A_165 = arith.constant dense<0.000000e+00> : vector<512x512xf32>
    %dot_general3A_166 = tpu.matmul %slice3A_162, %slice3A_163, %dot_general3A_165 {dimension_numbers = #tpu.dot_dimension_numbers<[1], [1], [0], [0], [0, 0, 1, 0], [], []>, transpose_lhs_hint = false} : vector<512x64xf32>, vector<512x64xf32>, vector<512x512xf32> -> vector<512x512xf32>
    %exp3A_167 = math.exp %dot_general3A_166 : vector<512x512xf32>
    %dot_general3A_168 = arith.constant dense<0.000000e+00> : vector<512x128xf32>
    %dot_general3A_169 = tpu.matmul %exp3A_167, %broadcast_in_dim3A_34, %dot_general3A_168 {dimension_numbers = #tpu.dot_dimension_numbers<[1], [0], [0], [1], [0, 0, 1, 1], [], []>, transpose_lhs_hint = false} : vector<512x512xf32>, vector<512x128xf32>, vector<512x128xf32> -> vector<512x128xf32>
    %slice3A_170 = vector.extract_strided_slice %dot_general3A_169 {offsets = [0, 0], sizes = [512, 1], strides = [1, 1]} : vector<512x128xf32> to vector<512x1xf32>
    %dot_general3A_171 = arith.constant dense<0.000000e+00> : vector<512x64xf32>
    %dot_general3A_172 = tpu.matmul %exp3A_167, %slice3A_164, %dot_general3A_171 {dimension_numbers = #tpu.dot_dimension_numbers<[1], [0], [0], [1], [0, 0, 1, 1], [], []>, transpose_lhs_hint = false} : vector<512x512xf32>, vector<512x64xf32>, vector<512x64xf32> -> vector<512x64xf32>
    %div3A_173 = vector.broadcast %slice3A_170 : vector<512x1xf32> to vector<512x64xf32>
    %div3A_174 = arith.divf %dot_general3A_172, %div3A_173 : vector<512x64xf32>
    %slice3A_175 = vector.extract_strided_slice %mul3A_33 {offsets = [0, 704], sizes = [512, 64], strides = [1, 1]} : vector<512x768xf32> to vector<512x64xf32>
    %slice3A_176 = vector.extract_strided_slice %add3A_21 {offsets = [0, 704], sizes = [512, 64], strides = [1, 1]} : vector<512x768xf32> to vector<512x64xf32>
    %slice3A_177 = vector.extract_strided_slice %add3A_31 {offsets = [0, 704], sizes = [512, 64], strides = [1, 1]} : vector<512x768xf32> to vector<512x64xf32>
    %dot_general3A_178 = arith.constant dense<0.000000e+00> : vector<512x512xf32>
    %dot_general3A_179 = tpu.matmul %slice3A_175, %slice3A_176, %dot_general3A_178 {dimension_numbers = #tpu.dot_dimension_numbers<[1], [1], [0], [0], [0, 0, 1, 0], [], []>, transpose_lhs_hint = false} : vector<512x64xf32>, vector<512x64xf32>, vector<512x512xf32> -> vector<512x512xf32>
    %exp3A_180 = math.exp %dot_general3A_179 : vector<512x512xf32>
    %dot_general3A_181 = arith.constant dense<0.000000e+00> : vector<512x128xf32>
    %dot_general3A_182 = tpu.matmul %exp3A_180, %broadcast_in_dim3A_34, %dot_general3A_181 {dimension_numbers = #tpu.dot_dimension_numbers<[1], [0], [0], [1], [0, 0, 1, 1], [], []>, transpose_lhs_hint = false} : vector<512x512xf32>, vector<512x128xf32>, vector<512x128xf32> -> vector<512x128xf32>
    %slice3A_183 = vector.extract_strided_slice %dot_general3A_182 {offsets = [0, 0], sizes = [512, 1], strides = [1, 1]} : vector<512x128xf32> to vector<512x1xf32>
    %dot_general3A_184 = arith.constant dense<0.000000e+00> : vector<512x64xf32>
    %dot_general3A_185 = tpu.matmul %exp3A_180, %slice3A_177, %dot_general3A_184 {dimension_numbers = #tpu.dot_dimension_numbers<[1], [0], [0], [1], [0, 0, 1, 1], [], []>, transpose_lhs_hint = false} : vector<512x512xf32>, vector<512x64xf32>, vector<512x64xf32> -> vector<512x64xf32>
    %div3A_186 = vector.broadcast %slice3A_183 : vector<512x1xf32> to vector<512x64xf32>
    %div3A_187 = arith.divf %dot_general3A_185, %div3A_186 : vector<512x64xf32>
    %concatenate3A = tpu.concatenate %div3A_44, %div3A_57, %div3A_70, %div3A_83, %div3A_96, %div3A_109, %div3A_122, %div3A_135, %div3A_148, %div3A_161, %div3A_174, %div3A_187 in 1 : vector<512x64xf32>, vector<512x64xf32>, vector<512x64xf32>, vector<512x64xf32>, vector<512x64xf32>, vector<512x64xf32>, vector<512x64xf32>, vector<512x64xf32>, vector<512x64xf32>, vector<512x64xf32>, vector<512x64xf32>, vector<512x64xf32> -> vector<512x768xf32>
    %get3A_188 = arith.constant 0 : index
    %get3A_189 = arith.constant 0 : index
    %get3A_190 = vector.load %arg8[%get3A_188, %get3A_189] : memref<768x768xf32, #tpu.memory_space<vmem>>, vector<768x768xf32>
    %dot_general3A_191 = arith.constant dense<0.000000e+00> : vector<512x768xf32>
    %dot_general3A_192 = tpu.matmul %concatenate3A, %get3A_190, %dot_general3A_191 {dimension_numbers = #tpu.dot_dimension_numbers<[1], [0], [0], [1], [0, 0, 1, 1], [], []>, transpose_lhs_hint = false} : vector<512x768xf32>, vector<768x768xf32>, vector<512x768xf32> -> vector<512x768xf32>
    %get3A_193 = arith.constant 0 : index
    %get3A_194 = arith.constant 0 : index
    %get3A_195 = vector.load %arg9[%get3A_193, %get3A_194] : memref<1x768xf32, #tpu.memory_space<vmem>>, vector<1x768xf32>
    %add3A_196 = vector.broadcast %get3A_195 : vector<1x768xf32> to vector<512x768xf32>
    %add3A_197 = arith.addf %dot_general3A_192, %add3A_196 : vector<512x768xf32>
    %add3A_198 = arith.addf %get3A_3, %add3A_197 : vector<512x768xf32>
    %get3A_199 = arith.constant 0 : index
    %get3A_200 = arith.constant 0 : index
    %get3A_201 = vector.load %arg10[%get3A_199, %get3A_200] : memref<1x768xf32, #tpu.memory_space<vmem>>, vector<1x768xf32>
    %get3A_202 = arith.constant 0 : index
    %get3A_203 = arith.constant 0 : index
    %get3A_204 = vector.load %arg11[%get3A_202, %get3A_203] : memref<1x768xf32, #tpu.memory_space<vmem>>, vector<1x768xf32>
    %reduce_sum3A = arith.constant dense<0.000000e+00> : vector<512xf32>
    %reduce_sum3A_205 = vector.multi_reduction <add>, %add3A_198, %reduce_sum3A [1] : vector<512x768xf32> to vector<512xf32>
    %broadcast_in_dim3A_206 = vector.shape_cast %reduce_sum3A_205 : vector<512xf32> to vector<512x1xf32>
    %div3A_207 = arith.constant 7.680000e+02 : f32
    %div3A_208 = vector.broadcast %div3A_207 : f32 to vector<512x1xf32>
    %div3A_209 = arith.divf %broadcast_in_dim3A_206, %div3A_208 : vector<512x1xf32>
    %sub3A = vector.broadcast %div3A_209 : vector<512x1xf32> to vector<512x768xf32>
    %sub3A_210 = arith.subf %add3A_198, %sub3A : vector<512x768xf32>
    %integer_pow3A = arith.mulf %sub3A_210, %sub3A_210 : vector<512x768xf32>
    %reduce_sum3A_211 = arith.constant dense<0.000000e+00> : vector<512xf32>
    %reduce_sum3A_212 = vector.multi_reduction <add>, %integer_pow3A, %reduce_sum3A_211 [1] : vector<512x768xf32> to vector<512xf32>
    %broadcast_in_dim3A_213 = vector.shape_cast %reduce_sum3A_212 : vector<512xf32> to vector<512x1xf32>
    %div3A_214 = arith.constant 7.680000e+02 : f32
    %div3A_215 = vector.broadcast %div3A_214 : f32 to vector<512x1xf32>
    %div3A_216 = arith.divf %broadcast_in_dim3A_213, %div3A_215 : vector<512x1xf32>
    %sub3A_217 = vector.broadcast %div3A_209 : vector<512x1xf32> to vector<512x768xf32>
    %sub3A_218 = arith.subf %add3A_198, %sub3A_217 : vector<512x768xf32>
    %add3A_219 = arith.constant 9.99999974E-6 : f32
    %add3A_220 = vector.broadcast %add3A_219 : f32 to vector<512x1xf32>
    %add3A_221 = arith.addf %div3A_216, %add3A_220 : vector<512x1xf32>
    %sqrt3A = math.sqrt %add3A_221 : vector<512x1xf32>
    %div3A_222 = vector.broadcast %sqrt3A : vector<512x1xf32> to vector<512x768xf32>
    %div3A_223 = arith.divf %sub3A_218, %div3A_222 : vector<512x768xf32>
    %mul3A_224 = vector.broadcast %get3A_201 : vector<1x768xf32> to vector<512x768xf32>
    %mul3A_225 = arith.mulf %div3A_223, %mul3A_224 : vector<512x768xf32>
    %add3A_226 = vector.broadcast %get3A_204 : vector<1x768xf32> to vector<512x768xf32>
    %add3A_227 = arith.addf %mul3A_225, %add3A_226 : vector<512x768xf32>
    %swap3A = arith.constant 0 : index
    %swap3A_228 = arith.constant 0 : index
    %swap3A_229 = arith.constant 0 : index
    %swap3A_230 = vector.load %arg12[%swap3A, %swap3A_228, %swap3A_229] : memref<1x512x768xf32, #tpu.memory_space<vmem>>, vector<1x512x768xf32>
    %swap3A_231 = vector.shape_cast %swap3A_230 : vector<1x512x768xf32> to vector<512x768xf32>
    %swap3A_232 = vector.shape_cast %add3A_227 : vector<512x768xf32> to vector<1x512x768xf32>
    tpu.vector_store %arg12[%swap3A, %swap3A_228, %swap3A_229], %swap3A_232 {strides = array<i32>} : memref<1x512x768xf32, #tpu.memory_space<vmem>>, vector<1x512x768xf32>,
    %mul3A_233 = arith.mulf %add3A_227, %add3A_227 : vector<512x768xf32>
    %reduce_sum3A_234 = arith.constant dense<0.000000e+00> : vector<512xf32>
    %reduce_sum3A_235 = vector.multi_reduction <add>, %mul3A_233, %reduce_sum3A_234 [1] : vector<512x768xf32> to vector<512xf32>
    %broadcast_in_dim3A_236 = vector.shape_cast %reduce_sum3A_235 : vector<512xf32> to vector<512x1xf32>
    %sqrt3A_237 = math.sqrt %broadcast_in_dim3A_236 : vector<512x1xf32>
    %max3A = arith.constant 9.99999996E-13 : f32
    %max3A_238 = vector.broadcast %max3A : f32 to vector<512x1xf32>
    %max3A_239 = arith.maximumf %sqrt3A_237, %max3A_238 : vector<512x1xf32>
    %div3A_240 = vector.broadcast %max3A_239 : vector<512x1xf32> to vector<512x768xf32>
    %div3A_241 = arith.divf %add3A_227, %div3A_240 : vector<512x768xf32>
    %swap3A_242 = arith.constant 0 : index
    %swap3A_243 = arith.constant 0 : index
    %swap3A_244 = arith.constant 0 : index
    %swap3A_245 = vector.load %arg13[%swap3A_242, %swap3A_243, %swap3A_244] : memref<1x512x768xf32, #tpu.memory_space<vmem>>, vector<1x512x768xf32>
    %swap3A_246 = vector.shape_cast %swap3A_245 : vector<1x512x768xf32> to vector<512x768xf32>
    %swap3A_247 = vector.shape_cast %div3A_241 : vector<512x768xf32> to vector<1x512x768xf32>
    tpu.vector_store %arg13[%swap3A_242, %swap3A_243, %swap3A_244], %swap3A_247 {strides = array<i32>} : memref<1x512x768xf32, #tpu.memory_space<vmem>>, vector<1x512x768xf32>,
    return
  }
  func.func @transform_0(%arg0: i32) -> (i32, i32, i32) {
    %c0_i32 = arith.constant 0 : i32
    %c0_i32_0 = arith.constant 0 : i32
    %c0_i32_1 = arith.constant 0 : i32
    return %arg0, %c0_i32, %c0_i32_0 : i32, i32, i32
  }
  func.func @transform_1(%arg0: i32) -> (i32, i32) {
    %c0_i32 = arith.constant 0 : i32
    %c0_i32_0 = arith.constant 0 : i32
    %c0_i32_1 = arith.constant 0 : i32
    return %c0_i32, %c0_i32_0 : i32, i32
  }
  func.func @transform_2(%arg0: i32) -> (i32, i32) {
    %c0_i32 = arith.constant 0 : i32
    %c0_i32_0 = arith.constant 0 : i32
    %c0_i32_1 = arith.constant 0 : i32
    return %c0_i32, %c0_i32_0 : i32, i32
  }
  func.func @transform_3(%arg0: i32) -> (i32, i32) {
    %c0_i32 = arith.constant 0 : i32
    %c0_i32_0 = arith.constant 0 : i32
    %c0_i32_1 = arith.constant 0 : i32
    return %c0_i32, %c0_i32_0 : i32, i32
  }
  func.func @transform_4(%arg0: i32) -> (i32, i32) {
    %c0_i32 = arith.constant 0 : i32
    %c0_i32_0 = arith.constant 0 : i32
    %c0_i32_1 = arith.constant 0 : i32
    return %c0_i32, %c0_i32_0 : i32, i32
  }
  func.func @transform_5(%arg0: i32) -> (i32, i32) {
    %c0_i32 = arith.constant 0 : i32
    %c0_i32_0 = arith.constant 0 : i32
    %c0_i32_1 = arith.constant 0 : i32
    return %c0_i32, %c0_i32_0 : i32, i32
  }
  func.func @transform_6(%arg0: i32) -> (i32, i32) {
    %c0_i32 = arith.constant 0 : i32
    %c0_i32_0 = arith.constant 0 : i32
    %c0_i32_1 = arith.constant 0 : i32
    return %c0_i32, %c0_i32_0 : i32, i32
  }
  func.func @transform_7(%arg0: i32) -> (i32, i32) {
    %c0_i32 = arith.constant 0 : i32
    %c0_i32_0 = arith.constant 0 : i32
    %c0_i32_1 = arith.constant 0 : i32
    return %c0_i32, %c0_i32_0 : i32, i32
  }
  func.func @transform_8(%arg0: i32) -> (i32, i32) {
    %c0_i32 = arith.constant 0 : i32
    %c0_i32_0 = arith.constant 0 : i32
    %c0_i32_1 = arith.constant 0 : i32
    return %c0_i32, %c0_i32_0 : i32, i32
  }
  func.func @transform_9(%arg0: i32) -> (i32, i32) {
    %c0_i32 = arith.constant 0 : i32
    %c0_i32_0 = arith.constant 0 : i32
    %c0_i32_1 = arith.constant 0 : i32
    return %c0_i32, %c0_i32_0 : i32, i32
  }
  func.func @transform_10(%arg0: i32) -> (i32, i32) {
    %c0_i32 = arith.constant 0 : i32
    %c0_i32_0 = arith.constant 0 : i32
    %c0_i32_1 = arith.constant 0 : i32
    return %c0_i32, %c0_i32_0 : i32, i32
  }
  func.func @transform_11(%arg0: i32) -> (i32, i32, i32) {
    %c0_i32 = arith.constant 0 : i32
    %c0_i32_0 = arith.constant 0 : i32
    %c0_i32_1 = arith.constant 0 : i32
    return %arg0, %c0_i32, %c0_i32_0 : i32, i32, i32
  }
  func.func @transform_12(%arg0: i32) -> (i32, i32, i32) {
    %c0_i32 = arith.constant 0 : i32
    %c0_i32_0 = arith.constant 0 : i32
    %c0_i32_1 = arith.constant 0 : i32
    return %arg0, %c0_i32, %c0_i32_0 : i32, i32, i32
  }
}

module attributes {stable_mosaic.version = 14 : i64} {
  func.func @_sims_body(%arg0: i32, %arg1: i32, %arg2: memref<1x512x768xf32, #tpu.memory_space<vmem>>, %arg3: memref<2048x768xf32, #tpu.memory_space<vmem>>, %arg4: memref<1x512x2048xf32, #tpu.memory_space<vmem>>) attributes {dimension_semantics = [#tpu.dimension_semantics<arbitrary>, #tpu.dimension_semantics<arbitrary>], iteration_bounds = array<i64: 2, 8>, scalar_prefetch = 0 : i64, scratch_operands = 0 : i64, tpu.core_type = #tpu.core_type<tc>, window_params = [{transform_indices = @transform_0, window_bounds = array<i64: 1, 512, 768>}, {transform_indices = @transform_1, window_bounds = array<i64: 2048, 768>}, {transform_indices = @transform_2, window_bounds = array<i64: 1, 512, 2048>}]} {
    %get3A = arith.constant 0 : index
    %get3A_0 = arith.constant 0 : index
    %get3A_1 = arith.constant 0 : index
    %get3A_2 = vector.load %arg2[%get3A, %get3A_0, %get3A_1] : memref<1x512x768xf32, #tpu.memory_space<vmem>>, vector<1x512x768xf32>
    %get3A_3 = vector.shape_cast %get3A_2 : vector<1x512x768xf32> to vector<512x768xf32>
    %get3A_4 = arith.constant 0 : index
    %get3A_5 = arith.constant 0 : index
    %get3A_6 = vector.load %arg3[%get3A_4, %get3A_5] : memref<2048x768xf32, #tpu.memory_space<vmem>>, vector<2048x768xf32>
    %mul3A = arith.mulf %get3A_6, %get3A_6 : vector<2048x768xf32>
    %reduce_sum3A = arith.constant dense<0.000000e+00> : vector<2048xf32>
    %reduce_sum3A_7 = vector.multi_reduction <add>, %mul3A, %reduce_sum3A [1] : vector<2048x768xf32> to vector<2048xf32>
    %broadcast_in_dim3A = vector.shape_cast %reduce_sum3A_7 : vector<2048xf32> to vector<2048x1xf32>
    %sqrt3A = math.sqrt %broadcast_in_dim3A : vector<2048x1xf32>
    %max3A = arith.constant 9.99999996E-13 : f32
    %max3A_8 = vector.broadcast %max3A : f32 to vector<2048x1xf32>
    %max3A_9 = arith.maximumf %sqrt3A, %max3A_8 : vector<2048x1xf32>
    %div3A = vector.broadcast %max3A_9 : vector<2048x1xf32> to vector<2048x768xf32>
    %div3A_10 = arith.divf %get3A_6, %div3A : vector<2048x768xf32>
    %convert_element_type3A = arith.truncf %div3A_10 : vector<2048x768xf32> to vector<2048x768xbf16>
    %convert_element_type3A_11 = arith.truncf %get3A_3 : vector<512x768xf32> to vector<512x768xbf16>
    %dot_general3A = arith.constant dense<0.000000e+00> : vector<512x2048xf32>
    %dot_general3A_12 = tpu.matmul %convert_element_type3A_11, %convert_element_type3A, %dot_general3A {dimension_numbers = #tpu.dot_dimension_numbers<[1], [1], [0], [0], [0, 0, 1, 0], [], []>, transpose_lhs_hint = false} : vector<512x768xbf16>, vector<2048x768xbf16>, vector<512x2048xf32> -> vector<512x2048xf32>
    %swap3A = arith.constant 0 : index
    %swap3A_13 = arith.constant 0 : index
    %swap3A_14 = arith.constant 0 : index
    %swap3A_15 = vector.load %arg4[%swap3A, %swap3A_13, %swap3A_14] : memref<1x512x2048xf32, #tpu.memory_space<vmem>>, vector<1x512x2048xf32>
    %swap3A_16 = vector.shape_cast %swap3A_15 : vector<1x512x2048xf32> to vector<512x2048xf32>
    %swap3A_17 = vector.shape_cast %dot_general3A_12 : vector<512x2048xf32> to vector<1x512x2048xf32>
    tpu.vector_store %arg4[%swap3A, %swap3A_13, %swap3A_14], %swap3A_17 {strides = array<i32>} : memref<1x512x2048xf32, #tpu.memory_space<vmem>>, vector<1x512x2048xf32>,
    return
  }
  func.func @transform_0(%arg0: i32, %arg1: i32) -> (i32, i32, i32) {
    %c0_i32 = arith.constant 0 : i32
    %c0_i32_0 = arith.constant 0 : i32
    %c0_i32_1 = arith.constant 0 : i32
    return %arg0, %c0_i32, %c0_i32_0 : i32, i32, i32
  }
  func.func @transform_1(%arg0: i32, %arg1: i32) -> (i32, i32) {
    %c0_i32 = arith.constant 0 : i32
    %c0_i32_0 = arith.constant 0 : i32
    return %arg1, %c0_i32 : i32, i32
  }
  func.func @transform_2(%arg0: i32, %arg1: i32) -> (i32, i32, i32) {
    %c0_i32 = arith.constant 0 : i32
    %c0_i32_0 = arith.constant 0 : i32
    return %arg0, %c0_i32, %arg1 : i32, i32, i32
  }
}

module attributes {stable_mosaic.version = 14 : i64} {
  func.func @_kv_body(%arg0: i32, %arg1: i32, %arg2: memref<1x2048x768xf32, #tpu.memory_space<vmem>>, %arg3: memref<768x768xf32, #tpu.memory_space<vmem>>, %arg4: memref<1x768xf32, #tpu.memory_space<vmem>>, %arg5: memref<768x768xf32, #tpu.memory_space<vmem>>, %arg6: memref<1x768xf32, #tpu.memory_space<vmem>>, %arg7: memref<1x2048x768xbf16, #tpu.memory_space<vmem>>, %arg8: memref<1x2048x768xbf16, #tpu.memory_space<vmem>>) attributes {dimension_semantics = [#tpu.dimension_semantics<arbitrary>, #tpu.dimension_semantics<arbitrary>], iteration_bounds = array<i64: 2, 4>, scalar_prefetch = 0 : i64, scratch_operands = 0 : i64, tpu.core_type = #tpu.core_type<tc>, window_params = [{transform_indices = @transform_0, window_bounds = array<i64: 1, 2048, 768>}, {pipeline_mode = #tpu.pipeline_mode<synchronous>, transform_indices = @transform_1, window_bounds = array<i64: 768, 768>}, {pipeline_mode = #tpu.pipeline_mode<synchronous>, transform_indices = @transform_2, window_bounds = array<i64: 1, 768>}, {pipeline_mode = #tpu.pipeline_mode<synchronous>, transform_indices = @transform_3, window_bounds = array<i64: 768, 768>}, {pipeline_mode = #tpu.pipeline_mode<synchronous>, transform_indices = @transform_4, window_bounds = array<i64: 1, 768>}, {transform_indices = @transform_5, window_bounds = array<i64: 1, 2048, 768>}, {transform_indices = @transform_6, window_bounds = array<i64: 1, 2048, 768>}]} {
    %get3A = arith.constant 0 : index
    %get3A_0 = arith.constant 0 : index
    %get3A_1 = arith.constant 0 : index
    %get3A_2 = vector.load %arg2[%get3A, %get3A_0, %get3A_1] : memref<1x2048x768xf32, #tpu.memory_space<vmem>>, vector<1x2048x768xf32>
    %get3A_3 = vector.shape_cast %get3A_2 : vector<1x2048x768xf32> to vector<2048x768xf32>
    %convert_element_type3A = arith.truncf %get3A_3 : vector<2048x768xf32> to vector<2048x768xbf16>
    %get3A_4 = arith.constant 0 : index
    %get3A_5 = arith.constant 0 : index
    %get3A_6 = vector.load %arg3[%get3A_4, %get3A_5] : memref<768x768xf32, #tpu.memory_space<vmem>>, vector<768x768xf32>
    %convert_element_type3A_7 = arith.truncf %get3A_6 : vector<768x768xf32> to vector<768x768xbf16>
    %dot_general3A = arith.constant dense<0.000000e+00> : vector<2048x768xf32>
    %dot_general3A_8 = tpu.matmul %convert_element_type3A, %convert_element_type3A_7, %dot_general3A {dimension_numbers = #tpu.dot_dimension_numbers<[1], [0], [0], [1], [0, 0, 1, 1], [], []>, transpose_lhs_hint = false} : vector<2048x768xbf16>, vector<768x768xbf16>, vector<2048x768xf32> -> vector<2048x768xf32>
    %get3A_9 = arith.constant 0 : index
    %get3A_10 = arith.constant 0 : index
    %get3A_11 = vector.load %arg4[%get3A_9, %get3A_10] : memref<1x768xf32, #tpu.memory_space<vmem>>, vector<1x768xf32>
    %add3A = vector.broadcast %get3A_11 : vector<1x768xf32> to vector<2048x768xf32>
    %add3A_12 = arith.addf %dot_general3A_8, %add3A : vector<2048x768xf32>
    %get3A_13 = arith.constant 0 : index
    %get3A_14 = arith.constant 0 : index
    %get3A_15 = vector.load %arg5[%get3A_13, %get3A_14] : memref<768x768xf32, #tpu.memory_space<vmem>>, vector<768x768xf32>
    %convert_element_type3A_16 = arith.truncf %get3A_15 : vector<768x768xf32> to vector<768x768xbf16>
    %dot_general3A_17 = arith.constant dense<0.000000e+00> : vector<2048x768xf32>
    %dot_general3A_18 = tpu.matmul %convert_element_type3A, %convert_element_type3A_16, %dot_general3A_17 {dimension_numbers = #tpu.dot_dimension_numbers<[1], [0], [0], [1], [0, 0, 1, 1], [], []>, transpose_lhs_hint = false} : vector<2048x768xbf16>, vector<768x768xbf16>, vector<2048x768xf32> -> vector<2048x768xf32>
    %get3A_19 = arith.constant 0 : index
    %get3A_20 = arith.constant 0 : index
    %get3A_21 = vector.load %arg6[%get3A_19, %get3A_20] : memref<1x768xf32, #tpu.memory_space<vmem>>, vector<1x768xf32>
    %add3A_22 = vector.broadcast %get3A_21 : vector<1x768xf32> to vector<2048x768xf32>
    %add3A_23 = arith.addf %dot_general3A_18, %add3A_22 : vector<2048x768xf32>
    %convert_element_type3A_24 = arith.truncf %add3A_12 : vector<2048x768xf32> to vector<2048x768xbf16>
    %swap3A = arith.constant 0 : index
    %swap3A_25 = arith.constant 0 : index
    %swap3A_26 = arith.constant 0 : index
    %swap3A_27 = vector.load %arg7[%swap3A, %swap3A_25, %swap3A_26] : memref<1x2048x768xbf16, #tpu.memory_space<vmem>>, vector<1x2048x768xbf16>
    %swap3A_28 = vector.shape_cast %swap3A_27 : vector<1x2048x768xbf16> to vector<2048x768xbf16>
    %swap3A_29 = vector.shape_cast %convert_element_type3A_24 : vector<2048x768xbf16> to vector<1x2048x768xbf16>
    tpu.vector_store %arg7[%swap3A, %swap3A_25, %swap3A_26], %swap3A_29 {strides = array<i32>} : memref<1x2048x768xbf16, #tpu.memory_space<vmem>>, vector<1x2048x768xbf16>,
    %convert_element_type3A_30 = arith.truncf %add3A_23 : vector<2048x768xf32> to vector<2048x768xbf16>
    %swap3A_31 = arith.constant 0 : index
    %swap3A_32 = arith.constant 0 : index
    %swap3A_33 = arith.constant 0 : index
    %swap3A_34 = vector.load %arg8[%swap3A_31, %swap3A_32, %swap3A_33] : memref<1x2048x768xbf16, #tpu.memory_space<vmem>>, vector<1x2048x768xbf16>
    %swap3A_35 = vector.shape_cast %swap3A_34 : vector<1x2048x768xbf16> to vector<2048x768xbf16>
    %swap3A_36 = vector.shape_cast %convert_element_type3A_30 : vector<2048x768xbf16> to vector<1x2048x768xbf16>
    tpu.vector_store %arg8[%swap3A_31, %swap3A_32, %swap3A_33], %swap3A_36 {strides = array<i32>} : memref<1x2048x768xbf16, #tpu.memory_space<vmem>>, vector<1x2048x768xbf16>,
    return
  }
  func.func @transform_0(%arg0: i32, %arg1: i32) -> (i32, i32, i32) {
    %c0_i32 = arith.constant 0 : i32
    %c0_i32_0 = arith.constant 0 : i32
    return %arg0, %arg1, %c0_i32 : i32, i32, i32
  }
  func.func @transform_1(%arg0: i32, %arg1: i32) -> (i32, i32) {
    %c0_i32 = arith.constant 0 : i32
    %c0_i32_0 = arith.constant 0 : i32
    %c0_i32_1 = arith.constant 0 : i32
    return %c0_i32, %c0_i32_0 : i32, i32
  }
  func.func @transform_2(%arg0: i32, %arg1: i32) -> (i32, i32) {
    %c0_i32 = arith.constant 0 : i32
    %c0_i32_0 = arith.constant 0 : i32
    %c0_i32_1 = arith.constant 0 : i32
    return %c0_i32, %c0_i32_0 : i32, i32
  }
  func.func @transform_3(%arg0: i32, %arg1: i32) -> (i32, i32) {
    %c0_i32 = arith.constant 0 : i32
    %c0_i32_0 = arith.constant 0 : i32
    %c0_i32_1 = arith.constant 0 : i32
    return %c0_i32, %c0_i32_0 : i32, i32
  }
  func.func @transform_4(%arg0: i32, %arg1: i32) -> (i32, i32) {
    %c0_i32 = arith.constant 0 : i32
    %c0_i32_0 = arith.constant 0 : i32
    %c0_i32_1 = arith.constant 0 : i32
    return %c0_i32, %c0_i32_0 : i32, i32
  }
  func.func @transform_5(%arg0: i32, %arg1: i32) -> (i32, i32, i32) {
    %c0_i32 = arith.constant 0 : i32
    %c0_i32_0 = arith.constant 0 : i32
    return %arg0, %arg1, %c0_i32 : i32, i32, i32
  }
  func.func @transform_6(%arg0: i32, %arg1: i32) -> (i32, i32, i32) {
    %c0_i32 = arith.constant 0 : i32
    %c0_i32_0 = arith.constant 0 : i32
    return %arg0, %arg1, %c0_i32 : i32, i32, i32
  }
}

module attributes {stable_mosaic.version = 14 : i64} {
  func.func @_xattn_body(%arg0: i32, %arg1: i32, %arg2: memref<1x512x768xf32, #tpu.memory_space<vmem>>, %arg3: memref<768x128xf32, #tpu.memory_space<vmem>>, %arg4: memref<1x128xf32, #tpu.memory_space<vmem>>, %arg5: memref<1x8192x128xbf16, #tpu.memory_space<vmem>>, %arg6: memref<1x8192x128xbf16, #tpu.memory_space<vmem>>, %arg7: memref<128x768xf32, #tpu.memory_space<vmem>>, %arg8: memref<1x768xf32, #tpu.memory_space<vmem>>, %arg9: memref<1x768xf32, #tpu.memory_space<vmem>>, %arg10: memref<1x768xf32, #tpu.memory_space<vmem>>, %arg11: memref<1x512x768xf32, #tpu.memory_space<vmem>>) attributes {dimension_semantics = [#tpu.dimension_semantics<arbitrary>, #tpu.dimension_semantics<arbitrary>], iteration_bounds = array<i64: 2, 6>, scalar_prefetch = 0 : i64, scratch_operands = 0 : i64, tpu.core_type = #tpu.core_type<tc>, window_params = [{transform_indices = @transform_0, window_bounds = array<i64: 1, 512, 768>}, {transform_indices = @transform_1, window_bounds = array<i64: 768, 128>}, {transform_indices = @transform_2, window_bounds = array<i64: 1, 128>}, {transform_indices = @transform_3, window_bounds = array<i64: 1, 8192, 128>}, {transform_indices = @transform_4, window_bounds = array<i64: 1, 8192, 128>}, {transform_indices = @transform_5, window_bounds = array<i64: 128, 768>}, {pipeline_mode = #tpu.pipeline_mode<synchronous>, transform_indices = @transform_6, window_bounds = array<i64: 1, 768>}, {pipeline_mode = #tpu.pipeline_mode<synchronous>, transform_indices = @transform_7, window_bounds = array<i64: 1, 768>}, {pipeline_mode = #tpu.pipeline_mode<synchronous>, transform_indices = @transform_8, window_bounds = array<i64: 1, 768>}, {transform_indices = @transform_9, window_bounds = array<i64: 1, 512, 768>}]} {
    %get3A = arith.constant 0 : index
    %get3A_0 = arith.constant 0 : index
    %get3A_1 = arith.constant 0 : index
    %get3A_2 = vector.load %arg2[%get3A, %get3A_0, %get3A_1] : memref<1x512x768xf32, #tpu.memory_space<vmem>>, vector<1x512x768xf32>
    %get3A_3 = vector.shape_cast %get3A_2 : vector<1x512x768xf32> to vector<512x768xf32>
    %get3A_4 = arith.constant 0 : index
    %get3A_5 = arith.constant 0 : index
    %get3A_6 = vector.load %arg3[%get3A_4, %get3A_5] : memref<768x128xf32, #tpu.memory_space<vmem>>, vector<768x128xf32>
    %dot_general3A = arith.constant dense<0.000000e+00> : vector<512x128xf32>
    %dot_general3A_7 = tpu.matmul %get3A_3, %get3A_6, %dot_general3A {dimension_numbers = #tpu.dot_dimension_numbers<[1], [0], [0], [1], [0, 0, 1, 1], [], []>, transpose_lhs_hint = false} : vector<512x768xf32>, vector<768x128xf32>, vector<512x128xf32> -> vector<512x128xf32>
    %get3A_8 = arith.constant 0 : index
    %get3A_9 = arith.constant 0 : index
    %get3A_10 = vector.load %arg4[%get3A_8, %get3A_9] : memref<1x128xf32, #tpu.memory_space<vmem>>, vector<1x128xf32>
    %add3A = vector.broadcast %get3A_10 : vector<1x128xf32> to vector<512x128xf32>
    %add3A_11 = arith.addf %dot_general3A_7, %add3A : vector<512x128xf32>
    %get3A_12 = arith.constant 0 : index
    %get3A_13 = arith.constant 0 : index
    %get3A_14 = arith.constant 0 : index
    %get3A_15 = vector.load %arg5[%get3A_12, %get3A_13, %get3A_14] : memref<1x8192x128xbf16, #tpu.memory_space<vmem>>, vector<1x8192x128xbf16>
    %get3A_16 = vector.shape_cast %get3A_15 : vector<1x8192x128xbf16> to vector<8192x128xbf16>
    %get3A_17 = arith.constant 0 : index
    %get3A_18 = arith.constant 0 : index
    %get3A_19 = arith.constant 0 : index
    %get3A_20 = vector.load %arg6[%get3A_17, %get3A_18, %get3A_19] : memref<1x8192x128xbf16, #tpu.memory_space<vmem>>, vector<1x8192x128xbf16>
    %get3A_21 = vector.shape_cast %get3A_20 : vector<1x8192x128xbf16> to vector<8192x128xbf16>
    %mul3A = arith.constant 1.250000e-01 : f32
    %mul3A_22 = vector.broadcast %mul3A : f32 to vector<512x128xf32>
    %mul3A_23 = arith.mulf %add3A_11, %mul3A_22 : vector<512x128xf32>
    %convert_element_type3A = arith.truncf %mul3A_23 : vector<512x128xf32> to vector<512x128xbf16>
    %broadcast_in_dim3A = arith.constant 1.000000e+00 : bf16
    %broadcast_in_dim3A_24 = vector.broadcast %broadcast_in_dim3A : bf16 to vector<8192x128xbf16>
    %slice3A = vector.extract_strided_slice %convert_element_type3A {offsets = [0, 0], sizes = [512, 64], strides = [1, 1]} : vector<512x128xbf16> to vector<512x64xbf16>
    %slice3A_25 = vector.extract_strided_slice %get3A_16 {offsets = [0, 0], sizes = [8192, 64], strides = [1, 1]} : vector<8192x128xbf16> to vector<8192x64xbf16>
    %dot_general3A_26 = arith.constant dense<0.000000e+00> : vector<512x8192xf32>
    %dot_general3A_27 = tpu.matmul %slice3A, %slice3A_25, %dot_general3A_26 {dimension_numbers = #tpu.dot_dimension_numbers<[1], [1], [0], [0], [0, 0, 1, 0], [], []>, transpose_lhs_hint = false} : vector<512x64xbf16>, vector<8192x64xbf16>, vector<512x8192xf32> -> vector<512x8192xf32>
    %exp3A = math.exp %dot_general3A_27 : vector<512x8192xf32>
    %convert_element_type3A_28 = arith.truncf %exp3A : vector<512x8192xf32> to vector<512x8192xbf16>
    %dot_general3A_29 = arith.constant dense<0.000000e+00> : vector<512x128xf32>
    %dot_general3A_30 = tpu.matmul %convert_element_type3A_28, %broadcast_in_dim3A_24, %dot_general3A_29 {dimension_numbers = #tpu.dot_dimension_numbers<[1], [0], [0], [1], [0, 0, 1, 1], [], []>, transpose_lhs_hint = false} : vector<512x8192xbf16>, vector<8192x128xbf16>, vector<512x128xf32> -> vector<512x128xf32>
    %slice3A_31 = vector.extract_strided_slice %dot_general3A_30 {offsets = [0, 0], sizes = [512, 1], strides = [1, 1]} : vector<512x128xf32> to vector<512x1xf32>
    %slice3A_32 = vector.extract_strided_slice %get3A_21 {offsets = [0, 0], sizes = [8192, 64], strides = [1, 1]} : vector<8192x128xbf16> to vector<8192x64xbf16>
    %dot_general3A_33 = arith.constant dense<0.000000e+00> : vector<512x64xf32>
    %dot_general3A_34 = tpu.matmul %convert_element_type3A_28, %slice3A_32, %dot_general3A_33 {dimension_numbers = #tpu.dot_dimension_numbers<[1], [0], [0], [1], [0, 0, 1, 1], [], []>, transpose_lhs_hint = false} : vector<512x8192xbf16>, vector<8192x64xbf16>, vector<512x64xf32> -> vector<512x64xf32>
    %div3A = vector.broadcast %slice3A_31 : vector<512x1xf32> to vector<512x64xf32>
    %div3A_35 = arith.divf %dot_general3A_34, %div3A : vector<512x64xf32>
    %slice3A_36 = vector.extract_strided_slice %convert_element_type3A {offsets = [0, 64], sizes = [512, 64], strides = [1, 1]} : vector<512x128xbf16> to vector<512x64xbf16>
    %slice3A_37 = vector.extract_strided_slice %get3A_16 {offsets = [0, 64], sizes = [8192, 64], strides = [1, 1]} : vector<8192x128xbf16> to vector<8192x64xbf16>
    %dot_general3A_38 = arith.constant dense<0.000000e+00> : vector<512x8192xf32>
    %dot_general3A_39 = tpu.matmul %slice3A_36, %slice3A_37, %dot_general3A_38 {dimension_numbers = #tpu.dot_dimension_numbers<[1], [1], [0], [0], [0, 0, 1, 0], [], []>, transpose_lhs_hint = false} : vector<512x64xbf16>, vector<8192x64xbf16>, vector<512x8192xf32> -> vector<512x8192xf32>
    %exp3A_40 = math.exp %dot_general3A_39 : vector<512x8192xf32>
    %convert_element_type3A_41 = arith.truncf %exp3A_40 : vector<512x8192xf32> to vector<512x8192xbf16>
    %dot_general3A_42 = arith.constant dense<0.000000e+00> : vector<512x128xf32>
    %dot_general3A_43 = tpu.matmul %convert_element_type3A_41, %broadcast_in_dim3A_24, %dot_general3A_42 {dimension_numbers = #tpu.dot_dimension_numbers<[1], [0], [0], [1], [0, 0, 1, 1], [], []>, transpose_lhs_hint = false} : vector<512x8192xbf16>, vector<8192x128xbf16>, vector<512x128xf32> -> vector<512x128xf32>
    %slice3A_44 = vector.extract_strided_slice %dot_general3A_43 {offsets = [0, 0], sizes = [512, 1], strides = [1, 1]} : vector<512x128xf32> to vector<512x1xf32>
    %slice3A_45 = vector.extract_strided_slice %get3A_21 {offsets = [0, 64], sizes = [8192, 64], strides = [1, 1]} : vector<8192x128xbf16> to vector<8192x64xbf16>
    %dot_general3A_46 = arith.constant dense<0.000000e+00> : vector<512x64xf32>
    %dot_general3A_47 = tpu.matmul %convert_element_type3A_41, %slice3A_45, %dot_general3A_46 {dimension_numbers = #tpu.dot_dimension_numbers<[1], [0], [0], [1], [0, 0, 1, 1], [], []>, transpose_lhs_hint = false} : vector<512x8192xbf16>, vector<8192x64xbf16>, vector<512x64xf32> -> vector<512x64xf32>
    %div3A_48 = vector.broadcast %slice3A_44 : vector<512x1xf32> to vector<512x64xf32>
    %div3A_49 = arith.divf %dot_general3A_47, %div3A_48 : vector<512x64xf32>
    %concatenate3A = tpu.concatenate %div3A_35, %div3A_49 in 1 : vector<512x64xf32>, vector<512x64xf32> -> vector<512x128xf32>
    %get3A_50 = arith.constant 0 : index
    %get3A_51 = arith.constant 0 : index
    %get3A_52 = vector.load %arg7[%get3A_50, %get3A_51] : memref<128x768xf32, #tpu.memory_space<vmem>>, vector<128x768xf32>
    %dot_general3A_53 = arith.constant dense<0.000000e+00> : vector<512x768xf32>
    %dot_general3A_54 = tpu.matmul %concatenate3A, %get3A_52, %dot_general3A_53 {dimension_numbers = #tpu.dot_dimension_numbers<[1], [0], [0], [1], [0, 0, 1, 1], [], []>, transpose_lhs_hint = false} : vector<512x128xf32>, vector<128x768xf32>, vector<512x768xf32> -> vector<512x768xf32>
    %eq3A = arith.constant 0 : i32
    %eq3A_55 = arith.cmpi eq, %arg1, %eq3A : i32
    %convert_element_type3A_56 = arith.extui %eq3A_55 : i1 to i32
    %cond3A = arith.constant 0 : i32
    %cond3A_57 = arith.cmpi ne, %convert_element_type3A_56, %cond3A : i32
    scf.if %cond3A_57 {
      %swap3A = arith.constant 0 : index
      %swap3A_67 = arith.constant 0 : index
      %swap3A_68 = arith.constant 0 : index
      %swap3A_69 = vector.load %arg11[%swap3A, %swap3A_67, %swap3A_68] : memref<1x512x768xf32, #tpu.memory_space<vmem>>, vector<1x512x768xf32>
      %swap3A_70 = vector.shape_cast %swap3A_69 : vector<1x512x768xf32> to vector<512x768xf32>
      %swap3A_71 = vector.shape_cast %dot_general3A_54 : vector<512x768xf32> to vector<1x512x768xf32>
      tpu.vector_store %arg11[%swap3A, %swap3A_67, %swap3A_68], %swap3A_71 {strides = array<i32>} : memref<1x512x768xf32, #tpu.memory_space<vmem>>, vector<1x512x768xf32>,
    } else {
    }
    %gt3A = arith.constant 0 : i32
    %gt3A_58 = arith.cmpi sgt, %arg1, %gt3A : i32
    %convert_element_type3A_59 = arith.extui %gt3A_58 : i1 to i32
    %cond3A_60 = arith.constant 0 : i32
    %cond3A_61 = arith.cmpi ne, %convert_element_type3A_59, %cond3A_60 : i32
    scf.if %cond3A_61 {
      %get3A_67 = arith.constant 0 : index
      %get3A_68 = arith.constant 0 : index
      %get3A_69 = arith.constant 0 : index
      %get3A_70 = vector.load %arg11[%get3A_67, %get3A_68, %get3A_69] : memref<1x512x768xf32, #tpu.memory_space<vmem>>, vector<1x512x768xf32>
      %get3A_71 = vector.shape_cast %get3A_70 : vector<1x512x768xf32> to vector<512x768xf32>
      %add3A_72 = arith.addf %get3A_71, %dot_general3A_54 : vector<512x768xf32>
      %swap3A = arith.constant 0 : index
      %swap3A_73 = arith.constant 0 : index
      %swap3A_74 = arith.constant 0 : index
      %swap3A_75 = vector.load %arg11[%swap3A, %swap3A_73, %swap3A_74] : memref<1x512x768xf32, #tpu.memory_space<vmem>>, vector<1x512x768xf32>
      %swap3A_76 = vector.shape_cast %swap3A_75 : vector<1x512x768xf32> to vector<512x768xf32>
      %swap3A_77 = vector.shape_cast %add3A_72 : vector<512x768xf32> to vector<1x512x768xf32>
      tpu.vector_store %arg11[%swap3A, %swap3A_73, %swap3A_74], %swap3A_77 {strides = array<i32>} : memref<1x512x768xf32, #tpu.memory_space<vmem>>, vector<1x512x768xf32>,
    } else {
    }
    %eq3A_62 = arith.constant 5 : i32
    %eq3A_63 = arith.cmpi eq, %arg1, %eq3A_62 : i32
    %convert_element_type3A_64 = arith.extui %eq3A_63 : i1 to i32
    %cond3A_65 = arith.constant 0 : i32
    %cond3A_66 = arith.cmpi ne, %convert_element_type3A_64, %cond3A_65 : i32
    scf.if %cond3A_66 {
      %get3A_67 = arith.constant 0 : index
      %get3A_68 = arith.constant 0 : index
      %get3A_69 = arith.constant 0 : index
      %get3A_70 = vector.load %arg11[%get3A_67, %get3A_68, %get3A_69] : memref<1x512x768xf32, #tpu.memory_space<vmem>>, vector<1x512x768xf32>
      %get3A_71 = vector.shape_cast %get3A_70 : vector<1x512x768xf32> to vector<512x768xf32>
      %get3A_72 = arith.constant 0 : index
      %get3A_73 = arith.constant 0 : index
      %get3A_74 = vector.load %arg8[%get3A_72, %get3A_73] : memref<1x768xf32, #tpu.memory_space<vmem>>, vector<1x768xf32>
      %add3A_75 = vector.broadcast %get3A_74 : vector<1x768xf32> to vector<512x768xf32>
      %add3A_76 = arith.addf %get3A_71, %add3A_75 : vector<512x768xf32>
      %add3A_77 = arith.addf %add3A_76, %get3A_3 : vector<512x768xf32>
      %get3A_78 = arith.constant 0 : index
      %get3A_79 = arith.constant 0 : index
      %get3A_80 = vector.load %arg9[%get3A_78, %get3A_79] : memref<1x768xf32, #tpu.memory_space<vmem>>, vector<1x768xf32>
      %get3A_81 = arith.constant 0 : index
      %get3A_82 = arith.constant 0 : index
      %get3A_83 = vector.load %arg10[%get3A_81, %get3A_82] : memref<1x768xf32, #tpu.memory_space<vmem>>, vector<1x768xf32>
      %reduce_sum3A = arith.constant dense<0.000000e+00> : vector<512xf32>
      %reduce_sum3A_84 = vector.multi_reduction <add>, %add3A_77, %reduce_sum3A [1] : vector<512x768xf32> to vector<512xf32>
      %broadcast_in_dim3A_85 = vector.shape_cast %reduce_sum3A_84 : vector<512xf32> to vector<512x1xf32>
      %div3A_86 = arith.constant 7.680000e+02 : f32
      %div3A_87 = vector.broadcast %div3A_86 : f32 to vector<512x1xf32>
      %div3A_88 = arith.divf %broadcast_in_dim3A_85, %div3A_87 : vector<512x1xf32>
      %sub3A = vector.broadcast %div3A_88 : vector<512x1xf32> to vector<512x768xf32>
      %sub3A_89 = arith.subf %add3A_77, %sub3A : vector<512x768xf32>
      %integer_pow3A = arith.mulf %sub3A_89, %sub3A_89 : vector<512x768xf32>
      %reduce_sum3A_90 = arith.constant dense<0.000000e+00> : vector<512xf32>
      %reduce_sum3A_91 = vector.multi_reduction <add>, %integer_pow3A, %reduce_sum3A_90 [1] : vector<512x768xf32> to vector<512xf32>
      %broadcast_in_dim3A_92 = vector.shape_cast %reduce_sum3A_91 : vector<512xf32> to vector<512x1xf32>
      %div3A_93 = arith.constant 7.680000e+02 : f32
      %div3A_94 = vector.broadcast %div3A_93 : f32 to vector<512x1xf32>
      %div3A_95 = arith.divf %broadcast_in_dim3A_92, %div3A_94 : vector<512x1xf32>
      %sub3A_96 = vector.broadcast %div3A_88 : vector<512x1xf32> to vector<512x768xf32>
      %sub3A_97 = arith.subf %add3A_77, %sub3A_96 : vector<512x768xf32>
      %add3A_98 = arith.constant 9.99999974E-6 : f32
      %add3A_99 = vector.broadcast %add3A_98 : f32 to vector<512x1xf32>
      %add3A_100 = arith.addf %div3A_95, %add3A_99 : vector<512x1xf32>
      %sqrt3A = math.sqrt %add3A_100 : vector<512x1xf32>
      %div3A_101 = vector.broadcast %sqrt3A : vector<512x1xf32> to vector<512x768xf32>
      %div3A_102 = arith.divf %sub3A_97, %div3A_101 : vector<512x768xf32>
      %mul3A_103 = vector.broadcast %get3A_80 : vector<1x768xf32> to vector<512x768xf32>
      %mul3A_104 = arith.mulf %div3A_102, %mul3A_103 : vector<512x768xf32>
      %add3A_105 = vector.broadcast %get3A_83 : vector<1x768xf32> to vector<512x768xf32>
      %add3A_106 = arith.addf %mul3A_104, %add3A_105 : vector<512x768xf32>
      %swap3A = arith.constant 0 : index
      %swap3A_107 = arith.constant 0 : index
      %swap3A_108 = arith.constant 0 : index
      %swap3A_109 = vector.load %arg11[%swap3A, %swap3A_107, %swap3A_108] : memref<1x512x768xf32, #tpu.memory_space<vmem>>, vector<1x512x768xf32>
      %swap3A_110 = vector.shape_cast %swap3A_109 : vector<1x512x768xf32> to vector<512x768xf32>
      %swap3A_111 = vector.shape_cast %add3A_106 : vector<512x768xf32> to vector<1x512x768xf32>
      tpu.vector_store %arg11[%swap3A, %swap3A_107, %swap3A_108], %swap3A_111 {strides = array<i32>} : memref<1x512x768xf32, #tpu.memory_space<vmem>>, vector<1x512x768xf32>,
    } else {
    }
    return
  }
  func.func @transform_0(%arg0: i32, %arg1: i32) -> (i32, i32, i32) {
    %c0_i32 = arith.constant 0 : i32
    %c0_i32_0 = arith.constant 0 : i32
    %c0_i32_1 = arith.constant 0 : i32
    return %arg0, %c0_i32, %c0_i32_0 : i32, i32, i32
  }
  func.func @transform_1(%arg0: i32, %arg1: i32) -> (i32, i32) {
    %c0_i32 = arith.constant 0 : i32
    %c0_i32_0 = arith.constant 0 : i32
    return %c0_i32, %arg1 : i32, i32
  }
  func.func @transform_2(%arg0: i32, %arg1: i32) -> (i32, i32) {
    %c0_i32 = arith.constant 0 : i32
    %c0_i32_0 = arith.constant 0 : i32
    return %c0_i32, %arg1 : i32, i32
  }
  func.func @transform_3(%arg0: i32, %arg1: i32) -> (i32, i32, i32) {
    %c0_i32 = arith.constant 0 : i32
    %c0_i32_0 = arith.constant 0 : i32
    return %arg0, %c0_i32, %arg1 : i32, i32, i32
  }
  func.func @transform_4(%arg0: i32, %arg1: i32) -> (i32, i32, i32) {
    %c0_i32 = arith.constant 0 : i32
    %c0_i32_0 = arith.constant 0 : i32
    return %arg0, %c0_i32, %arg1 : i32, i32, i32
  }
  func.func @transform_5(%arg0: i32, %arg1: i32) -> (i32, i32) {
    %c0_i32 = arith.constant 0 : i32
    %c0_i32_0 = arith.constant 0 : i32
    return %arg1, %c0_i32 : i32, i32
  }
  func.func @transform_6(%arg0: i32, %arg1: i32) -> (i32, i32) {
    %c0_i32 = arith.constant 0 : i32
    %c0_i32_0 = arith.constant 0 : i32
    %c0_i32_1 = arith.constant 0 : i32
    return %c0_i32, %c0_i32_0 : i32, i32
  }
  func.func @transform_7(%arg0: i32, %arg1: i32) -> (i32, i32) {
    %c0_i32 = arith.constant 0 : i32
    %c0_i32_0 = arith.constant 0 : i32
    %c0_i32_1 = arith.constant 0 : i32
    return %c0_i32, %c0_i32_0 : i32, i32
  }
  func.func @transform_8(%arg0: i32, %arg1: i32) -> (i32, i32) {
    %c0_i32 = arith.constant 0 : i32
    %c0_i32_0 = arith.constant 0 : i32
    %c0_i32_1 = arith.constant 0 : i32
    return %c0_i32, %c0_i32_0 : i32, i32
  }
  func.func @transform_9(%arg0: i32, %arg1: i32) -> (i32, i32, i32) {
    %c0_i32 = arith.constant 0 : i32
    %c0_i32_0 = arith.constant 0 : i32
    %c0_i32_1 = arith.constant 0 : i32
    return %arg0, %c0_i32, %c0_i32_0 : i32, i32, i32
  }
}

module attributes {stable_mosaic.version = 14 : i64} {
  func.func @_ffn_body(%arg0: i32, %arg1: memref<1x512x768xf32, #tpu.memory_space<vmem>>, %arg2: memref<768x3072xf32, #tpu.memory_space<vmem>>, %arg3: memref<1x3072xf32, #tpu.memory_space<vmem>>, %arg4: memref<3072x768xf32, #tpu.memory_space<vmem>>, %arg5: memref<1x768xf32, #tpu.memory_space<vmem>>, %arg6: memref<1x768xf32, #tpu.memory_space<vmem>>, %arg7: memref<1x768xf32, #tpu.memory_space<vmem>>, %arg8: memref<1x512x768xf32, #tpu.memory_space<vmem>>) attributes {dimension_semantics = [#tpu.dimension_semantics<arbitrary>], iteration_bounds = array<i64: 2>, scalar_prefetch = 0 : i64, scratch_operands = 0 : i64, tpu.core_type = #tpu.core_type<tc>, window_params = [{transform_indices = @transform_0, window_bounds = array<i64: 1, 512, 768>}, {pipeline_mode = #tpu.pipeline_mode<synchronous>, transform_indices = @transform_1, window_bounds = array<i64: 768, 3072>}, {pipeline_mode = #tpu.pipeline_mode<synchronous>, transform_indices = @transform_2, window_bounds = array<i64: 1, 3072>}, {pipeline_mode = #tpu.pipeline_mode<synchronous>, transform_indices = @transform_3, window_bounds = array<i64: 3072, 768>}, {pipeline_mode = #tpu.pipeline_mode<synchronous>, transform_indices = @transform_4, window_bounds = array<i64: 1, 768>}, {pipeline_mode = #tpu.pipeline_mode<synchronous>, transform_indices = @transform_5, window_bounds = array<i64: 1, 768>}, {pipeline_mode = #tpu.pipeline_mode<synchronous>, transform_indices = @transform_6, window_bounds = array<i64: 1, 768>}, {transform_indices = @transform_7, window_bounds = array<i64: 1, 512, 768>}]} {
    %get3A = arith.constant 0 : index
    %get3A_0 = arith.constant 0 : index
    %get3A_1 = arith.constant 0 : index
    %get3A_2 = vector.load %arg1[%get3A, %get3A_0, %get3A_1] : memref<1x512x768xf32, #tpu.memory_space<vmem>>, vector<1x512x768xf32>
    %get3A_3 = vector.shape_cast %get3A_2 : vector<1x512x768xf32> to vector<512x768xf32>
    %convert_element_type3A = arith.truncf %get3A_3 : vector<512x768xf32> to vector<512x768xbf16>
    %get3A_4 = arith.constant 0 : index
    %get3A_5 = arith.constant 0 : index
    %get3A_6 = vector.load %arg2[%get3A_4, %get3A_5] : memref<768x3072xf32, #tpu.memory_space<vmem>>, vector<768x3072xf32>
    %convert_element_type3A_7 = arith.truncf %get3A_6 : vector<768x3072xf32> to vector<768x3072xbf16>
    %dot_general3A = arith.constant dense<0.000000e+00> : vector<512x3072xf32>
    %dot_general3A_8 = tpu.matmul %convert_element_type3A, %convert_element_type3A_7, %dot_general3A {dimension_numbers = #tpu.dot_dimension_numbers<[1], [0], [0], [1], [0, 0, 1, 1], [], []>, transpose_lhs_hint = false} : vector<512x768xbf16>, vector<768x3072xbf16>, vector<512x3072xf32> -> vector<512x3072xf32>
    %get3A_9 = arith.constant 0 : index
    %get3A_10 = arith.constant 0 : index
    %get3A_11 = vector.load %arg3[%get3A_9, %get3A_10] : memref<1x3072xf32, #tpu.memory_space<vmem>>, vector<1x3072xf32>
    %add3A = vector.broadcast %get3A_11 : vector<1x3072xf32> to vector<512x3072xf32>
    %add3A_12 = arith.addf %dot_general3A_8, %add3A : vector<512x3072xf32>
    %mul3A = arith.constant 5.000000e-01 : f32
    %mul3A_13 = vector.broadcast %mul3A : f32 to vector<512x3072xf32>
    %mul3A_14 = arith.mulf %mul3A_13, %add3A_12 : vector<512x3072xf32>
    %mul3A_15 = arith.constant 0.707106769 : f32
    %mul3A_16 = vector.broadcast %mul3A_15 : f32 to vector<512x3072xf32>
    %mul3A_17 = arith.mulf %add3A_12, %mul3A_16 : vector<512x3072xf32>
    %erf3A = math.erf %mul3A_17 : vector<512x3072xf32>
    %add3A_18 = arith.constant 1.000000e+00 : f32
    %add3A_19 = vector.broadcast %add3A_18 : f32 to vector<512x3072xf32>
    %add3A_20 = arith.addf %add3A_19, %erf3A : vector<512x3072xf32>
    %mul3A_21 = arith.mulf %mul3A_14, %add3A_20 : vector<512x3072xf32>
    %convert_element_type3A_22 = arith.truncf %mul3A_21 : vector<512x3072xf32> to vector<512x3072xbf16>
    %get3A_23 = arith.constant 0 : index
    %get3A_24 = arith.constant 0 : index
    %get3A_25 = vector.load %arg4[%get3A_23, %get3A_24] : memref<3072x768xf32, #tpu.memory_space<vmem>>, vector<3072x768xf32>
    %convert_element_type3A_26 = arith.truncf %get3A_25 : vector<3072x768xf32> to vector<3072x768xbf16>
    %dot_general3A_27 = arith.constant dense<0.000000e+00> : vector<512x768xf32>
    %dot_general3A_28 = tpu.matmul %convert_element_type3A_22, %convert_element_type3A_26, %dot_general3A_27 {dimension_numbers = #tpu.dot_dimension_numbers<[1], [0], [0], [1], [0, 0, 1, 1], [], []>, transpose_lhs_hint = false} : vector<512x3072xbf16>, vector<3072x768xbf16>, vector<512x768xf32> -> vector<512x768xf32>
    %get3A_29 = arith.constant 0 : index
    %get3A_30 = arith.constant 0 : index
    %get3A_31 = vector.load %arg5[%get3A_29, %get3A_30] : memref<1x768xf32, #tpu.memory_space<vmem>>, vector<1x768xf32>
    %add3A_32 = vector.broadcast %get3A_31 : vector<1x768xf32> to vector<512x768xf32>
    %add3A_33 = arith.addf %dot_general3A_28, %add3A_32 : vector<512x768xf32>
    %add3A_34 = arith.addf %get3A_3, %add3A_33 : vector<512x768xf32>
    %get3A_35 = arith.constant 0 : index
    %get3A_36 = arith.constant 0 : index
    %get3A_37 = vector.load %arg6[%get3A_35, %get3A_36] : memref<1x768xf32, #tpu.memory_space<vmem>>, vector<1x768xf32>
    %get3A_38 = arith.constant 0 : index
    %get3A_39 = arith.constant 0 : index
    %get3A_40 = vector.load %arg7[%get3A_38, %get3A_39] : memref<1x768xf32, #tpu.memory_space<vmem>>, vector<1x768xf32>
    %reduce_sum3A = arith.constant dense<0.000000e+00> : vector<512xf32>
    %reduce_sum3A_41 = vector.multi_reduction <add>, %add3A_34, %reduce_sum3A [1] : vector<512x768xf32> to vector<512xf32>
    %broadcast_in_dim3A = vector.shape_cast %reduce_sum3A_41 : vector<512xf32> to vector<512x1xf32>
    %div3A = arith.constant 7.680000e+02 : f32
    %div3A_42 = vector.broadcast %div3A : f32 to vector<512x1xf32>
    %div3A_43 = arith.divf %broadcast_in_dim3A, %div3A_42 : vector<512x1xf32>
    %sub3A = vector.broadcast %div3A_43 : vector<512x1xf32> to vector<512x768xf32>
    %sub3A_44 = arith.subf %add3A_34, %sub3A : vector<512x768xf32>
    %integer_pow3A = arith.mulf %sub3A_44, %sub3A_44 : vector<512x768xf32>
    %reduce_sum3A_45 = arith.constant dense<0.000000e+00> : vector<512xf32>
    %reduce_sum3A_46 = vector.multi_reduction <add>, %integer_pow3A, %reduce_sum3A_45 [1] : vector<512x768xf32> to vector<512xf32>
    %broadcast_in_dim3A_47 = vector.shape_cast %reduce_sum3A_46 : vector<512xf32> to vector<512x1xf32>
    %div3A_48 = arith.constant 7.680000e+02 : f32
    %div3A_49 = vector.broadcast %div3A_48 : f32 to vector<512x1xf32>
    %div3A_50 = arith.divf %broadcast_in_dim3A_47, %div3A_49 : vector<512x1xf32>
    %sub3A_51 = vector.broadcast %div3A_43 : vector<512x1xf32> to vector<512x768xf32>
    %sub3A_52 = arith.subf %add3A_34, %sub3A_51 : vector<512x768xf32>
    %add3A_53 = arith.constant 9.99999974E-6 : f32
    %add3A_54 = vector.broadcast %add3A_53 : f32 to vector<512x1xf32>
    %add3A_55 = arith.addf %div3A_50, %add3A_54 : vector<512x1xf32>
    %sqrt3A = math.sqrt %add3A_55 : vector<512x1xf32>
    %div3A_56 = vector.broadcast %sqrt3A : vector<512x1xf32> to vector<512x768xf32>
    %div3A_57 = arith.divf %sub3A_52, %div3A_56 : vector<512x768xf32>
    %mul3A_58 = vector.broadcast %get3A_37 : vector<1x768xf32> to vector<512x768xf32>
    %mul3A_59 = arith.mulf %div3A_57, %mul3A_58 : vector<512x768xf32>
    %add3A_60 = vector.broadcast %get3A_40 : vector<1x768xf32> to vector<512x768xf32>
    %add3A_61 = arith.addf %mul3A_59, %add3A_60 : vector<512x768xf32>
    %swap3A = arith.constant 0 : index
    %swap3A_62 = arith.constant 0 : index
    %swap3A_63 = arith.constant 0 : index
    %swap3A_64 = vector.load %arg8[%swap3A, %swap3A_62, %swap3A_63] : memref<1x512x768xf32, #tpu.memory_space<vmem>>, vector<1x512x768xf32>
    %swap3A_65 = vector.shape_cast %swap3A_64 : vector<1x512x768xf32> to vector<512x768xf32>
    %swap3A_66 = vector.shape_cast %add3A_61 : vector<512x768xf32> to vector<1x512x768xf32>
    tpu.vector_store %arg8[%swap3A, %swap3A_62, %swap3A_63], %swap3A_66 {strides = array<i32>} : memref<1x512x768xf32, #tpu.memory_space<vmem>>, vector<1x512x768xf32>,
    return
  }
  func.func @transform_0(%arg0: i32) -> (i32, i32, i32) {
    %c0_i32 = arith.constant 0 : i32
    %c0_i32_0 = arith.constant 0 : i32
    %c0_i32_1 = arith.constant 0 : i32
    return %arg0, %c0_i32, %c0_i32_0 : i32, i32, i32
  }
  func.func @transform_1(%arg0: i32) -> (i32, i32) {
    %c0_i32 = arith.constant 0 : i32
    %c0_i32_0 = arith.constant 0 : i32
    %c0_i32_1 = arith.constant 0 : i32
    return %c0_i32, %c0_i32_0 : i32, i32
  }
  func.func @transform_2(%arg0: i32) -> (i32, i32) {
    %c0_i32 = arith.constant 0 : i32
    %c0_i32_0 = arith.constant 0 : i32
    %c0_i32_1 = arith.constant 0 : i32
    return %c0_i32, %c0_i32_0 : i32, i32
  }
  func.func @transform_3(%arg0: i32) -> (i32, i32) {
    %c0_i32 = arith.constant 0 : i32
    %c0_i32_0 = arith.constant 0 : i32
    %c0_i32_1 = arith.constant 0 : i32
    return %c0_i32, %c0_i32_0 : i32, i32
  }
  func.func @transform_4(%arg0: i32) -> (i32, i32) {
    %c0_i32 = arith.constant 0 : i32
    %c0_i32_0 = arith.constant 0 : i32
    %c0_i32_1 = arith.constant 0 : i32
    return %c0_i32, %c0_i32_0 : i32, i32
  }
  func.func @transform_5(%arg0: i32) -> (i32, i32) {
    %c0_i32 = arith.constant 0 : i32
    %c0_i32_0 = arith.constant 0 : i32
    %c0_i32_1 = arith.constant 0 : i32
    return %c0_i32, %c0_i32_0 : i32, i32
  }
  func.func @transform_6(%arg0: i32) -> (i32, i32) {
    %c0_i32 = arith.constant 0 : i32
    %c0_i32_0 = arith.constant 0 : i32
    %c0_i32_1 = arith.constant 0 : i32
    return %c0_i32, %c0_i32_0 : i32, i32
  }
  func.func @transform_7(%arg0: i32) -> (i32, i32, i32) {
    %c0_i32 = arith.constant 0 : i32
    %c0_i32_0 = arith.constant 0 : i32
    %c0_i32_1 = arith.constant 0 : i32
    return %arg0, %c0_i32, %c0_i32_0 : i32, i32, i32
  }
}

</mosaic_0001>

<sc_bundles>
// kernel: kernel.8.cloned.1.call-start
scs
__scs_entry_jumppad:
0x0: {  	(pc) =	sbr.rel $0x88, $3  }
0x1: {  	(tag) =	ssettag $0x0;
	lr =	simm.s32 $0x1  }
0x2: {  	[smem:$0x3F84] =	sst lr;
	_ =	strace $0xD0000000  }
0x3: {  	_ = 	snop  }
0x4: {  	_ = 	snop  }
0x5: {  	_ = 	snop  }
0x6: {  	_ = 	snop  }
0x7: {  	_ = 	snop  }
__scs_overlays_trampoline_lowered:
0x8: {  	[smem:$0x3F93] =	sst s0  }
0x9: {  	[smem:$0x3F94] =	sst s1  }
0xa: {  	[smem:$0x3F95] =	sst s2  }
0xb: {  	[smem:$0x3F96] =	sst s3  }
0xc: {  	[smem:$0x3F97] =	sst s4  }
0xd: {  	[smem:$0x3F98] =	sst s5  }
0xe: {  	[smem:$0x3F99] =	sst s6  }
0xf: {  	[smem:$0x3F9A] =	sst s7  }
0x10: {  	[smem:$0x3F9B] =	sst s8  }
0x11: {  	[smem:$0x3F9C] =	sst s9;
	s0 =	simm.s32 @!p0 $0x0  }
0x12: {  	s1 =	sld [smem:$0x3F82];
	s0 =	simm.s32 @p0 $0x1  }
0x13: {  	[smem:$0x3F9D] =	sst s0;
	s0 =	simm.s32 @!p1 $0x0  }
0x14: {  	s2 =	sld [smem:$0x3F81];
	s0 =	simm.s32 @p1 $0x1  }
0x15: {  	[smem:$0x3F9E] =	sst s0;
	s0 =	simm.s32 @!p2 $0x0  }
0x16: {  	s3 =	sld [smem:$0x3FDB];
	s0 =	simm.s32 @p2 $0x1  }
0x17: {  	s4 =	simm.s32 $0x1BF5;
	[smem:$0x3FA0] =	sst s0  }
0x18: {  	s0 =	sld [smem:$0x3F83];
	_ =	swait.ge [sflag:s4], $0x0  }
0x19: {  	s7 =	sld [smem:$0x3F84]  }
0x1a: {  	s8 =	sadd.s32 $0xFFFFE003, lr  }
0x1b: {  	s9 =	sadd.s32 $0xFFFFFEF7, lr;
	s5 =	simm.s32 $0xFFFFFFFF;
	p2 =	slt.u32 s8, $0xFFFFF086  }
0x1c: {  	p1 =	slt.u32 s9, $0xF7A;
	s5 =	simm.s32 @!p2 $0x0  }
0x1d: {  	s5 =	simm.s32 @p1 $0x1;
	p0 =	seq.s32 s7, s2  }
0x1e: {  	s7 =	smul.u32 @!p0 $0xF7A, s2;
	p2 =	seq.s32 @!p0 s5, $0x0  }
0x1f: {  	s9 =	smul.u32 $0xF7A, s1;
	s8 =	simm.s32 @!p0 $0x1BF5;
	p2 =	por !p2, p0  }
0x20: {  	[sflag:s8] =	ssyncset.s32 @!p0 $0xFFFFF086;
	s6 =	sadd.s32 @!p0 s3, s7;
	s7 =	simm.s32 @!p0 $0x108  }
0x21: {  	s3 =	sadd.s32 s3, s9;
	s6 =	sadd.s32 @!p0 $0x88, s6;
	s7 =	simm.s32 @p2 $0x1082  }
0x22: {  	[simem:s7], [sflag:s8] =	dma.local @!p0 [hbm:s6], $0xF7A  }
0x23: {  	s9 =	sor.u32 $0xD0000000, s2;
	s6 =	simm.s32 $0x108;
	_ =	swait.ge @!p0 [sflag:s8], $0x0  }
0x24: {  	s3 =	sadd.s32 $0x88, s3;
	s6 =	simm.s32 @!p1 $0x1082;
	[sflag:s4] =	ssyncset.s32 $0xFFFFF086  }
0x25: {  	[simem:s6], [sflag:s4] =	dma.local [hbm:s3], $0xF7A  }
0x26: {  	[smem:$0x3F84] =	sst s1;
	(tag) =	ssettag s2;
	_ =	strace s9  }
0x27: {  	s1 =	sld [smem:$0x3F94]  }
0x28: {  	s2 =	sld [smem:$0x3F95]  }
0x29: {  	s4 =	sld [smem:$0x3F97]  }
0x2a: {  	p0 =	seq.s32 s5, $0x0;
	s5 =	sld [smem:$0x3F98]  }
0x2b: {  	s6 =	sld [smem:$0x3F99]  }
0x2c: {  	s7 =	sld [smem:$0x3F9A]  }
0x2d: {  	s3 =	simm.s32 $0x108;
	s8 =	sld [smem:$0x3F9B]  }
0x2e: {  	s3 =	simm.s32 @!p0 $0x1082;
	s9 =	sld [smem:$0x3F9C]  }
0x2f: {  	lr =	sadd.s32 s0, s3;
	s0 =	sld [smem:$0x3F93]  }
0x30: {  	s3 =	sld [smem:$0x3F96]  }
0x31: {  	[smem:$0x3F9F] =	sst s10  }
0x32: {  	s10 =	sld [smem:$0x3F9D];
	_ =	sdelay $0x3  }
0x33: {  	p0 =	seq.s32 s10, $0x1;
	s10 =	sld [smem:$0x3F9F];
	_ =	sdelay $0x3  }
0x34: {  	[smem:$0x3F9F] =	sst s10  }
0x35: {  	s10 =	sld [smem:$0x3F9E];
	_ =	sdelay $0x3  }
0x36: {  	p1 =	seq.s32 s10, $0x1;
	s10 =	sld [smem:$0x3F9F];
	_ =	sdelay $0x3  }
0x37: {  	[smem:$0x3F9F] =	sst s10  }
0x38: {  	s10 =	sld [smem:$0x3FA0]  }
0x39: {  	_ = 	snop;
	(pc) =	sbr.ind lr, $3  }
0x3a: {  	_ = 	snop  }
0x3b: {  	_ = 	snop  }
0x3c: {  	p2 =	seq.s32 s10, $0x1;
	s10 =	sld [smem:$0x3F9F]  }
0x3d: {  	_ =	shalt  }
0x3e: {  	_ =	shalt  }
0x3f: {  	_ =	shalt  }
0x40: {  	_ =	shalt  }
0x41: {  	_ =	shalt  }
0x42: {  	_ =	shalt  }
0x43: {  	_ =	shalt  }
0x44: {  	_ =	shalt  }
0x45: {  	_ =	shalt  }
0x46: {  	_ =	shalt  }
0x47: {  	_ =	shalt  }
0x48: {  	_ =	shalt  }
0x49: {  	_ =	shalt  }
0x4a: {  	_ =	shalt  }
0x4b: {  	_ =	shalt  }
0x4c: {  	_ =	shalt  }
0x4d: {  	_ =	shalt  }
0x4e: {  	_ =	shalt  }
0x4f: {  	_ =	shalt  }
0x50: {  	_ =	shalt  }
0x51: {  	_ =	shalt  }
0x52: {  	_ =	shalt  }
0x53: {  	_ =	shalt  }
0x54: {  	_ =	shalt  }
0x55: {  	_ =	shalt  }
0x56: {  	_ =	shalt  }
0x57: {  	_ =	shalt  }
0x58: {  	_ =	shalt  }
0x59: {  	_ =	shalt  }
0x5a: {  	_ =	shalt  }
0x5b: {  	_ =	shalt  }
0x5c: {  	_ =	shalt  }
0x5d: {  	_ =	shalt  }
0x5e: {  	_ =	shalt  }
0x5f: {  	_ =	shalt  }
0x60: {  	_ =	shalt  }
0x61: {  	_ =	shalt  }
0x62: {  	_ =	shalt  }
0x63: {  	_ =	shalt  }
0x64: {  	_ =	shalt  }
0x65: {  	_ =	shalt  }
0x66: {  	_ =	shalt  }
0x67: {  	_ =	shalt  }
0x68: {  	_ =	shalt  }
0x69: {  	_ =	shalt  }
0x6a: {  	_ =	shalt  }
0x6b: {  	_ =	shalt  }
0x6c: {  	_ =	shalt  }
0x6d: {  	_ =	shalt  }
0x6e: {  	_ =	shalt  }
0x6f: {  	_ =	shalt  }
0x70: {  	_ =	shalt  }
0x71: {  	_ =	shalt  }
0x72: {  	_ =	shalt  }
0x73: {  	_ =	shalt  }
0x74: {  	_ =	shalt  }
0x75: {  	_ =	shalt  }
0x76: {  	_ =	shalt  }
0x77: {  	_ =	shalt  }
0x78: {  	_ =	shalt  }
0x79: {  	_ =	shalt  }
0x7a: {  	_ =	shalt  }
0x7b: {  	_ =	shalt  }
0x7c: {  	_ =	shalt  }
0x7d: {  	_ =	shalt  }
0x7e: {  	_ =	shalt  }
0x7f: {  	_ =	shalt  }
0x80: {  	_ =	shalt  }
0x81: {  	_ =	shalt  }
0x82: {  	_ =	shalt  }
0x83: {  	_ =	shalt  }
0x84: {  	_ =	shalt  }
0x85: {  	_ =	shalt  }
0x86: {  	_ =	shalt  }
0x87: {  	_ =	shalt  }
.Lfunc_end0:
.L_simem_size_0:
called_computation.1_lowered:
.L_overlay_start_0:
0x88: {  	s2 =	sld [smem:$0x3FD9]  }
0x89: {  	s3 =	sld [smem:$0x3FFE];
	_ =	sdelay $0x1  }
0x8a: {  	s1 =	srdreg.scid  }
0x8b: {  	s0 =	sand.u32 $0x1, s1  }
0x8c: {  	s17 =	sshll.u32 s0, $0xA;
	s2 =	sadd.s32 s3, s2  }
0x8d: {  	s2 =	sadd.s32 s2, s17  }
0x8e: {  	[smem:$0x3FAB] =	sst s2  }
0x8f: {  	_ = 	snop  }
0x90: {  	s2 =	sld [smem:$0x3FBD];
	(tm) =	ssettm $0x1  }
0x91: {  	s18 =	sld [smem:$0x3FFB];
	_ =	sdelay $0x3  }
0x92: {  	_ =	strace s18  }
0x93: {  	s3 =	sld [smem:$0x3FFC];
	_ =	sdelay $0x3  }
0x94: {  	_ =	strace s3  }
0x95: {  	s3 =	sld [smem:$0x3FFD];
	_ =	sdelay $0x3  }
0x96: {  	_ =	strace s3  }
0x97: {  	_ =	strace $0x8FFFFFFF  }
0x98: {  	s19 =	sld [smem:$0x3FDB];
	_ =	sdelay $0x1  }
0x99: {  	s4 =	simm.s32 $_scs_section_size  }
0x9a: {  	s5 =	simm.s32 $_size__tile_overlayer_lowered;
	s6 =	simm.s32 $_tile_overlayer_lowered  }
0x9b: {  	s22 =	simm.s32 $0x1BFF;
	s21 =	sshll.u32 s6, $0x1;
	s3 =	sadd.s32 s4, s19  }
0x9c: {  	s7 =	simm.s32 $0x0;
	s20 =	sshll.u32 s5, $0x1;
	s5 =	sadd.s32 s21, s3  }
0x9d: {  	[timem:s7], [sflag:s22] =	dma.local [hbm:s5], s20  }
0x9e: {  	_ =	swait.ge [sflag:s22], s20  }
0x9f: {  	s4 =	ssub.s32 $0x0, s20;
	[sflag:s22] =	ssyncset.done $0x0  }
0xa0: {  	[sflag:s22] =	ssyncadd.s32 s4;
	_ =	sdelay $0x1  }
0xa1: {  	s23 =	simm.s32 $0x1B8B  }
0xa2: {  	_ =	swait.ge [sflag:s23], $0x1  }
0xa3: {  	[sflag:s23] =	ssyncset.done $0x0  }
0xa4: {  	s25 =	simm.s32 $0x1B8E;
	s24 =	sld [smem:$0x3FFE];
	[sflag:s23] =	ssyncadd.s32 $0xFFFFFFFF  }
0xa5: {  	s26 =	simm.s32 $execute0_lowered;
	[smem:$0x3FD2] =	sst s25  }
0xa6: {  	s5 =	sshll.u32 s26, $0x1;
	_ =	strace $0x80000049;
	[dreg:$0x1] =	wrdreg $0xFFFFFFFF  }
0xa7: {  	s28 =	simm.s32 $_size_execute0_lowered;
	s3 =	sadd.s32 s3, s5;
	[dreg:$0x0] =	wrdreg $0x0  }
0xa8: {  	s5 =	sshll.u32 s28, $0x1;
	[dreg:$0x2] =	wrdreg s3  }
0xa9: {  	[dreg:$0x3] =	wrdreg s5  }
0xaa: {  	[dreg:$0x4] =	wrdreg $0xC0  }
0xab: {  	_ =	task [dreg:s7], $0x5FFFF  }
0xac: {  	[dreg:$0x1] =	wrdreg $0xFFFFFFFF  }
0xad: {  	[dreg:$0x0] =	wrdreg $0x60  }
0xae: {  	[dreg:$0x2] =	wrdreg s24  }
0xaf: {  	[dreg:$0x3] =	wrdreg s2  }
0xb0: {  	[dreg:$0x4] =	wrdreg $0x9  }
0xb1: {  	_ =	task.clear_ibuf [dreg:s7], $0x5FFFF;
	_ =	strace $0x90000049  }
0xb2: {  	s29 =	simm.s32 $0x9;
	_ =	strace $0x8000004B  }
0xb3: {  	_ =	swait.ge [sflag:s29], $0x1  }
0xb4: {  	[sflag:s29] =	ssyncadd.s32 $0xFFFFFFFF  }
0xb5: {  	_ =	strace $0x9000004B  }
0xb6: {  	_ =	sfence  }
0xb7: {  	s30 =	sld [smem:$0x0];
	_ =	sdelay $0x2  }
0xb8: {  	s31 =	sshll.u32 s1, $0xD;
	s1 =	sshrl.u32 s1, $0x2  }
0xb9: {  	s3 =	sand.u32 $0x4000, s31;
	s1 =	sadd.s32 s1, s30  }
0xba: {  	s0 =	sor.u32 s3, s0;
	s1 =	sshll.u32 s1, $0x11  }
0xbb: {  	s0 =	sor.u32 s1, s0  }
0xbc: {  	s0 =	sadd.s32 $0x8F2B, s0  }
0xbd: {  	[sflag:s0] =	ssyncadd.remote.s32 $0x1  }
0xbe: {  	_ =	sfence.sel $0xFFFF  }
0xbf: {  	[dreg:$0x0] =	wrdreg $0xFFFFFFFF;
	(pc) =	sbr.abs _section_cstart, $3  }
0xc0: {  	[dreg:$0x1] =	wrdreg $0xFFFFFFFF  }
0xc1: {  	_ =	task.clear_ibuf [dreg:s7], $0x2FFFF;
	_ =	strace $0x9FFFFFFF  }
0xc2: {  	(tm) =	ssettm $0x7FFFFFFF  }
0xc3: {  	_ =	shalt  }
tec
execute0_lowered:
.L_overlay_start_1:
0x0: {  	(tag) =	ssettag $0x1  }
0x1: {  	s0 =	rddreg [dreg:$0x0]  }
0x2: {  	s1 =	rddreg [dreg:$0x1]  }
0x3: {  	s3 =	simm.s32 $0x0;
	s2 =	srdreg.scid;
	s6 =	stileid.u32  }
0x4: {  	[smem:$0x7FF] =	sst s3;
	s2 =	sand.u32 $0x1, s2;
	s6 =	sshll.u32 s6, $0x1  }
0x5: {  	s4 =	sadd.s32 $0x204400, s0;
	s5 =	ssub.s32 $0x2, s2;
	s2 =	sor.u32 s2, s6  }
0x6: {  	s0 =	sadd.s32 $0x4400, s0;
	s7 =	sshrl.u32 s5, $0x1;
	s8 =	sshll.u32 s2, $0x10  }
0x7: {  	s9 =	smul.u32 $0xC000, s2;
	s7 =	ssub.s32 s5, s7;
	s8 =	sadd.s32 s4, s8  }
0x8: {  	_ =	strace $0x8000004A;
	[dreg:$0x3] =	wrdreg s8;
	s30 =	smax.u32 s7, $0x1  }
0x9: {  	s6 =	sshllo.u32 s2, $0x5;
	s9 =	sadd.s32 s0, s9;
	[dreg:$0x13] =	wrdreg s30  }
0xa: {  	s5 =	sshll.u32 s2, $0x5;
	s11 =	sadd.s32 $0xC00, s9;
	[dreg:$0x4] =	wrdreg s9  }
0xb: {  	s2 =	smul.u32 $0x60000, s2;
	s15 =	sadd.s32 $0x1800, s9;
	[dreg:$0x5] =	wrdreg s11  }
0xc: {  	s16 =	sadd.s32 $0x2400, s9;
	[dreg:$0x6] =	wrdreg s15  }
0xd: {  	s2 =	sshrl.u32 s2, $0x3;
	s17 =	sadd.s32 $0x3000, s9;
	[dreg:$0x7] =	wrdreg s16  }
0xe: {  	s31 =	sadd.s32 $0x3C00, s9;
	s0 =	sadd.s32 s0, s2;
	[dreg:$0x8] =	wrdreg s17  }
0xf: {  	[dreg:$0x14] =	wrdreg s31;
	s18 =	sadd.s32 $0x4800, s0  }
0x10: {  	s19 =	sadd.s32 $0x5400, s0;
	[dreg:$0x9] =	wrdreg s18  }
0x11: {  	s20 =	sadd.s32 $0x6000, s0;
	[dreg:$0xa] =	wrdreg s19  }
0x12: {  	s21 =	sadd.s32 $0x6C00, s0;
	[dreg:$0xb] =	wrdreg s20  }
0x13: {  	s28 =	simm.s32 $0x1;
	s22 =	sadd.s32 $0x7800, s0;
	[dreg:$0xc] =	wrdreg s21  }
0x14: {  	s29 =	simm.s32 $0x4000;
	s23 =	sadd.s32 $0x8400, s0;
	[dreg:$0xd] =	wrdreg s22  }
.Ltmp0:
0x15: {  	s24 =	sadd.s32 $0x9000, s0;
	[dreg:$0xe] =	wrdreg s23;
	(pc) =	sbr.rel .LBB2_1-.Ltmp0, $4  }
0x16: {  	v0 =	vlaneseq.u32;
	s10 =	sadd.s32 $0x200, s1;
	s25 =	sadd.s32 $0x9C00, s0;
	[dreg:$0xf] =	wrdreg s24  }
0x17: {  	v2 =	vmul.u32 $0xFFFFFFFF, v0;
	s8 =	sadd.s32 $0x100, s1;
	s26 =	sadd.s32 $0xA800, s0;
	[dreg:$0x10] =	wrdreg s25  }
0x18: {  	s7 =	simm.s32 $0x3;
	s0 =	sadd.s32 $0xB400, s0;
	[dreg:$0x11] =	wrdreg s26  }
0x19: {  	v1 =	vmul.u32 $0x10, v0;
	v2 =	vadd.s32 $0xF, v2;
	[dreg:$0x12] =	wrdreg s0;
	s18 =	simm.s32 $0x2;
	s0 =	simm.s32 $0x0  }
.LBB2_23:
0x1a: {  	_ =	swait.ge [sflag:s28], $0x4000  }
0x1b: {  	[sflag:s28] =	ssyncset.done $0x0  }
0x1c: {  	[sflag:s28] =	ssyncadd.s32 $0xFFFFC000  }
0x1d: {  	v3 =	vld [tilespmem:$0x8000];
	_ =	sdelay $0x4  }
0x1e: {  	v4 =	vshrl.u32 v3, $0x3  }
0x1f: {  	v4 =	vmul.u32 $0x30, v4  }
0x20: {  	v3 =	vand.u32 $0x7, v3  }
0x21: {  	v16 =	vand.u32 $0x7, v0;
	v6 =	vor.u32 v3, v4;
	v3 =	vshrl.u32 v0, $0x3  }
0x22: {  	v5 =	vperm.xlane v6, v16;
	v3 =	vmul.u32 $0x8, v3;
	_ =	sdelay $0x1  }
0x23: {  	v7 =	vadd.s32 v3, v5;
	_ =	sdelay $0x2  }
0x24: {  	v17 =	vor.u32 $0x8, v0  }
0x25: {  	vm0 =	vmmov $0xffff;
	s21 =	simm.s32 $0x8200;
	v6 =	vperm.xlane v6, v17  }
0x26: {  	[tilespmem:s21], [sflag:$0x2] =	stream.indirect_vreg.gather [hbm4b:s1+s3], $0x80, v7, vm0, $0xb8;
	[tilespmem:$0x14200] =	vst v63  }
0x27: {  	s0 =	simm.s32 $0x8A00;
	v6 =	vadd.s32 v3, v6  }
0x28: {  	[tilespmem:s0], [sflag:$0x2] =	stream.indirect_vreg.gather [hbm4b:s8+s3], $0x80, v7, vm0, $0xb8;
	[tilespmem:$0x14200] =	vst v63  }
0x29: {  	s30 =	simm.s32 $0x9200  }
0x2a: {  	[tilespmem:s30], [sflag:$0x2] =	stream.indirect_vreg.gather [hbm4b:s10+s3], $0x80, v7, vm0, $0xb8;
	[tilespmem:$0x14200] =	vst v63  }
0x2b: {  	s31 =	simm.s32 $0x9A00  }
0x2c: {  	[tilespmem:s31], [sflag:$0x2] =	stream.indirect_vreg.gather [hbm4b:s1+s3], $0x80, v6, vm0, $0xb8;
	[tilespmem:$0x14200] =	vst v63  }
0x2d: {  	s2 =	simm.s32 $0xA200  }
0x2e: {  	[tilespmem:s2], [sflag:$0x2] =	stream.indirect_vreg.gather [hbm4b:s8+s3], $0x80, v6, vm0, $0xb8;
	[tilespmem:$0x14200] =	vst v63  }
0x2f: {  	s9 =	simm.s32 $0xAA00  }
0x30: {  	[tilespmem:s9], [sflag:$0x2] =	stream.indirect_vreg.gather [hbm4b:s10+s3], $0x80, v6, vm0, $0xb8;
	[tilespmem:$0x14200] =	vst v63  }
0x31: {  	v6 =	vld [tilespmem:$0x8010];
	_ =	sdelay $0x4  }
0x32: {  	v18 =	vshrl.u32 v6, $0x3  }
0x33: {  	v7 =	vmul.u32 $0x30, v18  }
0x34: {  	v6 =	vand.u32 $0x7, v6  }
0x35: {  	v6 =	vor.u32 v6, v7  }
0x36: {  	v7 =	vperm.xlane v6, v16;
	_ =	sdelay $0x1  }
0x37: {  	v7 =	vadd.s32 v3, v7;
	_ =	sdelay $0x3  }
0x38: {  	s11 =	simm.s32 $0xB200;
	v6 =	vperm.xlane v6, v17  }
0x39: {  	[tilespmem:s11], [sflag:$0x2] =	stream.indirect_vreg.gather [hbm4b:s1+s3], $0x80, v7, vm0, $0xb8;
	[tilespmem:$0x14200] =	vst v63  }
0x3a: {  	s12 =	simm.s32 $0xBA00;
	v6 =	vadd.s32 v3, v6  }
0x3b: {  	[tilespmem:s12], [sflag:$0x2] =	stream.indirect_vreg.gather [hbm4b:s8+s3], $0x80, v7, vm0, $0xb8;
	[tilespmem:$0x14200] =	vst v63  }
0x3c: {  	s20 =	simm.s32 $0xC200  }
0x3d: {  	[tilespmem:s20], [sflag:$0x2] =	stream.indirect_vreg.gather [hbm4b:s10+s3], $0x80, v7, vm0, $0xb8;
	[tilespmem:$0x14200] =	vst v63  }
0x3e: {  	s22 =	simm.s32 $0xCA00  }
0x3f: {  	[tilespmem:s22], [sflag:$0x2] =	stream.indirect_vreg.gather [hbm4b:s1+s3], $0x80, v6, vm0, $0xb8;
	[tilespmem:$0x14200] =	vst v63  }
0x40: {  	s23 =	simm.s32 $0xD200  }
0x41: {  	[tilespmem:s23], [sflag:$0x2] =	stream.indirect_vreg.gather [hbm4b:s8+s3], $0x80, v6, vm0, $0xb8;
	[tilespmem:$0x14200] =	vst v63  }
0x42: {  	s24 =	simm.s32 $0xDA00  }
0x43: {  	[tilespmem:s24], [sflag:$0x2] =	stream.indirect_vreg.gather [hbm4b:s10+s3], $0x80, v6, vm0, $0xb8;
	[tilespmem:$0x14200] =	vst v63  }
0x44: {  	_ =	swait.ge [sflag:s18], $0x6000  }
0x45: {  	[sflag:s18] =	ssyncset.done $0x0  }
0x46: {  	[sflag:s18] =	ssyncadd.s32 $0xFFFFA000  }
0x47: {  	v19 =	vld [tilespmem:$0x8020];
	_ =	sdelay $0x4  }
0x48: {  	v20 =	vshrl.u32 v19, $0x3  }
0x49: {  	v7 =	vmul.u32 $0x30, v20  }
0x4a: {  	v6 =	vand.u32 $0x7, v19  }
0x4b: {  	v6 =	vor.u32 v6, v7  }
0x4c: {  	v7 =	vperm.xlane v6, v16;
	_ =	sdelay $0x1  }
0x4d: {  	v7 =	vadd.s32 v3, v7;
	_ =	sdelay $0x3  }
0x4e: {  	s20 =	simm.s32 $0xE200;
	v6 =	vperm.xlane v6, v17  }
0x4f: {  	[tilespmem:s20], [sflag:$0x2] =	stream.indirect_vreg.gather [hbm4b:s1+s3], $0x80, v7, vm0, $0xb8;
	[tilespmem:$0x14200] =	vst v63  }
0x50: {  	s2 =	simm.s32 $0xEA00;
	v6 =	vadd.s32 v3, v6  }
0x51: {  	[tilespmem:s2], [sflag:$0x2] =	stream.indirect_vreg.gather [hbm4b:s8+s3], $0x80, v7, vm0, $0xb8;
	[tilespmem:$0x14200] =	vst v63  }
0x52: {  	s25 =	simm.s32 $0xF200  }
0x53: {  	[tilespmem:s25], [sflag:$0x2] =	stream.indirect_vreg.gather [hbm4b:s10+s3], $0x80, v7, vm0, $0xb8;
	[tilespmem:$0x14200] =	vst v63  }
0x54: {  	s26 =	simm.s32 $0xFA00  }
0x55: {  	[tilespmem:s26], [sflag:$0x2] =	stream.indirect_vreg.gather [hbm4b:s1+s3], $0x80, v6, vm0, $0xb8;
	[tilespmem:$0x14200] =	vst v63  }
0x56: {  	s30 =	simm.s32 $0x10200  }
0x57: {  	[tilespmem:s30], [sflag:$0x2] =	stream.indirect_vreg.gather [hbm4b:s8+s3], $0x80, v6, vm0, $0xb8;
	[tilespmem:$0x14200] =	vst v63  }
0x58: {  	s11 =	simm.s32 $0x10A00  }
0x59: {  	[tilespmem:s11], [sflag:$0x2] =	stream.indirect_vreg.gather [hbm4b:s10+s3], $0x80, v6, vm0, $0xb8;
	[tilespmem:$0x14200] =	vst v63  }
0x5a: {  	v6 =	vld [tilespmem:$0x8030];
	_ =	sdelay $0x4  }
0x5b: {  	v21 =	vshrl.u32 v6, $0x3  }
0x5c: {  	v7 =	vmul.u32 $0x30, v21  }
0x5d: {  	v6 =	vand.u32 $0x7, v6  }
0x5e: {  	v6 =	vor.u32 v6, v7  }
0x5f: {  	v7 =	vperm.xlane v6, v16;
	_ =	sdelay $0x1  }
0x60: {  	v7 =	vadd.s32 v3, v7;
	_ =	sdelay $0x3  }
0x61: {  	s9 =	simm.s32 $0x11200;
	v6 =	vperm.xlane v6, v17  }
0x62: {  	[tilespmem:s9], [sflag:$0x2] =	stream.indirect_vreg.gather [hbm4b:s1+s3], $0x80, v7, vm0, $0xb8;
	[tilespmem:$0x14200] =	vst v63  }
0x63: {  	s31 =	simm.s32 $0x11A00;
	v6 =	vadd.s32 v3, v6  }
0x64: {  	[tilespmem:s31], [sflag:$0x2] =	stream.indirect_vreg.gather [hbm4b:s8+s3], $0x80, v7, vm0, $0xb8;
	[tilespmem:$0x14200] =	vst v63  }
0x65: {  	s12 =	simm.s32 $0x12200  }
0x66: {  	[tilespmem:s12], [sflag:$0x2] =	stream.indirect_vreg.gather [hbm4b:s10+s3], $0x80, v7, vm0, $0xb8;
	[tilespmem:$0x14200] =	vst v63  }
0x67: {  	s2 =	simm.s32 $0x12A00  }
0x68: {  	[tilespmem:s2], [sflag:$0x2] =	stream.indirect_vreg.gather [hbm4b:s1+s3], $0x80, v6, vm0, $0xb8;
	[tilespmem:$0x14200] =	vst v63  }
0x69: {  	s9 =	simm.s32 $0x13200  }
0x6a: {  	[tilespmem:s9], [sflag:$0x2] =	stream.indirect_vreg.gather [hbm4b:s8+s3], $0x80, v6, vm0, $0xb8;
	[tilespmem:$0x14200] =	vst v63  }
0x6b: {  	s11 =	simm.s32 $0x13A00  }
0x6c: {  	[tilespmem:s11], [sflag:$0x2] =	stream.indirect_vreg.gather [hbm4b:s10+s3], $0x80, v6, vm0, $0xb8;
	[tilespmem:$0x14200] =	vst v63  }
0x6d: {  	s22 =	rddreg [dreg:$0x4]  }
0x6e: {  	[hbm4b:s22+s3] =	stream.linear.scatter [tilespmem:s21], [sflag:$0x3], $0x6000, $0x38;
	[tilespmem:$0x14200] =	vst v63  }
0x6f: {  	_ =	swait.ge [sflag:s18], $0x6000  }
0x70: {  	[sflag:s18] =	ssyncset.done $0x0  }
0x71: {  	[sflag:s18] =	ssyncadd.s32 $0xFFFFA000  }
0x72: {  	_ =	swait.ge [sflag:s7], $0x6000  }
0x73: {  	[sflag:s7] =	ssyncset.done $0x0  }
0x74: {  	[sflag:s7] =	ssyncadd.s32 $0xFFFFA000  }
0x75: {  	v22 =	vld [tilespmem:$0x8040];
	_ =	sdelay $0x4  }
0x76: {  	v23 =	vshrl.u32 v22, $0x3  }
0x77: {  	v7 =	vmul.u32 $0x30, v23  }
0x78: {  	v6 =	vand.u32 $0x7, v22  }
0x79: {  	v6 =	vor.u32 v6, v7  }
0x7a: {  	v7 =	vperm.xlane v6, v16;
	_ =	sdelay $0x1  }
0x7b: {  	v7 =	vadd.s32 v3, v7;
	_ =	sdelay $0x3  }
0x7c: {  	v6 =	vperm.xlane v6, v17  }
0x7d: {  	[tilespmem:s21], [sflag:$0x2] =	stream.indirect_vreg.gather [hbm4b:s1+s3], $0x80, v7, vm0, $0xb8;
	[tilespmem:$0x14200] =	vst v63  }
0x7e: {  	s16 =	simm.s32 $0x8A00;
	v6 =	vadd.s32 v3, v6  }
0x7f: {  	[tilespmem:s16], [sflag:$0x2] =	stream.indirect_vreg.gather [hbm4b:s8+s3], $0x80, v7, vm0, $0xb8;
	[tilespmem:$0x14200] =	vst v63  }
0x80: {  	s17 =	simm.s32 $0x9200  }
0x81: {  	[tilespmem:s17], [sflag:$0x2] =	stream.indirect_vreg.gather [hbm4b:s10+s3], $0x80, v7, vm0, $0xb8;
	[tilespmem:$0x14200] =	vst v63  }
0x82: {  	s19 =	simm.s32 $0x9A00  }
0x83: {  	[tilespmem:s19], [sflag:$0x2] =	stream.indirect_vreg.gather [hbm4b:s1+s3], $0x80, v6, vm0, $0xb8;
	[tilespmem:$0x14200] =	vst v63  }
0x84: {  	s13 =	simm.s32 $0xA200  }
0x85: {  	[tilespmem:s13], [sflag:$0x2] =	stream.indirect_vreg.gather [hbm4b:s8+s3], $0x80, v6, vm0, $0xb8;
	[tilespmem:$0x14200] =	vst v63  }
0x86: {  	s14 =	simm.s32 $0xAA00  }
0x87: {  	[tilespmem:s14], [sflag:$0x2] =	stream.indirect_vreg.gather [hbm4b:s10+s3], $0x80, v6, vm0, $0xb8;
	[tilespmem:$0x14200] =	vst v63  }
0x88: {  	v6 =	vld [tilespmem:$0x8050];
	_ =	sdelay $0x4  }
0x89: {  	v24 =	vshrl.u32 v6, $0x3  }
0x8a: {  	v7 =	vmul.u32 $0x30, v24  }
0x8b: {  	v6 =	vand.u32 $0x7, v6  }
0x8c: {  	v6 =	vor.u32 v6, v7  }
0x8d: {  	v7 =	vperm.xlane v6, v16;
	_ =	sdelay $0x1  }
0x8e: {  	v7 =	vadd.s32 v3, v7;
	_ =	sdelay $0x3  }
0x8f: {  	s15 =	simm.s32 $0xB200;
	v6 =	vperm.xlane v6, v17  }
0x90: {  	[tilespmem:s15], [sflag:$0x2] =	stream.indirect_vreg.gather [hbm4b:s1+s3], $0x80, v7, vm0, $0xb8;
	[tilespmem:$0x14200] =	vst v63  }
0x91: {  	s14 =	simm.s32 $0xBA00;
	v6 =	vadd.s32 v3, v6  }
0x92: {  	[tilespmem:s14], [sflag:$0x2] =	stream.indirect_vreg.gather [hbm4b:s8+s3], $0x80, v7, vm0, $0xb8;
	[tilespmem:$0x14200] =	vst v63  }
0x93: {  	s15 =	simm.s32 $0xC200  }
0x94: {  	[tilespmem:s15], [sflag:$0x2] =	stream.indirect_vreg.gather [hbm4b:s10+s3], $0x80, v7, vm0, $0xb8;
	[tilespmem:$0x14200] =	vst v63  }
0x95: {  	s16 =	simm.s32 $0xCA00  }
0x96: {  	[tilespmem:s16], [sflag:$0x2] =	stream.indirect_vreg.gather [hbm4b:s1+s3], $0x80, v6, vm0, $0xb8;
	[tilespmem:$0x14200] =	vst v63  }
0x97: {  	s17 =	simm.s32 $0xD200  }
0x98: {  	[tilespmem:s17], [sflag:$0x2] =	stream.indirect_vreg.gather [hbm4b:s8+s3], $0x80, v6, vm0, $0xb8;
	[tilespmem:$0x14200] =	vst v63  }
0x99: {  	s19 =	simm.s32 $0xDA00  }
0x9a: {  	[tilespmem:s19], [sflag:$0x2] =	stream.indirect_vreg.gather [hbm4b:s10+s3], $0x80, v6, vm0, $0xb8;
	[tilespmem:$0x14200] =	vst v63  }
0x9b: {  	s23 =	rddreg [dreg:$0x5]  }
0x9c: {  	[hbm4b:s23+s3] =	stream.linear.scatter [tilespmem:s20], [sflag:$0x3], $0x6000, $0x38;
	[tilespmem:$0x14200] =	vst v63  }
0x9d: {  	_ =	swait.ge [sflag:s18], $0x6000  }
0x9e: {  	[sflag:s18] =	ssyncset.done $0x0  }
0x9f: {  	[sflag:s18] =	ssyncadd.s32 $0xFFFFA000  }
0xa0: {  	_ =	swait.ge [sflag:s7], $0x6000  }
0xa1: {  	[sflag:s7] =	ssyncset.done $0x0  }
0xa2: {  	[sflag:s7] =	ssyncadd.s32 $0xFFFFA000  }
0xa3: {  	v25 =	vld [tilespmem:$0x8060];
	_ =	sdelay $0x4  }
0xa4: {  	v26 =	vshrl.u32 v25, $0x3  }
0xa5: {  	v7 =	vmul.u32 $0x30, v26  }
0xa6: {  	v6 =	vand.u32 $0x7, v25  }
0xa7: {  	v6 =	vor.u32 v6, v7  }
0xa8: {  	v7 =	vperm.xlane v6, v16;
	_ =	sdelay $0x1  }
0xa9: {  	v7 =	vadd.s32 v3, v7;
	_ =	sdelay $0x3  }
0xaa: {  	v6 =	vperm.xlane v6, v17  }
0xab: {  	[tilespmem:s20], [sflag:$0x2] =	stream.indirect_vreg.gather [hbm4b:s1+s3], $0x80, v7, vm0, $0xb8;
	[tilespmem:$0x14200] =	vst v63  }
0xac: {  	s2 =	simm.s32 $0xEA00;
	v6 =	vadd.s32 v3, v6  }
0xad: {  	[tilespmem:s2], [sflag:$0x2] =	stream.indirect_vreg.gather [hbm4b:s8+s3], $0x80, v7, vm0, $0xb8;
	[tilespmem:$0x14200] =	vst v63  }
0xae: {  	s11 =	simm.s32 $0xF200  }
0xaf: {  	[tilespmem:s11], [sflag:$0x2] =	stream.indirect_vreg.gather [hbm4b:s10+s3], $0x80, v7, vm0, $0xb8;
	[tilespmem:$0x14200] =	vst v63  }
0xb0: {  	s9 =	simm.s32 $0xFA00  }
0xb1: {  	[tilespmem:s9], [sflag:$0x2] =	stream.indirect_vreg.gather [hbm4b:s1+s3], $0x80, v6, vm0, $0xb8;
	[tilespmem:$0x14200] =	vst v63  }
0xb2: {  	s0 =	simm.s32 $0x10200  }
0xb3: {  	[tilespmem:s0], [sflag:$0x2] =	stream.indirect_vreg.gather [hbm4b:s8+s3], $0x80, v6, vm0, $0xb8;
	[tilespmem:$0x14200] =	vst v63  }
0xb4: {  	s0 =	simm.s32 $0x10A00  }
0xb5: {  	[tilespmem:s0], [sflag:$0x2] =	stream.indirect_vreg.gather [hbm4b:s10+s3], $0x80, v6, vm0, $0xb8;
	[tilespmem:$0x14200] =	vst v63  }
0xb6: {  	v6 =	vld [tilespmem:$0x8070];
	_ =	sdelay $0x4  }
0xb7: {  	v27 =	vshrl.u32 v6, $0x3  }
0xb8: {  	v7 =	vmul.u32 $0x30, v27  }
0xb9: {  	v6 =	vand.u32 $0x7, v6  }
0xba: {  	v6 =	vor.u32 v6, v7  }
0xbb: {  	v7 =	vperm.xlane v6, v16;
	_ =	sdelay $0x1  }
0xbc: {  	v7 =	vadd.s32 v3, v7;
	_ =	sdelay $0x3  }
0xbd: {  	s13 =	simm.s32 $0x11200;
	v6 =	vperm.xlane v6, v17  }
0xbe: {  	[tilespmem:s13], [sflag:$0x2] =	stream.indirect_vreg.gather [hbm4b:s1+s3], $0x80, v7, vm0, $0xb8;
	[tilespmem:$0x14200] =	vst v63  }
0xbf: {  	s24 =	simm.s32 $0x11A00;
	v6 =	vadd.s32 v3, v6  }
0xc0: {  	[tilespmem:s24], [sflag:$0x2] =	stream.indirect_vreg.gather [hbm4b:s8+s3], $0x80, v7, vm0, $0xb8;
	[tilespmem:$0x14200] =	vst v63  }
0xc1: {  	s25 =	simm.s32 $0x12200  }
0xc2: {  	[tilespmem:s25], [sflag:$0x2] =	stream.indirect_vreg.gather [hbm4b:s10+s3], $0x80, v7, vm0, $0xb8;
	[tilespmem:$0x14200] =	vst v63  }
0xc3: {  	s26 =	simm.s32 $0x12A00  }
0xc4: {  	[tilespmem:s26], [sflag:$0x2] =	stream.indirect_vreg.gather [hbm4b:s1+s3], $0x80, v6, vm0, $0xb8;
	[tilespmem:$0x14200] =	vst v63  }
0xc5: {  	s26 =	simm.s32 $0x13200  }
0xc6: {  	[tilespmem:s26], [sflag:$0x2] =	stream.indirect_vreg.gather [hbm4b:s8+s3], $0x80, v6, vm0, $0xb8;
	[tilespmem:$0x14200] =	vst v63  }
0xc7: {  	s12 =	simm.s32 $0x13A00  }
0xc8: {  	[tilespmem:s12], [sflag:$0x2] =	stream.indirect_vreg.gather [hbm4b:s10+s3], $0x80, v6, vm0, $0xb8;
	[tilespmem:$0x14200] =	vst v63  }
0xc9: {  	s12 =	rddreg [dreg:$0x6]  }
0xca: {  	[hbm4b:s12+s3] =	stream.linear.scatter [tilespmem:s21], [sflag:$0x3], $0x6000, $0x38;
	[tilespmem:$0x14200] =	vst v63  }
0xcb: {  	_ =	swait.ge [sflag:s18], $0x6000  }
0xcc: {  	[sflag:s18] =	ssyncset.done $0x0  }
0xcd: {  	[sflag:s18] =	ssyncadd.s32 $0xFFFFA000  }
0xce: {  	_ =	swait.ge [sflag:s7], $0x6000  }
0xcf: {  	[sflag:s7] =	ssyncset.done $0x0  }
0xd0: {  	[sflag:s7] =	ssyncadd.s32 $0xFFFFA000  }
0xd1: {  	v28 =	vld [tilespmem:$0x8080];
	_ =	sdelay $0x4  }
0xd2: {  	v29 =	vshrl.u32 v28, $0x3  }
0xd3: {  	v7 =	vmul.u32 $0x30, v29  }
0xd4: {  	v6 =	vand.u32 $0x7, v28  }
0xd5: {  	v6 =	vor.u32 v6, v7  }
0xd6: {  	v7 =	vperm.xlane v6, v16;
	_ =	sdelay $0x1  }
0xd7: {  	v7 =	vadd.s32 v3, v7;
	_ =	sdelay $0x3  }
0xd8: {  	v6 =	vperm.xlane v6, v17  }
0xd9: {  	[tilespmem:s21], [sflag:$0x2] =	stream.indirect_vreg.gather [hbm4b:s1+s3], $0x80, v7, vm0, $0xb8;
	[tilespmem:$0x14200] =	vst v63  }
0xda: {  	s12 =	simm.s32 $0x8A00;
	v6 =	vadd.s32 v3, v6  }
0xdb: {  	[tilespmem:s12], [sflag:$0x2] =	stream.indirect_vreg.gather [hbm4b:s8+s3], $0x80, v7, vm0, $0xb8;
	[tilespmem:$0x14200] =	vst v63  }
0xdc: {  	s12 =	simm.s32 $0x9200  }
0xdd: {  	[tilespmem:s12], [sflag:$0x2] =	stream.indirect_vreg.gather [hbm4b:s10+s3], $0x80, v7, vm0, $0xb8;
	[tilespmem:$0x14200] =	vst v63  }
0xde: {  	s12 =	simm.s32 $0x9A00  }
0xdf: {  	[tilespmem:s12], [sflag:$0x2] =	stream.indirect_vreg.gather [hbm4b:s1+s3], $0x80, v6, vm0, $0xb8;
	[tilespmem:$0x14200] =	vst v63  }
0xe0: {  	s30 =	simm.s32 $0xA200  }
0xe1: {  	[tilespmem:s30], [sflag:$0x2] =	stream.indirect_vreg.gather [hbm4b:s8+s3], $0x80, v6, vm0, $0xb8;
	[tilespmem:$0x14200] =	vst v63  }
0xe2: {  	s31 =	simm.s32 $0xAA00  }
0xe3: {  	[tilespmem:s31], [sflag:$0x2] =	stream.indirect_vreg.gather [hbm4b:s10+s3], $0x80, v6, vm0, $0xb8;
	[tilespmem:$0x14200] =	vst v63  }
0xe4: {  	v6 =	vld [tilespmem:$0x8090];
	_ =	sdelay $0x4  }
0xe5: {  	v30 =	vshrl.u32 v6, $0x3  }
0xe6: {  	v7 =	vmul.u32 $0x30, v30  }
0xe7: {  	v6 =	vand.u32 $0x7, v6  }
0xe8: {  	v6 =	vor.u32 v6, v7  }
0xe9: {  	v7 =	vperm.xlane v6, v16;
	_ =	sdelay $0x1  }
0xea: {  	v7 =	vadd.s32 v3, v7;
	_ =	sdelay $0x3  }
0xeb: {  	s30 =	simm.s32 $0xB200;
	v6 =	vperm.xlane v6, v17  }
0xec: {  	[tilespmem:s30], [sflag:$0x2] =	stream.indirect_vreg.gather [hbm4b:s1+s3], $0x80, v7, vm0, $0xb8;
	[tilespmem:$0x14200] =	vst v63  }
0xed: {  	v6 =	vadd.s32 v3, v6  }
0xee: {  	[tilespmem:s14], [sflag:$0x2] =	stream.indirect_vreg.gather [hbm4b:s8+s3], $0x80, v7, vm0, $0xb8;
	[tilespmem:$0x14200] =	vst v63  }
0xef: {  	_ = 	snop  }
0xf0: {  	[tilespmem:s15], [sflag:$0x2] =	stream.indirect_vreg.gather [hbm4b:s10+s3], $0x80, v7, vm0, $0xb8;
	[tilespmem:$0x14200] =	vst v63  }
0xf1: {  	_ = 	snop  }
0xf2: {  	[tilespmem:s16], [sflag:$0x2] =	stream.indirect_vreg.gather [hbm4b:s1+s3], $0x80, v6, vm0, $0xb8;
	[tilespmem:$0x14200] =	vst v63  }
0xf3: {  	_ = 	snop  }
0xf4: {  	[tilespmem:s17], [sflag:$0x2] =	stream.indirect_vreg.gather [hbm4b:s8+s3], $0x80, v6, vm0, $0xb8;
	[tilespmem:$0x14200] =	vst v63  }
0xf5: {  	_ = 	snop  }
0xf6: {  	[tilespmem:s19], [sflag:$0x2] =	stream.indirect_vreg.gather [hbm4b:s10+s3], $0x80, v6, vm0, $0xb8;
	[tilespmem:$0x14200] =	vst v63  }
0xf7: {  	s19 =	rddreg [dreg:$0x7]  }
0xf8: {  	[hbm4b:s19+s3] =	stream.linear.scatter [tilespmem:s20], [sflag:$0x3], $0x6000, $0x38;
	[tilespmem:$0x14200] =	vst v63  }
0xf9: {  	_ =	swait.ge [sflag:s18], $0x6000  }
0xfa: {  	[sflag:s18] =	ssyncset.done $0x0  }
0xfb: {  	[sflag:s18] =	ssyncadd.s32 $0xFFFFA000  }
0xfc: {  	_ =	swait.ge [sflag:s7], $0x6000  }
0xfd: {  	[sflag:s7] =	ssyncset.done $0x0  }
0xfe: {  	[sflag:s7] =	ssyncadd.s32 $0xFFFFA000  }
0xff: {  	v31 =	vld [tilespmem:$0x80A0];
	_ =	sdelay $0x4  }
0x100: {  	v32 =	vshrl.u32 v31, $0x3  }
0x101: {  	v7 =	vmul.u32 $0x30, v32  }
0x102: {  	v6 =	vand.u32 $0x7, v31  }
0x103: {  	v6 =	vor.u32 v6, v7  }
0x104: {  	v7 =	vperm.xlane v6, v16;
	_ =	sdelay $0x1  }
0x105: {  	v7 =	vadd.s32 v3, v7;
	_ =	sdelay $0x3  }
0x106: {  	v6 =	vperm.xlane v6, v17  }
0x107: {  	[tilespmem:s20], [sflag:$0x2] =	stream.indirect_vreg.gather [hbm4b:s1+s3], $0x80, v7, vm0, $0xb8;
	[tilespmem:$0x14200] =	vst v63  }
0x108: {  	v6 =	vadd.s32 v3, v6  }
0x109: {  	[tilespmem:s2], [sflag:$0x2] =	stream.indirect_vreg.gather [hbm4b:s8+s3], $0x80, v7, vm0, $0xb8;
	[tilespmem:$0x14200] =	vst v63  }
0x10a: {  	_ = 	snop  }
0x10b: {  	[tilespmem:s11], [sflag:$0x2] =	stream.indirect_vreg.gather [hbm4b:s10+s3], $0x80, v7, vm0, $0xb8;
	[tilespmem:$0x14200] =	vst v63  }
0x10c: {  	_ = 	snop  }
0x10d: {  	[tilespmem:s9], [sflag:$0x2] =	stream.indirect_vreg.gather [hbm4b:s1+s3], $0x80, v6, vm0, $0xb8;
	[tilespmem:$0x14200] =	vst v63  }
0x10e: {  	s22 =	simm.s32 $0x10200  }
0x10f: {  	[tilespmem:s22], [sflag:$0x2] =	stream.indirect_vreg.gather [hbm4b:s8+s3], $0x80, v6, vm0, $0xb8;
	[tilespmem:$0x14200] =	vst v63  }
0x110: {  	_ = 	snop  }
0x111: {  	[tilespmem:s0], [sflag:$0x2] =	stream.indirect_vreg.gather [hbm4b:s10+s3], $0x80, v6, vm0, $0xb8;
	[tilespmem:$0x14200] =	vst v63  }
0x112: {  	v6 =	vld [tilespmem:$0x80B0];
	_ =	sdelay $0x4  }
0x113: {  	v33 =	vshrl.u32 v6, $0x3  }
0x114: {  	v7 =	vmul.u32 $0x30, v33  }
0x115: {  	v6 =	vand.u32 $0x7, v6  }
0x116: {  	v6 =	vor.u32 v6, v7  }
0x117: {  	v7 =	vperm.xlane v6, v16;
	_ =	sdelay $0x1  }
0x118: {  	v7 =	vadd.s32 v3, v7;
	_ =	sdelay $0x3  }
0x119: {  	v6 =	vperm.xlane v6, v17  }
0x11a: {  	[tilespmem:s13], [sflag:$0x2] =	stream.indirect_vreg.gather [hbm4b:s1+s3], $0x80, v7, vm0, $0xb8;
	[tilespmem:$0x14200] =	vst v63  }
0x11b: {  	s24 =	simm.s32 $0x11A00;
	v6 =	vadd.s32 v3, v6  }
0x11c: {  	[tilespmem:s24], [sflag:$0x2] =	stream.indirect_vreg.gather [hbm4b:s8+s3], $0x80, v7, vm0, $0xb8;
	[tilespmem:$0x14200] =	vst v63  }
0x11d: {  	s25 =	simm.s32 $0x12200  }
0x11e: {  	[tilespmem:s25], [sflag:$0x2] =	stream.indirect_vreg.gather [hbm4b:s10+s3], $0x80, v7, vm0, $0xb8;
	[tilespmem:$0x14200] =	vst v63  }
0x11f: {  	s23 =	simm.s32 $0x12A00  }
0x120: {  	[tilespmem:s23], [sflag:$0x2] =	stream.indirect_vreg.gather [hbm4b:s1+s3], $0x80, v6, vm0, $0xb8;
	[tilespmem:$0x14200] =	vst v63  }
0x121: {  	s26 =	simm.s32 $0x13200  }
0x122: {  	[tilespmem:s26], [sflag:$0x2] =	stream.indirect_vreg.gather [hbm4b:s8+s3], $0x80, v6, vm0, $0xb8;
	[tilespmem:$0x14200] =	vst v63  }
0x123: {  	s26 =	simm.s32 $0x13A00  }
0x124: {  	[tilespmem:s26], [sflag:$0x2] =	stream.indirect_vreg.gather [hbm4b:s10+s3], $0x80, v6, vm0, $0xb8;
	[tilespmem:$0x14200] =	vst v63  }
0x125: {  	s25 =	rddreg [dreg:$0x8]  }
0x126: {  	[hbm4b:s25+s3] =	stream.linear.scatter [tilespmem:s21], [sflag:$0x3], $0x6000, $0x38;
	[tilespmem:$0x14200] =	vst v63  }
0x127: {  	_ =	swait.ge [sflag:s18], $0x6000  }
0x128: {  	[sflag:s18] =	ssyncset.done $0x0  }
0x129: {  	[sflag:s18] =	ssyncadd.s32 $0xFFFFA000  }
0x12a: {  	_ =	swait.ge [sflag:s7], $0x6000  }
0x12b: {  	[sflag:s7] =	ssyncset.done $0x0  }
0x12c: {  	[sflag:s7] =	ssyncadd.s32 $0xFFFFA000  }
0x12d: {  	v34 =	vld [tilespmem:$0x80C0];
	_ =	sdelay $0x4  }
0x12e: {  	v35 =	vshrl.u32 v34, $0x3  }
0x12f: {  	v7 =	vmul.u32 $0x30, v35  }
0x130: {  	v6 =	vand.u32 $0x7, v34  }
0x131: {  	v6 =	vor.u32 v6, v7  }
0x132: {  	v7 =	vperm.xlane v6, v16;
	_ =	sdelay $0x1  }
0x133: {  	v7 =	vadd.s32 v3, v7;
	_ =	sdelay $0x3  }
0x134: {  	v6 =	vperm.xlane v6, v17  }
0x135: {  	[tilespmem:s21], [sflag:$0x2] =	stream.indirect_vreg.gather [hbm4b:s1+s3], $0x80, v7, vm0, $0xb8;
	[tilespmem:$0x14200] =	vst v63  }
0x136: {  	s26 =	simm.s32 $0x8A00;
	v6 =	vadd.s32 v3, v6  }
0x137: {  	[tilespmem:s26], [sflag:$0x2] =	stream.indirect_vreg.gather [hbm4b:s8+s3], $0x80, v7, vm0, $0xb8;
	[tilespmem:$0x14200] =	vst v63  }
0x138: {  	s25 =	simm.s32 $0x9200  }
0x139: {  	[tilespmem:s25], [sflag:$0x2] =	stream.indirect_vreg.gather [hbm4b:s10+s3], $0x80, v7, vm0, $0xb8;
	[tilespmem:$0x14200] =	vst v63  }
0x13a: {  	s26 =	simm.s32 $0x9A00  }
0x13b: {  	[tilespmem:s26], [sflag:$0x2] =	stream.indirect_vreg.gather [hbm4b:s1+s3], $0x80, v6, vm0, $0xb8;
	[tilespmem:$0x14200] =	vst v63  }
0x13c: {  	s25 =	simm.s32 $0xA200  }
0x13d: {  	[tilespmem:s25], [sflag:$0x2] =	stream.indirect_vreg.gather [hbm4b:s8+s3], $0x80, v6, vm0, $0xb8;
	[tilespmem:$0x14200] =	vst v63  }
0x13e: {  	s31 =	simm.s32 $0xAA00  }
0x13f: {  	[tilespmem:s31], [sflag:$0x2] =	stream.indirect_vreg.gather [hbm4b:s10+s3], $0x80, v6, vm0, $0xb8;
	[tilespmem:$0x14200] =	vst v63  }
0x140: {  	v6 =	vld [tilespmem:$0x80D0];
	_ =	sdelay $0x4  }
0x141: {  	v36 =	vshrl.u32 v6, $0x3  }
0x142: {  	v7 =	vmul.u32 $0x30, v36  }
0x143: {  	v6 =	vand.u32 $0x7, v6  }
0x144: {  	v6 =	vor.u32 v6, v7  }
0x145: {  	v7 =	vperm.xlane v6, v16;
	_ =	sdelay $0x1  }
0x146: {  	v7 =	vadd.s32 v3, v7;
	_ =	sdelay $0x3  }
0x147: {  	s26 =	simm.s32 $0xB200;
	v6 =	vperm.xlane v6, v17  }
0x148: {  	[tilespmem:s26], [sflag:$0x2] =	stream.indirect_vreg.gather [hbm4b:s1+s3], $0x80, v7, vm0, $0xb8;
	[tilespmem:$0x14200] =	vst v63  }
0x149: {  	s30 =	simm.s32 $0xBA00;
	v6 =	vadd.s32 v3, v6  }
0x14a: {  	[tilespmem:s30], [sflag:$0x2] =	stream.indirect_vreg.gather [hbm4b:s8+s3], $0x80, v7, vm0, $0xb8;
	[tilespmem:$0x14200] =	vst v63  }
0x14b: {  	s15 =	simm.s32 $0xC200  }
0x14c: {  	[tilespmem:s15], [sflag:$0x2] =	stream.indirect_vreg.gather [hbm4b:s10+s3], $0x80, v7, vm0, $0xb8;
	[tilespmem:$0x14200] =	vst v63  }
0x14d: {  	s16 =	simm.s32 $0xCA00  }
0x14e: {  	[tilespmem:s16], [sflag:$0x2] =	stream.indirect_vreg.gather [hbm4b:s1+s3], $0x80, v6, vm0, $0xb8;
	[tilespmem:$0x14200] =	vst v63  }
0x14f: {  	s17 =	simm.s32 $0xD200  }
0x150: {  	[tilespmem:s17], [sflag:$0x2] =	stream.indirect_vreg.gather [hbm4b:s8+s3], $0x80, v6, vm0, $0xb8;
	[tilespmem:$0x14200] =	vst v63  }
0x151: {  	s31 =	simm.s32 $0xDA00  }
0x152: {  	[tilespmem:s31], [sflag:$0x2] =	stream.indirect_vreg.gather [hbm4b:s10+s3], $0x80, v6, vm0, $0xb8;
	[tilespmem:$0x14200] =	vst v63  }
0x153: {  	s17 =	rddreg [dreg:$0x14]  }
0x154: {  	[hbm4b:s17+s3] =	stream.linear.scatter [tilespmem:s20], [sflag:$0x3], $0x6000, $0x38;
	[tilespmem:$0x14200] =	vst v63  }
0x155: {  	_ =	swait.ge [sflag:s18], $0x6000  }
0x156: {  	[sflag:s18] =	ssyncset.done $0x0  }
0x157: {  	[sflag:s18] =	ssyncadd.s32 $0xFFFFA000  }
0x158: {  	_ =	swait.ge [sflag:s7], $0x6000  }
0x159: {  	[sflag:s7] =	ssyncset.done $0x0  }
0x15a: {  	[sflag:s7] =	ssyncadd.s32 $0xFFFFA000  }
0x15b: {  	v37 =	vld [tilespmem:$0x80E0];
	_ =	sdelay $0x4  }
0x15c: {  	v38 =	vshrl.u32 v37, $0x3  }
0x15d: {  	v7 =	vmul.u32 $0x30, v38  }
0x15e: {  	v6 =	vand.u32 $0x7, v37  }
0x15f: {  	v6 =	vor.u32 v6, v7  }
0x160: {  	v7 =	vperm.xlane v6, v16;
	_ =	sdelay $0x1  }
0x161: {  	v7 =	vadd.s32 v3, v7;
	_ =	sdelay $0x3  }
0x162: {  	v6 =	vperm.xlane v6, v17  }
0x163: {  	[tilespmem:s20], [sflag:$0x2] =	stream.indirect_vreg.gather [hbm4b:s1+s3], $0x80, v7, vm0, $0xb8;
	[tilespmem:$0x14200] =	vst v63  }
0x164: {  	s2 =	simm.s32 $0xEA00;
	v6 =	vadd.s32 v3, v6  }
0x165: {  	[tilespmem:s2], [sflag:$0x2] =	stream.indirect_vreg.gather [hbm4b:s8+s3], $0x80, v7, vm0, $0xb8;
	[tilespmem:$0x14200] =	vst v63  }
0x166: {  	s14 =	simm.s32 $0xF200  }
0x167: {  	[tilespmem:s14], [sflag:$0x2] =	stream.indirect_vreg.gather [hbm4b:s10+s3], $0x80, v7, vm0, $0xb8;
	[tilespmem:$0x14200] =	vst v63  }
0x168: {  	s11 =	simm.s32 $0xFA00  }
0x169: {  	[tilespmem:s11], [sflag:$0x2] =	stream.indirect_vreg.gather [hbm4b:s1+s3], $0x80, v6, vm0, $0xb8;
	[tilespmem:$0x14200] =	vst v63  }
0x16a: {  	s19 =	simm.s32 $0x10200  }
0x16b: {  	[tilespmem:s19], [sflag:$0x2] =	stream.indirect_vreg.gather [hbm4b:s8+s3], $0x80, v6, vm0, $0xb8;
	[tilespmem:$0x14200] =	vst v63  }
0x16c: {  	s0 =	simm.s32 $0x10A00  }
0x16d: {  	[tilespmem:s0], [sflag:$0x2] =	stream.indirect_vreg.gather [hbm4b:s10+s3], $0x80, v6, vm0, $0xb8;
	[tilespmem:$0x14200] =	vst v63  }
0x16e: {  	v6 =	vld [tilespmem:$0x80F0];
	_ =	sdelay $0x4  }
0x16f: {  	v39 =	vshrl.u32 v6, $0x3  }
0x170: {  	v7 =	vmul.u32 $0x30, v39  }
0x171: {  	v6 =	vand.u32 $0x7, v6  }
0x172: {  	v6 =	vor.u32 v6, v7  }
0x173: {  	v7 =	vperm.xlane v6, v16;
	_ =	sdelay $0x1  }
0x174: {  	v7 =	vadd.s32 v3, v7;
	_ =	sdelay $0x3  }
0x175: {  	s9 =	simm.s32 $0x11200;
	v6 =	vperm.xlane v6, v17  }
0x176: {  	[tilespmem:s9], [sflag:$0x2] =	stream.indirect_vreg.gather [hbm4b:s1+s3], $0x80, v7, vm0, $0xb8;
	[tilespmem:$0x14200] =	vst v63  }
0x177: {  	s24 =	simm.s32 $0x11A00;
	v6 =	vadd.s32 v3, v6  }
0x178: {  	[tilespmem:s24], [sflag:$0x2] =	stream.indirect_vreg.gather [hbm4b:s8+s3], $0x80, v7, vm0, $0xb8;
	[tilespmem:$0x14200] =	vst v63  }
0x179: {  	s13 =	simm.s32 $0x12200  }
0x17a: {  	[tilespmem:s13], [sflag:$0x2] =	stream.indirect_vreg.gather [hbm4b:s10+s3], $0x80, v7, vm0, $0xb8;
	[tilespmem:$0x14200] =	vst v63  }
0x17b: {  	s22 =	simm.s32 $0x12A00  }
0x17c: {  	[tilespmem:s22], [sflag:$0x2] =	stream.indirect_vreg.gather [hbm4b:s1+s3], $0x80, v6, vm0, $0xb8;
	[tilespmem:$0x14200] =	vst v63  }
0x17d: {  	s23 =	simm.s32 $0x13200  }
0x17e: {  	[tilespmem:s23], [sflag:$0x2] =	stream.indirect_vreg.gather [hbm4b:s8+s3], $0x80, v6, vm0, $0xb8;
	[tilespmem:$0x14200] =	vst v63  }
0x17f: {  	s23 =	simm.s32 $0x13A00  }
0x180: {  	[tilespmem:s23], [sflag:$0x2] =	stream.indirect_vreg.gather [hbm4b:s10+s3], $0x80, v6, vm0, $0xb8;
	[tilespmem:$0x14200] =	vst v63  }
0x181: {  	s24 =	rddreg [dreg:$0x9]  }
0x182: {  	[hbm4b:s24+s3] =	stream.linear.scatter [tilespmem:s21], [sflag:$0x3], $0x6000, $0x38;
	[tilespmem:$0x14200] =	vst v63  }
0x183: {  	_ =	swait.ge [sflag:s18], $0x6000  }
0x184: {  	[sflag:s18] =	ssyncset.done $0x0  }
0x185: {  	[sflag:s18] =	ssyncadd.s32 $0xFFFFA000  }
0x186: {  	_ =	swait.ge [sflag:s7], $0x6000  }
0x187: {  	[sflag:s7] =	ssyncset.done $0x0  }
0x188: {  	[sflag:s7] =	ssyncadd.s32 $0xFFFFA000  }
0x189: {  	v40 =	vld [tilespmem:$0x8100];
	_ =	sdelay $0x4  }
0x18a: {  	v41 =	vshrl.u32 v40, $0x3  }
0x18b: {  	v7 =	vmul.u32 $0x30, v41  }
0x18c: {  	v6 =	vand.u32 $0x7, v40  }
0x18d: {  	v6 =	vor.u32 v6, v7  }
0x18e: {  	v7 =	vperm.xlane v6, v16;
	_ =	sdelay $0x1  }
0x18f: {  	v7 =	vadd.s32 v3, v7;
	_ =	sdelay $0x3  }
0x190: {  	v6 =	vperm.xlane v6, v17  }
0x191: {  	[tilespmem:s21], [sflag:$0x2] =	stream.indirect_vreg.gather [hbm4b:s1+s3], $0x80, v7, vm0, $0xb8;
	[tilespmem:$0x14200] =	vst v63  }
0x192: {  	s30 =	simm.s32 $0x8A00;
	v6 =	vadd.s32 v3, v6  }
0x193: {  	[tilespmem:s30], [sflag:$0x2] =	stream.indirect_vreg.gather [hbm4b:s8+s3], $0x80, v7, vm0, $0xb8;
	[tilespmem:$0x14200] =	vst v63  }
0x194: {  	s23 =	simm.s32 $0x9200  }
0x195: {  	[tilespmem:s23], [sflag:$0x2] =	stream.indirect_vreg.gather [hbm4b:s10+s3], $0x80, v7, vm0, $0xb8;
	[tilespmem:$0x14200] =	vst v63  }
0x196: {  	s24 =	simm.s32 $0x9A00  }
0x197: {  	[tilespmem:s24], [sflag:$0x2] =	stream.indirect_vreg.gather [hbm4b:s1+s3], $0x80, v6, vm0, $0xb8;
	[tilespmem:$0x14200] =	vst v63  }
0x198: {  	s30 =	simm.s32 $0xA200  }
0x199: {  	[tilespmem:s30], [sflag:$0x2] =	stream.indirect_vreg.gather [hbm4b:s8+s3], $0x80, v6, vm0, $0xb8;
	[tilespmem:$0x14200] =	vst v63  }
0x19a: {  	s23 =	simm.s32 $0xAA00  }
0x19b: {  	[tilespmem:s23], [sflag:$0x2] =	stream.indirect_vreg.gather [hbm4b:s10+s3], $0x80, v6, vm0, $0xb8;
	[tilespmem:$0x14200] =	vst v63  }
0x19c: {  	v6 =	vld [tilespmem:$0x8110];
	_ =	sdelay $0x4  }
0x19d: {  	v42 =	vshrl.u32 v6, $0x3  }
0x19e: {  	v7 =	vmul.u32 $0x30, v42  }
0x19f: {  	v6 =	vand.u32 $0x7, v6  }
0x1a0: {  	v6 =	vor.u32 v6, v7  }
0x1a1: {  	v7 =	vperm.xlane v6, v16;
	_ =	sdelay $0x1  }
0x1a2: {  	v7 =	vadd.s32 v3, v7;
	_ =	sdelay $0x3  }
0x1a3: {  	s24 =	simm.s32 $0xB200;
	v6 =	vperm.xlane v6, v17  }
0x1a4: {  	[tilespmem:s24], [sflag:$0x2] =	stream.indirect_vreg.gather [hbm4b:s1+s3], $0x80, v7, vm0, $0xb8;
	[tilespmem:$0x14200] =	vst v63  }
0x1a5: {  	s25 =	simm.s32 $0xBA00;
	v6 =	vadd.s32 v3, v6  }
0x1a6: {  	[tilespmem:s25], [sflag:$0x2] =	stream.indirect_vreg.gather [hbm4b:s8+s3], $0x80, v7, vm0, $0xb8;
	[tilespmem:$0x14200] =	vst v63  }
0x1a7: {  	s26 =	simm.s32 $0xC200  }
0x1a8: {  	[tilespmem:s26], [sflag:$0x2] =	stream.indirect_vreg.gather [hbm4b:s10+s3], $0x80, v7, vm0, $0xb8;
	[tilespmem:$0x14200] =	vst v63  }
0x1a9: {  	s15 =	simm.s32 $0xCA00  }
0x1aa: {  	[tilespmem:s15], [sflag:$0x2] =	stream.indirect_vreg.gather [hbm4b:s1+s3], $0x80, v6, vm0, $0xb8;
	[tilespmem:$0x14200] =	vst v63  }
0x1ab: {  	s16 =	simm.s32 $0xD200  }
0x1ac: {  	[tilespmem:s16], [sflag:$0x2] =	stream.indirect_vreg.gather [hbm4b:s8+s3], $0x80, v6, vm0, $0xb8;
	[tilespmem:$0x14200] =	vst v63  }
0x1ad: {  	s26 =	simm.s32 $0xDA00  }
0x1ae: {  	[tilespmem:s26], [sflag:$0x2] =	stream.indirect_vreg.gather [hbm4b:s10+s3], $0x80, v6, vm0, $0xb8;
	[tilespmem:$0x14200] =	vst v63  }
0x1af: {  	s16 =	rddreg [dreg:$0xa]  }
0x1b0: {  	[hbm4b:s16+s3] =	stream.linear.scatter [tilespmem:s20], [sflag:$0x3], $0x6000, $0x38;
	[tilespmem:$0x14200] =	vst v63  }
0x1b1: {  	_ =	swait.ge [sflag:s18], $0x6000  }
0x1b2: {  	[sflag:s18] =	ssyncset.done $0x0  }
0x1b3: {  	[sflag:s18] =	ssyncadd.s32 $0xFFFFA000  }
0x1b4: {  	_ =	swait.ge [sflag:s7], $0x6000  }
0x1b5: {  	[sflag:s7] =	ssyncset.done $0x0  }
0x1b6: {  	[sflag:s7] =	ssyncadd.s32 $0xFFFFA000  }
0x1b7: {  	v43 =	vld [tilespmem:$0x8120];
	_ =	sdelay $0x4  }
0x1b8: {  	v44 =	vshrl.u32 v43, $0x3  }
0x1b9: {  	v7 =	vmul.u32 $0x30, v44  }
0x1ba: {  	v6 =	vand.u32 $0x7, v43  }
0x1bb: {  	v6 =	vor.u32 v6, v7  }
0x1bc: {  	v7 =	vperm.xlane v6, v16;
	_ =	sdelay $0x1  }
0x1bd: {  	v7 =	vadd.s32 v3, v7;
	_ =	sdelay $0x3  }
0x1be: {  	v6 =	vperm.xlane v6, v17  }
0x1bf: {  	[tilespmem:s20], [sflag:$0x2] =	stream.indirect_vreg.gather [hbm4b:s1+s3], $0x80, v7, vm0, $0xb8;
	[tilespmem:$0x14200] =	vst v63  }
0x1c0: {  	s2 =	simm.s32 $0xEA00;
	v6 =	vadd.s32 v3, v6  }
0x1c1: {  	[tilespmem:s2], [sflag:$0x2] =	stream.indirect_vreg.gather [hbm4b:s8+s3], $0x80, v7, vm0, $0xb8;
	[tilespmem:$0x14200] =	vst v63  }
0x1c2: {  	s31 =	simm.s32 $0xF200  }
0x1c3: {  	[tilespmem:s31], [sflag:$0x2] =	stream.indirect_vreg.gather [hbm4b:s10+s3], $0x80, v7, vm0, $0xb8;
	[tilespmem:$0x14200] =	vst v63  }
0x1c4: {  	s11 =	simm.s32 $0xFA00  }
0x1c5: {  	[tilespmem:s11], [sflag:$0x2] =	stream.indirect_vreg.gather [hbm4b:s1+s3], $0x80, v6, vm0, $0xb8;
	[tilespmem:$0x14200] =	vst v63  }
0x1c6: {  	s14 =	simm.s32 $0x10200  }
0x1c7: {  	[tilespmem:s14], [sflag:$0x2] =	stream.indirect_vreg.gather [hbm4b:s8+s3], $0x80, v6, vm0, $0xb8;
	[tilespmem:$0x14200] =	vst v63  }
0x1c8: {  	s0 =	simm.s32 $0x10A00  }
0x1c9: {  	[tilespmem:s0], [sflag:$0x2] =	stream.indirect_vreg.gather [hbm4b:s10+s3], $0x80, v6, vm0, $0xb8;
	[tilespmem:$0x14200] =	vst v63  }
0x1ca: {  	v6 =	vld [tilespmem:$0x8130];
	_ =	sdelay $0x4  }
0x1cb: {  	v45 =	vshrl.u32 v6, $0x3  }
0x1cc: {  	v7 =	vmul.u32 $0x30, v45  }
0x1cd: {  	v6 =	vand.u32 $0x7, v6  }
0x1ce: {  	v6 =	vor.u32 v6, v7  }
0x1cf: {  	v7 =	vperm.xlane v6, v16;
	_ =	sdelay $0x1  }
0x1d0: {  	v7 =	vadd.s32 v3, v7;
	_ =	sdelay $0x3  }
0x1d1: {  	s9 =	simm.s32 $0x11200;
	v6 =	vperm.xlane v6, v17  }
0x1d2: {  	[tilespmem:s9], [sflag:$0x2] =	stream.indirect_vreg.gather [hbm4b:s1+s3], $0x80, v7, vm0, $0xb8;
	[tilespmem:$0x14200] =	vst v63  }
0x1d3: {  	s19 =	simm.s32 $0x11A00;
	v6 =	vadd.s32 v3, v6  }
0x1d4: {  	[tilespmem:s19], [sflag:$0x2] =	stream.indirect_vreg.gather [hbm4b:s8+s3], $0x80, v7, vm0, $0xb8;
	[tilespmem:$0x14200] =	vst v63  }
0x1d5: {  	s13 =	simm.s32 $0x12200  }
0x1d6: {  	[tilespmem:s13], [sflag:$0x2] =	stream.indirect_vreg.gather [hbm4b:s10+s3], $0x80, v7, vm0, $0xb8;
	[tilespmem:$0x14200] =	vst v63  }
0x1d7: {  	s17 =	simm.s32 $0x12A00  }
0x1d8: {  	[tilespmem:s17], [sflag:$0x2] =	stream.indirect_vreg.gather [hbm4b:s1+s3], $0x80, v6, vm0, $0xb8;
	[tilespmem:$0x14200] =	vst v63  }
0x1d9: {  	s22 =	simm.s32 $0x13200  }
0x1da: {  	[tilespmem:s22], [sflag:$0x2] =	stream.indirect_vreg.gather [hbm4b:s8+s3], $0x80, v6, vm0, $0xb8;
	[tilespmem:$0x14200] =	vst v63  }
0x1db: {  	s22 =	simm.s32 $0x13A00  }
0x1dc: {  	[tilespmem:s22], [sflag:$0x2] =	stream.indirect_vreg.gather [hbm4b:s10+s3], $0x80, v6, vm0, $0xb8;
	[tilespmem:$0x14200] =	vst v63  }
0x1dd: {  	s17 =	rddreg [dreg:$0xb]  }
0x1de: {  	[hbm4b:s17+s3] =	stream.linear.scatter [tilespmem:s21], [sflag:$0x3], $0x6000, $0x38;
	[tilespmem:$0x14200] =	vst v63  }
0x1df: {  	_ =	swait.ge [sflag:s18], $0x6000  }
0x1e0: {  	[sflag:s18] =	ssyncset.done $0x0  }
0x1e1: {  	[sflag:s18] =	ssyncadd.s32 $0xFFFFA000  }
0x1e2: {  	_ =	swait.ge [sflag:s7], $0x6000  }
0x1e3: {  	[sflag:s7] =	ssyncset.done $0x0  }
0x1e4: {  	[sflag:s7] =	ssyncadd.s32 $0xFFFFA000  }
0x1e5: {  	v46 =	vld [tilespmem:$0x8140];
	_ =	sdelay $0x4  }
0x1e6: {  	v47 =	vshrl.u32 v46, $0x3  }
0x1e7: {  	v7 =	vmul.u32 $0x30, v47  }
0x1e8: {  	v6 =	vand.u32 $0x7, v46  }
0x1e9: {  	v6 =	vor.u32 v6, v7  }
0x1ea: {  	v7 =	vperm.xlane v6, v16;
	_ =	sdelay $0x1  }
0x1eb: {  	v7 =	vadd.s32 v3, v7;
	_ =	sdelay $0x3  }
0x1ec: {  	v6 =	vperm.xlane v6, v17  }
0x1ed: {  	[tilespmem:s21], [sflag:$0x2] =	stream.indirect_vreg.gather [hbm4b:s1+s3], $0x80, v7, vm0, $0xb8;
	[tilespmem:$0x14200] =	vst v63  }
0x1ee: {  	s22 =	simm.s32 $0x8A00;
	v6 =	vadd.s32 v3, v6  }
0x1ef: {  	[tilespmem:s22], [sflag:$0x2] =	stream.indirect_vreg.gather [hbm4b:s8+s3], $0x80, v7, vm0, $0xb8;
	[tilespmem:$0x14200] =	vst v63  }
0x1f0: {  	s17 =	simm.s32 $0x9200  }
0x1f1: {  	[tilespmem:s17], [sflag:$0x2] =	stream.indirect_vreg.gather [hbm4b:s10+s3], $0x80, v7, vm0, $0xb8;
	[tilespmem:$0x14200] =	vst v63  }
0x1f2: {  	s22 =	simm.s32 $0x9A00  }
0x1f3: {  	[tilespmem:s22], [sflag:$0x2] =	stream.indirect_vreg.gather [hbm4b:s1+s3], $0x80, v6, vm0, $0xb8;
	[tilespmem:$0x14200] =	vst v63  }
0x1f4: {  	s30 =	simm.s32 $0xA200  }
0x1f5: {  	[tilespmem:s30], [sflag:$0x2] =	stream.indirect_vreg.gather [hbm4b:s8+s3], $0x80, v6, vm0, $0xb8;
	[tilespmem:$0x14200] =	vst v63  }
0x1f6: {  	s30 =	simm.s32 $0xAA00  }
0x1f7: {  	[tilespmem:s30], [sflag:$0x2] =	stream.indirect_vreg.gather [hbm4b:s10+s3], $0x80, v6, vm0, $0xb8;
	[tilespmem:$0x14200] =	vst v63  }
0x1f8: {  	v6 =	vld [tilespmem:$0x8150];
	_ =	sdelay $0x4  }
0x1f9: {  	v48 =	vshrl.u32 v6, $0x3  }
0x1fa: {  	v7 =	vmul.u32 $0x30, v48  }
0x1fb: {  	v6 =	vand.u32 $0x7, v6  }
0x1fc: {  	v6 =	vor.u32 v6, v7  }
0x1fd: {  	v7 =	vperm.xlane v6, v16;
	_ =	sdelay $0x1  }
0x1fe: {  	v7 =	vadd.s32 v3, v7;
	_ =	sdelay $0x3  }
0x1ff: {  	s17 =	simm.s32 $0xB200;
	v6 =	vperm.xlane v6, v17  }
0x200: {  	[tilespmem:s17], [sflag:$0x2] =	stream.indirect_vreg.gather [hbm4b:s1+s3], $0x80, v7, vm0, $0xb8;
	[tilespmem:$0x14200] =	vst v63  }
0x201: {  	s24 =	simm.s32 $0xBA00;
	v6 =	vadd.s32 v3, v6  }
0x202: {  	[tilespmem:s24], [sflag:$0x2] =	stream.indirect_vreg.gather [hbm4b:s8+s3], $0x80, v7, vm0, $0xb8;
	[tilespmem:$0x14200] =	vst v63  }
0x203: {  	s23 =	simm.s32 $0xC200  }
0x204: {  	[tilespmem:s23], [sflag:$0x2] =	stream.indirect_vreg.gather [hbm4b:s10+s3], $0x80, v7, vm0, $0xb8;
	[tilespmem:$0x14200] =	vst v63  }
0x205: {  	s25 =	simm.s32 $0xCA00  }
0x206: {  	[tilespmem:s25], [sflag:$0x2] =	stream.indirect_vreg.gather [hbm4b:s1+s3], $0x80, v6, vm0, $0xb8;
	[tilespmem:$0x14200] =	vst v63  }
0x207: {  	s15 =	simm.s32 $0xD200  }
0x208: {  	[tilespmem:s15], [sflag:$0x2] =	stream.indirect_vreg.gather [hbm4b:s8+s3], $0x80, v6, vm0, $0xb8;
	[tilespmem:$0x14200] =	vst v63  }
0x209: {  	s25 =	simm.s32 $0xDA00  }
0x20a: {  	[tilespmem:s25], [sflag:$0x2] =	stream.indirect_vreg.gather [hbm4b:s10+s3], $0x80, v6, vm0, $0xb8;
	[tilespmem:$0x14200] =	vst v63  }
0x20b: {  	s30 =	rddreg [dreg:$0xc]  }
0x20c: {  	[hbm4b:s30+s3] =	stream.linear.scatter [tilespmem:s20], [sflag:$0x3], $0x6000, $0x38;
	[tilespmem:$0x14200] =	vst v63  }
0x20d: {  	_ =	swait.ge [sflag:s18], $0x6000  }
0x20e: {  	[sflag:s18] =	ssyncset.done $0x0  }
0x20f: {  	[sflag:s18] =	ssyncadd.s32 $0xFFFFA000  }
0x210: {  	_ =	swait.ge [sflag:s7], $0x6000  }
0x211: {  	[sflag:s7] =	ssyncset.done $0x0  }
0x212: {  	[sflag:s7] =	ssyncadd.s32 $0xFFFFA000  }
0x213: {  	v49 =	vld [tilespmem:$0x8160];
	_ =	sdelay $0x4  }
0x214: {  	v50 =	vshrl.u32 v49, $0x3  }
0x215: {  	v7 =	vmul.u32 $0x30, v50  }
0x216: {  	v6 =	vand.u32 $0x7, v49  }
0x217: {  	v6 =	vor.u32 v6, v7  }
0x218: {  	v7 =	vperm.xlane v6, v16;
	_ =	sdelay $0x1  }
0x219: {  	v7 =	vadd.s32 v3, v7;
	_ =	sdelay $0x3  }
0x21a: {  	v6 =	vperm.xlane v6, v17  }
0x21b: {  	[tilespmem:s20], [sflag:$0x2] =	stream.indirect_vreg.gather [hbm4b:s1+s3], $0x80, v7, vm0, $0xb8;
	[tilespmem:$0x14200] =	vst v63  }
0x21c: {  	s2 =	simm.s32 $0xEA00;
	v6 =	vadd.s32 v3, v6  }
0x21d: {  	[tilespmem:s2], [sflag:$0x2] =	stream.indirect_vreg.gather [hbm4b:s8+s3], $0x80, v7, vm0, $0xb8;
	[tilespmem:$0x14200] =	vst v63  }
0x21e: {  	s31 =	simm.s32 $0xF200  }
0x21f: {  	[tilespmem:s31], [sflag:$0x2] =	stream.indirect_vreg.gather [hbm4b:s10+s3], $0x80, v7, vm0, $0xb8;
	[tilespmem:$0x14200] =	vst v63  }
0x220: {  	s26 =	simm.s32 $0xFA00  }
0x221: {  	[tilespmem:s26], [sflag:$0x2] =	stream.indirect_vreg.gather [hbm4b:s1+s3], $0x80, v6, vm0, $0xb8;
	[tilespmem:$0x14200] =	vst v63  }
0x222: {  	s11 =	simm.s32 $0x10200  }
0x223: {  	[tilespmem:s11], [sflag:$0x2] =	stream.indirect_vreg.gather [hbm4b:s8+s3], $0x80, v6, vm0, $0xb8;
	[tilespmem:$0x14200] =	vst v63  }
0x224: {  	s16 =	simm.s32 $0x10A00  }
0x225: {  	[tilespmem:s16], [sflag:$0x2] =	stream.indirect_vreg.gather [hbm4b:s10+s3], $0x80, v6, vm0, $0xb8;
	[tilespmem:$0x14200] =	vst v63  }
0x226: {  	v6 =	vld [tilespmem:$0x8170];
	_ =	sdelay $0x4  }
0x227: {  	v51 =	vshrl.u32 v6, $0x3  }
0x228: {  	v7 =	vmul.u32 $0x30, v51  }
0x229: {  	v6 =	vand.u32 $0x7, v6  }
0x22a: {  	v6 =	vor.u32 v6, v7  }
0x22b: {  	v7 =	vperm.xlane v6, v16;
	_ =	sdelay $0x1  }
0x22c: {  	v7 =	vadd.s32 v3, v7;
	_ =	sdelay $0x3  }
0x22d: {  	s0 =	simm.s32 $0x11200;
	v6 =	vperm.xlane v6, v17  }
0x22e: {  	[tilespmem:s0], [sflag:$0x2] =	stream.indirect_vreg.gather [hbm4b:s1+s3], $0x80, v7, vm0, $0xb8;
	[tilespmem:$0x14200] =	vst v63  }
0x22f: {  	s14 =	simm.s32 $0x11A00;
	v6 =	vadd.s32 v3, v6  }
0x230: {  	[tilespmem:s14], [sflag:$0x2] =	stream.indirect_vreg.gather [hbm4b:s8+s3], $0x80, v7, vm0, $0xb8;
	[tilespmem:$0x14200] =	vst v63  }
0x231: {  	s19 =	simm.s32 $0x12200  }
0x232: {  	[tilespmem:s19], [sflag:$0x2] =	stream.indirect_vreg.gather [hbm4b:s10+s3], $0x80, v7, vm0, $0xb8;
	[tilespmem:$0x14200] =	vst v63  }
0x233: {  	s9 =	simm.s32 $0x12A00  }
0x234: {  	[tilespmem:s9], [sflag:$0x2] =	stream.indirect_vreg.gather [hbm4b:s1+s3], $0x80, v6, vm0, $0xb8;
	[tilespmem:$0x14200] =	vst v63  }
0x235: {  	s13 =	simm.s32 $0x13200  }
0x236: {  	[tilespmem:s13], [sflag:$0x2] =	stream.indirect_vreg.gather [hbm4b:s8+s3], $0x80, v6, vm0, $0xb8;
	[tilespmem:$0x14200] =	vst v63  }
0x237: {  	s12 =	simm.s32 $0x13A00  }
0x238: {  	[tilespmem:s12], [sflag:$0x2] =	stream.indirect_vreg.gather [hbm4b:s10+s3], $0x80, v6, vm0, $0xb8;
	[tilespmem:$0x14200] =	vst v63  }
0x239: {  	s13 =	rddreg [dreg:$0xd]  }
0x23a: {  	[hbm4b:s13+s3] =	stream.linear.scatter [tilespmem:s21], [sflag:$0x3], $0x6000, $0x38;
	[tilespmem:$0x14200] =	vst v63  }
0x23b: {  	_ =	swait.ge [sflag:s18], $0x6000  }
0x23c: {  	[sflag:s18] =	ssyncset.done $0x0  }
0x23d: {  	[sflag:s18] =	ssyncadd.s32 $0xFFFFA000  }
0x23e: {  	_ =	swait.ge [sflag:s7], $0x6000  }
0x23f: {  	[sflag:s7] =	ssyncset.done $0x0  }
0x240: {  	[sflag:s7] =	ssyncadd.s32 $0xFFFFA000  }
0x241: {  	v52 =	vld [tilespmem:$0x8180];
	_ =	sdelay $0x4  }
0x242: {  	v53 =	vshrl.u32 v52, $0x3  }
0x243: {  	v7 =	vmul.u32 $0x30, v53  }
0x244: {  	v6 =	vand.u32 $0x7, v52  }
0x245: {  	v6 =	vor.u32 v6, v7  }
0x246: {  	v7 =	vperm.xlane v6, v16;
	_ =	sdelay $0x1  }
0x247: {  	v7 =	vadd.s32 v3, v7;
	_ =	sdelay $0x3  }
0x248: {  	v6 =	vperm.xlane v6, v17  }
0x249: {  	[tilespmem:s21], [sflag:$0x2] =	stream.indirect_vreg.gather [hbm4b:s1+s3], $0x80, v7, vm0, $0xb8;
	[tilespmem:$0x14200] =	vst v63  }
0x24a: {  	s19 =	simm.s32 $0x8A00;
	v6 =	vadd.s32 v3, v6  }
0x24b: {  	[tilespmem:s19], [sflag:$0x2] =	stream.indirect_vreg.gather [hbm4b:s8+s3], $0x80, v7, vm0, $0xb8;
	[tilespmem:$0x14200] =	vst v63  }
0x24c: {  	s9 =	simm.s32 $0x9200  }
0x24d: {  	[tilespmem:s9], [sflag:$0x2] =	stream.indirect_vreg.gather [hbm4b:s10+s3], $0x80, v7, vm0, $0xb8;
	[tilespmem:$0x14200] =	vst v63  }
0x24e: {  	s12 =	simm.s32 $0x9A00  }
0x24f: {  	[tilespmem:s12], [sflag:$0x2] =	stream.indirect_vreg.gather [hbm4b:s1+s3], $0x80, v6, vm0, $0xb8;
	[tilespmem:$0x14200] =	vst v63  }
0x250: {  	s22 =	simm.s32 $0xA200  }
0x251: {  	[tilespmem:s22], [sflag:$0x2] =	stream.indirect_vreg.gather [hbm4b:s8+s3], $0x80, v6, vm0, $0xb8;
	[tilespmem:$0x14200] =	vst v63  }
0x252: {  	s13 =	simm.s32 $0xAA00  }
0x253: {  	[tilespmem:s13], [sflag:$0x2] =	stream.indirect_vreg.gather [hbm4b:s10+s3], $0x80, v6, vm0, $0xb8;
	[tilespmem:$0x14200] =	vst v63  }
0x254: {  	v6 =	vld [tilespmem:$0x8190];
	_ =	sdelay $0x4  }
0x255: {  	v54 =	vshrl.u32 v6, $0x3  }
0x256: {  	v7 =	vmul.u32 $0x30, v54  }
0x257: {  	v6 =	vand.u32 $0x7, v6  }
0x258: {  	v6 =	vor.u32 v6, v7  }
0x259: {  	v7 =	vperm.xlane v6, v16;
	_ =	sdelay $0x1  }
0x25a: {  	v7 =	vadd.s32 v3, v7;
	_ =	sdelay $0x3  }
0x25b: {  	s22 =	simm.s32 $0xB200;
	v6 =	vperm.xlane v6, v17  }
0x25c: {  	[tilespmem:s22], [sflag:$0x2] =	stream.indirect_vreg.gather [hbm4b:s1+s3], $0x80, v7, vm0, $0xb8;
	[tilespmem:$0x14200] =	vst v63  }
0x25d: {  	s17 =	simm.s32 $0xBA00;
	v6 =	vadd.s32 v3, v6  }
0x25e: {  	[tilespmem:s17], [sflag:$0x2] =	stream.indirect_vreg.gather [hbm4b:s8+s3], $0x80, v7, vm0, $0xb8;
	[tilespmem:$0x14200] =	vst v63  }
0x25f: {  	s24 =	simm.s32 $0xC200  }
0x260: {  	[tilespmem:s24], [sflag:$0x2] =	stream.indirect_vreg.gather [hbm4b:s10+s3], $0x80, v7, vm0, $0xb8;
	[tilespmem:$0x14200] =	vst v63  }
0x261: {  	s23 =	simm.s32 $0xCA00  }
0x262: {  	[tilespmem:s23], [sflag:$0x2] =	stream.indirect_vreg.gather [hbm4b:s1+s3], $0x80, v6, vm0, $0xb8;
	[tilespmem:$0x14200] =	vst v63  }
0x263: {  	s15 =	simm.s32 $0xD200  }
0x264: {  	[tilespmem:s15], [sflag:$0x2] =	stream.indirect_vreg.gather [hbm4b:s8+s3], $0x80, v6, vm0, $0xb8;
	[tilespmem:$0x14200] =	vst v63  }
0x265: {  	s23 =	simm.s32 $0xDA00  }
0x266: {  	[tilespmem:s23], [sflag:$0x2] =	stream.indirect_vreg.gather [hbm4b:s10+s3], $0x80, v6, vm0, $0xb8;
	[tilespmem:$0x14200] =	vst v63  }
0x267: {  	s24 =	rddreg [dreg:$0xe]  }
0x268: {  	[hbm4b:s24+s3] =	stream.linear.scatter [tilespmem:s20], [sflag:$0x3], $0x6000, $0x38;
	[tilespmem:$0x14200] =	vst v63  }
0x269: {  	_ =	swait.ge [sflag:s18], $0x6000  }
0x26a: {  	[sflag:s18] =	ssyncset.done $0x0  }
0x26b: {  	[sflag:s18] =	ssyncadd.s32 $0xFFFFA000  }
0x26c: {  	_ =	swait.ge [sflag:s7], $0x6000  }
0x26d: {  	[sflag:s7] =	ssyncset.done $0x0  }
0x26e: {  	[sflag:s7] =	ssyncadd.s32 $0xFFFFA000  }
0x26f: {  	v55 =	vld [tilespmem:$0x81A0];
	_ =	sdelay $0x4  }
0x270: {  	v56 =	vshrl.u32 v55, $0x3  }
0x271: {  	v7 =	vmul.u32 $0x30, v56  }
0x272: {  	v6 =	vand.u32 $0x7, v55  }
0x273: {  	v6 =	vor.u32 v6, v7  }
0x274: {  	v7 =	vperm.xlane v6, v16;
	_ =	sdelay $0x1  }
0x275: {  	v7 =	vadd.s32 v3, v7;
	_ =	sdelay $0x3  }
0x276: {  	v6 =	vperm.xlane v6, v17  }
0x277: {  	[tilespmem:s20], [sflag:$0x2] =	stream.indirect_vreg.gather [hbm4b:s1+s3], $0x80, v7, vm0, $0xb8;
	[tilespmem:$0x14200] =	vst v63  }
0x278: {  	s2 =	simm.s32 $0xEA00;
	v6 =	vadd.s32 v3, v6  }
0x279: {  	[tilespmem:s2], [sflag:$0x2] =	stream.indirect_vreg.gather [hbm4b:s8+s3], $0x80, v7, vm0, $0xb8;
	[tilespmem:$0x14200] =	vst v63  }
0x27a: {  	s30 =	simm.s32 $0xF200  }
0x27b: {  	[tilespmem:s30], [sflag:$0x2] =	stream.indirect_vreg.gather [hbm4b:s10+s3], $0x80, v7, vm0, $0xb8;
	[tilespmem:$0x14200] =	vst v63  }
0x27c: {  	s25 =	simm.s32 $0xFA00  }
0x27d: {  	[tilespmem:s25], [sflag:$0x2] =	stream.indirect_vreg.gather [hbm4b:s1+s3], $0x80, v6, vm0, $0xb8;
	[tilespmem:$0x14200] =	vst v63  }
0x27e: {  	s26 =	simm.s32 $0x10200  }
0x27f: {  	[tilespmem:s26], [sflag:$0x2] =	stream.indirect_vreg.gather [hbm4b:s8+s3], $0x80, v6, vm0, $0xb8;
	[tilespmem:$0x14200] =	vst v63  }
0x280: {  	s16 =	simm.s32 $0x10A00  }
0x281: {  	[tilespmem:s16], [sflag:$0x2] =	stream.indirect_vreg.gather [hbm4b:s10+s3], $0x80, v6, vm0, $0xb8;
	[tilespmem:$0x14200] =	vst v63  }
0x282: {  	v6 =	vld [tilespmem:$0x81B0];
	_ =	sdelay $0x4  }
0x283: {  	v57 =	vshrl.u32 v6, $0x3  }
0x284: {  	v7 =	vmul.u32 $0x30, v57  }
0x285: {  	v6 =	vand.u32 $0x7, v6  }
0x286: {  	v6 =	vor.u32 v6, v7  }
0x287: {  	v7 =	vperm.xlane v6, v16;
	_ =	sdelay $0x1  }
0x288: {  	v7 =	vadd.s32 v3, v7;
	_ =	sdelay $0x3  }
0x289: {  	s31 =	simm.s32 $0x11200;
	v6 =	vperm.xlane v6, v17  }
0x28a: {  	[tilespmem:s31], [sflag:$0x2] =	stream.indirect_vreg.gather [hbm4b:s1+s3], $0x80, v7, vm0, $0xb8;
	[tilespmem:$0x14200] =	vst v63  }
0x28b: {  	s26 =	simm.s32 $0x11A00;
	v6 =	vadd.s32 v3, v6  }
0x28c: {  	[tilespmem:s26], [sflag:$0x2] =	stream.indirect_vreg.gather [hbm4b:s8+s3], $0x80, v7, vm0, $0xb8;
	[tilespmem:$0x14200] =	vst v63  }
0x28d: {  	s11 =	simm.s32 $0x12200  }
0x28e: {  	[tilespmem:s11], [sflag:$0x2] =	stream.indirect_vreg.gather [hbm4b:s10+s3], $0x80, v7, vm0, $0xb8;
	[tilespmem:$0x14200] =	vst v63  }
0x28f: {  	s14 =	simm.s32 $0x12A00  }
0x290: {  	[tilespmem:s14], [sflag:$0x2] =	stream.indirect_vreg.gather [hbm4b:s1+s3], $0x80, v6, vm0, $0xb8;
	[tilespmem:$0x14200] =	vst v63  }
0x291: {  	s31 =	simm.s32 $0x13200  }
0x292: {  	[tilespmem:s31], [sflag:$0x2] =	stream.indirect_vreg.gather [hbm4b:s8+s3], $0x80, v6, vm0, $0xb8;
	[tilespmem:$0x14200] =	vst v63  }
0x293: {  	s12 =	simm.s32 $0x13A00  }
0x294: {  	[tilespmem:s12], [sflag:$0x2] =	stream.indirect_vreg.gather [hbm4b:s10+s3], $0x80, v6, vm0, $0xb8;
	[tilespmem:$0x14200] =	vst v63  }
0x295: {  	s31 =	rddreg [dreg:$0xf]  }
0x296: {  	[hbm4b:s31+s3] =	stream.linear.scatter [tilespmem:s21], [sflag:$0x3], $0x6000, $0x38;
	[tilespmem:$0x14200] =	vst v63  }
0x297: {  	_ =	swait.ge [sflag:s18], $0x6000  }
0x298: {  	[sflag:s18] =	ssyncset.done $0x0  }
0x299: {  	[sflag:s18] =	ssyncadd.s32 $0xFFFFA000  }
0x29a: {  	_ =	swait.ge [sflag:s7], $0x6000  }
0x29b: {  	[sflag:s7] =	ssyncset.done $0x0  }
0x29c: {  	[sflag:s7] =	ssyncadd.s32 $0xFFFFA000  }
0x29d: {  	v58 =	vld [tilespmem:$0x81C0];
	_ =	sdelay $0x4  }
0x29e: {  	v59 =	vshrl.u32 v58, $0x3  }
0x29f: {  	v7 =	vmul.u32 $0x30, v59  }
0x2a0: {  	v6 =	vand.u32 $0x7, v58  }
0x2a1: {  	v6 =	vor.u32 v6, v7  }
0x2a2: {  	v7 =	vperm.xlane v6, v16;
	_ =	sdelay $0x1  }
0x2a3: {  	v7 =	vadd.s32 v3, v7;
	_ =	sdelay $0x3  }
0x2a4: {  	v6 =	vperm.xlane v6, v17  }
0x2a5: {  	[tilespmem:s21], [sflag:$0x2] =	stream.indirect_vreg.gather [hbm4b:s1+s3], $0x80, v7, vm0, $0xb8;
	[tilespmem:$0x14200] =	vst v63  }
0x2a6: {  	s31 =	simm.s32 $0x8A00;
	v6 =	vadd.s32 v3, v6  }
0x2a7: {  	[tilespmem:s31], [sflag:$0x2] =	stream.indirect_vreg.gather [hbm4b:s8+s3], $0x80, v7, vm0, $0xb8;
	[tilespmem:$0x14200] =	vst v63  }
0x2a8: {  	s31 =	simm.s32 $0x9200  }
0x2a9: {  	[tilespmem:s31], [sflag:$0x2] =	stream.indirect_vreg.gather [hbm4b:s10+s3], $0x80, v7, vm0, $0xb8;
	[tilespmem:$0x14200] =	vst v63  }
0x2aa: {  	s31 =	simm.s32 $0x9A00  }
0x2ab: {  	[tilespmem:s31], [sflag:$0x2] =	stream.indirect_vreg.gather [hbm4b:s1+s3], $0x80, v6, vm0, $0xb8;
	[tilespmem:$0x14200] =	vst v63  }
0x2ac: {  	s19 =	simm.s32 $0xA200  }
0x2ad: {  	[tilespmem:s19], [sflag:$0x2] =	stream.indirect_vreg.gather [hbm4b:s8+s3], $0x80, v6, vm0, $0xb8;
	[tilespmem:$0x14200] =	vst v63  }
0x2ae: {  	s19 =	simm.s32 $0xAA00  }
0x2af: {  	[tilespmem:s19], [sflag:$0x2] =	stream.indirect_vreg.gather [hbm4b:s10+s3], $0x80, v6, vm0, $0xb8;
	[tilespmem:$0x14200] =	vst v63  }
0x2b0: {  	v6 =	vld [tilespmem:$0x81D0];
	_ =	sdelay $0x4  }
0x2b1: {  	v60 =	vshrl.u32 v6, $0x3  }
0x2b2: {  	v7 =	vmul.u32 $0x30, v60  }
0x2b3: {  	v6 =	vand.u32 $0x7, v6  }
0x2b4: {  	v6 =	vor.u32 v6, v7  }
0x2b5: {  	v7 =	vperm.xlane v6, v16;
	_ =	sdelay $0x1  }
0x2b6: {  	v7 =	vadd.s32 v3, v7;
	_ =	sdelay $0x3  }
0x2b7: {  	s31 =	simm.s32 $0xB200;
	v6 =	vperm.xlane v6, v17  }
0x2b8: {  	[tilespmem:s31], [sflag:$0x2] =	stream.indirect_vreg.gather [hbm4b:s1+s3], $0x80, v7, vm0, $0xb8;
	[tilespmem:$0x14200] =	vst v63  }
0x2b9: {  	s17 =	simm.s32 $0xBA00;
	v6 =	vadd.s32 v3, v6  }
0x2ba: {  	[tilespmem:s17], [sflag:$0x2] =	stream.indirect_vreg.gather [hbm4b:s8+s3], $0x80, v7, vm0, $0xb8;
	[tilespmem:$0x14200] =	vst v63  }
0x2bb: {  	s9 =	simm.s32 $0xC200  }
0x2bc: {  	[tilespmem:s9], [sflag:$0x2] =	stream.indirect_vreg.gather [hbm4b:s10+s3], $0x80, v7, vm0, $0xb8;
	[tilespmem:$0x14200] =	vst v63  }
0x2bd: {  	s0 =	simm.s32 $0xCA00  }
0x2be: {  	[tilespmem:s0], [sflag:$0x2] =	stream.indirect_vreg.gather [hbm4b:s1+s3], $0x80, v6, vm0, $0xb8;
	[tilespmem:$0x14200] =	vst v63  }
0x2bf: {  	s22 =	simm.s32 $0xD200  }
0x2c0: {  	[tilespmem:s22], [sflag:$0x2] =	stream.indirect_vreg.gather [hbm4b:s8+s3], $0x80, v6, vm0, $0xb8;
	[tilespmem:$0x14200] =	vst v63  }
0x2c1: {  	s19 =	simm.s32 $0xDA00  }
0x2c2: {  	[tilespmem:s19], [sflag:$0x2] =	stream.indirect_vreg.gather [hbm4b:s10+s3], $0x80, v6, vm0, $0xb8;
	[tilespmem:$0x14200] =	vst v63  }
0x2c3: {  	s22 =	rddreg [dreg:$0x10]  }
0x2c4: {  	[hbm4b:s22+s3] =	stream.linear.scatter [tilespmem:s20], [sflag:$0x3], $0x6000, $0x38;
	[tilespmem:$0x14200] =	vst v63  }
0x2c5: {  	_ =	swait.ge [sflag:s18], $0x6000  }
0x2c6: {  	[sflag:s18] =	ssyncset.done $0x0  }
0x2c7: {  	[sflag:s18] =	ssyncadd.s32 $0xFFFFA000  }
0x2c8: {  	_ =	swait.ge [sflag:s7], $0x6000  }
0x2c9: {  	[sflag:s7] =	ssyncset.done $0x0  }
0x2ca: {  	[sflag:s7] =	ssyncadd.s32 $0xFFFFA000  }
0x2cb: {  	v61 =	vld [tilespmem:$0x81E0];
	_ =	sdelay $0x4  }
0x2cc: {  	v62 =	vshrl.u32 v61, $0x3  }
0x2cd: {  	v7 =	vmul.u32 $0x30, v62  }
0x2ce: {  	v6 =	vand.u32 $0x7, v61  }
0x2cf: {  	v6 =	vor.u32 v6, v7  }
0x2d0: {  	v7 =	vperm.xlane v6, v16;
	_ =	sdelay $0x1  }
0x2d1: {  	v7 =	vadd.s32 v3, v7;
	_ =	sdelay $0x3  }
0x2d2: {  	v6 =	vperm.xlane v6, v17  }
0x2d3: {  	[tilespmem:s20], [sflag:$0x2] =	stream.indirect_vreg.gather [hbm4b:s1+s3], $0x80, v7, vm0, $0xb8;
	[tilespmem:$0x14200] =	vst v63  }
0x2d4: {  	s15 =	simm.s32 $0xEA00;
	v6 =	vadd.s32 v3, v6  }
0x2d5: {  	[tilespmem:s15], [sflag:$0x2] =	stream.indirect_vreg.gather [hbm4b:s8+s3], $0x80, v7, vm0, $0xb8;
	[tilespmem:$0x14200] =	vst v63  }
0x2d6: {  	s13 =	simm.s32 $0xF200  }
0x2d7: {  	[tilespmem:s13], [sflag:$0x2] =	stream.indirect_vreg.gather [hbm4b:s10+s3], $0x80, v7, vm0, $0xb8;
	[tilespmem:$0x14200] =	vst v63  }
0x2d8: {  	s25 =	simm.s32 $0xFA00  }
0x2d9: {  	[tilespmem:s25], [sflag:$0x2] =	stream.indirect_vreg.gather [hbm4b:s1+s3], $0x80, v6, vm0, $0xb8;
	[tilespmem:$0x14200] =	vst v63  }
0x2da: {  	s30 =	simm.s32 $0x10200  }
0x2db: {  	[tilespmem:s30], [sflag:$0x2] =	stream.indirect_vreg.gather [hbm4b:s8+s3], $0x80, v6, vm0, $0xb8;
	[tilespmem:$0x14200] =	vst v63  }
0x2dc: {  	s24 =	simm.s32 $0x10A00  }
0x2dd: {  	[tilespmem:s24], [sflag:$0x2] =	stream.indirect_vreg.gather [hbm4b:s10+s3], $0x80, v6, vm0, $0xb8;
	[tilespmem:$0x14200] =	vst v63  }
0x2de: {  	v6 =	vld [tilespmem:$0x81F0];
	_ =	sdelay $0x4  }
0x2df: {  	v63 =	vshrl.u32 v6, $0x3  }
0x2e0: {  	v7 =	vmul.u32 $0x30, v63  }
0x2e1: {  	v6 =	vand.u32 $0x7, v6  }
0x2e2: {  	v6 =	vor.u32 v6, v7  }
0x2e3: {  	v4 =	vperm.xlane v6, v16;
	_ =	sdelay $0x1  }
0x2e4: {  	v4 =	vadd.s32 v3, v4;
	_ =	sdelay $0x3  }
0x2e5: {  	s16 =	simm.s32 $0x11200;
	v5 =	vperm.xlane v6, v17  }
0x2e6: {  	[tilespmem:s16], [sflag:$0x2] =	stream.indirect_vreg.gather [hbm4b:s1+s3], $0x80, v4, vm0, $0xb8;
	[tilespmem:$0x14200] =	vst v63  }
0x2e7: {  	s26 =	simm.s32 $0x11A00;
	v3 =	vadd.s32 v3, v5  }
0x2e8: {  	[tilespmem:s26], [sflag:$0x2] =	stream.indirect_vreg.gather [hbm4b:s8+s3], $0x80, v4, vm0, $0xb8;
	[tilespmem:$0x14200] =	vst v63  }
0x2e9: {  	s23 =	simm.s32 $0x12200  }
0x2ea: {  	[tilespmem:s23], [sflag:$0x2] =	stream.indirect_vreg.gather [hbm4b:s10+s3], $0x80, v4, vm0, $0xb8;
	[tilespmem:$0x14200] =	vst v63  }
0x2eb: {  	s11 =	simm.s32 $0x12A00  }
0x2ec: {  	[tilespmem:s11], [sflag:$0x2] =	stream.indirect_vreg.gather [hbm4b:s1+s3], $0x80, v3, vm0, $0xb8;
	[tilespmem:$0x14200] =	vst v63  }
0x2ed: {  	s14 =	simm.s32 $0x13200  }
0x2ee: {  	[tilespmem:s14], [sflag:$0x2] =	stream.indirect_vreg.gather [hbm4b:s8+s3], $0x80, v3, vm0, $0xb8;
	[tilespmem:$0x14200] =	vst v63  }
0x2ef: {  	s2 =	simm.s32 $0x13A00  }
0x2f0: {  	[tilespmem:s2], [sflag:$0x2] =	stream.indirect_vreg.gather [hbm4b:s10+s3], $0x80, v3, vm0, $0xb8;
	[tilespmem:$0x14200] =	vst v63  }
0x2f1: {  	s25 =	rddreg [dreg:$0x11]  }
0x2f2: {  	[hbm4b:s25+s3] =	stream.linear.scatter [tilespmem:s21], [sflag:$0x3], $0x6000, $0x38;
	[tilespmem:$0x14200] =	vst v63  }
0x2f3: {  	_ =	swait.ge [sflag:s18], $0x6000  }
0x2f4: {  	[sflag:s18] =	ssyncset.done $0x0  }
0x2f5: {  	s26 =	rddreg [dreg:$0x12];
	[sflag:s18] =	ssyncadd.s32 $0xFFFFA000  }
0x2f6: {  	[hbm4b:s26+s3] =	stream.linear.scatter [tilespmem:s20], [sflag:$0x3], $0x6000, $0x38;
	[tilespmem:$0x14200] =	vst v63  }
0x2f7: {  	_ =	swait.ge [sflag:s7], $0x6000  }
0x2f8: {  	[sflag:s7] =	ssyncset.done $0x0  }
0x2f9: {  	[sflag:s7] =	ssyncadd.s32 $0xFFFFA000  }
0x2fa: {  	_ =	swait.ge [sflag:s7], $0x6000  }
0x2fb: {  	s30 =	rddreg [dreg:$0x15]  }
0x2fc: {  	s31 =	rddreg [dreg:$0x13];
	s0 =	sadd.s32 $0x1, s30  }
0x2fd: {  	p0 =	sne.s32 s0, s31  }
.Ltmp1:
0x2fe: {  	_ = 	snop;
	(pc) =	sbr.rel @!p0 .LBB2_24-.Ltmp1, $3  }
0x2ff: {  	_ =	sdelay $0x1  }
0x300: {  	[sflag:s7] =	ssyncset.done $0x0  }
0x301: {  	[sflag:s7] =	ssyncadd.s32 $0xFFFFA000  }
.LBB2_1:
.Ltmp2:
0x302: {  	(pc) =	sbr.rel .LBB2_2-.Ltmp2, $4  }
0x303: {  	_ = 	snop  }
0x304: {  	s12 =	rddreg [dreg:$0x3]  }
0x305: {  	[tilespmem:s3], [sflag:$0x1] =	stream.linear.gather [hbm4b:s12+s3], $0x4000, $0x38;
	[tilespmem:$0x14200] =	vst v63  }
0x306: {  	[dreg:$0x15] =	wrdreg s0;
	s12 =	simm.s32 $0x0  }
.LBB2_22:
0x307: {  	s12 =	sadd.s32 $0x1, s12  }
0x308: {  	p0 =	sne.s32 s12, $0x10  }
.Ltmp3:
0x309: {  	_ = 	snop;
	(pc) =	sbr.rel @!p0 .LBB2_23-.Ltmp3, $2  }
0x30a: {  	_ =	sdelay $0x2  }
0x30b: {  	[tilespmem:s14+$0x8010] =	vst v3  }
.LBB2_2:
0x30c: {  	s13 =	sshll.u32 s12, $0x1  }
0x30d: {  	s13 =	sadd.s32 s5, s13  }
.Ltmp4:
0x30e: {  	s14 =	sor.u32 $0x1, s13;
	(pc) =	sbr.rel .LBB2_3-.Ltmp4, $4  }
0x30f: {  	_ =	swait.ge [sflag:s28], $0x4000;
	s14 =	smin.u32 s14, s6  }
0x310: {  	[sflag:s28] =	ssyncset.done $0x0;
	s14 =	sshll.u32 s14, $0xB  }
0x311: {  	[sflag:s28] =	ssyncadd.s32 $0xFFFFC000;
	s15 =	sadd.s32 s4, s14;
	s14 =	simm.s32 $0x0  }
0x312: {  	v3 =	vimm.s32 $0x0;
	v5 =	vimm.f32 $-Inf;
	v4 =	vimm.f32 $-Inf;
	[tilespmem:s29], [sflag:$0x1] =	stream.linear.gather [hbm4b:s15+s14], $0x4000, $0x38;
	[tilespmem:$0x14200] =	vst v63  }
.LBB2_11:
0x313: {  	p0 =	slt.u32 s14, $0x3C  }
.Ltmp5:
0x314: {  	_ = 	snop;
	(pc) =	sbr.rel @!p0 .LBB2_12-.Ltmp5, $3  }
0x315: {  	_ =	sdelay $0x1  }
0x316: {  	s15 =	sadd.s32 $0x4, s14  }
0x317: {  	s14 =	smov.u32 s15  }
.LBB2_3:
0x318: {  	s15 =	sshll.u32 s14, $0x8  }
0x319: {  	v6 =	vor.u32 s15, v1;
	s16 =	sor.u32 $0x1, s15  }
0x31a: {  	s0 =	sor.u32 $0x2, s15;
	v7 =	vor.u32 s16, v1  }
0x31b: {  	s2 =	sor.u32 $0x3, s15;
	v8 =	vor.u32 s0, v1  }
0x31c: {  	s9 =	sor.u32 $0x4, s15;
	v9 =	vor.u32 s2, v1  }
0x31d: {  	s11 =	sor.u32 $0x5, s15;
	v10 =	vor.u32 s9, v1  }
0x31e: {  	s17 =	sor.u32 $0x6, s15;
	v11 =	vor.u32 s11, v1;
	v6 =	vld.idx.msk [tilespmem:v6+s3+$0x0], $0xffff  }
0x31f: {  	s19 =	sor.u32 $0x7, s15;
	v12 =	vor.u32 s17, v1;
	v7 =	vld.idx.msk [tilespmem:v7+s3+$0x0], $0xffff  }
0x320: {  	s20 =	sor.u32 $0x8, s15;
	v13 =	vor.u32 s19, v1;
	v8 =	vld.idx.msk [tilespmem:v8+s3+$0x0], $0xffff  }
0x321: {  	s21 =	sor.u32 $0x9, s15;
	v14 =	vor.u32 s20, v1;
	v9 =	vld.idx.msk [tilespmem:v9+s3+$0x0], $0xffff  }
0x322: {  	s22 =	sor.u32 $0xA, s15;
	v15 =	vor.u32 s21, v1;
	v10 =	vld.idx.msk [tilespmem:v10+s3+$0x0], $0xffff  }
0x323: {  	s23 =	sor.u32 $0xB, s15;
	v16 =	vor.u32 s22, v1;
	v11 =	vld.idx.msk [tilespmem:v11+s3+$0x0], $0xffff  }
0x324: {  	s24 =	sor.u32 $0xC, s15;
	v53 =	vor.u32 s23, v1;
	v6 =	vmax.f32 v6, v7;
	v7 =	vld.idx.msk [tilespmem:v12+s3+$0x0], $0xffff  }
0x325: {  	s25 =	sor.u32 $0xD, s15;
	v54 =	vor.u32 s24, v1;
	v6 =	vmax.f32 v6, v8;
	v8 =	vld.idx.msk [tilespmem:v13+s3+$0x0], $0xffff  }
0x326: {  	s26 =	sor.u32 $0xE, s15;
	v56 =	vor.u32 s25, v1;
	v55 =	vld.idx.msk [tilespmem:v14+s3+$0x0], $0xffff;
	v6 =	vmax.f32 v6, v9  }
0x327: {  	s30 =	sor.u32 $0xF, s15;
	v58 =	vor.u32 s26, v1;
	v57 =	vld.idx.msk [tilespmem:v15+s3+$0x0], $0xffff;
	v6 =	vmax.f32 v6, v10  }
0x328: {  	v60 =	vor.u32 s30, v1;
	v59 =	vld.idx.msk [tilespmem:v16+s3+$0x0], $0xffff;
	v6 =	vmax.f32 v6, v11  }
0x329: {  	v6 =	vmax.f32 v6, v7;
	v7 =	vld.idx.msk [tilespmem:v53+s3+$0x0], $0xffff  }
0x32a: {  	v6 =	vmax.f32 v6, v8;
	v8 =	vld.idx.msk [tilespmem:v54+s3+$0x0], $0xffff  }
0x32b: {  	v61 =	vld.idx.msk [tilespmem:v56+s3+$0x0], $0xffff;
	v6 =	vmax.f32 v6, v55  }
0x32c: {  	v62 =	vld.idx.msk [tilespmem:v58+s3+$0x0], $0xffff;
	v6 =	vmax.f32 v6, v57  }
0x32d: {  	v63 =	vld.idx.msk [tilespmem:v60+s3+$0x0], $0xffff;
	v6 =	vmax.f32 v6, v59  }
0x32e: {  	v6 =	vmax.f32 v6, v7  }
0x32f: {  	v6 =	vmax.f32 v6, v8  }
0x330: {  	v6 =	vmax.f32 v6, v61  }
0x331: {  	v6 =	vmax.f32 v6, v62  }
0x332: {  	v6 =	vmax.f32 v6, v63  }
0x333: {  	vm0 =	vgt.f32 v6, v5  }
0x334: {  	v7 =	vmpcnt.ones.xlane vm0;
	_ =	sdelay $0x1  }
0x335: {  	(v2sf) =	vpush v7, $0x0;
	_ =	sdelay $0xe  }
0x336: {  	s31 =	spop (v2sf)  }
0x337: {  	p0 =	slt.s32 s31, $0x1  }
.Ltmp6:
0x338: {  	_ = 	snop;
	(pc) =	sbr.rel @p0 .LBB2_5-.Ltmp6, $1  }
0x339: {  	_ =	sdelay $0x3  }
.LBB2_4:
0x33a: {  	v7 =	vmctz.xlane vm0;
	_ =	sdelay $0x1  }
0x33b: {  	(v2sf) =	vpush v7, $0x0;
	_ =	sdelay $0xe  }
0x33c: {  	s16 =	spop (v2sf)  }
0x33d: {  	s16 =	sshll.u32 s16, $0x4  }
0x33e: {  	s17 =	sadd.s32 s15, s16  }
0x33f: {  	s16 =	sand.u32 $0x70, s16;
	s20 =	sand.u32 $0xFFFFFF80, s17  }
0x340: {  	s16 =	sor.u32 s16, s20  }
0x341: {  	v5 =	vld [tilespmem:s16+$0x0];
	_ =	sdelay $0x3  }
0x342: {  	v8 =	vor.u32 s17, v0  }
0x343: {  	(xrf1) =	vsort.ascd.msk.f32 $0xffff, v5, v8;
	_ =	sdelay $0xd  }
0x344: {  	v5, v8, _ =	vpop (xrf1)  }
0x345: {  	v5 =	vperm.xlane v5, v2  }
0x346: {  	v8 =	vperm.xlane v8, v2  }
0x347: {  	vm1 =	vge.f32 v4, v5  }
0x348: {  	v4 =	vsel vm1, v4, v5;
	v3 =	vsel vm1, v3, v8  }
0x349: {  	(xrf1) =	vsort.ascd.msk.f32 $0xffff, v4, v3;
	_ =	sdelay $0xd  }
0x34a: {  	v4, v3, _ =	vpop (xrf1)  }
0x34b: {  	v7 =	vbroadcast v7, $0x0;
	v5 =	vbroadcast v4, $0x0;
	_ =	sdelay $0x1  }
0x34c: {  	vm1 =	vne.s32 v7, v0;
	vm2 =	vgt.f32 v6, v5  }
0x34d: {  	vm1 =	vmand vm1, vm2  }
0x34e: {  	vm0 =	vmand vm0, vm1  }
0x34f: {  	v7 =	vmpcnt.ones.xlane vm0;
	_ =	sdelay $0x1  }
0x350: {  	(v2sf) =	vpush v7, $0x0;
	_ =	sdelay $0xe  }
0x351: {  	s31 =	spop (v2sf)  }
0x352: {  	p0 =	sgt.s32 s31, $0x0  }
.Ltmp7:
0x353: {  	_ = 	snop;
	(pc) =	sbr.rel @p0 .LBB2_4-.Ltmp7, $1  }
0x354: {  	_ =	sdelay $0x3  }
.LBB2_5:
0x355: {  	s16 =	sor.u32 $0x100, s15  }
0x356: {  	s17 =	sor.u32 $0x101, s15;
	v6 =	vor.u32 s16, v1  }
0x357: {  	s31 =	sor.u32 $0x102, s15;
	v7 =	vor.u32 s17, v1  }
0x358: {  	s0 =	sor.u32 $0x103, s15;
	v8 =	vor.u32 s31, v1  }
0x359: {  	s2 =	sor.u32 $0x104, s15;
	v9 =	vor.u32 s0, v1  }
0x35a: {  	s9 =	sor.u32 $0x105, s15;
	v10 =	vor.u32 s2, v1  }
0x35b: {  	s11 =	sor.u32 $0x106, s15;
	v11 =	vor.u32 s9, v1;
	v6 =	vld.idx.msk [tilespmem:v6+s3+$0x0], $0xffff  }
0x35c: {  	s19 =	sor.u32 $0x107, s15;
	v12 =	vor.u32 s11, v1;
	v7 =	vld.idx.msk [tilespmem:v7+s3+$0x0], $0xffff  }
0x35d: {  	s20 =	sor.u32 $0x108, s15;
	v13 =	vor.u32 s19, v1;
	v8 =	vld.idx.msk [tilespmem:v8+s3+$0x0], $0xffff  }
0x35e: {  	s21 =	sor.u32 $0x109, s15;
	v14 =	vor.u32 s20, v1;
	v9 =	vld.idx.msk [tilespmem:v9+s3+$0x0], $0xffff  }
0x35f: {  	s22 =	sor.u32 $0x10A, s15;
	v15 =	vor.u32 s21, v1;
	v10 =	vld.idx.msk [tilespmem:v10+s3+$0x0], $0xffff  }
0x360: {  	s23 =	sor.u32 $0x10B, s15;
	v16 =	vor.u32 s22, v1;
	v11 =	vld.idx.msk [tilespmem:v11+s3+$0x0], $0xffff  }
0x361: {  	s24 =	sor.u32 $0x10C, s15;
	v53 =	vor.u32 s23, v1;
	v6 =	vmax.f32 v6, v7;
	v7 =	vld.idx.msk [tilespmem:v12+s3+$0x0], $0xffff  }
0x362: {  	s25 =	sor.u32 $0x10D, s15;
	v54 =	vor.u32 s24, v1;
	v6 =	vmax.f32 v6, v8;
	v8 =	vld.idx.msk [tilespmem:v13+s3+$0x0], $0xffff  }
0x363: {  	s26 =	sor.u32 $0x10E, s15;
	v56 =	vor.u32 s25, v1;
	v55 =	vld.idx.msk [tilespmem:v14+s3+$0x0], $0xffff;
	v6 =	vmax.f32 v6, v9  }
0x364: {  	s30 =	sor.u32 $0x10F, s15;
	v58 =	vor.u32 s26, v1;
	v57 =	vld.idx.msk [tilespmem:v15+s3+$0x0], $0xffff;
	v6 =	vmax.f32 v6, v10  }
0x365: {  	v60 =	vor.u32 s30, v1;
	v59 =	vld.idx.msk [tilespmem:v16+s3+$0x0], $0xffff;
	v6 =	vmax.f32 v6, v11  }
0x366: {  	v6 =	vmax.f32 v6, v7;
	v7 =	vld.idx.msk [tilespmem:v53+s3+$0x0], $0xffff  }
0x367: {  	v6 =	vmax.f32 v6, v8;
	v8 =	vld.idx.msk [tilespmem:v54+s3+$0x0], $0xffff  }
0x368: {  	v61 =	vld.idx.msk [tilespmem:v56+s3+$0x0], $0xffff;
	v6 =	vmax.f32 v6, v55  }
0x369: {  	v62 =	vld.idx.msk [tilespmem:v58+s3+$0x0], $0xffff;
	v6 =	vmax.f32 v6, v57  }
0x36a: {  	v63 =	vld.idx.msk [tilespmem:v60+s3+$0x0], $0xffff;
	v6 =	vmax.f32 v6, v59  }
0x36b: {  	v6 =	vmax.f32 v6, v7  }
0x36c: {  	v6 =	vmax.f32 v6, v8  }
0x36d: {  	v6 =	vmax.f32 v6, v61  }
0x36e: {  	v6 =	vmax.f32 v6, v62  }
0x36f: {  	v6 =	vmax.f32 v6, v63  }
0x370: {  	vm0 =	vgt.f32 v6, v5  }
0x371: {  	v7 =	vmpcnt.ones.xlane vm0;
	_ =	sdelay $0x1  }
0x372: {  	(v2sf) =	vpush v7, $0x0;
	_ =	sdelay $0xe  }
0x373: {  	s31 =	spop (v2sf)  }
0x374: {  	p0 =	slt.s32 s31, $0x1  }
.Ltmp8:
0x375: {  	_ = 	snop;
	(pc) =	sbr.rel @p0 .LBB2_7-.Ltmp8, $1  }
0x376: {  	_ =	sdelay $0x3  }
.LBB2_6:
0x377: {  	v7 =	vmctz.xlane vm0;
	_ =	sdelay $0x1  }
0x378: {  	(v2sf) =	vpush v7, $0x0;
	_ =	sdelay $0xe  }
0x379: {  	s17 =	spop (v2sf)  }
0x37a: {  	s17 =	sshll.u32 s17, $0x4  }
0x37b: {  	s20 =	sadd.s32 s16, s17  }
0x37c: {  	s17 =	sand.u32 $0x70, s17;
	s21 =	sand.u32 $0xFFFFFF80, s20  }
0x37d: {  	s17 =	sor.u32 s17, s21  }
0x37e: {  	v5 =	vld [tilespmem:s17+$0x0];
	_ =	sdelay $0x3  }
0x37f: {  	v8 =	vor.u32 s20, v0  }
0x380: {  	(xrf1) =	vsort.ascd.msk.f32 $0xffff, v5, v8;
	_ =	sdelay $0xd  }
0x381: {  	v5, v8, _ =	vpop (xrf1)  }
0x382: {  	v5 =	vperm.xlane v5, v2  }
0x383: {  	v8 =	vperm.xlane v8, v2  }
0x384: {  	vm1 =	vge.f32 v4, v5  }
0x385: {  	v4 =	vsel vm1, v4, v5;
	v3 =	vsel vm1, v3, v8  }
0x386: {  	(xrf1) =	vsort.ascd.msk.f32 $0xffff, v4, v3;
	_ =	sdelay $0xd  }
0x387: {  	v4, v3, _ =	vpop (xrf1)  }
0x388: {  	v7 =	vbroadcast v7, $0x0;
	v5 =	vbroadcast v4, $0x0;
	_ =	sdelay $0x1  }
0x389: {  	vm1 =	vne.s32 v7, v0;
	vm2 =	vgt.f32 v6, v5  }
0x38a: {  	vm1 =	vmand vm1, vm2  }
0x38b: {  	vm0 =	vmand vm0, vm1  }
0x38c: {  	v7 =	vmpcnt.ones.xlane vm0;
	_ =	sdelay $0x1  }
0x38d: {  	(v2sf) =	vpush v7, $0x0;
	_ =	sdelay $0xe  }
0x38e: {  	s31 =	spop (v2sf)  }
0x38f: {  	p0 =	sgt.s32 s31, $0x0  }
.Ltmp9:
0x390: {  	_ = 	snop;
	(pc) =	sbr.rel @p0 .LBB2_6-.Ltmp9, $1  }
0x391: {  	_ =	sdelay $0x3  }
.LBB2_7:
0x392: {  	s16 =	sor.u32 $0x200, s15  }
0x393: {  	s17 =	sor.u32 $0x201, s15;
	v6 =	vor.u32 s16, v1  }
0x394: {  	s31 =	sor.u32 $0x202, s15;
	v7 =	vor.u32 s17, v1  }
0x395: {  	s0 =	sor.u32 $0x203, s15;
	v8 =	vor.u32 s31, v1  }
0x396: {  	s2 =	sor.u32 $0x204, s15;
	v9 =	vor.u32 s0, v1  }
0x397: {  	s9 =	sor.u32 $0x205, s15;
	v10 =	vor.u32 s2, v1  }
0x398: {  	s11 =	sor.u32 $0x206, s15;
	v11 =	vor.u32 s9, v1;
	v6 =	vld.idx.msk [tilespmem:v6+s3+$0x0], $0xffff  }
0x399: {  	s19 =	sor.u32 $0x207, s15;
	v12 =	vor.u32 s11, v1;
	v7 =	vld.idx.msk [tilespmem:v7+s3+$0x0], $0xffff  }
0x39a: {  	s20 =	sor.u32 $0x208, s15;
	v13 =	vor.u32 s19, v1;
	v8 =	vld.idx.msk [tilespmem:v8+s3+$0x0], $0xffff  }
0x39b: {  	s21 =	sor.u32 $0x209, s15;
	v14 =	vor.u32 s20, v1;
	v9 =	vld.idx.msk [tilespmem:v9+s3+$0x0], $0xffff  }
0x39c: {  	s22 =	sor.u32 $0x20A, s15;
	v15 =	vor.u32 s21, v1;
	v10 =	vld.idx.msk [tilespmem:v10+s3+$0x0], $0xffff  }
0x39d: {  	s23 =	sor.u32 $0x20B, s15;
	v16 =	vor.u32 s22, v1;
	v11 =	vld.idx.msk [tilespmem:v11+s3+$0x0], $0xffff  }
0x39e: {  	s24 =	sor.u32 $0x20C, s15;
	v53 =	vor.u32 s23, v1;
	v6 =	vmax.f32 v6, v7;
	v7 =	vld.idx.msk [tilespmem:v12+s3+$0x0], $0xffff  }
0x39f: {  	s25 =	sor.u32 $0x20D, s15;
	v54 =	vor.u32 s24, v1;
	v6 =	vmax.f32 v6, v8;
	v8 =	vld.idx.msk [tilespmem:v13+s3+$0x0], $0xffff  }
0x3a0: {  	s26 =	sor.u32 $0x20E, s15;
	v56 =	vor.u32 s25, v1;
	v55 =	vld.idx.msk [tilespmem:v14+s3+$0x0], $0xffff;
	v6 =	vmax.f32 v6, v9  }
0x3a1: {  	s30 =	sor.u32 $0x20F, s15;
	v58 =	vor.u32 s26, v1;
	v57 =	vld.idx.msk [tilespmem:v15+s3+$0x0], $0xffff;
	v6 =	vmax.f32 v6, v10  }
0x3a2: {  	v60 =	vor.u32 s30, v1;
	v59 =	vld.idx.msk [tilespmem:v16+s3+$0x0], $0xffff;
	v6 =	vmax.f32 v6, v11  }
0x3a3: {  	v6 =	vmax.f32 v6, v7;
	v7 =	vld.idx.msk [tilespmem:v53+s3+$0x0], $0xffff  }
0x3a4: {  	v6 =	vmax.f32 v6, v8;
	v8 =	vld.idx.msk [tilespmem:v54+s3+$0x0], $0xffff  }
0x3a5: {  	v61 =	vld.idx.msk [tilespmem:v56+s3+$0x0], $0xffff;
	v6 =	vmax.f32 v6, v55  }
0x3a6: {  	v62 =	vld.idx.msk [tilespmem:v58+s3+$0x0], $0xffff;
	v6 =	vmax.f32 v6, v57  }
0x3a7: {  	v63 =	vld.idx.msk [tilespmem:v60+s3+$0x0], $0xffff;
	v6 =	vmax.f32 v6, v59  }
0x3a8: {  	v6 =	vmax.f32 v6, v7  }
0x3a9: {  	v6 =	vmax.f32 v6, v8  }
0x3aa: {  	v6 =	vmax.f32 v6, v61  }
0x3ab: {  	v6 =	vmax.f32 v6, v62  }
0x3ac: {  	v6 =	vmax.f32 v6, v63  }
0x3ad: {  	vm0 =	vgt.f32 v6, v5  }
0x3ae: {  	v7 =	vmpcnt.ones.xlane vm0;
	_ =	sdelay $0x1  }
0x3af: {  	(v2sf) =	vpush v7, $0x0;
	_ =	sdelay $0xe  }
0x3b0: {  	s31 =	spop (v2sf)  }
0x3b1: {  	p0 =	slt.s32 s31, $0x1  }
.Ltmp10:
0x3b2: {  	_ = 	snop;
	(pc) =	sbr.rel @p0 .LBB2_9-.Ltmp10, $1  }
0x3b3: {  	_ =	sdelay $0x3  }
.LBB2_8:
0x3b4: {  	v7 =	vmctz.xlane vm0;
	_ =	sdelay $0x1  }
0x3b5: {  	(v2sf) =	vpush v7, $0x0;
	_ =	sdelay $0xe  }
0x3b6: {  	s17 =	spop (v2sf)  }
0x3b7: {  	s17 =	sshll.u32 s17, $0x4  }
0x3b8: {  	s20 =	sadd.s32 s16, s17  }
0x3b9: {  	s17 =	sand.u32 $0x70, s17;
	s21 =	sand.u32 $0xFFFFFF80, s20  }
0x3ba: {  	s17 =	sor.u32 s17, s21  }
0x3bb: {  	v5 =	vld [tilespmem:s17+$0x0];
	_ =	sdelay $0x3  }
0x3bc: {  	v8 =	vor.u32 s20, v0  }
0x3bd: {  	(xrf1) =	vsort.ascd.msk.f32 $0xffff, v5, v8;
	_ =	sdelay $0xd  }
0x3be: {  	v5, v8, _ =	vpop (xrf1)  }
0x3bf: {  	v5 =	vperm.xlane v5, v2  }
0x3c0: {  	v8 =	vperm.xlane v8, v2  }
0x3c1: {  	vm1 =	vge.f32 v4, v5  }
0x3c2: {  	v4 =	vsel vm1, v4, v5;
	v3 =	vsel vm1, v3, v8  }
0x3c3: {  	(xrf1) =	vsort.ascd.msk.f32 $0xffff, v4, v3;
	_ =	sdelay $0xd  }
0x3c4: {  	v4, v3, _ =	vpop (xrf1)  }
0x3c5: {  	v7 =	vbroadcast v7, $0x0;
	v5 =	vbroadcast v4, $0x0;
	_ =	sdelay $0x1  }
0x3c6: {  	vm1 =	vne.s32 v7, v0;
	vm2 =	vgt.f32 v6, v5  }
0x3c7: {  	vm1 =	vmand vm1, vm2  }
0x3c8: {  	vm0 =	vmand vm0, vm1  }
0x3c9: {  	v7 =	vmpcnt.ones.xlane vm0;
	_ =	sdelay $0x1  }
0x3ca: {  	(v2sf) =	vpush v7, $0x0;
	_ =	sdelay $0xe  }
0x3cb: {  	s31 =	spop (v2sf)  }
0x3cc: {  	p0 =	sgt.s32 s31, $0x0  }
.Ltmp11:
0x3cd: {  	_ = 	snop;
	(pc) =	sbr.rel @p0 .LBB2_8-.Ltmp11, $1  }
0x3ce: {  	_ =	sdelay $0x3  }
.LBB2_9:
0x3cf: {  	s16 =	sor.u32 $0x300, s15  }
0x3d0: {  	s17 =	sor.u32 $0x301, s15;
	v6 =	vor.u32 s16, v1  }
0x3d1: {  	s31 =	sor.u32 $0x302, s15;
	v7 =	vor.u32 s17, v1  }
0x3d2: {  	s0 =	sor.u32 $0x303, s15;
	v8 =	vor.u32 s31, v1  }
0x3d3: {  	s2 =	sor.u32 $0x304, s15;
	v9 =	vor.u32 s0, v1  }
0x3d4: {  	s9 =	sor.u32 $0x305, s15;
	v10 =	vor.u32 s2, v1  }
0x3d5: {  	s11 =	sor.u32 $0x306, s15;
	v11 =	vor.u32 s9, v1;
	v6 =	vld.idx.msk [tilespmem:v6+s3+$0x0], $0xffff  }
0x3d6: {  	s19 =	sor.u32 $0x307, s15;
	v12 =	vor.u32 s11, v1;
	v7 =	vld.idx.msk [tilespmem:v7+s3+$0x0], $0xffff  }
0x3d7: {  	s20 =	sor.u32 $0x308, s15;
	v13 =	vor.u32 s19, v1;
	v8 =	vld.idx.msk [tilespmem:v8+s3+$0x0], $0xffff  }
0x3d8: {  	s21 =	sor.u32 $0x309, s15;
	v14 =	vor.u32 s20, v1;
	v9 =	vld.idx.msk [tilespmem:v9+s3+$0x0], $0xffff  }
0x3d9: {  	s22 =	sor.u32 $0x30A, s15;
	v15 =	vor.u32 s21, v1;
	v10 =	vld.idx.msk [tilespmem:v10+s3+$0x0], $0xffff  }
0x3da: {  	s23 =	sor.u32 $0x30B, s15;
	v16 =	vor.u32 s22, v1;
	v11 =	vld.idx.msk [tilespmem:v11+s3+$0x0], $0xffff  }
0x3db: {  	s24 =	sor.u32 $0x30C, s15;
	v53 =	vor.u32 s23, v1;
	v6 =	vmax.f32 v6, v7;
	v7 =	vld.idx.msk [tilespmem:v12+s3+$0x0], $0xffff  }
0x3dc: {  	s25 =	sor.u32 $0x30D, s15;
	v54 =	vor.u32 s24, v1;
	v6 =	vmax.f32 v6, v8;
	v8 =	vld.idx.msk [tilespmem:v13+s3+$0x0], $0xffff  }
0x3dd: {  	s26 =	sor.u32 $0x30E, s15;
	v56 =	vor.u32 s25, v1;
	v55 =	vld.idx.msk [tilespmem:v14+s3+$0x0], $0xffff;
	v6 =	vmax.f32 v6, v9  }
0x3de: {  	s30 =	sor.u32 $0x30F, s15;
	v58 =	vor.u32 s26, v1;
	v57 =	vld.idx.msk [tilespmem:v15+s3+$0x0], $0xffff;
	v6 =	vmax.f32 v6, v10  }
0x3df: {  	v60 =	vor.u32 s30, v1;
	v59 =	vld.idx.msk [tilespmem:v16+s3+$0x0], $0xffff;
	v6 =	vmax.f32 v6, v11  }
0x3e0: {  	v6 =	vmax.f32 v6, v7;
	v7 =	vld.idx.msk [tilespmem:v53+s3+$0x0], $0xffff  }
0x3e1: {  	v6 =	vmax.f32 v6, v8;
	v8 =	vld.idx.msk [tilespmem:v54+s3+$0x0], $0xffff  }
0x3e2: {  	v61 =	vld.idx.msk [tilespmem:v56+s3+$0x0], $0xffff;
	v6 =	vmax.f32 v6, v55  }
0x3e3: {  	v62 =	vld.idx.msk [tilespmem:v58+s3+$0x0], $0xffff;
	v6 =	vmax.f32 v6, v57  }
0x3e4: {  	v63 =	vld.idx.msk [tilespmem:v60+s3+$0x0], $0xffff;
	v6 =	vmax.f32 v6, v59  }
0x3e5: {  	v6 =	vmax.f32 v6, v7  }
0x3e6: {  	v6 =	vmax.f32 v6, v8  }
0x3e7: {  	v6 =	vmax.f32 v6, v61  }
0x3e8: {  	v6 =	vmax.f32 v6, v62  }
0x3e9: {  	v6 =	vmax.f32 v6, v63  }
0x3ea: {  	vm0 =	vgt.f32 v6, v5  }
0x3eb: {  	v7 =	vmpcnt.ones.xlane vm0;
	_ =	sdelay $0x1  }
0x3ec: {  	(v2sf) =	vpush v7, $0x0;
	_ =	sdelay $0xe  }
0x3ed: {  	s31 =	spop (v2sf)  }
0x3ee: {  	p0 =	slt.s32 s31, $0x1  }
.Ltmp12:
0x3ef: {  	_ = 	snop;
	(pc) =	sbr.rel @p0 .LBB2_11-.Ltmp12, $1  }
0x3f0: {  	_ =	sdelay $0x3  }
.LBB2_10:
0x3f1: {  	v7 =	vmctz.xlane vm0;
	_ =	sdelay $0x1  }
0x3f2: {  	(v2sf) =	vpush v7, $0x0;
	_ =	sdelay $0xe  }
0x3f3: {  	s15 =	spop (v2sf)  }
0x3f4: {  	s15 =	sshll.u32 s15, $0x4  }
0x3f5: {  	s17 =	sadd.s32 s16, s15  }
0x3f6: {  	s15 =	sand.u32 $0x70, s15;
	s20 =	sand.u32 $0xFFFFFF80, s17  }
0x3f7: {  	s15 =	sor.u32 s15, s20  }
0x3f8: {  	v5 =	vld [tilespmem:s15+$0x0];
	_ =	sdelay $0x3  }
0x3f9: {  	v8 =	vor.u32 s17, v0  }
0x3fa: {  	(xrf1) =	vsort.ascd.msk.f32 $0xffff, v5, v8;
	_ =	sdelay $0xd  }
0x3fb: {  	v5, v8, _ =	vpop (xrf1)  }
0x3fc: {  	v5 =	vperm.xlane v5, v2  }
0x3fd: {  	v8 =	vperm.xlane v8, v2  }
0x3fe: {  	vm1 =	vge.f32 v4, v5  }
0x3ff: {  	v4 =	vsel vm1, v4, v5;
	v3 =	vsel vm1, v3, v8  }
0x400: {  	(xrf1) =	vsort.ascd.msk.f32 $0xffff, v4, v3;
	_ =	sdelay $0xd  }
0x401: {  	v4, v3, _ =	vpop (xrf1)  }
0x402: {  	v7 =	vbroadcast v7, $0x0;
	v5 =	vbroadcast v4, $0x0;
	_ =	sdelay $0x1  }
0x403: {  	vm1 =	vne.s32 v7, v0;
	vm2 =	vgt.f32 v6, v5  }
0x404: {  	vm1 =	vmand vm1, vm2  }
0x405: {  	vm0 =	vmand vm0, vm1  }
0x406: {  	v7 =	vmpcnt.ones.xlane vm0;
	_ =	sdelay $0x1  }
0x407: {  	(v2sf) =	vpush v7, $0x0;
	_ =	sdelay $0xe  }
0x408: {  	s31 =	spop (v2sf)  }
0x409: {  	p0 =	sgt.s32 s31, $0x0  }
.Ltmp13:
0x40a: {  	_ = 	snop;
	(pc) =	sbr.rel @p0 .LBB2_10-.Ltmp13, $1  }
0x40b: {  	_ =	sdelay $0x3  }
.Ltmp14:
0x40c: {  	_ = 	snop;
	(pc) =	sbr.rel .LBB2_11-.Ltmp14, $1  }
0x40d: {  	_ =	sdelay $0x3  }
.LBB2_12:
0x40e: {  	s14 =	sshll.u32 s12, $0x5  }
0x40f: {  	s14 =	sand.u32 $0x3FFFFFE0, s14  }
.Ltmp15:
0x410: {  	s13 =	sadd.s32 $0x2, s13;
	[tilespmem:s14+$0x8000] =	vst v3;
	(pc) =	sbr.rel .LBB2_13-.Ltmp15, $4  }
0x411: {  	s13 =	smin.u32 s13, s6;
	_ =	swait.ge [sflag:s28], $0x4000  }
0x412: {  	s13 =	sshll.u32 s13, $0xB;
	[sflag:s28] =	ssyncset.done $0x0  }
0x413: {  	s15 =	sadd.s32 s4, s13;
	s13 =	simm.s32 $0x0;
	[sflag:s28] =	ssyncadd.s32 $0xFFFFC000  }
0x414: {  	v5 =	vimm.f32 $-Inf;
	v4 =	vimm.f32 $-Inf;
	v3 =	vimm.s32 $0x0;
	[tilespmem:s13], [sflag:$0x1] =	stream.linear.gather [hbm4b:s15+s13], $0x4000, $0x38;
	[tilespmem:$0x14200] =	vst v63  }
.LBB2_21:
0x415: {  	p0 =	slt.u32 s13, $0x3C  }
.Ltmp16:
0x416: {  	_ = 	snop;
	(pc) =	sbr.rel @!p0 .LBB2_22-.Ltmp16, $3  }
0x417: {  	_ =	sdelay $0x1  }
0x418: {  	s15 =	sadd.s32 $0x4, s13  }
0x419: {  	s13 =	smov.u32 s15  }
.LBB2_13:
0x41a: {  	s15 =	sshll.u32 s13, $0x8  }
0x41b: {  	v6 =	vor.u32 s15, v1;
	s16 =	sor.u32 $0x1, s15  }
0x41c: {  	s0 =	sor.u32 $0x2, s15;
	v7 =	vor.u32 s16, v1  }
0x41d: {  	s2 =	sor.u32 $0x3, s15;
	v8 =	vor.u32 s0, v1  }
0x41e: {  	s9 =	sor.u32 $0x4, s15;
	v9 =	vor.u32 s2, v1  }
0x41f: {  	s11 =	sor.u32 $0x5, s15;
	v10 =	vor.u32 s9, v1  }
0x420: {  	s17 =	sor.u32 $0x6, s15;
	v11 =	vor.u32 s11, v1;
	v6 =	vld.idx.msk [tilespmem:v6+s29+$0x0], $0xffff  }
0x421: {  	s19 =	sor.u32 $0x7, s15;
	v12 =	vor.u32 s17, v1;
	v7 =	vld.idx.msk [tilespmem:v7+s29+$0x0], $0xffff  }
0x422: {  	s20 =	sor.u32 $0x8, s15;
	v13 =	vor.u32 s19, v1;
	v8 =	vld.idx.msk [tilespmem:v8+s29+$0x0], $0xffff  }
0x423: {  	s21 =	sor.u32 $0x9, s15;
	v14 =	vor.u32 s20, v1;
	v9 =	vld.idx.msk [tilespmem:v9+s29+$0x0], $0xffff  }
0x424: {  	s22 =	sor.u32 $0xA, s15;
	v15 =	vor.u32 s21, v1;
	v10 =	vld.idx.msk [tilespmem:v10+s29+$0x0], $0xffff  }
0x425: {  	s23 =	sor.u32 $0xB, s15;
	v16 =	vor.u32 s22, v1;
	v11 =	vld.idx.msk [tilespmem:v11+s29+$0x0], $0xffff  }
0x426: {  	s24 =	sor.u32 $0xC, s15;
	v53 =	vor.u32 s23, v1;
	v6 =	vmax.f32 v6, v7;
	v7 =	vld.idx.msk [tilespmem:v12+s29+$0x0], $0xffff  }
0x427: {  	s25 =	sor.u32 $0xD, s15;
	v54 =	vor.u32 s24, v1;
	v6 =	vmax.f32 v6, v8;
	v8 =	vld.idx.msk [tilespmem:v13+s29+$0x0], $0xffff  }
0x428: {  	s26 =	sor.u32 $0xE, s15;
	v56 =	vor.u32 s25, v1;
	v55 =	vld.idx.msk [tilespmem:v14+s29+$0x0], $0xffff;
	v6 =	vmax.f32 v6, v9  }
0x429: {  	s30 =	sor.u32 $0xF, s15;
	v58 =	vor.u32 s26, v1;
	v57 =	vld.idx.msk [tilespmem:v15+s29+$0x0], $0xffff;
	v6 =	vmax.f32 v6, v10  }
0x42a: {  	v60 =	vor.u32 s30, v1;
	v59 =	vld.idx.msk [tilespmem:v16+s29+$0x0], $0xffff;
	v6 =	vmax.f32 v6, v11  }
0x42b: {  	v6 =	vmax.f32 v6, v7;
	v7 =	vld.idx.msk [tilespmem:v53+s29+$0x0], $0xffff  }
0x42c: {  	v6 =	vmax.f32 v6, v8;
	v8 =	vld.idx.msk [tilespmem:v54+s29+$0x0], $0xffff  }
0x42d: {  	v61 =	vld.idx.msk [tilespmem:v56+s29+$0x0], $0xffff;
	v6 =	vmax.f32 v6, v55  }
0x42e: {  	v62 =	vld.idx.msk [tilespmem:v58+s29+$0x0], $0xffff;
	v6 =	vmax.f32 v6, v57  }
0x42f: {  	v63 =	vld.idx.msk [tilespmem:v60+s29+$0x0], $0xffff;
	v6 =	vmax.f32 v6, v59  }
0x430: {  	v6 =	vmax.f32 v6, v7  }
0x431: {  	v6 =	vmax.f32 v6, v8  }
0x432: {  	v6 =	vmax.f32 v6, v61  }
0x433: {  	v6 =	vmax.f32 v6, v62  }
0x434: {  	v6 =	vmax.f32 v6, v63  }
0x435: {  	vm0 =	vgt.f32 v6, v5  }
0x436: {  	v7 =	vmpcnt.ones.xlane vm0;
	_ =	sdelay $0x1  }
0x437: {  	(v2sf) =	vpush v7, $0x0;
	_ =	sdelay $0xe  }
0x438: {  	s31 =	spop (v2sf)  }
0x439: {  	p0 =	slt.s32 s31, $0x1  }
.Ltmp17:
0x43a: {  	_ = 	snop;
	(pc) =	sbr.rel @p0 .LBB2_15-.Ltmp17, $1  }
0x43b: {  	_ =	sdelay $0x3  }
.LBB2_14:
0x43c: {  	v7 =	vmctz.xlane vm0;
	_ =	sdelay $0x1  }
0x43d: {  	(v2sf) =	vpush v7, $0x0;
	_ =	sdelay $0xe  }
0x43e: {  	s16 =	spop (v2sf)  }
0x43f: {  	s16 =	sshll.u32 s16, $0x4  }
0x440: {  	s17 =	sadd.s32 s15, s16  }
0x441: {  	s16 =	sand.u32 $0x70, s16;
	s20 =	sand.u32 $0xFFFFFF80, s17  }
0x442: {  	s16 =	sor.u32 s16, s20  }
0x443: {  	v5 =	vld [tilespmem:s16+$0x4000];
	_ =	sdelay $0x3  }
0x444: {  	v8 =	vor.u32 s17, v0  }
0x445: {  	(xrf1) =	vsort.ascd.msk.f32 $0xffff, v5, v8;
	_ =	sdelay $0xd  }
0x446: {  	v5, v8, _ =	vpop (xrf1)  }
0x447: {  	v5 =	vperm.xlane v5, v2  }
0x448: {  	v8 =	vperm.xlane v8, v2  }
0x449: {  	vm1 =	vge.f32 v4, v5  }
0x44a: {  	v4 =	vsel vm1, v4, v5;
	v3 =	vsel vm1, v3, v8  }
0x44b: {  	(xrf1) =	vsort.ascd.msk.f32 $0xffff, v4, v3;
	_ =	sdelay $0xd  }
0x44c: {  	v4, v3, _ =	vpop (xrf1)  }
0x44d: {  	v7 =	vbroadcast v7, $0x0;
	v5 =	vbroadcast v4, $0x0;
	_ =	sdelay $0x1  }
0x44e: {  	vm1 =	vne.s32 v7, v0;
	vm2 =	vgt.f32 v6, v5  }
0x44f: {  	vm1 =	vmand vm1, vm2  }
0x450: {  	vm0 =	vmand vm0, vm1  }
0x451: {  	v7 =	vmpcnt.ones.xlane vm0;
	_ =	sdelay $0x1  }
0x452: {  	(v2sf) =	vpush v7, $0x0;
	_ =	sdelay $0xe  }
0x453: {  	s31 =	spop (v2sf)  }
0x454: {  	p0 =	sgt.s32 s31, $0x0  }
.Ltmp18:
0x455: {  	_ = 	snop;
	(pc) =	sbr.rel @p0 .LBB2_14-.Ltmp18, $1  }
0x456: {  	_ =	sdelay $0x3  }
.LBB2_15:
0x457: {  	s16 =	sor.u32 $0x100, s15  }
0x458: {  	s17 =	sor.u32 $0x101, s15;
	v6 =	vor.u32 s16, v1  }
0x459: {  	s31 =	sor.u32 $0x102, s15;
	v7 =	vor.u32 s17, v1  }
0x45a: {  	s0 =	sor.u32 $0x103, s15;
	v8 =	vor.u32 s31, v1  }
0x45b: {  	s2 =	sor.u32 $0x104, s15;
	v9 =	vor.u32 s0, v1  }
0x45c: {  	s9 =	sor.u32 $0x105, s15;
	v10 =	vor.u32 s2, v1  }
0x45d: {  	s11 =	sor.u32 $0x106, s15;
	v11 =	vor.u32 s9, v1;
	v6 =	vld.idx.msk [tilespmem:v6+s29+$0x0], $0xffff  }
0x45e: {  	s19 =	sor.u32 $0x107, s15;
	v12 =	vor.u32 s11, v1;
	v7 =	vld.idx.msk [tilespmem:v7+s29+$0x0], $0xffff  }
0x45f: {  	s20 =	sor.u32 $0x108, s15;
	v13 =	vor.u32 s19, v1;
	v8 =	vld.idx.msk [tilespmem:v8+s29+$0x0], $0xffff  }
0x460: {  	s21 =	sor.u32 $0x109, s15;
	v14 =	vor.u32 s20, v1;
	v9 =	vld.idx.msk [tilespmem:v9+s29+$0x0], $0xffff  }
0x461: {  	s22 =	sor.u32 $0x10A, s15;
	v15 =	vor.u32 s21, v1;
	v10 =	vld.idx.msk [tilespmem:v10+s29+$0x0], $0xffff  }
0x462: {  	s23 =	sor.u32 $0x10B, s15;
	v16 =	vor.u32 s22, v1;
	v11 =	vld.idx.msk [tilespmem:v11+s29+$0x0], $0xffff  }
0x463: {  	s24 =	sor.u32 $0x10C, s15;
	v53 =	vor.u32 s23, v1;
	v6 =	vmax.f32 v6, v7;
	v7 =	vld.idx.msk [tilespmem:v12+s29+$0x0], $0xffff  }
0x464: {  	s25 =	sor.u32 $0x10D, s15;
	v54 =	vor.u32 s24, v1;
	v6 =	vmax.f32 v6, v8;
	v8 =	vld.idx.msk [tilespmem:v13+s29+$0x0], $0xffff  }
0x465: {  	s26 =	sor.u32 $0x10E, s15;
	v56 =	vor.u32 s25, v1;
	v55 =	vld.idx.msk [tilespmem:v14+s29+$0x0], $0xffff;
	v6 =	vmax.f32 v6, v9  }
0x466: {  	s30 =	sor.u32 $0x10F, s15;
	v58 =	vor.u32 s26, v1;
	v57 =	vld.idx.msk [tilespmem:v15+s29+$0x0], $0xffff;
	v6 =	vmax.f32 v6, v10  }
0x467: {  	v60 =	vor.u32 s30, v1;
	v59 =	vld.idx.msk [tilespmem:v16+s29+$0x0], $0xffff;
	v6 =	vmax.f32 v6, v11  }
0x468: {  	v6 =	vmax.f32 v6, v7;
	v7 =	vld.idx.msk [tilespmem:v53+s29+$0x0], $0xffff  }
0x469: {  	v6 =	vmax.f32 v6, v8;
	v8 =	vld.idx.msk [tilespmem:v54+s29+$0x0], $0xffff  }
0x46a: {  	v61 =	vld.idx.msk [tilespmem:v56+s29+$0x0], $0xffff;
	v6 =	vmax.f32 v6, v55  }
0x46b: {  	v62 =	vld.idx.msk [tilespmem:v58+s29+$0x0], $0xffff;
	v6 =	vmax.f32 v6, v57  }
0x46c: {  	v63 =	vld.idx.msk [tilespmem:v60+s29+$0x0], $0xffff;
	v6 =	vmax.f32 v6, v59  }
0x46d: {  	v6 =	vmax.f32 v6, v7  }
0x46e: {  	v6 =	vmax.f32 v6, v8  }
0x46f: {  	v6 =	vmax.f32 v6, v61  }
0x470: {  	v6 =	vmax.f32 v6, v62  }
0x471: {  	v6 =	vmax.f32 v6, v63  }
0x472: {  	vm0 =	vgt.f32 v6, v5  }
0x473: {  	v7 =	vmpcnt.ones.xlane vm0;
	_ =	sdelay $0x1  }
0x474: {  	(v2sf) =	vpush v7, $0x0;
	_ =	sdelay $0xe  }
0x475: {  	s31 =	spop (v2sf)  }
0x476: {  	p0 =	slt.s32 s31, $0x1  }
.Ltmp19:
0x477: {  	_ = 	snop;
	(pc) =	sbr.rel @p0 .LBB2_17-.Ltmp19, $1  }
0x478: {  	_ =	sdelay $0x3  }
.LBB2_16:
0x479: {  	v7 =	vmctz.xlane vm0;
	_ =	sdelay $0x1  }
0x47a: {  	(v2sf) =	vpush v7, $0x0;
	_ =	sdelay $0xe  }
0x47b: {  	s17 =	spop (v2sf)  }
0x47c: {  	s17 =	sshll.u32 s17, $0x4  }
0x47d: {  	s20 =	sadd.s32 s16, s17  }
0x47e: {  	s17 =	sand.u32 $0x70, s17;
	s21 =	sand.u32 $0xFFFFFF80, s20  }
0x47f: {  	s17 =	sor.u32 s17, s21  }
0x480: {  	v5 =	vld [tilespmem:s17+$0x4000];
	_ =	sdelay $0x3  }
0x481: {  	v8 =	vor.u32 s20, v0  }
0x482: {  	(xrf1) =	vsort.ascd.msk.f32 $0xffff, v5, v8;
	_ =	sdelay $0xd  }
0x483: {  	v5, v8, _ =	vpop (xrf1)  }
0x484: {  	v5 =	vperm.xlane v5, v2  }
0x485: {  	v8 =	vperm.xlane v8, v2  }
0x486: {  	vm1 =	vge.f32 v4, v5  }
0x487: {  	v4 =	vsel vm1, v4, v5;
	v3 =	vsel vm1, v3, v8  }
0x488: {  	(xrf1) =	vsort.ascd.msk.f32 $0xffff, v4, v3;
	_ =	sdelay $0xd  }
0x489: {  	v4, v3, _ =	vpop (xrf1)  }
0x48a: {  	v7 =	vbroadcast v7, $0x0;
	v5 =	vbroadcast v4, $0x0;
	_ =	sdelay $0x1  }
0x48b: {  	vm1 =	vne.s32 v7, v0;
	vm2 =	vgt.f32 v6, v5  }
0x48c: {  	vm1 =	vmand vm1, vm2  }
0x48d: {  	vm0 =	vmand vm0, vm1  }
0x48e: {  	v7 =	vmpcnt.ones.xlane vm0;
	_ =	sdelay $0x1  }
0x48f: {  	(v2sf) =	vpush v7, $0x0;
	_ =	sdelay $0xe  }
0x490: {  	s31 =	spop (v2sf)  }
0x491: {  	p0 =	sgt.s32 s31, $0x0  }
.Ltmp20:
0x492: {  	_ = 	snop;
	(pc) =	sbr.rel @p0 .LBB2_16-.Ltmp20, $1  }
0x493: {  	_ =	sdelay $0x3  }
.LBB2_17:
0x494: {  	s16 =	sor.u32 $0x200, s15  }
0x495: {  	s17 =	sor.u32 $0x201, s15;
	v6 =	vor.u32 s16, v1  }
0x496: {  	s31 =	sor.u32 $0x202, s15;
	v7 =	vor.u32 s17, v1  }
0x497: {  	s0 =	sor.u32 $0x203, s15;
	v8 =	vor.u32 s31, v1  }
0x498: {  	s2 =	sor.u32 $0x204, s15;
	v9 =	vor.u32 s0, v1  }
0x499: {  	s9 =	sor.u32 $0x205, s15;
	v10 =	vor.u32 s2, v1  }
0x49a: {  	s11 =	sor.u32 $0x206, s15;
	v11 =	vor.u32 s9, v1;
	v6 =	vld.idx.msk [tilespmem:v6+s29+$0x0], $0xffff  }
0x49b: {  	s19 =	sor.u32 $0x207, s15;
	v12 =	vor.u32 s11, v1;
	v7 =	vld.idx.msk [tilespmem:v7+s29+$0x0], $0xffff  }
0x49c: {  	s20 =	sor.u32 $0x208, s15;
	v13 =	vor.u32 s19, v1;
	v8 =	vld.idx.msk [tilespmem:v8+s29+$0x0], $0xffff  }
0x49d: {  	s21 =	sor.u32 $0x209, s15;
	v14 =	vor.u32 s20, v1;
	v9 =	vld.idx.msk [tilespmem:v9+s29+$0x0], $0xffff  }
0x49e: {  	s22 =	sor.u32 $0x20A, s15;
	v15 =	vor.u32 s21, v1;
	v10 =	vld.idx.msk [tilespmem:v10+s29+$0x0], $0xffff  }
0x49f: {  	s23 =	sor.u32 $0x20B, s15;
	v16 =	vor.u32 s22, v1;
	v11 =	vld.idx.msk [tilespmem:v11+s29+$0x0], $0xffff  }
0x4a0: {  	s24 =	sor.u32 $0x20C, s15;
	v53 =	vor.u32 s23, v1;
	v6 =	vmax.f32 v6, v7;
	v7 =	vld.idx.msk [tilespmem:v12+s29+$0x0], $0xffff  }
0x4a1: {  	s25 =	sor.u32 $0x20D, s15;
	v54 =	vor.u32 s24, v1;
	v6 =	vmax.f32 v6, v8;
	v8 =	vld.idx.msk [tilespmem:v13+s29+$0x0], $0xffff  }
0x4a2: {  	s26 =	sor.u32 $0x20E, s15;
	v56 =	vor.u32 s25, v1;
	v55 =	vld.idx.msk [tilespmem:v14+s29+$0x0], $0xffff;
	v6 =	vmax.f32 v6, v9  }
0x4a3: {  	s30 =	sor.u32 $0x20F, s15;
	v58 =	vor.u32 s26, v1;
	v57 =	vld.idx.msk [tilespmem:v15+s29+$0x0], $0xffff;
	v6 =	vmax.f32 v6, v10  }
0x4a4: {  	v60 =	vor.u32 s30, v1;
	v59 =	vld.idx.msk [tilespmem:v16+s29+$0x0], $0xffff;
	v6 =	vmax.f32 v6, v11  }
0x4a5: {  	v6 =	vmax.f32 v6, v7;
	v7 =	vld.idx.msk [tilespmem:v53+s29+$0x0], $0xffff  }
0x4a6: {  	v6 =	vmax.f32 v6, v8;
	v8 =	vld.idx.msk [tilespmem:v54+s29+$0x0], $0xffff  }
0x4a7: {  	v61 =	vld.idx.msk [tilespmem:v56+s29+$0x0], $0xffff;
	v6 =	vmax.f32 v6, v55  }
0x4a8: {  	v62 =	vld.idx.msk [tilespmem:v58+s29+$0x0], $0xffff;
	v6 =	vmax.f32 v6, v57  }
0x4a9: {  	v63 =	vld.idx.msk [tilespmem:v60+s29+$0x0], $0xffff;
	v6 =	vmax.f32 v6, v59  }
0x4aa: {  	v6 =	vmax.f32 v6, v7  }
0x4ab: {  	v6 =	vmax.f32 v6, v8  }
0x4ac: {  	v6 =	vmax.f32 v6, v61  }
0x4ad: {  	v6 =	vmax.f32 v6, v62  }
0x4ae: {  	v6 =	vmax.f32 v6, v63  }
0x4af: {  	vm0 =	vgt.f32 v6, v5  }
0x4b0: {  	v7 =	vmpcnt.ones.xlane vm0;
	_ =	sdelay $0x1  }
0x4b1: {  	(v2sf) =	vpush v7, $0x0;
	_ =	sdelay $0xe  }
0x4b2: {  	s31 =	spop (v2sf)  }
0x4b3: {  	p0 =	slt.s32 s31, $0x1  }
.Ltmp21:
0x4b4: {  	_ = 	snop;
	(pc) =	sbr.rel @p0 .LBB2_19-.Ltmp21, $1  }
0x4b5: {  	_ =	sdelay $0x3  }
.LBB2_18:
0x4b6: {  	v7 =	vmctz.xlane vm0;
	_ =	sdelay $0x1  }
0x4b7: {  	(v2sf) =	vpush v7, $0x0;
	_ =	sdelay $0xe  }
0x4b8: {  	s17 =	spop (v2sf)  }
0x4b9: {  	s17 =	sshll.u32 s17, $0x4  }
0x4ba: {  	s20 =	sadd.s32 s16, s17  }
0x4bb: {  	s17 =	sand.u32 $0x70, s17;
	s21 =	sand.u32 $0xFFFFFF80, s20  }
0x4bc: {  	s17 =	sor.u32 s17, s21  }
0x4bd: {  	v5 =	vld [tilespmem:s17+$0x4000];
	_ =	sdelay $0x3  }
0x4be: {  	v8 =	vor.u32 s20, v0  }
0x4bf: {  	(xrf1) =	vsort.ascd.msk.f32 $0xffff, v5, v8;
	_ =	sdelay $0xd  }
0x4c0: {  	v5, v8, _ =	vpop (xrf1)  }
0x4c1: {  	v5 =	vperm.xlane v5, v2  }
0x4c2: {  	v8 =	vperm.xlane v8, v2  }
0x4c3: {  	vm1 =	vge.f32 v4, v5  }
0x4c4: {  	v4 =	vsel vm1, v4, v5;
	v3 =	vsel vm1, v3, v8  }
0x4c5: {  	(xrf1) =	vsort.ascd.msk.f32 $0xffff, v4, v3;
	_ =	sdelay $0xd  }
0x4c6: {  	v4, v3, _ =	vpop (xrf1)  }
0x4c7: {  	v7 =	vbroadcast v7, $0x0;
	v5 =	vbroadcast v4, $0x0;
	_ =	sdelay $0x1  }
0x4c8: {  	vm1 =	vne.s32 v7, v0;
	vm2 =	vgt.f32 v6, v5  }
0x4c9: {  	vm1 =	vmand vm1, vm2  }
0x4ca: {  	vm0 =	vmand vm0, vm1  }
0x4cb: {  	v7 =	vmpcnt.ones.xlane vm0;
	_ =	sdelay $0x1  }
0x4cc: {  	(v2sf) =	vpush v7, $0x0;
	_ =	sdelay $0xe  }
0x4cd: {  	s31 =	spop (v2sf)  }
0x4ce: {  	p0 =	sgt.s32 s31, $0x0  }
.Ltmp22:
0x4cf: {  	_ = 	snop;
	(pc) =	sbr.rel @p0 .LBB2_18-.Ltmp22, $1  }
0x4d0: {  	_ =	sdelay $0x3  }
.LBB2_19:
0x4d1: {  	s16 =	sor.u32 $0x300, s15  }
0x4d2: {  	s17 =	sor.u32 $0x301, s15;
	v6 =	vor.u32 s16, v1  }
0x4d3: {  	s31 =	sor.u32 $0x302, s15;
	v7 =	vor.u32 s17, v1  }
0x4d4: {  	s0 =	sor.u32 $0x303, s15;
	v8 =	vor.u32 s31, v1  }
0x4d5: {  	s2 =	sor.u32 $0x304, s15;
	v9 =	vor.u32 s0, v1  }
0x4d6: {  	s9 =	sor.u32 $0x305, s15;
	v10 =	vor.u32 s2, v1  }
0x4d7: {  	s11 =	sor.u32 $0x306, s15;
	v11 =	vor.u32 s9, v1;
	v6 =	vld.idx.msk [tilespmem:v6+s29+$0x0], $0xffff  }
0x4d8: {  	s19 =	sor.u32 $0x307, s15;
	v12 =	vor.u32 s11, v1;
	v7 =	vld.idx.msk [tilespmem:v7+s29+$0x0], $0xffff  }
0x4d9: {  	s20 =	sor.u32 $0x308, s15;
	v13 =	vor.u32 s19, v1;
	v8 =	vld.idx.msk [tilespmem:v8+s29+$0x0], $0xffff  }
0x4da: {  	s21 =	sor.u32 $0x309, s15;
	v14 =	vor.u32 s20, v1;
	v9 =	vld.idx.msk [tilespmem:v9+s29+$0x0], $0xffff  }
0x4db: {  	s22 =	sor.u32 $0x30A, s15;
	v15 =	vor.u32 s21, v1;
	v10 =	vld.idx.msk [tilespmem:v10+s29+$0x0], $0xffff  }
0x4dc: {  	s23 =	sor.u32 $0x30B, s15;
	v16 =	vor.u32 s22, v1;
	v11 =	vld.idx.msk [tilespmem:v11+s29+$0x0], $0xffff  }
0x4dd: {  	s24 =	sor.u32 $0x30C, s15;
	v53 =	vor.u32 s23, v1;
	v6 =	vmax.f32 v6, v7;
	v7 =	vld.idx.msk [tilespmem:v12+s29+$0x0], $0xffff  }
0x4de: {  	s25 =	sor.u32 $0x30D, s15;
	v54 =	vor.u32 s24, v1;
	v6 =	vmax.f32 v6, v8;
	v8 =	vld.idx.msk [tilespmem:v13+s29+$0x0], $0xffff  }
0x4df: {  	s26 =	sor.u32 $0x30E, s15;
	v56 =	vor.u32 s25, v1;
	v55 =	vld.idx.msk [tilespmem:v14+s29+$0x0], $0xffff;
	v6 =	vmax.f32 v6, v9  }
0x4e0: {  	s30 =	sor.u32 $0x30F, s15;
	v58 =	vor.u32 s26, v1;
	v57 =	vld.idx.msk [tilespmem:v15+s29+$0x0], $0xffff;
	v6 =	vmax.f32 v6, v10  }
0x4e1: {  	v60 =	vor.u32 s30, v1;
	v59 =	vld.idx.msk [tilespmem:v16+s29+$0x0], $0xffff;
	v6 =	vmax.f32 v6, v11  }
0x4e2: {  	v6 =	vmax.f32 v6, v7;
	v7 =	vld.idx.msk [tilespmem:v53+s29+$0x0], $0xffff  }
0x4e3: {  	v6 =	vmax.f32 v6, v8;
	v8 =	vld.idx.msk [tilespmem:v54+s29+$0x0], $0xffff  }
0x4e4: {  	v61 =	vld.idx.msk [tilespmem:v56+s29+$0x0], $0xffff;
	v6 =	vmax.f32 v6, v55  }
0x4e5: {  	v62 =	vld.idx.msk [tilespmem:v58+s29+$0x0], $0xffff;
	v6 =	vmax.f32 v6, v57  }
0x4e6: {  	v63 =	vld.idx.msk [tilespmem:v60+s29+$0x0], $0xffff;
	v6 =	vmax.f32 v6, v59  }
0x4e7: {  	v6 =	vmax.f32 v6, v7  }
0x4e8: {  	v6 =	vmax.f32 v6, v8  }
0x4e9: {  	v6 =	vmax.f32 v6, v61  }
0x4ea: {  	v6 =	vmax.f32 v6, v62  }
0x4eb: {  	v6 =	vmax.f32 v6, v63  }
0x4ec: {  	vm0 =	vgt.f32 v6, v5  }
0x4ed: {  	v7 =	vmpcnt.ones.xlane vm0;
	_ =	sdelay $0x1  }
0x4ee: {  	(v2sf) =	vpush v7, $0x0;
	_ =	sdelay $0xe  }
0x4ef: {  	s31 =	spop (v2sf)  }
0x4f0: {  	p0 =	slt.s32 s31, $0x1  }
.Ltmp23:
0x4f1: {  	_ = 	snop;
	(pc) =	sbr.rel @p0 .LBB2_21-.Ltmp23, $1  }
0x4f2: {  	_ =	sdelay $0x3  }
.LBB2_20:
0x4f3: {  	v7 =	vmctz.xlane vm0;
	_ =	sdelay $0x1  }
0x4f4: {  	(v2sf) =	vpush v7, $0x0;
	_ =	sdelay $0xe  }
0x4f5: {  	s15 =	spop (v2sf)  }
0x4f6: {  	s15 =	sshll.u32 s15, $0x4  }
0x4f7: {  	s17 =	sadd.s32 s16, s15  }
0x4f8: {  	s15 =	sand.u32 $0x70, s15;
	s20 =	sand.u32 $0xFFFFFF80, s17  }
0x4f9: {  	s15 =	sor.u32 s15, s20  }
0x4fa: {  	v5 =	vld [tilespmem:s15+$0x4000];
	_ =	sdelay $0x3  }
0x4fb: {  	v8 =	vor.u32 s17, v0  }
0x4fc: {  	(xrf1) =	vsort.ascd.msk.f32 $0xffff, v5, v8;
	_ =	sdelay $0xd  }
0x4fd: {  	v5, v8, _ =	vpop (xrf1)  }
0x4fe: {  	v5 =	vperm.xlane v5, v2  }
0x4ff: {  	v8 =	vperm.xlane v8, v2  }
0x500: {  	vm1 =	vge.f32 v4, v5  }
0x501: {  	v4 =	vsel vm1, v4, v5;
	v3 =	vsel vm1, v3, v8  }
0x502: {  	(xrf1) =	vsort.ascd.msk.f32 $0xffff, v4, v3;
	_ =	sdelay $0xd  }
0x503: {  	v4, v3, _ =	vpop (xrf1)  }
0x504: {  	v7 =	vbroadcast v7, $0x0;
	v5 =	vbroadcast v4, $0x0;
	_ =	sdelay $0x1  }
0x505: {  	vm1 =	vne.s32 v7, v0;
	vm2 =	vgt.f32 v6, v5  }
0x506: {  	vm1 =	vmand vm1, vm2  }
0x507: {  	vm0 =	vmand vm0, vm1  }
0x508: {  	v7 =	vmpcnt.ones.xlane vm0;
	_ =	sdelay $0x1  }
0x509: {  	(v2sf) =	vpush v7, $0x0;
	_ =	sdelay $0xe  }
0x50a: {  	s31 =	spop (v2sf)  }
0x50b: {  	p0 =	sgt.s32 s31, $0x0  }
.Ltmp24:
0x50c: {  	_ = 	snop;
	(pc) =	sbr.rel @p0 .LBB2_20-.Ltmp24, $1  }
0x50d: {  	_ =	sdelay $0x3  }
.Ltmp25:
0x50e: {  	_ = 	snop;
	(pc) =	sbr.rel .LBB2_21-.Ltmp25, $1  }
0x50f: {  	_ =	sdelay $0x3  }
.LBB2_24:
0x510: {  	_ =	sfence.sel $0x180000  }
0x511: {  	[bflag:$0x0] =	sbarrier.arrive $0xFFFF  }
0x512: {  	_ =	strace $0x9000004A  }
0x513: {  	s0 =	stileid.u32;
	[bflag:$0x2] =	sbarrier.arrive $0xFFFF  }
0x514: {  	p0 =	sne.s32 s0, $0x0;
	s0 =	rddreg [dreg:$0x2]  }
0x515: {  	s0 =	sadd.s32 @!p0 $0x100000, s0  }
0x516: {  	[sflag:s0] =	ssyncadd.tile.s32 @!p0 $0x1;
	_ =	shalt  }
.Lfunc_end2:
_tile_overlayer_lowered:
.L_overlay_start_2:
0x517: {  	(tag) =	ssettag $0x2  }
0x518: {  	s0 =	rddreg [dreg:$0x0];
	s2 =	stileid.u32  }
0x519: {  	s1 =	rddreg [dreg:$0x1];
	p0 =	sne.s32 s2, $0x0  }
0x51a: {  	s3 =	rddreg [dreg:$0x2];
	[bflag:$0x3] =	sbarrier.arrive $0xFFFF;
	s2 =	simm.s32 @!p0 $0x1C04  }
0x51b: {  	[timem:s3], [sflag:s2] =	dma.local @!p0 [hbm:s0], s1  }
0x51c: {  	s0 =	simm.s32 @!p0 $0x4  }
0x51d: {  	_ =	swait.ge @!p0 [sflag:s0], s1  }
0x51e: {  	s1 =	ssub.s32 @!p0 $0x0, s1;
	[sflag:s0] =	ssyncset.done @!p0 $0x0  }
0x51f: {  	[sflag:s0] =	ssyncadd.s32 @!p0 s1  }
0x520: {  	[bflag:$0x3] =	sbarrier.arrive $0xFFFF  }
0x521: {  	_ =	shalt  }

// kernel: sparse-core-data-format-call.cloned.1.call-start
scs
called_computation_lowered:
.L_overlay_start_0:
0x0: {  	s1 =	sld [smem:$0x3FD9]  }
0x1: {  	s2 =	sld [smem:$0x3FFE];
	_ =	sdelay $0x1  }
0x2: {  	s3 =	srdreg.scid  }
0x3: {  	s0 =	sand.u32 $0x1, s3  }
0x4: {  	s17 =	sshll.u32 s0, $0xA;
	s1 =	sadd.s32 s2, s1  }
0x5: {  	s1 =	sadd.s32 s1, s17  }
0x6: {  	[smem:$0x3FAB] =	sst s1  }
0x7: {  	_ = 	snop  }
0x8: {  	(tm) =	ssettm $0x1  }
0x9: {  	s18 =	sld [smem:$0x3FFB];
	_ =	sdelay $0x3  }
0xa: {  	_ =	strace s18  }
0xb: {  	s1 =	sld [smem:$0x3FFC];
	_ =	sdelay $0x3  }
0xc: {  	_ =	strace s1  }
0xd: {  	s1 =	sld [smem:$0x3FFD];
	_ =	sdelay $0x3  }
0xe: {  	_ =	strace s1  }
0xf: {  	_ =	strace $0x8FFFFFFF  }
0x10: {  	s19 =	sld [smem:$0x3FDB];
	_ =	sdelay $0x1  }
0x11: {  	s20 =	simm.s32 $_scs_section_size  }
0x12: {  	s4 =	simm.s32 $_size__tile_overlayer_lowered;
	s5 =	simm.s32 $_tile_overlayer_lowered  }
0x13: {  	s23 =	simm.s32 $0x1BFF;
	s22 =	sshll.u32 s5, $0x1;
	s1 =	sadd.s32 s20, s19  }
0x14: {  	s6 =	simm.s32 $0x0;
	s21 =	sshll.u32 s4, $0x1;
	s4 =	sadd.s32 s22, s1  }
0x15: {  	[timem:s6], [sflag:s23] =	dma.local [hbm:s4], s21  }
0x16: {  	_ =	swait.ge [sflag:s23], s21  }
0x17: {  	s2 =	ssub.s32 $0x0, s21;
	[sflag:s23] =	ssyncset.done $0x0  }
0x18: {  	[sflag:s23] =	ssyncadd.s32 s2;
	_ =	sdelay $0x1  }
0x19: {  	s24 =	simm.s32 $0x1B8B  }
0x1a: {  	_ =	swait.ge [sflag:s24], $0x1  }
0x1b: {  	[sflag:s24] =	ssyncset.done $0x0  }
0x1c: {  	s26 =	simm.s32 $0x1B8E;
	s25 =	sld [smem:$0x3FFE];
	[sflag:s24] =	ssyncadd.s32 $0xFFFFFFFF  }
0x1d: {  	s27 =	simm.s32 $execute0_lowered;
	[smem:$0x3FD2] =	sst s26  }
0x1e: {  	s4 =	sshll.u32 s27, $0x1;
	_ =	strace $0x80000046;
	[dreg:$0x1] =	wrdreg $0xFFFFFFFF  }
0x1f: {  	s28 =	simm.s32 $_size_execute0_lowered;
	s1 =	sadd.s32 s1, s4;
	[dreg:$0x0] =	wrdreg $0x0  }
0x20: {  	s4 =	sshll.u32 s28, $0x1;
	[dreg:$0x2] =	wrdreg s1  }
0x21: {  	[dreg:$0x3] =	wrdreg s4  }
0x22: {  	[dreg:$0x4] =	wrdreg $0xC0  }
0x23: {  	_ =	task [dreg:s6], $0x5FFFF  }
0x24: {  	[dreg:$0x1] =	wrdreg $0xFFFFFFFF  }
0x25: {  	[dreg:$0x0] =	wrdreg $0x60  }
0x26: {  	[dreg:$0x2] =	wrdreg s25  }
0x27: {  	[dreg:$0x3] =	wrdreg $0x9  }
0x28: {  	_ =	task.clear_ibuf [dreg:s6], $0x4FFFF;
	_ =	strace $0x90000046  }
0x29: {  	s29 =	simm.s32 $0x9;
	_ =	strace $0x80000048  }
0x2a: {  	_ =	swait.ge [sflag:s29], $0x1  }
0x2b: {  	[sflag:s29] =	ssyncadd.s32 $0xFFFFFFFF  }
0x2c: {  	_ =	strace $0x90000048  }
0x2d: {  	_ =	sfence  }
0x2e: {  	s30 =	sld [smem:$0x0];
	_ =	sdelay $0x2  }
0x2f: {  	s31 =	sshll.u32 s3, $0xD;
	s3 =	sshrl.u32 s3, $0x2  }
0x30: {  	s2 =	sand.u32 $0x4000, s31;
	s1 =	sadd.s32 s3, s30  }
0x31: {  	s0 =	sor.u32 s2, s0;
	s1 =	sshll.u32 s1, $0x11  }
0x32: {  	s0 =	sor.u32 s1, s0  }
0x33: {  	s0 =	sadd.s32 $0x8F2B, s0  }
0x34: {  	[sflag:s0] =	ssyncadd.remote.s32 $0x1  }
0x35: {  	_ =	sfence.sel $0xFFFF  }
0x36: {  	[dreg:$0x0] =	wrdreg $0xFFFFFFFF;
	(pc) =	sbr.abs _section_cstart, $3  }
0x37: {  	[dreg:$0x1] =	wrdreg $0xFFFFFFFF  }
0x38: {  	_ =	task.clear_ibuf [dreg:s6], $0x2FFFF;
	_ =	strace $0x9FFFFFFF  }
0x39: {  	(tm) =	ssettm $0x7FFFFFFF  }
tec
execute0_lowered:
.L_overlay_start_1:
0x0: {  	(tag) =	ssettag $0x1  }
0x1: {  	s1 =	rddreg [dreg:$0x0]  }
0x2: {  	s0 =	rddreg [dreg:$0x1]  }
0x3: {  	_ =	strace $0x80000047;
	s4 =	srdreg.scid;
	s6 =	simm.s32 $0x2  }
0x4: {  	s11 =	simm.s32 $0x0;
	p0 =	por $0x0, $0x0;
	s7 =	simm.s32 $0x4000  }
.Ltmp0:
0x5: {  	s12 =	simm.s32 $0x0;
	s9 =	simm.s32 $0x0;
	(pc) =	sbr.rel .LBB1_1-.Ltmp0, $4  }
0x6: {  	s2 =	sadd.s32 $0x4400, s1;
	s3 =	sadd.s32 $0x204400, s1;
	s5 =	sshll.u32 s4, $0x4  }
0x7: {  	s1 =	stileid.u32;
	s4 =	simm.s32 $0x1;
	s5 =	sand.u32 $0x10, s5  }
0x8: {  	s8 =	simm.s32 $0x0;
	[sflag:s4] =	ssyncpa.u1 $0x0;
	s5 =	sor.u32 s1, s5  }
0x9: {  	[sflag:s6] =	ssyncpa.u1 $0x0;
	s6 =	simm.s32 $0x800;
	s10 =	smov.u32 s5  }
.LBB1_7:
0xa: {  	s13 =	sadd.s32 $0x10, s9  }
0xb: {  	s11 =	sadd.s32 $0x20, s10;
	s15 =	smov.u32 s10;
	p2 =	sgt.s32 s13, $0x7F  }
0xc: {  	p1 =	slt.u32 s8, $0x2;
	s15 =	smov.u32 @p2 s11  }
0xd: {  	s8 =	sadd.s32 $0x1, s8;
	s13 =	simm.s32 @p2 $0x0;
	p2 =	sgt.s32 s15, $0x7F  }
0xe: {  	s15 =	smov.u32 @p2 s5;
	p2 =	sne.s32 s8, $0x22  }
.Ltmp1:
0xf: {  	_ = 	snop;
	(pc) =	sbr.rel @!p2 .LBB1_8-.Ltmp1, $4  }
0x10: {  	s14 =	simm.s32 @!p1 $0x2  }
0x11: {  	s12 =	smov.u32 s10;
	_ =	swait.ge @!p1 [sflag:s14], $0x4000  }
0x12: {  	p0 =	por !p0, !p0;
	s11 =	smov.u32 s9;
	[sflag:s14] =	ssyncset.done @!p1 $0x0  }
0x13: {  	s9 =	smov.u32 s13;
	[sflag:s14] =	ssyncadd.s32 @!p1 $0xFFFFC000;
	s10 =	smov.u32 s15  }
.LBB1_1:
0x14: {  	p1 =	sgt.u32 s8, $0x1F  }
0x15: {  	s13 =	sxor.u32 @!p1 $0xFFFFFFFF, s8;
	s14 =	sshll.u32 @!p1 s10, $0xE  }
0x16: {  	s15 =	sshll.u32 @!p1 s9, $0x7;
	s13 =	sshll.u32 @!p1 s13, $0xE;
	s14 =	sadd.s32 @!p1 s2, s14  }
0x17: {  	s13 =	sand.u32 @!p1 $0x4000, s13;
	s14 =	sadd.s32 @!p1 s15, s14;
	s15 =	simm.s32 @!p1 $0x0  }
0x18: {  	[tilespmem:s13], [sflag:$0x1] =	stream.linear.gather @!p1 [hbm4b:s14+s15], $0x4000, $0x38;
	[tilespmem:$0x10000] =	vst v63  }
0x19: {  	p1 =	seq.s32 s8, $0x0  }
0x1a: {  	p2 =	seq.s32 @!p1 s8, $0x21  }
0x1b: {  	p1 =	por p1, p2  }
.Ltmp2:
0x1c: {  	_ = 	snop;
	(pc) =	sbr.rel @p1 .LBB1_7-.Ltmp2, $1  }
0x1d: {  	_ =	sdelay $0x3  }
0x1e: {  	s13 =	simm.s32 $0x1;
	_ =	swait.ge [sflag:s4], $0x4000;
	s16 =	sshll.u32 s8, $0xE  }
0x1f: {  	s13 =	simm.s32 @!p0 $0x0;
	[sflag:s4] =	ssyncset.done $0x0;
	s31 =	sand.u32 $0x4000, s16  }
0x20: {  	s16 =	simm.s32 $0x0;
	s14 =	sshll.u32 s13, $0xE;
	[sflag:s4] =	ssyncadd.s32 $0xFFFFC000  }
0x21: {  	s13 =	sor.u32 $0x8040, s14;
	s15 =	sor.u32 $0x40, s14;
	s14 =	sor.u32 $0x8000, s31  }
.LBB1_3:
0x22: {  	v0 =	vmov s15;
	_ =	sdelay $0x3  }
0x23: {  	s18 =	simm.s32 $0x0  }
0x24: {  	v6 =	vld.idx.msk [tilespmem:v0+s18+$0x30 ss:$0x1], $0xffff  }
0x25: {  	v7 =	vld.idx.msk [tilespmem:v0+s18+$0xFFFFFFC0 ss:$0x1], $0xffff  }
0x26: {  	v5 =	vld.idx.msk [tilespmem:v0+s18+$0xFFFFFFD0 ss:$0x1], $0xffff  }
0x27: {  	v4 =	vld.idx.msk [tilespmem:v0+s18+$0xFFFFFFE0 ss:$0x1], $0xffff  }
0x28: {  	v3 =	vld.idx.msk [tilespmem:v0+s18+$0xFFFFFFF0 ss:$0x1], $0xffff  }
0x29: {  	v1 =	vld.idx.msk [tilespmem:v0+s18+$0x0 ss:$0x1], $0xffff  }
0x2a: {  	v2 =	vld.idx.msk [tilespmem:v0+s18+$0x10 ss:$0x1], $0xffff;
	[tilespmem:s13+$0x30] =	vst v6  }
0x2b: {  	s17 =	simm.s32 $0x80;
	s19 =	simm.s32 $0x400;
	[tilespmem:s13+$0xFFFFFFC0] =	vst v7;
	v6 =	vld.idx.msk [tilespmem:v0+s18+$0x20 ss:$0x1], $0xffff;
	s18 =	smov.u32 s13  }
.LBB1_4:
0x2c: {  	p1 =	sne.s32 s19, $0xE00;
	v7 =	vld.idx.msk [tilespmem:v0+s17+$0x30 ss:$0x1], $0xffff;
	[tilespmem:s18+$0xFFFFFFD0] =	vst v5  }
0x2d: {  	v8 =	vld.idx.msk [tilespmem:v0+s17+$0xFFFFFFC0 ss:$0x1], $0xffff;
	[tilespmem:s18+$0xFFFFFFE0] =	vst v4  }
0x2e: {  	v5 =	vld.idx.msk [tilespmem:v0+s17+$0xFFFFFFD0 ss:$0x1], $0xffff;
	[tilespmem:s18+$0xFFFFFFF0] =	vst v3  }
.Ltmp3:
0x2f: {  	v4 =	vld.idx.msk [tilespmem:v0+s17+$0xFFFFFFE0 ss:$0x1], $0xffff;
	[tilespmem:s18+$0x0] =	vst v1;
	(pc) =	sbr.rel @p1 .LBB1_4-.Ltmp3, $4  }
0x30: {  	v3 =	vld.idx.msk [tilespmem:v0+s17+$0xFFFFFFF0 ss:$0x1], $0xffff;
	[tilespmem:s18+$0x10] =	vst v2  }
0x31: {  	v1 =	vld.idx.msk [tilespmem:v0+s17+$0x0 ss:$0x1], $0xffff;
	[tilespmem:s18+$0x20] =	vst v6;
	s18 =	sadd.s32 $0x800, s18  }
0x32: {  	v2 =	vld.idx.msk [tilespmem:v0+s17+$0x10 ss:$0x1], $0xffff;
	[tilespmem:s18+$0x30] =	vst v7  }
0x33: {  	[tilespmem:s18+$0xFFFFFFC0] =	vst v8;
	v6 =	vld.idx.msk [tilespmem:v0+s17+$0x20 ss:$0x1], $0xffff;
	s17 =	sshra.s32 s19, $0x2;
	s19 =	sadd.s32 $0x200, s19  }
0x34: {  	_ =	sdelay $0x2  }
0x35: {  	[tilespmem:s18+$0xFFFFFFD0] =	vst v5  }
0x36: {  	v56 =	vld.idx.msk [tilespmem:v0+s17+$0x30 ss:$0x1], $0xffff;
	[tilespmem:s18+$0xFFFFFFE0] =	vst v4  }
0x37: {  	v57 =	vld.idx.msk [tilespmem:v0+s17+$0xFFFFFFC0 ss:$0x1], $0xffff;
	[tilespmem:s18+$0xFFFFFFF0] =	vst v3  }
0x38: {  	v58 =	vld.idx.msk [tilespmem:v0+s17+$0xFFFFFFD0 ss:$0x1], $0xffff;
	[tilespmem:s18+$0x0] =	vst v1  }
0x39: {  	v59 =	vld.idx.msk [tilespmem:v0+s17+$0xFFFFFFE0 ss:$0x1], $0xffff;
	[tilespmem:s18+$0x10] =	vst v2  }
0x3a: {  	v60 =	vld.idx.msk [tilespmem:v0+s17+$0xFFFFFFF0 ss:$0x1], $0xffff;
	s31 =	sadd.s32 $0x800, s18;
	[tilespmem:s18+$0x20] =	vst v6  }
0x3b: {  	v61 =	vld.idx.msk [tilespmem:v0+s17+$0x0 ss:$0x1], $0xffff;
	[tilespmem:s31+$0x30] =	vst v56  }
0x3c: {  	v62 =	vld.idx.msk [tilespmem:v0+s17+$0x10 ss:$0x1], $0xffff;
	s16 =	sadd.s32 $0x1, s16;
	[tilespmem:s31+$0xFFFFFFC0] =	vst v57  }
0x3d: {  	v63 =	vld.idx.msk [tilespmem:v0+s17+$0x20 ss:$0x1], $0xffff;
	p1 =	sne.s32 s16, $0x10;
	[tilespmem:s31+$0xFFFFFFD0] =	vst v58  }
.Ltmp4:
0x3e: {  	[tilespmem:s31+$0xFFFFFFE0] =	vst v59;
	(pc) =	sbr.rel @p1 .LBB1_3-.Ltmp4, $4  }
0x3f: {  	[tilespmem:s31+$0xFFFFFFF0] =	vst v60  }
0x40: {  	[tilespmem:s31+$0x0] =	vst v61  }
0x41: {  	[tilespmem:s31+$0x10] =	vst v62  }
0x42: {  	s13 =	sadd.s32 $0x80, s13;
	s15 =	sadd.s32 $0x400, s15;
	[tilespmem:s31+$0x20] =	vst v63  }
.Ltmp5:
0x43: {  	(pc) =	sbr.rel .LBB1_7-.Ltmp5, $4  }
0x44: {  	s12 =	sshll.u32 s12, $0xE;
	s11 =	sshll.u32 s11, $0x4  }
0x45: {  	s11 =	sand.u32 $0x7F0, s11;
	s12 =	sadd.s32 s3, s12  }
0x46: {  	s11 =	sadd.s32 s11, s12  }
0x47: {  	[hbm4b:s11+s6] =	stream.strided.scatter [tilespmem:s14], [sflag:$0x2], $0x4000, s7, s6, $0x38;
	[tilespmem:$0x10000] =	vst v63  }
.LBB1_8:
0x48: {  	_ =	sfence.sel $0x180000  }
0x49: {  	s2 =	simm.s32 $0x1;
	[bflag:$0x0] =	sbarrier.arrive $0xFFFF  }
0x4a: {  	s31 =	simm.s32 $0x2;
	[sflag:s2] =	ssyncpa.u1 $0x1  }
0x4b: {  	[sflag:s31] =	ssyncpa.u1 $0x1  }
0x4c: {  	p0 =	sne.s32 s1, $0x0;
	_ =	strace $0x90000047  }
0x4d: {  	s0 =	sadd.s32 @!p0 $0x100000, s0;
	[bflag:$0x2] =	sbarrier.arrive $0xFFFF  }
0x4e: {  	[sflag:s0] =	ssyncadd.tile.s32 @!p0 $0x1;
	_ =	shalt  }
.Lfunc_end1:
_tile_overlayer_lowered:
.L_overlay_start_2:
0x4f: {  	(tag) =	ssettag $0x2  }
0x50: {  	s0 =	rddreg [dreg:$0x0];
	s2 =	stileid.u32  }
0x51: {  	s1 =	rddreg [dreg:$0x1];
	p0 =	sne.s32 s2, $0x0  }
0x52: {  	s3 =	rddreg [dreg:$0x2];
	[bflag:$0x3] =	sbarrier.arrive $0xFFFF;
	s2 =	simm.s32 @!p0 $0x1C01  }
0x53: {  	[timem:s3], [sflag:s2] =	dma.local @!p0 [hbm:s0], s1  }
0x54: {  	s0 =	simm.s32 @!p0 $0x1  }
0x55: {  	_ =	swait.ge @!p0 [sflag:s0], s1  }
0x56: {  	s1 =	ssub.s32 @!p0 $0x0, s1;
	[sflag:s0] =	ssyncset.done @!p0 $0x0  }
0x57: {  	[sflag:s0] =	ssyncadd.s32 @!p0 s1  }
0x58: {  	[bflag:$0x3] =	sbarrier.arrive $0xFFFF  }
0x59: {  	_ =	shalt  }

</sc_bundles>
